<compile_context>
chip_gen: v7x
topology: tpu7x:2x2x1
jax: 0.10.2.dev20260603
libtpu: 0.0.44.dev20260713+nightly
codegen_flags: <defaults>
</compile_context>

<pallas_src>
import dataclasses
import functools

import jax
import jax.numpy as jnp
from jax import lax
from jax.experimental import pallas as pl
from jax.experimental.pallas import tpu as pltpu
from jax.experimental.pallas import tpu_sc as plsc

N = 10000
E = 640000
H = 4
DH = 32
F = H * DH
NEG = 0.2

HALF = N // 2
DUMMY = HALF
NORM_BASE = 5008
NROWS = 160
OUTF_ROWS = 5376
ELP_ROWS = 336
NT = 16
EPT = E // NT
CHUNK = 800
NCHUNK = EPT // CHUNK
SB = 64
CCAP = 1024
STRIPE = OUTF_ROWS // NT
OROWS = 312



_BLK = 2000


def _feat_body(h_ref, W_ref, Al_ref, Ar_ref, feat_ref, el_ref, er_ref):
    feat = jnp.dot(h_ref[...], W_ref[...], preferred_element_type=jnp.float32,
                  precision=jax.lax.Precision.HIGHEST)
    feat_ref[...] = feat
    el_ref[...] = jnp.dot(feat, Al_ref[...], preferred_element_type=jnp.float32,
                  precision=jax.lax.Precision.HIGHEST)
    er_ref[...] = jnp.dot(feat, Ar_ref[...], preferred_element_type=jnp.float32,
                  precision=jax.lax.Precision.HIGHEST)


def _tc_feat(h, W, Al, Ar):
    return pl.pallas_call(
        _feat_body,
        grid=(N // _BLK,),
        in_specs=[
            pl.BlockSpec((_BLK, F), lambda i: (i, 0)),
            pl.BlockSpec((F, F), lambda i: (0, 0)),
            pl.BlockSpec((F, H), lambda i: (0, 0)),
            pl.BlockSpec((F, H), lambda i: (0, 0)),
        ],
        out_specs=[
            pl.BlockSpec((_BLK, F), lambda i: (i, 0)),
            pl.BlockSpec((_BLK, H), lambda i: (i, 0)),
            pl.BlockSpec((_BLK, H), lambda i: (i, 0)),
        ],
        out_shape=[
            jax.ShapeDtypeStruct((N, F), jnp.float32),
            jax.ShapeDtypeStruct((N, H), jnp.float32),
            jax.ShapeDtypeStruct((N, H), jnp.float32),
        ],
    )(h, W, Al, Ar)


def _normalize(agg, s):
    cols = []
    for hh in range(H):
        cols.append(agg[:, hh * DH:(hh + 1) * DH] / (s[:, hh:hh + 1] + 1e-9))
    return jnp.concatenate(cols, axis=1)


def _post_feat_body(residual, act, agg_ref, s_ref, hp_ref, b_ref, W_ref,
                    Al_ref, Ar_ref, h_ref, feat_ref, el_ref, er_ref):
    rst = _normalize(agg_ref[...], s_ref[...])
    if residual:
        rst = rst + hp_ref[...]
    rst = rst + b_ref[...]
    if act:
        rst = jnp.where(rst > 0, rst, jnp.exp(jnp.minimum(rst, 0.0)) - 1.0)
    h_ref[...] = rst
    feat = jnp.dot(rst, W_ref[...], preferred_element_type=jnp.float32,
                  precision=jax.lax.Precision.HIGHEST)
    feat_ref[...] = feat
    el_ref[...] = jnp.dot(feat, Al_ref[...], preferred_element_type=jnp.float32,
                  precision=jax.lax.Precision.HIGHEST)
    er_ref[...] = jnp.dot(feat, Ar_ref[...], preferred_element_type=jnp.float32,
                  precision=jax.lax.Precision.HIGHEST)


def _tc_post_feat(agg, s, hp, b2, W, Al, Ar, residual, act):
    return pl.pallas_call(
        functools.partial(_post_feat_body, residual, act),
        grid=(N // _BLK,),
        in_specs=[
            pl.BlockSpec((_BLK, F), lambda i: (i, 0)),
            pl.BlockSpec((_BLK, H), lambda i: (i, 0)),
            pl.BlockSpec((_BLK, F), lambda i: (i, 0)),
            pl.BlockSpec((1, F), lambda i: (0, 0)),
            pl.BlockSpec((F, F), lambda i: (0, 0)),
            pl.BlockSpec((F, H), lambda i: (0, 0)),
            pl.BlockSpec((F, H), lambda i: (0, 0)),
        ],
        out_specs=[
            pl.BlockSpec((_BLK, F), lambda i: (i, 0)),
            pl.BlockSpec((_BLK, F), lambda i: (i, 0)),
            pl.BlockSpec((_BLK, H), lambda i: (i, 0)),
            pl.BlockSpec((_BLK, H), lambda i: (i, 0)),
        ],
        out_shape=[
            jax.ShapeDtypeStruct((N, F), jnp.float32),
            jax.ShapeDtypeStruct((N, F), jnp.float32),
            jax.ShapeDtypeStruct((N, H), jnp.float32),
            jax.ShapeDtypeStruct((N, H), jnp.float32),
        ],
    )(agg, s, hp, b2, W, Al, Ar)


def _final_body(agg_ref, s_ref, hp_ref, b_ref, Wp_ref, bp_ref, Wv_ref, bv_ref,
                pi_ref, v_ref, acc_ref):
    i = pl.program_id(0)
    rst = _normalize(agg_ref[...], s_ref[...]) + hp_ref[...] + b_ref[...]
    hm = (rst[:, 0:DH] + rst[:, DH:2 * DH] + rst[:, 2 * DH:3 * DH]
          + rst[:, 3 * DH:4 * DH]) * 0.25
    pi_ref[...] = (jnp.dot(hm, Wp_ref[...], preferred_element_type=jnp.float32,
                  precision=jax.lax.Precision.HIGHEST)
                   + bp_ref[...])

    @pl.when(i == 0)
    def _():
        acc_ref[...] = jnp.zeros_like(acc_ref)

    acc_ref[...] += jnp.sum(hm, axis=0, keepdims=True)

    @pl.when(i == pl.num_programs(0) - 1)
    def _():
        v_ref[...] = (jnp.dot(acc_ref[...] * (1.0 / N), Wv_ref[...],
                              preferred_element_type=jnp.float32,
                  precision=jax.lax.Precision.HIGHEST) + bv_ref[...])


def _tc_final(agg, s, hp, b2, Wp, bp2, Wv, bv2):
    return pl.pallas_call(
        _final_body,
        grid=(N // _BLK,),
        in_specs=[
            pl.BlockSpec((_BLK, F), lambda i: (i, 0)),
            pl.BlockSpec((_BLK, H), lambda i: (i, 0)),
            pl.BlockSpec((_BLK, F), lambda i: (i, 0)),
            pl.BlockSpec((1, F), lambda i: (0, 0)),
            pl.BlockSpec((DH, 1), lambda i: (0, 0)),
            pl.BlockSpec((1, 1), lambda i: (0, 0)),
            pl.BlockSpec((DH, 1), lambda i: (0, 0)),
            pl.BlockSpec((1, 1), lambda i: (0, 0)),
        ],
        out_specs=[
            pl.BlockSpec((_BLK, 1), lambda i: (i, 0)),
            pl.BlockSpec((1, 1), lambda i: (0, 0)),
        ],
        out_shape=[
            jax.ShapeDtypeStruct((N, 1), jnp.float32),
            jax.ShapeDtypeStruct((1, 1), jnp.float32),
        ],
        scratch_shapes=[pltpu.VMEM((1, DH), jnp.float32)],
    )(agg, s, hp, b2, Wp, bp2, Wv, bv2)



_SC_CACHE = []


def _sc_decorate(body):
    def call(*args):
        if not _SC_CACHE:
            mesh = plsc.VectorSubcoreMesh(core_axis_name="c", subcore_axis_name="s")
            cp = pltpu.CompilerParams()
            if "needs_layout_passes" in pltpu.CompilerParams.__dataclass_fields__:
                cp = dataclasses.replace(cp, needs_layout_passes=False)
            _SC_CACHE.append(functools.partial(
                pl.kernel,
                mesh=mesh,
                out_type=[
                    jax.ShapeDtypeStruct((N, F), jnp.float32),
                    jax.ShapeDtypeStruct((2 * NROWS, F), jnp.float32),
                ],
                compiler_params=cp,
                scratch_types=[
                    pltpu.VMEM_SHARED((OUTF_ROWS, F), jnp.float32),
                    pltpu.VMEM_SHARED((ELP_ROWS, F), jnp.float32),
                    pltpu.VMEM((H * HALF,), jnp.float32),
                    pltpu.VMEM((CHUNK,), jnp.int32),
                    pltpu.VMEM((CHUNK,), jnp.int32),
                    pltpu.VMEM((CCAP,), jnp.int32),
                    pltpu.VMEM((CCAP,), jnp.int32),
                    pltpu.VMEM((CCAP,), jnp.int32),
                    pltpu.VMEM((16, 2 * SB), jnp.int32),
                    pltpu.VMEM((SB * H,), jnp.float32),
                    pltpu.VMEM((SB, F), jnp.float32),
                    pltpu.VMEM((SB, F), jnp.float32),
                    pltpu.VMEM((SB, F), jnp.float32),
                    pltpu.VMEM((SB, F), jnp.float32),
                    pltpu.VMEM((2 * SB, F), jnp.float32),
                    pltpu.VMEM((16, F), jnp.float32),
                    pltpu.SemaphoreType.DMA,
                    pltpu.SemaphoreType.DMA,
                    pltpu.SemaphoreType.DMA,
                    pltpu.SemaphoreType.DMA,
                ],
            )(body))
        return _SC_CACHE[0](*args)
    return call


@_sc_decorate
def _sc_gat(feat_hbm, elp_hbm, erf_hbm, src_hbm, dst_hbm, agg_hbm, s_hbm,
            outF, elS, er_v, sraw, draw, srcc, dstcf, elri, cidx2,
            exv, gbufA, gbufB, ebufA, ebufB, sbig, zbuf,
            semg0, semg1, seme0, seme1):
    c = lax.axis_index("c")
    t = lax.axis_index("s")
    base = c * HALF
    iota = lax.iota(jnp.int32, 16)
    zf = jnp.zeros((16,), jnp.float32)
    zi = jnp.zeros((16,), jnp.int32)

    def _zb(r, _):
        def _zc(k, _):
            zbuf[r, pl.ds(k * 16, 16)] = zf
            return 0
        return lax.fori_loop(0, F // 16, _zc, 0)
    lax.fori_loop(0, 16, _zb, 0)

    def _zx(r, _):
        def _zc(k, _):
            sbig[SB + r, pl.ds(k * 16, 16)] = zf
            return 0
        return lax.fori_loop(0, F // 16, _zc, 0)
    lax.fori_loop(0, SB, _zx, 0)

    def _zo(i, _):
        pltpu.sync_copy(zbuf, outF.at[pl.ds(t * STRIPE + i * 16, 16)])
        return 0
    lax.fori_loop(0, STRIPE // 16, _zo, 0)

    def _fl(i, _):
        s = t + i * NT

        @pl.when(s < ELP_ROWS // 16)
        def _():
            r0 = s * 16
            pltpu.sync_copy(elp_hbm.at[pl.ds(r0, 16)], gbufA.at[pl.ds(0, 16)])
            pltpu.sync_copy(gbufA.at[pl.ds(0, 16)], elS.at[pl.ds(r0, 16)])
        return 0
    lax.fori_loop(0, (ELP_ROWS // 16 + NT - 1) // NT, _fl, 0)

    pltpu.sync_copy(erf_hbm.at[pl.ds(base * H, H * HALF)], er_v)
    plsc.subcore_barrier()

    def _chunk(k, _):
        off = t * EPT + k * CHUNK
        pltpu.sync_copy(src_hbm.at[pl.ds(off, CHUNK)], sraw)
        pltpu.sync_copy(dst_hbm.at[pl.ds(off, CHUNK)], draw)

        di = zi + DUMMY

        def _pf(i, _):
            srcc[pl.ds(i * 16, 16)] = zi
            dstcf[pl.ds(i * 16, 16)] = di
            elri[pl.ds(i * 16, 16)] = zi
            return 0
        lax.fori_loop(0, CCAP // 16, _pf, 0)

        def _cp(g, cnt):
            sv = sraw[pl.ds(g * 16, 16)]
            dv = draw[pl.ds(g * 16, 16)]
            dl = dv - base
            m = (dl >= 0) & (dl < HALF)
            mi = m.astype(jnp.int32)
            cs = plsc.cumsum(mi)
            pos = jnp.where(m, cnt + cs - 1, (CCAP - 16) + iota)
            plsc.store_scatter(srcc, [pos], sv)
            plsc.store_scatter(dstcf, [pos], dl)
            plsc.store_scatter(elri, [pos], sv >> 5)
            return cnt + jnp.sum(mi, dtype=jnp.int32)
        cnt = lax.fori_loop(0, CHUNK // 16, _cp, jnp.int32(0))

        ntr = (cnt + (SB - 1)) >> 6

        def _c2(i, _):
            dlv = dstcf[pl.ds(i * 16, 16)]
            cidx2[i >> 2, pl.ds((i & 3) * 16, 16)] = dlv
            cidx2[i >> 2, pl.ds(SB + (i & 3) * 16, 16)] = NORM_BASE + (dlv >> 5)
            return 0
        lax.fori_loop(0, ntr << 2, _c2, 0)

        def _issue(ti, gb, eb, sg, se):
            pltpu.async_copy(feat_hbm.at[srcc.at[pl.ds(ti * SB, SB)]], gb, sg)
            pltpu.async_copy(elS.at[elri.at[pl.ds(ti * SB, SB)]], eb, se)

        def _wait(ti, gb, eb, sg, se):
            pltpu.make_async_copy(
                feat_hbm.at[srcc.at[pl.ds(ti * SB, SB)]], gb, sg).wait()
            pltpu.make_async_copy(
                elS.at[elri.at[pl.ds(ti * SB, SB)]], eb, se).wait()

        def _ex_block(ti, eb):
            def _ex(g, _):
                eidx = ti * SB + g * 4 + (iota >> 2)
                row16 = (g * 4) + (iota >> 2)
                h16 = iota & 3
                src16 = plsc.load_gather(srcc, [eidx])
                dst16 = plsc.load_gather(dstcf, [eidx])
                elv = plsc.load_gather(eb, [row16, ((src16 & 31) << 2) + h16])
                dstk = jnp.minimum(dst16, HALF - 1)
                erv = plsc.load_gather(er_v, [(dstk << 2) + h16])
                e = elv + erv
                e = jnp.where(e > 0, e, NEG * e)
                e = jnp.maximum(e, -10.0)
                ni = (e * 1.4426950408889634 + 16.5).astype(jnp.int32) - 16
                r = e - ni.astype(jnp.float32) * 0.6931471805599453
                p = 1.0 + r * (1.0 + r * (0.5 + r * (0.16666667 + r * (
                    0.041666668 + r * 0.008333334))))
                sc2 = plsc.bitcast((ni + 127) << 23, jnp.float32)
                exv[pl.ds(g * 16, 16)] = p * sc2
                return 0
            lax.fori_loop(0, SB // 4, _ex, 0)

        def _rows_block(ti, gb):
            def _row(r, _):
                a0 = plsc.load_gather(exv, [zi + (r * H + 0)])
                a1 = plsc.load_gather(exv, [zi + (r * H + 1)])
                a2 = plsc.load_gather(exv, [zi + (r * H + 2)])
                a3 = plsc.load_gather(exv, [zi + (r * H + 3)])
                heads = (a0, a0, a1, a1, a2, a2, a3, a3)
                for j in range(F // 16):
                    sbig[r, pl.ds(j * 16, 16)] = \
                        heads[j] * gb[r, pl.ds(j * 16, 16)]
                exr = plsc.load_gather(exv, [r * H + (iota & 3)])
                dlv = plsc.load_gather(dstcf, [zi + (ti * SB + r)])
                cols = (((dlv & 31) << 2) + iota) & 127
                vals = jnp.where(iota < H, exr, 0.0)
                plsc.store_scatter(sbig, [zi + (SB + r), cols], vals)
                return 0
            lax.fori_loop(0, SB, _row, 0)

            pltpu.async_copy(sbig, outF.at[cidx2.at[ti]], semg1, add=True)

        def _scatter_drain(ti):
            pltpu.make_async_copy(sbig, outF.at[cidx2.at[ti]], semg1).wait()

            def _rx(r, _):
                dlv = plsc.load_gather(dstcf, [zi + (ti * SB + r)])
                cols = (((dlv & 31) << 2) + iota) & 127
                plsc.store_scatter(sbig, [zi + (SB + r), cols], zf)
                return 0
            lax.fori_loop(0, SB, _rx, 0)

        def _trip(ti, _):
            pltpu.async_copy(feat_hbm.at[srcc.at[pl.ds(ti * SB, SB)]],
                             gbufA, semg0)
            pltpu.sync_copy(elS.at[elri.at[pl.ds(ti * SB, SB)]], ebufA)
            _ex_block(ti, ebufA)

            @pl.when(ti > 0)
            def _():
                _scatter_drain(ti - 1)
            pltpu.make_async_copy(feat_hbm.at[srcc.at[pl.ds(ti * SB, SB)]],
                                  gbufA, semg0).wait()
            _rows_block(ti, gbufA)
            return 0
        lax.fori_loop(0, ntr, _trip, 0)

        @pl.when(ntr > 0)
        def _():
            _scatter_drain(ntr - 1)
        return 0
    lax.fori_loop(0, NCHUNK, _chunk, 0)

    plsc.subcore_barrier()

    @pl.when(t < NT - 1)
    def _():
        pltpu.sync_copy(outF.at[pl.ds(t * OROWS, OROWS)],
                        agg_hbm.at[pl.ds(base + t * OROWS, OROWS)])

    @pl.when(t == NT - 1)
    def _():
        last = HALF - (NT - 1) * OROWS
        pltpu.sync_copy(outF.at[pl.ds((NT - 1) * OROWS, last)],
                        agg_hbm.at[pl.ds(base + (NT - 1) * OROWS, last)])

    @pl.when(t < NROWS // 16)
    def _():
        pltpu.sync_copy(outF.at[pl.ds(NORM_BASE + t * 16, 16)],
                        s_hbm.at[pl.ds(c * NROWS + t * 16, 16)])



def _blockdiag(al):
    heads = jnp.repeat(jnp.arange(H), DH)
    return jnp.where(heads[:, None] == jnp.arange(H)[None, :],
                     al.reshape(F, 1).astype(jnp.float32), 0.0)


def _layer_sc(feat, el, er, src, dst):
    elp = jnp.concatenate(
        [el.reshape(N * H), jnp.zeros((ELP_ROWS * F - N * H,), jnp.float32)]
    ).reshape(ELP_ROWS, F)
    erf = er.reshape(N * H)
    agg, s_packed = _sc_gat(feat, elp, erf, src, dst)
    s = s_packed.reshape(2, NROWS * F)[:, :HALF * H].reshape(N, H)
    return agg, s


def kernel(x, edge_index, W0, al0, ar0, b0, W1, al1, ar1, b1, Wp, bp, Wv, bv):
    with jax.enable_x64(False):
        return _kernel32(x, edge_index, W0, al0, ar0, b0, W1, al1, ar1, b1,
                         Wp, bp, Wv, bv)


def _kernel32(x, edge_index, W0, al0, ar0, b0, W1, al1, ar1, b1, Wp, bp, Wv, bv):
    src = edge_index[0].astype(jnp.int32)
    dst = edge_index[1].astype(jnp.int32)
    x = x.astype(jnp.float32)
    Al0, Ar0 = _blockdiag(al0), _blockdiag(ar0)
    Al1, Ar1 = _blockdiag(al1), _blockdiag(ar1)
    b0_2 = b0.astype(jnp.float32).reshape(1, F)
    b1_2 = b1.astype(jnp.float32).reshape(1, F)
    bp_2 = bp.astype(jnp.float32).reshape(1, 1)
    bv_2 = bv.astype(jnp.float32).reshape(1, 1)

    feat0, el0, er0 = _tc_feat(x, W0.astype(jnp.float32), Al0, Ar0)
    agg0, s0 = _layer_sc(feat0, el0, er0, src, dst)
    h1, feat1, el1, er1 = _tc_post_feat(agg0, s0, x, b0_2, W1.astype(jnp.float32),
                                        Al1, Ar1, residual=False, act=True)
    agg1, s1 = _layer_sc(feat1, el1, er1, src, dst)
    h2, feat2, el2, er2 = _tc_post_feat(agg1, s1, h1, b1_2, W1.astype(jnp.float32),
                                        Al1, Ar1, residual=True, act=False)
    agg2, s2 = _layer_sc(feat2, el2, er2, src, dst)
    PI, V = _tc_final(agg2, s2, h2, b1_2, Wp.astype(jnp.float32), bp_2,
                      Wv.astype(jnp.float32), bv_2)
    return (PI, V)

# --- scband reference (transcript-rebuilt; emitter-appended) ---
"""Pipeline reference for scband-gat-74225624809950 (READ-ONLY COPY).

The authoritative reference and input builder live on the scoring server;
editing this copy changes nothing except your own understanding.
"""

import jax
jax.config.update('jax_enable_x64', True)
import jax.numpy as jnp
import numpy as np

N = 10000
E = 640000
HEADS = 4
D_HID = 32
D_CLS = 32
IN_DIM = 128
NEG_SLOPE = 0.2


def setup_inputs(seed: int = 0):
    key = jax.random.key(seed)
    ks = jax.random.split(key, 16)
    x = jax.random.normal(ks[0], (N, IN_DIM), dtype=jnp.float32)
    edge_index = jax.random.randint(ks[1], (2, E), 0, N, dtype=jnp.int64)
    W0 = jax.random.normal(ks[2], (IN_DIM, HEADS * D_HID), dtype=jnp.float32) * 0.1
    al0 = jax.random.normal(ks[3], (HEADS, D_HID), dtype=jnp.float32) * 0.1
    ar0 = jax.random.normal(ks[4], (HEADS, D_HID), dtype=jnp.float32) * 0.1
    b0 = jnp.zeros((HEADS * D_HID,), dtype=jnp.float32)
    W1 = jax.random.normal(ks[5], (HEADS * D_HID, HEADS * D_CLS), dtype=jnp.float32) * 0.1
    al1 = jax.random.normal(ks[6], (HEADS, D_CLS), dtype=jnp.float32) * 0.1
    ar1 = jax.random.normal(ks[7], (HEADS, D_CLS), dtype=jnp.float32) * 0.1
    b1 = jnp.zeros((HEADS * D_CLS,), dtype=jnp.float32)
    Wp = jax.random.normal(ks[8], (D_CLS, 1), dtype=jnp.float32) * 0.1
    bp = jnp.zeros((1,), dtype=jnp.float32)
    Wv = jax.random.normal(ks[9], (D_CLS, 1), dtype=jnp.float32) * 0.1
    bv = jnp.zeros((1,), dtype=jnp.float32)
    return {"x": x, "edge_index": edge_index, "W0": W0, "al0": al0, "ar0": ar0, "b0": b0,
            "W1": W1, "al1": al1, "ar1": ar1, "b1": b1, "Wp": Wp, "bp": bp, "Wv": Wv, "bv": bv}


def _gat_layer(h, src, dst, W, al, ar, b, residual, act):
    # DGL GATConv (feat_drop=attn_drop=0, eval mode)
    feat = (h @ W).reshape(N, HEADS, -1)
    el = jnp.sum(feat * al[None], axis=-1)  # [N, H]
    er = jnp.sum(feat * ar[None], axis=-1)  # [N, H]
    e = el[src] + er[dst]                   # [E, H]
    e = jnp.where(e > 0, e, NEG_SLOPE * e)  # leaky_relu
    # edge softmax over incoming edges of dst
    m = jax.ops.segment_max(e, dst, num_segments=N)
    m = jnp.where(jnp.isfinite(m), m, 0.0)
    ex = jnp.exp(e - m[dst])
    s = jax.ops.segment_sum(ex, dst, num_segments=N)
    alpha = ex / (s[dst] + 1e-9)            # [E, H]
    msg = alpha[:, :, None] * feat[src]     # [E, H, D]
    rst = jax.ops.segment_sum(msg, dst, num_segments=N)  # [N, H, D]
    if residual:
        rst = rst + h.reshape(N, HEADS, -1)  # identity residual (in == heads*out)
    rst = rst + b.reshape(1, HEADS, -1)
    if act:
        rst = jax.nn.elu(rst)
    return rst


def reference(x, edge_index, W0, al0, ar0, b0, W1, al1, ar1, b1, Wp, bp, Wv, bv):
    src, dst = edge_index[0], edge_index[1]
    h = _gat_layer(x, src, dst, W0, al0, ar0, b0, False, True).reshape(N, HEADS * D_HID)
    h = _gat_layer(h, src, dst, W1, al1, ar1, b1, True, False).reshape(N, HEADS * D_CLS)
    # faithful to original forward: last layer applied again with mean over heads
    h = _gat_layer(h, src, dst, W1, al1, ar1, b1, True, False).mean(axis=1)  # [N, D_CLS]
    mN = h.mean(axis=0, keepdims=True)  # readout_nodes mean, single graph -> [1, D_CLS]
    PI = h @ Wp + bp
    V = mN @ Wv + bv
    return (PI, V)

if __name__ == "__main__":
    import jax
    _d = setup_inputs()
    print(jax.jit(kernel)(*tuple(_d.values())))

</pallas_src>

<mosaic_0001>
#map = affine_map<(d0, d1) -> (0, 0)>
#map1 = affine_map<(d0, d1) -> (0)>
module attributes {stable_mosaic.version = 14 : i64} {
  func.func @_sc_gat(%arg0: i32, %arg1: i32, %arg2: memref<10000x128xf32, #tpu.memory_space<hbm>>, %arg3: memref<336x128xf32, #tpu.memory_space<hbm>>, %arg4: memref<40000xf32, #tpu.memory_space<hbm>>, %arg5: memref<640000xi32, #tpu.memory_space<hbm>>, %arg6: memref<640000xi32, #tpu.memory_space<hbm>>, %arg7: memref<10000x128xf32, #tpu.memory_space<hbm>>, %arg8: memref<320x128xf32, #tpu.memory_space<hbm>>, %arg9: memref<5376x128xf32, #tpu.memory_space<vmem_shared>>, %arg10: memref<336x128xf32, #tpu.memory_space<vmem_shared>>, %arg11: memref<20000xf32, #tpu.memory_space<vmem>>, %arg12: memref<800xi32, #tpu.memory_space<vmem>>, %arg13: memref<800xi32, #tpu.memory_space<vmem>>, %arg14: memref<1024xi32, #tpu.memory_space<vmem>>, %arg15: memref<1024xi32, #tpu.memory_space<vmem>>, %arg16: memref<1024xi32, #tpu.memory_space<vmem>>, %arg17: memref<16x128xi32, #tpu.memory_space<vmem>>, %arg18: memref<256xf32, #tpu.memory_space<vmem>>, %arg19: memref<64x128xf32, #tpu.memory_space<vmem>>, %arg20: memref<64x128xf32, #tpu.memory_space<vmem>>, %arg21: memref<64x128xf32, #tpu.memory_space<vmem>>, %arg22: memref<64x128xf32, #tpu.memory_space<vmem>>, %arg23: memref<128x128xf32, #tpu.memory_space<vmem>>, %arg24: memref<16x128xf32, #tpu.memory_space<vmem>>, %arg25: memref<!tpu.dma_semaphore, #tpu.memory_space<semaphore_mem>>, %arg26: memref<!tpu.dma_semaphore, #tpu.memory_space<semaphore_mem>>, %arg27: memref<!tpu.dma_semaphore, #tpu.memory_space<semaphore_mem>>, %arg28: memref<!tpu.dma_semaphore, #tpu.memory_space<semaphore_mem>>) attributes {dimension_semantics = [#tpu.dimension_semantics<core_parallel>, #tpu.dimension_semantics<subcore_parallel>], iteration_bounds = array<i64: 2, 16>, scalar_prefetch = 0 : i64, scratch_operands = 20 : i64, tpu.core_type = #tpu.core_type<sc_vector_subcore>, window_params = [{transform_indices = #map}, {transform_indices = #map}, {transform_indices = #map1}, {transform_indices = #map1}, {transform_indices = #map1}, {transform_indices = #map}, {transform_indices = #map}]} {
    %mul3A = arith.constant 5000 : i32
    %mul3A_0 = arith.muli %arg0, %mul3A : i32
    %iota3A = tpu.iota {dimensions = array<i32: 0>} : vector<16xi32>
    %broadcast_in_dim3A = arith.constant 0.000000e+00 : f32
    %broadcast_in_dim3A_1 = vector.broadcast %broadcast_in_dim3A : f32 to vector<16xf32>
    %broadcast_in_dim3A_2 = arith.constant 0 : i32
    %broadcast_in_dim3A_3 = vector.broadcast %broadcast_in_dim3A_2 : i32 to vector<16xi32>
    %scan3A = arith.constant 0 : i32
    %scan3A_4 = arith.constant 0 : i32
    %scan3A_5 = arith.constant 16 : i32
    %scan3A_6 = arith.addi %scan3A_4, %scan3A_5 : i32
    %scan3A_7 = arith.constant 1 : i32
    %scan3A_8 = scf.for %scan3A_52 = %scan3A_4 to %scan3A_6 step %scan3A_7 iter_args(%scan3A_53 = %scan3A) -> (i32)  : i32 {
      %scan3A_54 = arith.constant 0 : i32
      %scan3A_55 = arith.constant 0 : i32
      %scan3A_56 = arith.constant 8 : i32
      %scan3A_57 = arith.addi %scan3A_55, %scan3A_56 : i32
      %scan3A_58 = arith.constant 1 : i32
      %scan3A_59 = scf.for %scan3A_61 = %scan3A_55 to %scan3A_57 step %scan3A_58 iter_args(%scan3A_62 = %scan3A_54) -> (i32)  : i32 {
        %mul3A_63 = arith.constant 16 : i32
        %mul3A_64 = arith.muli %scan3A_61, %mul3A_63 : i32
        %swap3A = arith.index_cast %scan3A_52 : i32 to index
        %swap3A_65 = arith.index_cast %mul3A_64 : i32 to index
        %swap3A_66 = tpu.vector_load %arg24[%swap3A, %swap3A_65] {strides = array<i32>} : memref<16x128xf32, #tpu.memory_space<vmem>>, vector<16xf32>,
        tpu.vector_store %arg24[%swap3A, %swap3A_65], %broadcast_in_dim3A_1 {strides = array<i32>} : memref<16x128xf32, #tpu.memory_space<vmem>>, vector<16xf32>,
        %scan3A_67 = arith.constant 0 : i32
        scf.yield %scan3A_67 : i32
      }
      %scan3A_60 = arith.constant 8 : i32
      scf.yield %scan3A_59 : i32
    }
    %scan3A_9 = arith.constant 16 : i32
    %scan3A_10 = arith.constant 0 : i32
    %scan3A_11 = arith.constant 0 : i32
    %scan3A_12 = arith.constant 64 : i32
    %scan3A_13 = arith.addi %scan3A_11, %scan3A_12 : i32
    %scan3A_14 = arith.constant 1 : i32
    %scan3A_15 = scf.for %scan3A_52 = %scan3A_11 to %scan3A_13 step %scan3A_14 iter_args(%scan3A_53 = %scan3A_10) -> (i32)  : i32 {
      %scan3A_54 = arith.constant 0 : i32
      %scan3A_55 = arith.constant 0 : i32
      %scan3A_56 = arith.constant 8 : i32
      %scan3A_57 = arith.addi %scan3A_55, %scan3A_56 : i32
      %scan3A_58 = arith.constant 1 : i32
      %scan3A_59 = scf.for %scan3A_61 = %scan3A_55 to %scan3A_57 step %scan3A_58 iter_args(%scan3A_62 = %scan3A_54) -> (i32)  : i32 {
        %add3A = arith.constant 64 : i32
        %add3A_63 = arith.addi %add3A, %scan3A_52 : i32
        %mul3A_64 = arith.constant 16 : i32
        %mul3A_65 = arith.muli %scan3A_61, %mul3A_64 : i32
        %swap3A = arith.index_cast %add3A_63 : i32 to index
        %swap3A_66 = arith.index_cast %mul3A_65 : i32 to index
        %swap3A_67 = tpu.vector_load %arg23[%swap3A, %swap3A_66] {strides = array<i32>} : memref<128x128xf32, #tpu.memory_space<vmem>>, vector<16xf32>,
        tpu.vector_store %arg23[%swap3A, %swap3A_66], %broadcast_in_dim3A_1 {strides = array<i32>} : memref<128x128xf32, #tpu.memory_space<vmem>>, vector<16xf32>,
        %scan3A_68 = arith.constant 0 : i32
        scf.yield %scan3A_68 : i32
      }
      %scan3A_60 = arith.constant 8 : i32
      scf.yield %scan3A_59 : i32
    }
    %scan3A_16 = arith.constant 64 : i32
    %scan3A_17 = arith.constant 0 : i32
    %scan3A_18 = arith.constant 0 : i32
    %scan3A_19 = arith.constant 21 : i32
    %scan3A_20 = arith.addi %scan3A_18, %scan3A_19 : i32
    %scan3A_21 = arith.constant 1 : i32
    %scan3A_22 = scf.for %scan3A_52 = %scan3A_18 to %scan3A_20 step %scan3A_21 iter_args(%scan3A_53 = %scan3A_17) -> (i32)  : i32 {
      %mul3A_54 = arith.constant 336 : i32
      %mul3A_55 = arith.muli %arg1, %mul3A_54 : i32
      %mul3A_56 = arith.constant 16 : i32
      %mul3A_57 = arith.muli %scan3A_52, %mul3A_56 : i32
      %add3A = arith.addi %mul3A_55, %mul3A_57 : i32
      "tpu.region"() ({
        %run_scoped3A = tpu.sem_alloc : memref<!tpu.dma_semaphore, #tpu.memory_space<semaphore_mem>>
        %dma_start3A = arith.constant 0 : i32
        %dma_start3A_59 = tpu.memref_slice %arg9[%add3A, %dma_start3A] : memref<5376x128xf32, #tpu.memory_space<vmem_shared>> -> memref<16x128xf32, #tpu.memory_space<vmem_shared>>
        %dma_start3A_60 = arith.constant 0 : i32
        %dma_start3A_61 = tpu.memref_slice %arg9[%add3A, %dma_start3A_60] : memref<5376x128xf32, #tpu.memory_space<vmem_shared>> -> memref<16x128xf32, #tpu.memory_space<vmem_shared>>
        tpu.enqueue_dma source(%arg24 : memref<16x128xf32, #tpu.memory_space<vmem>>) target(%dma_start3A_61 : memref<16x128xf32, #tpu.memory_space<vmem_shared>>) target_semaphore(%run_scoped3A : memref<!tpu.dma_semaphore, #tpu.memory_space<semaphore_mem>>)
        %dma_wait3A = arith.constant 0 : i32
        %dma_wait3A_62 = tpu.memref_slice %arg9[%add3A, %dma_wait3A] : memref<5376x128xf32, #tpu.memory_space<vmem_shared>> -> memref<16x128xf32, #tpu.memory_space<vmem_shared>>
        %dma_wait3A_63 = arith.constant 0 : i32
        %dma_wait3A_64 = tpu.memref_slice %arg9[%add3A, %dma_wait3A_63] : memref<5376x128xf32, #tpu.memory_space<vmem_shared>> -> memref<16x128xf32, #tpu.memory_space<vmem_shared>>
        tpu.wait_dma2 semaphore(%run_scoped3A : memref<!tpu.dma_semaphore, #tpu.memory_space<semaphore_mem>>) src(%arg24 : memref<16x128xf32, #tpu.memory_space<vmem>>) dst(%dma_wait3A_64 : memref<16x128xf32, #tpu.memory_space<vmem_shared>>)
        tpu.yield
      }) : () -> ()
      %scan3A_58 = arith.constant 0 : i32
      scf.yield %scan3A_58 : i32
    }
    %scan3A_23 = arith.constant 21 : i32
    %scan3A_24 = arith.constant 0 : i32
    %scan3A_25 = arith.constant 0 : i32
    %scan3A_26 = arith.constant 2 : i32
    %scan3A_27 = arith.addi %scan3A_25, %scan3A_26 : i32
    %scan3A_28 = arith.constant 1 : i32
    %scan3A_29 = scf.for %scan3A_52 = %scan3A_25 to %scan3A_27 step %scan3A_28 iter_args(%scan3A_53 = %scan3A_24) -> (i32)  : i32 {
      %mul3A_54 = arith.constant 16 : i32
      %mul3A_55 = arith.muli %scan3A_52, %mul3A_54 : i32
      %add3A = arith.addi %arg1, %mul3A_55 : i32
      %lt3A_56 = arith.constant 21 : i32
      %lt3A_57 = arith.cmpi slt, %add3A, %lt3A_56 : i32
      %convert_element_type3A_58 = arith.extui %lt3A_57 : i1 to i32
      %cond3A_59 = arith.constant 0 : i32
      %cond3A_60 = arith.cmpi ne, %convert_element_type3A_58, %cond3A_59 : i32
      scf.if %cond3A_60 {
        %mul3A_62 = arith.constant 16 : i32
        %mul3A_63 = arith.muli %add3A, %mul3A_62 : i32
        "tpu.region"() ({
          %run_scoped3A = tpu.sem_alloc : memref<!tpu.dma_semaphore, #tpu.memory_space<semaphore_mem>>
          %dma_start3A = arith.constant 0 : i32
          %dma_start3A_64 = arith.constant 0 : i32
          %dma_start3A_65 = tpu.memref_slice %arg19[%dma_start3A, %dma_start3A_64] : memref<64x128xf32, #tpu.memory_space<vmem>> -> memref<16x128xf32, #tpu.memory_space<vmem>>
          %dma_start3A_66 = arith.constant 0 : i32
          %dma_start3A_67 = tpu.memref_slice %arg3[%mul3A_63, %dma_start3A_66] : memref<336x128xf32, #tpu.memory_space<hbm>> -> memref<16x128xf32, #tpu.memory_space<hbm>>
          %dma_start3A_68 = arith.constant 0 : i32
          %dma_start3A_69 = arith.constant 0 : i32
          %dma_start3A_70 = tpu.memref_slice %arg19[%dma_start3A_68, %dma_start3A_69] : memref<64x128xf32, #tpu.memory_space<vmem>> -> memref<16x128xf32, #tpu.memory_space<vmem>>
          %dma_start3A_71 = arith.constant 0 : i32
          %dma_start3A_72 = tpu.memref_slice %arg3[%mul3A_63, %dma_start3A_71] : memref<336x128xf32, #tpu.memory_space<hbm>> -> memref<16x128xf32, #tpu.memory_space<hbm>>
          tpu.enqueue_dma source(%dma_start3A_72 : memref<16x128xf32, #tpu.memory_space<hbm>>) target(%dma_start3A_70 : memref<16x128xf32, #tpu.memory_space<vmem>>) target_semaphore(%run_scoped3A : memref<!tpu.dma_semaphore, #tpu.memory_space<semaphore_mem>>)
          %dma_wait3A = arith.constant 0 : i32
          %dma_wait3A_73 = arith.constant 0 : i32
          %dma_wait3A_74 = tpu.memref_slice %arg19[%dma_wait3A, %dma_wait3A_73] : memref<64x128xf32, #tpu.memory_space<vmem>> -> memref<16x128xf32, #tpu.memory_space<vmem>>
          %dma_wait3A_75 = arith.constant 0 : i32
          %dma_wait3A_76 = tpu.memref_slice %arg3[%mul3A_63, %dma_wait3A_75] : memref<336x128xf32, #tpu.memory_space<hbm>> -> memref<16x128xf32, #tpu.memory_space<hbm>>
          %dma_wait3A_77 = arith.constant 0 : i32
          %dma_wait3A_78 = arith.constant 0 : i32
          %dma_wait3A_79 = tpu.memref_slice %arg19[%dma_wait3A_77, %dma_wait3A_78] : memref<64x128xf32, #tpu.memory_space<vmem>> -> memref<16x128xf32, #tpu.memory_space<vmem>>
          %dma_wait3A_80 = arith.constant 0 : i32
          %dma_wait3A_81 = tpu.memref_slice %arg3[%mul3A_63, %dma_wait3A_80] : memref<336x128xf32, #tpu.memory_space<hbm>> -> memref<16x128xf32, #tpu.memory_space<hbm>>
          tpu.wait_dma2 semaphore(%run_scoped3A : memref<!tpu.dma_semaphore, #tpu.memory_space<semaphore_mem>>) src(%dma_wait3A_81 : memref<16x128xf32, #tpu.memory_space<hbm>>) dst(%dma_wait3A_79 : memref<16x128xf32, #tpu.memory_space<vmem>>)
          tpu.yield
        }) : () -> ()
        "tpu.region"() ({
          %run_scoped3A = tpu.sem_alloc : memref<!tpu.dma_semaphore, #tpu.memory_space<semaphore_mem>>
          %dma_start3A = arith.constant 0 : i32
          %dma_start3A_64 = arith.constant 0 : i32
          %dma_start3A_65 = tpu.memref_slice %arg19[%dma_start3A, %dma_start3A_64] : memref<64x128xf32, #tpu.memory_space<vmem>> -> memref<16x128xf32, #tpu.memory_space<vmem>>
          %dma_start3A_66 = arith.constant 0 : i32
          %dma_start3A_67 = tpu.memref_slice %arg10[%mul3A_63, %dma_start3A_66] : memref<336x128xf32, #tpu.memory_space<vmem_shared>> -> memref<16x128xf32, #tpu.memory_space<vmem_shared>>
          %dma_start3A_68 = arith.constant 0 : i32
          %dma_start3A_69 = tpu.memref_slice %arg10[%mul3A_63, %dma_start3A_68] : memref<336x128xf32, #tpu.memory_space<vmem_shared>> -> memref<16x128xf32, #tpu.memory_space<vmem_shared>>
          %dma_start3A_70 = arith.constant 0 : i32
          %dma_start3A_71 = arith.constant 0 : i32
          %dma_start3A_72 = tpu.memref_slice %arg19[%dma_start3A_70, %dma_start3A_71] : memref<64x128xf32, #tpu.memory_space<vmem>> -> memref<16x128xf32, #tpu.memory_space<vmem>>
          tpu.enqueue_dma source(%dma_start3A_72 : memref<16x128xf32, #tpu.memory_space<vmem>>) target(%dma_start3A_69 : memref<16x128xf32, #tpu.memory_space<vmem_shared>>) target_semaphore(%run_scoped3A : memref<!tpu.dma_semaphore, #tpu.memory_space<semaphore_mem>>)
          %dma_wait3A = arith.constant 0 : i32
          %dma_wait3A_73 = arith.constant 0 : i32
          %dma_wait3A_74 = tpu.memref_slice %arg19[%dma_wait3A, %dma_wait3A_73] : memref<64x128xf32, #tpu.memory_space<vmem>> -> memref<16x128xf32, #tpu.memory_space<vmem>>
          %dma_wait3A_75 = arith.constant 0 : i32
          %dma_wait3A_76 = tpu.memref_slice %arg10[%mul3A_63, %dma_wait3A_75] : memref<336x128xf32, #tpu.memory_space<vmem_shared>> -> memref<16x128xf32, #tpu.memory_space<vmem_shared>>
          %dma_wait3A_77 = arith.constant 0 : i32
          %dma_wait3A_78 = tpu.memref_slice %arg10[%mul3A_63, %dma_wait3A_77] : memref<336x128xf32, #tpu.memory_space<vmem_shared>> -> memref<16x128xf32, #tpu.memory_space<vmem_shared>>
          %dma_wait3A_79 = arith.constant 0 : i32
          %dma_wait3A_80 = arith.constant 0 : i32
          %dma_wait3A_81 = tpu.memref_slice %arg19[%dma_wait3A_79, %dma_wait3A_80] : memref<64x128xf32, #tpu.memory_space<vmem>> -> memref<16x128xf32, #tpu.memory_space<vmem>>
          tpu.wait_dma2 semaphore(%run_scoped3A : memref<!tpu.dma_semaphore, #tpu.memory_space<semaphore_mem>>) src(%dma_wait3A_81 : memref<16x128xf32, #tpu.memory_space<vmem>>) dst(%dma_wait3A_78 : memref<16x128xf32, #tpu.memory_space<vmem_shared>>)
          tpu.yield
        }) : () -> ()
      } else {
      }
      %scan3A_61 = arith.constant 0 : i32
      scf.yield %scan3A_61 : i32
    }
    %scan3A_30 = arith.constant 2 : i32
    %mul3A_31 = arith.constant 4 : i32
    %mul3A_32 = arith.muli %mul3A_0, %mul3A_31 : i32
    "tpu.region"() ({
      %run_scoped3A = tpu.sem_alloc : memref<!tpu.dma_semaphore, #tpu.memory_space<semaphore_mem>>
      %dma_start3A = tpu.memref_slice %arg4[%mul3A_32] : memref<40000xf32, #tpu.memory_space<hbm>> -> memref<20000xf32, #tpu.memory_space<hbm>>
      %dma_start3A_52 = tpu.memref_slice %arg4[%mul3A_32] : memref<40000xf32, #tpu.memory_space<hbm>> -> memref<20000xf32, #tpu.memory_space<hbm>>
      tpu.enqueue_dma source(%dma_start3A_52 : memref<20000xf32, #tpu.memory_space<hbm>>) target(%arg11 : memref<20000xf32, #tpu.memory_space<vmem>>) target_semaphore(%run_scoped3A : memref<!tpu.dma_semaphore, #tpu.memory_space<semaphore_mem>>)
      %dma_wait3A = tpu.memref_slice %arg4[%mul3A_32] : memref<40000xf32, #tpu.memory_space<hbm>> -> memref<20000xf32, #tpu.memory_space<hbm>>
      %dma_wait3A_53 = tpu.memref_slice %arg4[%mul3A_32] : memref<40000xf32, #tpu.memory_space<hbm>> -> memref<20000xf32, #tpu.memory_space<hbm>>
      tpu.wait_dma2 semaphore(%run_scoped3A : memref<!tpu.dma_semaphore, #tpu.memory_space<semaphore_mem>>) src(%dma_wait3A_53 : memref<20000xf32, #tpu.memory_space<hbm>>) dst(%arg11 : memref<20000xf32, #tpu.memory_space<vmem>>)
      tpu.yield
    }) : () -> ()
    %barrier3A = arith.constant 0 : index
    tpu.barrier barrier_id(%barrier3A)
    %scan3A_33 = arith.constant 0 : i32
    %scan3A_34 = arith.constant 0 : i32
    %scan3A_35 = arith.constant 50 : i32
    %scan3A_36 = arith.addi %scan3A_34, %scan3A_35 : i32
    %scan3A_37 = arith.constant 1 : i32
    %scan3A_38 = scf.for %scan3A_52 = %scan3A_34 to %scan3A_36 step %scan3A_37 iter_args(%scan3A_53 = %scan3A_33) -> (i32)  : i32 {
      %mul3A_54 = arith.constant 40000 : i32
      %mul3A_55 = arith.muli %arg1, %mul3A_54 : i32
      %mul3A_56 = arith.constant 800 : i32
      %mul3A_57 = arith.muli %scan3A_52, %mul3A_56 : i32
      %add3A = arith.addi %mul3A_55, %mul3A_57 : i32
      "tpu.region"() ({
        %run_scoped3A = tpu.sem_alloc : memref<!tpu.dma_semaphore, #tpu.memory_space<semaphore_mem>>
        %dma_start3A = tpu.memref_slice %arg5[%add3A] : memref<640000xi32, #tpu.memory_space<hbm>> -> memref<800xi32, #tpu.memory_space<hbm>>
        %dma_start3A_107 = tpu.memref_slice %arg5[%add3A] : memref<640000xi32, #tpu.memory_space<hbm>> -> memref<800xi32, #tpu.memory_space<hbm>>
        tpu.enqueue_dma source(%dma_start3A_107 : memref<800xi32, #tpu.memory_space<hbm>>) target(%arg12 : memref<800xi32, #tpu.memory_space<vmem>>) target_semaphore(%run_scoped3A : memref<!tpu.dma_semaphore, #tpu.memory_space<semaphore_mem>>)
        %dma_wait3A = tpu.memref_slice %arg5[%add3A] : memref<640000xi32, #tpu.memory_space<hbm>> -> memref<800xi32, #tpu.memory_space<hbm>>
        %dma_wait3A_108 = tpu.memref_slice %arg5[%add3A] : memref<640000xi32, #tpu.memory_space<hbm>> -> memref<800xi32, #tpu.memory_space<hbm>>
        tpu.wait_dma2 semaphore(%run_scoped3A : memref<!tpu.dma_semaphore, #tpu.memory_space<semaphore_mem>>) src(%dma_wait3A_108 : memref<800xi32, #tpu.memory_space<hbm>>) dst(%arg12 : memref<800xi32, #tpu.memory_space<vmem>>)
        tpu.yield
      }) : () -> ()
      "tpu.region"() ({
        %run_scoped3A = tpu.sem_alloc : memref<!tpu.dma_semaphore, #tpu.memory_space<semaphore_mem>>
        %dma_start3A = tpu.memref_slice %arg6[%add3A] : memref<640000xi32, #tpu.memory_space<hbm>> -> memref<800xi32, #tpu.memory_space<hbm>>
        %dma_start3A_107 = tpu.memref_slice %arg6[%add3A] : memref<640000xi32, #tpu.memory_space<hbm>> -> memref<800xi32, #tpu.memory_space<hbm>>
        tpu.enqueue_dma source(%dma_start3A_107 : memref<800xi32, #tpu.memory_space<hbm>>) target(%arg13 : memref<800xi32, #tpu.memory_space<vmem>>) target_semaphore(%run_scoped3A : memref<!tpu.dma_semaphore, #tpu.memory_space<semaphore_mem>>)
        %dma_wait3A = tpu.memref_slice %arg6[%add3A] : memref<640000xi32, #tpu.memory_space<hbm>> -> memref<800xi32, #tpu.memory_space<hbm>>
        %dma_wait3A_108 = tpu.memref_slice %arg6[%add3A] : memref<640000xi32, #tpu.memory_space<hbm>> -> memref<800xi32, #tpu.memory_space<hbm>>
        tpu.wait_dma2 semaphore(%run_scoped3A : memref<!tpu.dma_semaphore, #tpu.memory_space<semaphore_mem>>) src(%dma_wait3A_108 : memref<800xi32, #tpu.memory_space<hbm>>) dst(%arg13 : memref<800xi32, #tpu.memory_space<vmem>>)
        tpu.yield
      }) : () -> ()
      %add3A_58 = arith.constant 5000 : i32
      %add3A_59 = vector.broadcast %add3A_58 : i32 to vector<16xi32>
      %add3A_60 = arith.addi %broadcast_in_dim3A_3, %add3A_59 : vector<16xi32>
      %scan3A_61 = arith.constant 0 : i32
      %scan3A_62 = arith.constant 0 : i32
      %scan3A_63 = arith.constant 64 : i32
      %scan3A_64 = arith.addi %scan3A_62, %scan3A_63 : i32
      %scan3A_65 = arith.constant 1 : i32
      %scan3A_66 = scf.for %scan3A_107 = %scan3A_62 to %scan3A_64 step %scan3A_65 iter_args(%scan3A_108 = %scan3A_61) -> (i32)  : i32 {
        %mul3A_109 = arith.constant 16 : i32
        %mul3A_110 = arith.muli %scan3A_107, %mul3A_109 : i32
        %swap3A = arith.index_cast %mul3A_110 : i32 to index
        %swap3A_111 = tpu.vector_load %arg14[%swap3A] {strides = array<i32>} : memref<1024xi32, #tpu.memory_space<vmem>>, vector<16xi32>,
        tpu.vector_store %arg14[%swap3A], %broadcast_in_dim3A_3 {strides = array<i32>} : memref<1024xi32, #tpu.memory_space<vmem>>, vector<16xi32>,
        %mul3A_112 = arith.constant 16 : i32
        %mul3A_113 = arith.muli %scan3A_107, %mul3A_112 : i32
        %swap3A_114 = arith.index_cast %mul3A_113 : i32 to index
        %swap3A_115 = tpu.vector_load %arg15[%swap3A_114] {strides = array<i32>} : memref<1024xi32, #tpu.memory_space<vmem>>, vector<16xi32>,
        tpu.vector_store %arg15[%swap3A_114], %add3A_60 {strides = array<i32>} : memref<1024xi32, #tpu.memory_space<vmem>>, vector<16xi32>,
        %mul3A_116 = arith.constant 16 : i32
        %mul3A_117 = arith.muli %scan3A_107, %mul3A_116 : i32
        %swap3A_118 = arith.index_cast %mul3A_117 : i32 to index
        %swap3A_119 = tpu.vector_load %arg16[%swap3A_118] {strides = array<i32>} : memref<1024xi32, #tpu.memory_space<vmem>>, vector<16xi32>,
        tpu.vector_store %arg16[%swap3A_118], %broadcast_in_dim3A_3 {strides = array<i32>} : memref<1024xi32, #tpu.memory_space<vmem>>, vector<16xi32>,
        %scan3A_120 = arith.constant 0 : i32
        scf.yield %scan3A_120 : i32
      }
      %scan3A_67 = arith.constant 64 : i32
      %scan3A_68 = arith.constant 0 : i32
      %scan3A_69 = arith.constant 0 : i32
      %scan3A_70 = arith.constant 50 : i32
      %scan3A_71 = arith.addi %scan3A_69, %scan3A_70 : i32
      %scan3A_72 = arith.constant 1 : i32
      %scan3A_73 = scf.for %scan3A_107 = %scan3A_69 to %scan3A_71 step %scan3A_72 iter_args(%scan3A_108 = %scan3A_68) -> (i32)  : i32 {
        %mul3A_109 = arith.constant 16 : i32
        %mul3A_110 = arith.muli %scan3A_107, %mul3A_109 : i32
        %get3A = arith.index_cast %mul3A_110 : i32 to index
        %get3A_111 = tpu.vector_load %arg12[%get3A] {strides = array<i32>} : memref<800xi32, #tpu.memory_space<vmem>>, vector<16xi32>,
        %mul3A_112 = arith.constant 16 : i32
        %mul3A_113 = arith.muli %scan3A_107, %mul3A_112 : i32
        %get3A_114 = arith.index_cast %mul3A_113 : i32 to index
        %get3A_115 = tpu.vector_load %arg13[%get3A_114] {strides = array<i32>} : memref<800xi32, #tpu.memory_space<vmem>>, vector<16xi32>,
        %sub3A = vector.broadcast %mul3A_0 : i32 to vector<16xi32>
        %sub3A_116 = arith.subi %get3A_115, %sub3A : vector<16xi32>
        %ge3A = arith.constant 0 : i32
        %ge3A_117 = vector.broadcast %ge3A : i32 to vector<16xi32>
        %ge3A_118 = arith.cmpi sge, %sub3A_116, %ge3A_117 : vector<16xi32>
        %lt3A_119 = arith.constant 5000 : i32
        %lt3A_120 = vector.broadcast %lt3A_119 : i32 to vector<16xi32>
        %lt3A_121 = arith.cmpi slt, %sub3A_116, %lt3A_120 : vector<16xi32>
        %and3A = arith.andi %ge3A_118, %lt3A_121 : vector<16xi1>
        %convert_element_type3A_122 = arith.extui %and3A : vector<16xi1> to vector<16xi32>
        %broadcast_in_dim3A_123 = arith.constant true
        %broadcast_in_dim3A_124 = vector.broadcast %broadcast_in_dim3A_123 : i1 to vector<16xi1>
        %masked_cumsum3A = tpu.scan <sum>, %convert_element_type3A_122 masked %broadcast_in_dim3A_124 : vector<16xi32>, vector<16xi1> -> vector<16xi32>
        %add3A_125 = vector.broadcast %scan3A_108 : i32 to vector<16xi32>
        %add3A_126 = arith.addi %add3A_125, %masked_cumsum3A : vector<16xi32>
        %sub3A_127 = arith.constant 1 : i32
        %sub3A_128 = vector.broadcast %sub3A_127 : i32 to vector<16xi32>
        %sub3A_129 = arith.subi %add3A_126, %sub3A_128 : vector<16xi32>
        %add3A_130 = arith.constant 1008 : i32
        %add3A_131 = vector.broadcast %add3A_130 : i32 to vector<16xi32>
        %add3A_132 = arith.addi %add3A_131, %iota3A : vector<16xi32>
        %select_n3A = arith.select %and3A, %sub3A_129, %add3A_132 : vector<16xi1>, vector<16xi32>
        tpu.vector_store_idx %arg14[%select_n3A], %get3A_111 : memref<1024xi32, #tpu.memory_space<vmem>>[vector<16xi32>], vector<16xi32>,
        tpu.vector_store_idx %arg15[%select_n3A], %sub3A_116 : memref<1024xi32, #tpu.memory_space<vmem>>[vector<16xi32>], vector<16xi32>,
        %shift_right_arithmetic3A_133 = arith.constant 5 : i32
        %shift_right_arithmetic3A_134 = vector.broadcast %shift_right_arithmetic3A_133 : i32 to vector<16xi32>
        %shift_right_arithmetic3A_135 = arith.shrsi %get3A_111, %shift_right_arithmetic3A_134 : vector<16xi32>
        tpu.vector_store_idx %arg16[%select_n3A], %shift_right_arithmetic3A_135 : memref<1024xi32, #tpu.memory_space<vmem>>[vector<16xi32>], vector<16xi32>,
        %reduce_sum3A = arith.constant true
        %reduce_sum3A_136 = vector.broadcast %reduce_sum3A : i1 to vector<16xi1>
        %reduce_sum3A_137 = tpu.scan <sum>, %convert_element_type3A_122 masked %reduce_sum3A_136 : vector<16xi32>, vector<16xi1> -> vector<16xi32>
        %reduce_sum3A_138 = vector.extract %reduce_sum3A_137[15] : i32 from vector<16xi32>
        %add3A_139 = arith.addi %scan3A_108, %reduce_sum3A_138 : i32
        scf.yield %add3A_139 : i32
      }
      %scan3A_74 = arith.constant 50 : i32
      %add3A_75 = arith.constant 63 : i32
      %add3A_76 = arith.addi %scan3A_73, %add3A_75 : i32
      %shift_right_arithmetic3A = arith.constant 6 : i32
      %shift_right_arithmetic3A_77 = arith.shrsi %add3A_76, %shift_right_arithmetic3A : i32
      %shift_left3A = arith.constant 2 : i32
      %shift_left3A_78 = arith.shli %shift_right_arithmetic3A_77, %shift_left3A : i32
      %while3A = arith.constant 0 : i32
      %while3A_79 = arith.constant 0 : i32
      %while3A_80 = arith.subi %shift_left3A_78, %while3A : i32
      %while3A_81 = arith.addi %while3A, %while3A_80 : i32
      %while3A_82 = arith.constant 1 : i32
      %while3A_83 = arith.divsi %while3A_80, %while3A_82 : i32
      %while3A_84 = arith.muli %while3A_83, %while3A_82 : i32
      %while3A_85 = arith.addi %while3A, %while3A_84 : i32
      %while3A_86 = arith.constant 1 : i32
      %while3A_87 = scf.for %while3A_107 = %while3A to %while3A_85 step %while3A_86 iter_args(%while3A_108 = %while3A_79) -> (i32)  : i32 {
        %mul3A_109 = arith.constant 16 : i32
        %mul3A_110 = arith.muli %while3A_107, %mul3A_109 : i32
        %get3A = arith.index_cast %mul3A_110 : i32 to index
        %get3A_111 = tpu.vector_load %arg15[%get3A] {strides = array<i32>} : memref<1024xi32, #tpu.memory_space<vmem>>, vector<16xi32>,
        %shift_right_arithmetic3A_112 = arith.constant 2 : i32
        %shift_right_arithmetic3A_113 = arith.shrsi %while3A_107, %shift_right_arithmetic3A_112 : i32
        %and3A = arith.constant 3 : i32
        %and3A_114 = arith.andi %while3A_107, %and3A : i32
        %mul3A_115 = arith.constant 16 : i32
        %mul3A_116 = arith.muli %and3A_114, %mul3A_115 : i32
        %swap3A = arith.index_cast %shift_right_arithmetic3A_113 : i32 to index
        %swap3A_117 = arith.index_cast %mul3A_116 : i32 to index
        %swap3A_118 = tpu.vector_load %arg17[%swap3A, %swap3A_117] {strides = array<i32>} : memref<16x128xi32, #tpu.memory_space<vmem>>, vector<16xi32>,
        tpu.vector_store %arg17[%swap3A, %swap3A_117], %get3A_111 {strides = array<i32>} : memref<16x128xi32, #tpu.memory_space<vmem>>, vector<16xi32>,
        %shift_right_arithmetic3A_119 = arith.constant 5 : i32
        %shift_right_arithmetic3A_120 = vector.broadcast %shift_right_arithmetic3A_119 : i32 to vector<16xi32>
        %shift_right_arithmetic3A_121 = arith.shrsi %get3A_111, %shift_right_arithmetic3A_120 : vector<16xi32>
        %add3A_122 = arith.constant 5008 : i32
        %add3A_123 = vector.broadcast %add3A_122 : i32 to vector<16xi32>
        %add3A_124 = arith.addi %add3A_123, %shift_right_arithmetic3A_121 : vector<16xi32>
        %shift_right_arithmetic3A_125 = arith.constant 2 : i32
        %shift_right_arithmetic3A_126 = arith.shrsi %while3A_107, %shift_right_arithmetic3A_125 : i32
        %and3A_127 = arith.constant 3 : i32
        %and3A_128 = arith.andi %while3A_107, %and3A_127 : i32
        %mul3A_129 = arith.constant 16 : i32
        %mul3A_130 = arith.muli %and3A_128, %mul3A_129 : i32
        %add3A_131 = arith.constant 64 : i32
        %add3A_132 = arith.addi %add3A_131, %mul3A_130 : i32
        %swap3A_133 = arith.index_cast %shift_right_arithmetic3A_126 : i32 to index
        %swap3A_134 = arith.index_cast %add3A_132 : i32 to index
        %swap3A_135 = tpu.vector_load %arg17[%swap3A_133, %swap3A_134] {strides = array<i32>} : memref<16x128xi32, #tpu.memory_space<vmem>>, vector<16xi32>,
        tpu.vector_store %arg17[%swap3A_133, %swap3A_134], %add3A_124 {strides = array<i32>} : memref<16x128xi32, #tpu.memory_space<vmem>>, vector<16xi32>,
        %while3A_136 = arith.constant 0 : i32
        scf.yield %while3A_136 : i32
      }
      %while3A_88 = arith.constant 1 : i32
      %while3A_89 = scf.for %while3A_107 = %while3A_85 to %while3A_81 step %while3A_88 iter_args(%while3A_108 = %while3A_87) -> (i32)  : i32 {
        %mul3A_109 = arith.constant 16 : i32
        %mul3A_110 = arith.muli %while3A_107, %mul3A_109 : i32
        %get3A = arith.index_cast %mul3A_110 : i32 to index
        %get3A_111 = tpu.vector_load %arg15[%get3A] {strides = array<i32>} : memref<1024xi32, #tpu.memory_space<vmem>>, vector<16xi32>,
        %shift_right_arithmetic3A_112 = arith.constant 2 : i32
        %shift_right_arithmetic3A_113 = arith.shrsi %while3A_107, %shift_right_arithmetic3A_112 : i32
        %and3A = arith.constant 3 : i32
        %and3A_114 = arith.andi %while3A_107, %and3A : i32
        %mul3A_115 = arith.constant 16 : i32
        %mul3A_116 = arith.muli %and3A_114, %mul3A_115 : i32
        %swap3A = arith.index_cast %shift_right_arithmetic3A_113 : i32 to index
        %swap3A_117 = arith.index_cast %mul3A_116 : i32 to index
        %swap3A_118 = tpu.vector_load %arg17[%swap3A, %swap3A_117] {strides = array<i32>} : memref<16x128xi32, #tpu.memory_space<vmem>>, vector<16xi32>,
        tpu.vector_store %arg17[%swap3A, %swap3A_117], %get3A_111 {strides = array<i32>} : memref<16x128xi32, #tpu.memory_space<vmem>>, vector<16xi32>,
        %shift_right_arithmetic3A_119 = arith.constant 5 : i32
        %shift_right_arithmetic3A_120 = vector.broadcast %shift_right_arithmetic3A_119 : i32 to vector<16xi32>
        %shift_right_arithmetic3A_121 = arith.shrsi %get3A_111, %shift_right_arithmetic3A_120 : vector<16xi32>
        %add3A_122 = arith.constant 5008 : i32
        %add3A_123 = vector.broadcast %add3A_122 : i32 to vector<16xi32>
        %add3A_124 = arith.addi %add3A_123, %shift_right_arithmetic3A_121 : vector<16xi32>
        %shift_right_arithmetic3A_125 = arith.constant 2 : i32
        %shift_right_arithmetic3A_126 = arith.shrsi %while3A_107, %shift_right_arithmetic3A_125 : i32
        %and3A_127 = arith.constant 3 : i32
        %and3A_128 = arith.andi %while3A_107, %and3A_127 : i32
        %mul3A_129 = arith.constant 16 : i32
        %mul3A_130 = arith.muli %and3A_128, %mul3A_129 : i32
        %add3A_131 = arith.constant 64 : i32
        %add3A_132 = arith.addi %add3A_131, %mul3A_130 : i32
        %swap3A_133 = arith.index_cast %shift_right_arithmetic3A_126 : i32 to index
        %swap3A_134 = arith.index_cast %add3A_132 : i32 to index
        %swap3A_135 = tpu.vector_load %arg17[%swap3A_133, %swap3A_134] {strides = array<i32>} : memref<16x128xi32, #tpu.memory_space<vmem>>, vector<16xi32>,
        tpu.vector_store %arg17[%swap3A_133, %swap3A_134], %add3A_124 {strides = array<i32>} : memref<16x128xi32, #tpu.memory_space<vmem>>, vector<16xi32>,
        %while3A_136 = arith.constant 0 : i32
        scf.yield %while3A_136 : i32
      }
      %while3A_90 = arith.constant 0 : i32
      %while3A_91 = arith.constant 0 : i32
      %while3A_92 = arith.subi %shift_right_arithmetic3A_77, %while3A_90 : i32
      %while3A_93 = arith.addi %while3A_90, %while3A_92 : i32
      %while3A_94 = arith.constant 1 : i32
      %while3A_95 = arith.divsi %while3A_92, %while3A_94 : i32
      %while3A_96 = arith.muli %while3A_95, %while3A_94 : i32
      %while3A_97 = arith.addi %while3A_90, %while3A_96 : i32
      %while3A_98 = arith.constant 1 : i32
      %while3A_99 = scf.for %while3A_107 = %while3A_90 to %while3A_97 step %while3A_98 iter_args(%while3A_108 = %while3A_91) -> (i32)  : i32 {
        %mul3A_109 = arith.constant 64 : i32
        %mul3A_110 = arith.muli %while3A_107, %mul3A_109 : i32
        %dma_start3A = tpu.memref_slice %arg14[%mul3A_110] : memref<1024xi32, #tpu.memory_space<vmem>> -> memref<64xi32, #tpu.memory_space<vmem>>
        %dma_start3A_111 = arith.constant 0 : i32
        %dma_start3A_112 = arith.constant 0 : i32
        %dma_start3A_113 = tpu.memref_slice %arg2[%dma_start3A_111, %dma_start3A_112] : memref<10000x128xf32, #tpu.memory_space<hbm>> -> memref<10000x128xf32, #tpu.memory_space<hbm>>
        tpu.enqueue_indirect_dma source(%dma_start3A_113 : memref<10000x128xf32, #tpu.memory_space<hbm>>) target(%arg19 : memref<64x128xf32, #tpu.memory_space<vmem>>) offsets(%dma_start3A : memref<64xi32, #tpu.memory_space<vmem>>) semaphore(%arg25 : memref<!tpu.dma_semaphore, #tpu.memory_space<semaphore_mem>>)
        %mul3A_114 = arith.constant 64 : i32
        %mul3A_115 = arith.muli %while3A_107, %mul3A_114 : i32
        "tpu.region"() ({
          %run_scoped3A = tpu.sem_alloc : memref<!tpu.dma_semaphore, #tpu.memory_space<semaphore_mem>>
          %dma_start3A_147 = tpu.memref_slice %arg16[%mul3A_115] : memref<1024xi32, #tpu.memory_space<vmem>> -> memref<64xi32, #tpu.memory_space<vmem>>
          %dma_start3A_148 = arith.constant 0 : i32
          %dma_start3A_149 = arith.constant 0 : i32
          %dma_start3A_150 = tpu.memref_slice %arg10[%dma_start3A_148, %dma_start3A_149] : memref<336x128xf32, #tpu.memory_space<vmem_shared>> -> memref<336x128xf32, #tpu.memory_space<vmem_shared>>
          tpu.enqueue_indirect_dma source(%dma_start3A_150 : memref<336x128xf32, #tpu.memory_space<vmem_shared>>) target(%arg21 : memref<64x128xf32, #tpu.memory_space<vmem>>) offsets(%dma_start3A_147 : memref<64xi32, #tpu.memory_space<vmem>>) semaphore(%run_scoped3A : memref<!tpu.dma_semaphore, #tpu.memory_space<semaphore_mem>>)
          %dma_wait3A_151 = tpu.memref_slice %arg16[%mul3A_115] : memref<1024xi32, #tpu.memory_space<vmem>> -> memref<64xi32, #tpu.memory_space<vmem>>
          %dma_wait3A_152 = arith.constant 0 : i32
          %dma_wait3A_153 = arith.constant 0 : i32
          %dma_wait3A_154 = tpu.memref_slice %arg10[%dma_wait3A_152, %dma_wait3A_153] : memref<336x128xf32, #tpu.memory_space<vmem_shared>> -> memref<336x128xf32, #tpu.memory_space<vmem_shared>>
          tpu.wait_indirect_dma semaphore(%run_scoped3A : memref<!tpu.dma_semaphore, #tpu.memory_space<semaphore_mem>>) src(%dma_wait3A_154 : memref<336x128xf32, #tpu.memory_space<vmem_shared>>) dst(%arg21 : memref<64x128xf32, #tpu.memory_space<vmem>>)
          tpu.yield
        }) : () -> ()
        %scan3A_116 = arith.constant 0 : i32
        %scan3A_117 = arith.constant 0 : i32
        %scan3A_118 = arith.constant 16 : i32
        %scan3A_119 = arith.addi %scan3A_117, %scan3A_118 : i32
        %scan3A_120 = arith.constant 1 : i32
        %scan3A_121 = scf.for %scan3A_147 = %scan3A_117 to %scan3A_119 step %scan3A_120 iter_args(%scan3A_148 = %scan3A_116) -> (i32)  : i32 {
          %mul3A_149 = arith.constant 64 : i32
          %mul3A_150 = arith.muli %while3A_107, %mul3A_149 : i32
          %mul3A_151 = arith.constant 4 : i32
          %mul3A_152 = arith.muli %scan3A_147, %mul3A_151 : i32
          %add3A_153 = arith.addi %mul3A_150, %mul3A_152 : i32
          %shift_right_arithmetic3A_154 = arith.constant 2 : i32
          %shift_right_arithmetic3A_155 = vector.broadcast %shift_right_arithmetic3A_154 : i32 to vector<16xi32>
          %shift_right_arithmetic3A_156 = arith.shrsi %iota3A, %shift_right_arithmetic3A_155 : vector<16xi32>
          %add3A_157 = vector.broadcast %add3A_153 : i32 to vector<16xi32>
          %add3A_158 = arith.addi %add3A_157, %shift_right_arithmetic3A_156 : vector<16xi32>
          %mul3A_159 = arith.constant 4 : i32
          %mul3A_160 = arith.muli %scan3A_147, %mul3A_159 : i32
          %shift_right_arithmetic3A_161 = arith.constant 2 : i32
          %shift_right_arithmetic3A_162 = vector.broadcast %shift_right_arithmetic3A_161 : i32 to vector<16xi32>
          %shift_right_arithmetic3A_163 = arith.shrsi %iota3A, %shift_right_arithmetic3A_162 : vector<16xi32>
          %add3A_164 = vector.broadcast %mul3A_160 : i32 to vector<16xi32>
          %add3A_165 = arith.addi %add3A_164, %shift_right_arithmetic3A_163 : vector<16xi32>
          %and3A = arith.constant 3 : i32
          %and3A_166 = vector.broadcast %and3A : i32 to vector<16xi32>
          %and3A_167 = arith.andi %iota3A, %and3A_166 : vector<16xi32>
          %gather3A = tpu.vector_load_idx %arg14[%add3A_158] : memref<1024xi32, #tpu.memory_space<vmem>>[vector<16xi32>], vector<16xi32>,
          %gather3A_168 = tpu.vector_load_idx %arg15[%add3A_158] : memref<1024xi32, #tpu.memory_space<vmem>>[vector<16xi32>], vector<16xi32>,
          %and3A_169 = arith.constant 31 : i32
          %and3A_170 = vector.broadcast %and3A_169 : i32 to vector<16xi32>
          %and3A_171 = arith.andi %gather3A, %and3A_170 : vector<16xi32>
          %shift_left3A_172 = arith.constant 2 : i32
          %shift_left3A_173 = vector.broadcast %shift_left3A_172 : i32 to vector<16xi32>
          %shift_left3A_174 = arith.shli %and3A_171, %shift_left3A_173 : vector<16xi32>
          %add3A_175 = arith.addi %shift_left3A_174, %and3A_167 : vector<16xi32>
          %gather3A_176 = tpu.vector_load_idx %arg21[%add3A_165, %add3A_175] : memref<64x128xf32, #tpu.memory_space<vmem>>[vector<16xi32>, vector<16xi32>], vector<16xf32>,
          %min3A = arith.constant 4999 : i32
          %min3A_177 = vector.broadcast %min3A : i32 to vector<16xi32>
          %min3A_178 = arith.minsi %gather3A_168, %min3A_177 : vector<16xi32>
          %shift_left3A_179 = arith.constant 2 : i32
          %shift_left3A_180 = vector.broadcast %shift_left3A_179 : i32 to vector<16xi32>
          %shift_left3A_181 = arith.shli %min3A_178, %shift_left3A_180 : vector<16xi32>
          %add3A_182 = arith.addi %shift_left3A_181, %and3A_167 : vector<16xi32>
          %gather3A_183 = tpu.vector_load_idx %arg11[%add3A_182] : memref<20000xf32, #tpu.memory_space<vmem>>[vector<16xi32>], vector<16xf32>,
          %add3A_184 = arith.addf %gather3A_176, %gather3A_183 : vector<16xf32>
          %gt3A_185 = arith.constant 0.000000e+00 : f32
          %gt3A_186 = vector.broadcast %gt3A_185 : f32 to vector<16xf32>
          %gt3A_187 = arith.cmpf ogt, %add3A_184, %gt3A_186 : vector<16xf32>
          %mul3A_188 = arith.constant 2.000000e-01 : f32
          %mul3A_189 = vector.broadcast %mul3A_188 : f32 to vector<16xf32>
          %mul3A_190 = arith.mulf %mul3A_189, %add3A_184 : vector<16xf32>
          %select_n3A = arith.select %gt3A_187, %add3A_184, %mul3A_190 : vector<16xi1>, vector<16xf32>
          %max3A = arith.constant -1.000000e+01 : f32
          %max3A_191 = vector.broadcast %max3A : f32 to vector<16xf32>
          %max3A_192 = arith.maximumf %select_n3A, %max3A_191 : vector<16xf32>
          %mul3A_193 = arith.constant 1.44269502 : f32
          %mul3A_194 = vector.broadcast %mul3A_193 : f32 to vector<16xf32>
          %mul3A_195 = arith.mulf %max3A_192, %mul3A_194 : vector<16xf32>
          %add3A_196 = arith.constant 1.650000e+01 : f32
          %add3A_197 = vector.broadcast %add3A_196 : f32 to vector<16xf32>
          %add3A_198 = arith.addf %mul3A_195, %add3A_197 : vector<16xf32>
          %convert_element_type3A_199 = arith.fptosi %add3A_198 : vector<16xf32> to vector<16xi32>
          %sub3A = arith.constant 16 : i32
          %sub3A_200 = vector.broadcast %sub3A : i32 to vector<16xi32>
          %sub3A_201 = arith.subi %convert_element_type3A_199, %sub3A_200 : vector<16xi32>
          %convert_element_type3A_202 = arith.sitofp %sub3A_201 : vector<16xi32> to vector<16xf32>
          %mul3A_203 = arith.constant 0.693147182 : f32
          %mul3A_204 = vector.broadcast %mul3A_203 : f32 to vector<16xf32>
          %mul3A_205 = arith.mulf %convert_element_type3A_202, %mul3A_204 : vector<16xf32>
          %sub3A_206 = arith.subf %max3A_192, %mul3A_205 : vector<16xf32>
          %mul3A_207 = arith.constant 0.00833333377 : f32
          %mul3A_208 = vector.broadcast %mul3A_207 : f32 to vector<16xf32>
          %mul3A_209 = arith.mulf %sub3A_206, %mul3A_208 : vector<16xf32>
          %add3A_210 = arith.constant 0.0416666679 : f32
          %add3A_211 = vector.broadcast %add3A_210 : f32 to vector<16xf32>
          %add3A_212 = arith.addf %add3A_211, %mul3A_209 : vector<16xf32>
          %mul3A_213 = arith.mulf %sub3A_206, %add3A_212 : vector<16xf32>
          %add3A_214 = arith.constant 0.166666672 : f32
          %add3A_215 = vector.broadcast %add3A_214 : f32 to vector<16xf32>
          %add3A_216 = arith.addf %add3A_215, %mul3A_213 : vector<16xf32>
          %mul3A_217 = arith.mulf %sub3A_206, %add3A_216 : vector<16xf32>
          %add3A_218 = arith.constant 5.000000e-01 : f32
          %add3A_219 = vector.broadcast %add3A_218 : f32 to vector<16xf32>
          %add3A_220 = arith.addf %add3A_219, %mul3A_217 : vector<16xf32>
          %mul3A_221 = arith.mulf %sub3A_206, %add3A_220 : vector<16xf32>
          %add3A_222 = arith.constant 1.000000e+00 : f32
          %add3A_223 = vector.broadcast %add3A_222 : f32 to vector<16xf32>
          %add3A_224 = arith.addf %add3A_223, %mul3A_221 : vector<16xf32>
          %mul3A_225 = arith.mulf %sub3A_206, %add3A_224 : vector<16xf32>
          %add3A_226 = arith.constant 1.000000e+00 : f32
          %add3A_227 = vector.broadcast %add3A_226 : f32 to vector<16xf32>
          %add3A_228 = arith.addf %add3A_227, %mul3A_225 : vector<16xf32>
          %add3A_229 = arith.constant 127 : i32
          %add3A_230 = vector.broadcast %add3A_229 : i32 to vector<16xi32>
          %add3A_231 = arith.addi %sub3A_201, %add3A_230 : vector<16xi32>
          %shift_left3A_232 = arith.constant 23 : i32
          %shift_left3A_233 = vector.broadcast %shift_left3A_232 : i32 to vector<16xi32>
          %shift_left3A_234 = arith.shli %add3A_231, %shift_left3A_233 : vector<16xi32>
          %bitcast3A = vector.bitcast %shift_left3A_234 : vector<16xi32> to vector<16xf32>
          %mul3A_235 = arith.mulf %add3A_228, %bitcast3A : vector<16xf32>
          %mul3A_236 = arith.constant 16 : i32
          %mul3A_237 = arith.muli %scan3A_147, %mul3A_236 : i32
          %swap3A = arith.index_cast %mul3A_237 : i32 to index
          %swap3A_238 = tpu.vector_load %arg18[%swap3A] {strides = array<i32>} : memref<256xf32, #tpu.memory_space<vmem>>, vector<16xf32>,
          tpu.vector_store %arg18[%swap3A], %mul3A_235 {strides = array<i32>} : memref<256xf32, #tpu.memory_space<vmem>>, vector<16xf32>,
          %scan3A_239 = arith.constant 0 : i32
          scf.yield %scan3A_239 : i32
        }
        %scan3A_122 = arith.constant 16 : i32
        %gt3A_123 = arith.constant 0 : i32
        %gt3A_124 = arith.cmpi sgt, %while3A_107, %gt3A_123 : i32
        %convert_element_type3A_125 = arith.extui %gt3A_124 : i1 to i32
        %cond3A_126 = arith.constant 0 : i32
        %cond3A_127 = arith.cmpi ne, %convert_element_type3A_125, %cond3A_126 : i32
        scf.if %cond3A_127 {
          %sub3A = arith.constant 1 : i32
          %sub3A_147 = arith.subi %while3A_107, %sub3A : i32
          %dma_wait3A_148 = arith.constant 0 : i32
          %dma_wait3A_149 = tpu.memref_slice %arg17[%sub3A_147, %dma_wait3A_148] : memref<16x128xi32, #tpu.memory_space<vmem>> -> memref<1x128xi32, #tpu.memory_space<vmem>>
          %dma_wait3A_150 = tpu.memref_squeeze %dma_wait3A_149 : memref<1x128xi32, #tpu.memory_space<vmem>> -> memref<128xi32, #tpu.memory_space<vmem>>
          %dma_wait3A_151 = arith.constant 0 : i32
          %dma_wait3A_152 = arith.constant 0 : i32
          %dma_wait3A_153 = tpu.memref_slice %arg9[%dma_wait3A_151, %dma_wait3A_152] : memref<5376x128xf32, #tpu.memory_space<vmem_shared>> -> memref<5376x128xf32, #tpu.memory_space<vmem_shared>>
          tpu.wait_indirect_dma semaphore(%arg26 : memref<!tpu.dma_semaphore, #tpu.memory_space<semaphore_mem>>) src(%arg23 : memref<128x128xf32, #tpu.memory_space<vmem>>) dst(%dma_wait3A_153 : memref<5376x128xf32, #tpu.memory_space<vmem_shared>>)
          %scan3A_154 = arith.constant 0 : i32
          %scan3A_155 = arith.constant 0 : i32
          %scan3A_156 = arith.constant 64 : i32
          %scan3A_157 = arith.addi %scan3A_155, %scan3A_156 : i32
          %scan3A_158 = arith.constant 1 : i32
          %scan3A_159 = scf.for %scan3A_161 = %scan3A_155 to %scan3A_157 step %scan3A_158 iter_args(%scan3A_162 = %scan3A_154) -> (i32)  : i32 {
            %mul3A_163 = arith.constant 64 : i32
            %mul3A_164 = arith.muli %sub3A_147, %mul3A_163 : i32
            %add3A_165 = arith.addi %mul3A_164, %scan3A_161 : i32
            %add3A_166 = vector.broadcast %add3A_165 : i32 to vector<16xi32>
            %add3A_167 = arith.addi %broadcast_in_dim3A_3, %add3A_166 : vector<16xi32>
            %gather3A = tpu.vector_load_idx %arg15[%add3A_167] : memref<1024xi32, #tpu.memory_space<vmem>>[vector<16xi32>], vector<16xi32>,
            %and3A = arith.constant 31 : i32
            %and3A_168 = vector.broadcast %and3A : i32 to vector<16xi32>
            %and3A_169 = arith.andi %gather3A, %and3A_168 : vector<16xi32>
            %shift_left3A_170 = arith.constant 2 : i32
            %shift_left3A_171 = vector.broadcast %shift_left3A_170 : i32 to vector<16xi32>
            %shift_left3A_172 = arith.shli %and3A_169, %shift_left3A_171 : vector<16xi32>
            %add3A_173 = arith.addi %shift_left3A_172, %iota3A : vector<16xi32>
            %and3A_174 = arith.constant 127 : i32
            %and3A_175 = vector.broadcast %and3A_174 : i32 to vector<16xi32>
            %and3A_176 = arith.andi %add3A_173, %and3A_175 : vector<16xi32>
            %add3A_177 = arith.constant 64 : i32
            %add3A_178 = arith.addi %add3A_177, %scan3A_161 : i32
            %add3A_179 = vector.broadcast %add3A_178 : i32 to vector<16xi32>
            %add3A_180 = arith.addi %broadcast_in_dim3A_3, %add3A_179 : vector<16xi32>
            tpu.vector_store_idx %arg23[%add3A_180, %and3A_176], %broadcast_in_dim3A_1 : memref<128x128xf32, #tpu.memory_space<vmem>>[vector<16xi32>, vector<16xi32>], vector<16xf32>,
            %scan3A_181 = arith.constant 0 : i32
            scf.yield %scan3A_181 : i32
          }
          %scan3A_160 = arith.constant 64 : i32
        } else {
        }
        %mul3A_128 = arith.constant 64 : i32
        %mul3A_129 = arith.muli %while3A_107, %mul3A_128 : i32
        %dma_wait3A = tpu.memref_slice %arg14[%mul3A_129] : memref<1024xi32, #tpu.memory_space<vmem>> -> memref<64xi32, #tpu.memory_space<vmem>>
        %dma_wait3A_130 = arith.constant 0 : i32
        %dma_wait3A_131 = arith.constant 0 : i32
        %dma_wait3A_132 = tpu.memref_slice %arg2[%dma_wait3A_130, %dma_wait3A_131] : memref<10000x128xf32, #tpu.memory_space<hbm>> -> memref<10000x128xf32, #tpu.memory_space<hbm>>
        tpu.wait_indirect_dma semaphore(%arg25 : memref<!tpu.dma_semaphore, #tpu.memory_space<semaphore_mem>>) src(%dma_wait3A_132 : memref<10000x128xf32, #tpu.memory_space<hbm>>) dst(%arg19 : memref<64x128xf32, #tpu.memory_space<vmem>>)
        %scan3A_133 = arith.constant 0 : i32
        %scan3A_134 = arith.constant 0 : i32
        %scan3A_135 = arith.constant 64 : i32
        %scan3A_136 = arith.addi %scan3A_134, %scan3A_135 : i32
        %scan3A_137 = arith.constant 1 : i32
        %scan3A_138 = scf.for %scan3A_147 = %scan3A_134 to %scan3A_136 step %scan3A_137 iter_args(%scan3A_148 = %scan3A_133) -> (i32)  : i32 {
          %mul3A_149 = arith.constant 4 : i32
          %mul3A_150 = arith.muli %scan3A_147, %mul3A_149 : i32
          %add3A_151 = arith.constant 0 : i32
          %add3A_152 = arith.addi %mul3A_150, %add3A_151 : i32
          %add3A_153 = vector.broadcast %add3A_152 : i32 to vector<16xi32>
          %add3A_154 = arith.addi %broadcast_in_dim3A_3, %add3A_153 : vector<16xi32>
          %gather3A = tpu.vector_load_idx %arg18[%add3A_154] : memref<256xf32, #tpu.memory_space<vmem>>[vector<16xi32>], vector<16xf32>,
          %mul3A_155 = arith.constant 4 : i32
          %mul3A_156 = arith.muli %scan3A_147, %mul3A_155 : i32
          %add3A_157 = arith.constant 1 : i32
          %add3A_158 = arith.addi %mul3A_156, %add3A_157 : i32
          %add3A_159 = vector.broadcast %add3A_158 : i32 to vector<16xi32>
          %add3A_160 = arith.addi %broadcast_in_dim3A_3, %add3A_159 : vector<16xi32>
          %gather3A_161 = tpu.vector_load_idx %arg18[%add3A_160] : memref<256xf32, #tpu.memory_space<vmem>>[vector<16xi32>], vector<16xf32>,
          %mul3A_162 = arith.constant 4 : i32
          %mul3A_163 = arith.muli %scan3A_147, %mul3A_162 : i32
          %add3A_164 = arith.constant 2 : i32
          %add3A_165 = arith.addi %mul3A_163, %add3A_164 : i32
          %add3A_166 = vector.broadcast %add3A_165 : i32 to vector<16xi32>
          %add3A_167 = arith.addi %broadcast_in_dim3A_3, %add3A_166 : vector<16xi32>
          %gather3A_168 = tpu.vector_load_idx %arg18[%add3A_167] : memref<256xf32, #tpu.memory_space<vmem>>[vector<16xi32>], vector<16xf32>,
          %mul3A_169 = arith.constant 4 : i32
          %mul3A_170 = arith.muli %scan3A_147, %mul3A_169 : i32
          %add3A_171 = arith.constant 3 : i32
          %add3A_172 = arith.addi %mul3A_170, %add3A_171 : i32
          %add3A_173 = vector.broadcast %add3A_172 : i32 to vector<16xi32>
          %add3A_174 = arith.addi %broadcast_in_dim3A_3, %add3A_173 : vector<16xi32>
          %gather3A_175 = tpu.vector_load_idx %arg18[%add3A_174] : memref<256xf32, #tpu.memory_space<vmem>>[vector<16xi32>], vector<16xf32>,
          %get3A = arith.index_cast %scan3A_147 : i32 to index
          %get3A_176 = arith.constant 0 : index
          %get3A_177 = tpu.vector_load %arg19[%get3A, %get3A_176] {strides = array<i32>} : memref<64x128xf32, #tpu.memory_space<vmem>>, vector<16xf32>,
          %mul3A_178 = arith.mulf %gather3A, %get3A_177 : vector<16xf32>
          %swap3A = arith.index_cast %scan3A_147 : i32 to index
          %swap3A_179 = arith.constant 0 : index
          %swap3A_180 = tpu.vector_load %arg23[%swap3A, %swap3A_179] {strides = array<i32>} : memref<128x128xf32, #tpu.memory_space<vmem>>, vector<16xf32>,
          tpu.vector_store %arg23[%swap3A, %swap3A_179], %mul3A_178 {strides = array<i32>} : memref<128x128xf32, #tpu.memory_space<vmem>>, vector<16xf32>,
          %get3A_181 = arith.index_cast %scan3A_147 : i32 to index
          %get3A_182 = arith.constant 16 : index
          %get3A_183 = tpu.vector_load %arg19[%get3A_181, %get3A_182] {strides = array<i32>} : memref<64x128xf32, #tpu.memory_space<vmem>>, vector<16xf32>,
          %mul3A_184 = arith.mulf %gather3A, %get3A_183 : vector<16xf32>
          %swap3A_185 = arith.index_cast %scan3A_147 : i32 to index
          %swap3A_186 = arith.constant 16 : index
          %swap3A_187 = tpu.vector_load %arg23[%swap3A_185, %swap3A_186] {strides = array<i32>} : memref<128x128xf32, #tpu.memory_space<vmem>>, vector<16xf32>,
          tpu.vector_store %arg23[%swap3A_185, %swap3A_186], %mul3A_184 {strides = array<i32>} : memref<128x128xf32, #tpu.memory_space<vmem>>, vector<16xf32>,
          %get3A_188 = arith.index_cast %scan3A_147 : i32 to index
          %get3A_189 = arith.constant 32 : index
          %get3A_190 = tpu.vector_load %arg19[%get3A_188, %get3A_189] {strides = array<i32>} : memref<64x128xf32, #tpu.memory_space<vmem>>, vector<16xf32>,
          %mul3A_191 = arith.mulf %gather3A_161, %get3A_190 : vector<16xf32>
          %swap3A_192 = arith.index_cast %scan3A_147 : i32 to index
          %swap3A_193 = arith.constant 32 : index
          %swap3A_194 = tpu.vector_load %arg23[%swap3A_192, %swap3A_193] {strides = array<i32>} : memref<128x128xf32, #tpu.memory_space<vmem>>, vector<16xf32>,
          tpu.vector_store %arg23[%swap3A_192, %swap3A_193], %mul3A_191 {strides = array<i32>} : memref<128x128xf32, #tpu.memory_space<vmem>>, vector<16xf32>,
          %get3A_195 = arith.index_cast %scan3A_147 : i32 to index
          %get3A_196 = arith.constant 48 : index
          %get3A_197 = tpu.vector_load %arg19[%get3A_195, %get3A_196] {strides = array<i32>} : memref<64x128xf32, #tpu.memory_space<vmem>>, vector<16xf32>,
          %mul3A_198 = arith.mulf %gather3A_161, %get3A_197 : vector<16xf32>
          %swap3A_199 = arith.index_cast %scan3A_147 : i32 to index
          %swap3A_200 = arith.constant 48 : index
          %swap3A_201 = tpu.vector_load %arg23[%swap3A_199, %swap3A_200] {strides = array<i32>} : memref<128x128xf32, #tpu.memory_space<vmem>>, vector<16xf32>,
          tpu.vector_store %arg23[%swap3A_199, %swap3A_200], %mul3A_198 {strides = array<i32>} : memref<128x128xf32, #tpu.memory_space<vmem>>, vector<16xf32>,
          %get3A_202 = arith.index_cast %scan3A_147 : i32 to index
          %get3A_203 = arith.constant 64 : index
          %get3A_204 = tpu.vector_load %arg19[%get3A_202, %get3A_203] {strides = array<i32>} : memref<64x128xf32, #tpu.memory_space<vmem>>, vector<16xf32>,
          %mul3A_205 = arith.mulf %gather3A_168, %get3A_204 : vector<16xf32>
          %swap3A_206 = arith.index_cast %scan3A_147 : i32 to index
          %swap3A_207 = arith.constant 64 : index
          %swap3A_208 = tpu.vector_load %arg23[%swap3A_206, %swap3A_207] {strides = array<i32>} : memref<128x128xf32, #tpu.memory_space<vmem>>, vector<16xf32>,
          tpu.vector_store %arg23[%swap3A_206, %swap3A_207], %mul3A_205 {strides = array<i32>} : memref<128x128xf32, #tpu.memory_space<vmem>>, vector<16xf32>,
          %get3A_209 = arith.index_cast %scan3A_147 : i32 to index
          %get3A_210 = arith.constant 80 : index
          %get3A_211 = tpu.vector_load %arg19[%get3A_209, %get3A_210] {strides = array<i32>} : memref<64x128xf32, #tpu.memory_space<vmem>>, vector<16xf32>,
          %mul3A_212 = arith.mulf %gather3A_168, %get3A_211 : vector<16xf32>
          %swap3A_213 = arith.index_cast %scan3A_147 : i32 to index
          %swap3A_214 = arith.constant 80 : index
          %swap3A_215 = tpu.vector_load %arg23[%swap3A_213, %swap3A_214] {strides = array<i32>} : memref<128x128xf32, #tpu.memory_space<vmem>>, vector<16xf32>,
          tpu.vector_store %arg23[%swap3A_213, %swap3A_214], %mul3A_212 {strides = array<i32>} : memref<128x128xf32, #tpu.memory_space<vmem>>, vector<16xf32>,
          %get3A_216 = arith.index_cast %scan3A_147 : i32 to index
          %get3A_217 = arith.constant 96 : index
          %get3A_218 = tpu.vector_load %arg19[%get3A_216, %get3A_217] {strides = array<i32>} : memref<64x128xf32, #tpu.memory_space<vmem>>, vector<16xf32>,
          %mul3A_219 = arith.mulf %gather3A_175, %get3A_218 : vector<16xf32>
          %swap3A_220 = arith.index_cast %scan3A_147 : i32 to index
          %swap3A_221 = arith.constant 96 : index
          %swap3A_222 = tpu.vector_load %arg23[%swap3A_220, %swap3A_221] {strides = array<i32>} : memref<128x128xf32, #tpu.memory_space<vmem>>, vector<16xf32>,
          tpu.vector_store %arg23[%swap3A_220, %swap3A_221], %mul3A_219 {strides = array<i32>} : memref<128x128xf32, #tpu.memory_space<vmem>>, vector<16xf32>,
          %get3A_223 = arith.index_cast %scan3A_147 : i32 to index
          %get3A_224 = arith.constant 112 : index
          %get3A_225 = tpu.vector_load %arg19[%get3A_223, %get3A_224] {strides = array<i32>} : memref<64x128xf32, #tpu.memory_space<vmem>>, vector<16xf32>,
          %mul3A_226 = arith.mulf %gather3A_175, %get3A_225 : vector<16xf32>
          %swap3A_227 = arith.index_cast %scan3A_147 : i32 to index
          %swap3A_228 = arith.constant 112 : index
          %swap3A_229 = tpu.vector_load %arg23[%swap3A_227, %swap3A_228] {strides = array<i32>} : memref<128x128xf32, #tpu.memory_space<vmem>>, vector<16xf32>,
          tpu.vector_store %arg23[%swap3A_227, %swap3A_228], %mul3A_226 {strides = array<i32>} : memref<128x128xf32, #tpu.memory_space<vmem>>, vector<16xf32>,
          %mul3A_230 = arith.constant 4 : i32
          %mul3A_231 = arith.muli %scan3A_147, %mul3A_230 : i32
          %and3A = arith.constant 3 : i32
          %and3A_232 = vector.broadcast %and3A : i32 to vector<16xi32>
          %and3A_233 = arith.andi %iota3A, %and3A_232 : vector<16xi32>
          %add3A_234 = vector.broadcast %mul3A_231 : i32 to vector<16xi32>
          %add3A_235 = arith.addi %add3A_234, %and3A_233 : vector<16xi32>
          %gather3A_236 = tpu.vector_load_idx %arg18[%add3A_235] : memref<256xf32, #tpu.memory_space<vmem>>[vector<16xi32>], vector<16xf32>,
          %mul3A_237 = arith.constant 64 : i32
          %mul3A_238 = arith.muli %while3A_107, %mul3A_237 : i32
          %add3A_239 = arith.addi %mul3A_238, %scan3A_147 : i32
          %add3A_240 = vector.broadcast %add3A_239 : i32 to vector<16xi32>
          %add3A_241 = arith.addi %broadcast_in_dim3A_3, %add3A_240 : vector<16xi32>
          %gather3A_242 = tpu.vector_load_idx %arg15[%add3A_241] : memref<1024xi32, #tpu.memory_space<vmem>>[vector<16xi32>], vector<16xi32>,
          %and3A_243 = arith.constant 31 : i32
          %and3A_244 = vector.broadcast %and3A_243 : i32 to vector<16xi32>
          %and3A_245 = arith.andi %gather3A_242, %and3A_244 : vector<16xi32>
          %shift_left3A_246 = arith.constant 2 : i32
          %shift_left3A_247 = vector.broadcast %shift_left3A_246 : i32 to vector<16xi32>
          %shift_left3A_248 = arith.shli %and3A_245, %shift_left3A_247 : vector<16xi32>
          %add3A_249 = arith.addi %shift_left3A_248, %iota3A : vector<16xi32>
          %and3A_250 = arith.constant 127 : i32
          %and3A_251 = vector.broadcast %and3A_250 : i32 to vector<16xi32>
          %and3A_252 = arith.andi %add3A_249, %and3A_251 : vector<16xi32>
          %lt3A_253 = arith.constant 4 : i32
          %lt3A_254 = vector.broadcast %lt3A_253 : i32 to vector<16xi32>
          %lt3A_255 = arith.cmpi slt, %iota3A, %lt3A_254 : vector<16xi32>
          %jit3A = arith.constant 0.000000e+00 : f32
          %broadcast_in_dim3A_256 = vector.broadcast %jit3A : f32 to vector<16xf32>
          %select_n3A = arith.select %lt3A_255, %gather3A_236, %broadcast_in_dim3A_256 : vector<16xi1>, vector<16xf32>
          %add3A_257 = arith.constant 64 : i32
          %add3A_258 = arith.addi %add3A_257, %scan3A_147 : i32
          %add3A_259 = vector.broadcast %add3A_258 : i32 to vector<16xi32>
          %add3A_260 = arith.addi %broadcast_in_dim3A_3, %add3A_259 : vector<16xi32>
          tpu.vector_store_idx %arg23[%add3A_260, %and3A_252], %select_n3A : memref<128x128xf32, #tpu.memory_space<vmem>>[vector<16xi32>, vector<16xi32>], vector<16xf32>,
          %scan3A_261 = arith.constant 0 : i32
          scf.yield %scan3A_261 : i32
        }
        %scan3A_139 = arith.constant 64 : i32
        %dma_start3A_140 = arith.constant 0 : i32
        %dma_start3A_141 = tpu.memref_slice %arg17[%while3A_107, %dma_start3A_140] : memref<16x128xi32, #tpu.memory_space<vmem>> -> memref<1x128xi32, #tpu.memory_space<vmem>>
        %dma_start3A_142 = tpu.memref_squeeze %dma_start3A_141 : memref<1x128xi32, #tpu.memory_space<vmem>> -> memref<128xi32, #tpu.memory_space<vmem>>
        %dma_start3A_143 = arith.constant 0 : i32
        %dma_start3A_144 = arith.constant 0 : i32
        %dma_start3A_145 = tpu.memref_slice %arg9[%dma_start3A_143, %dma_start3A_144] : memref<5376x128xf32, #tpu.memory_space<vmem_shared>> -> memref<5376x128xf32, #tpu.memory_space<vmem_shared>>
        tpu.enqueue_indirect_dma source(%arg23 : memref<128x128xf32, #tpu.memory_space<vmem>>) target(%dma_start3A_145 : memref<5376x128xf32, #tpu.memory_space<vmem_shared>>) offsets(%dma_start3A_142 : memref<128xi32, #tpu.memory_space<vmem>>) semaphore(%arg26 : memref<!tpu.dma_semaphore, #tpu.memory_space<semaphore_mem>>) {add = true}
        %while3A_146 = arith.constant 0 : i32
        scf.yield %while3A_146 : i32
      }
      %while3A_100 = arith.constant 1 : i32
      %while3A_101 = scf.for %while3A_107 = %while3A_97 to %while3A_93 step %while3A_100 iter_args(%while3A_108 = %while3A_99) -> (i32)  : i32 {
        %mul3A_109 = arith.constant 64 : i32
        %mul3A_110 = arith.muli %while3A_107, %mul3A_109 : i32
        %dma_start3A = tpu.memref_slice %arg14[%mul3A_110] : memref<1024xi32, #tpu.memory_space<vmem>> -> memref<64xi32, #tpu.memory_space<vmem>>
        %dma_start3A_111 = arith.constant 0 : i32
        %dma_start3A_112 = arith.constant 0 : i32
        %dma_start3A_113 = tpu.memref_slice %arg2[%dma_start3A_111, %dma_start3A_112] : memref<10000x128xf32, #tpu.memory_space<hbm>> -> memref<10000x128xf32, #tpu.memory_space<hbm>>
        tpu.enqueue_indirect_dma source(%dma_start3A_113 : memref<10000x128xf32, #tpu.memory_space<hbm>>) target(%arg19 : memref<64x128xf32, #tpu.memory_space<vmem>>) offsets(%dma_start3A : memref<64xi32, #tpu.memory_space<vmem>>) semaphore(%arg25 : memref<!tpu.dma_semaphore, #tpu.memory_space<semaphore_mem>>)
        %mul3A_114 = arith.constant 64 : i32
        %mul3A_115 = arith.muli %while3A_107, %mul3A_114 : i32
        "tpu.region"() ({
          %run_scoped3A = tpu.sem_alloc : memref<!tpu.dma_semaphore, #tpu.memory_space<semaphore_mem>>
          %dma_start3A_147 = tpu.memref_slice %arg16[%mul3A_115] : memref<1024xi32, #tpu.memory_space<vmem>> -> memref<64xi32, #tpu.memory_space<vmem>>
          %dma_start3A_148 = arith.constant 0 : i32
          %dma_start3A_149 = arith.constant 0 : i32
          %dma_start3A_150 = tpu.memref_slice %arg10[%dma_start3A_148, %dma_start3A_149] : memref<336x128xf32, #tpu.memory_space<vmem_shared>> -> memref<336x128xf32, #tpu.memory_space<vmem_shared>>
          tpu.enqueue_indirect_dma source(%dma_start3A_150 : memref<336x128xf32, #tpu.memory_space<vmem_shared>>) target(%arg21 : memref<64x128xf32, #tpu.memory_space<vmem>>) offsets(%dma_start3A_147 : memref<64xi32, #tpu.memory_space<vmem>>) semaphore(%run_scoped3A : memref<!tpu.dma_semaphore, #tpu.memory_space<semaphore_mem>>)
          %dma_wait3A_151 = tpu.memref_slice %arg16[%mul3A_115] : memref<1024xi32, #tpu.memory_space<vmem>> -> memref<64xi32, #tpu.memory_space<vmem>>
          %dma_wait3A_152 = arith.constant 0 : i32
          %dma_wait3A_153 = arith.constant 0 : i32
          %dma_wait3A_154 = tpu.memref_slice %arg10[%dma_wait3A_152, %dma_wait3A_153] : memref<336x128xf32, #tpu.memory_space<vmem_shared>> -> memref<336x128xf32, #tpu.memory_space<vmem_shared>>
          tpu.wait_indirect_dma semaphore(%run_scoped3A : memref<!tpu.dma_semaphore, #tpu.memory_space<semaphore_mem>>) src(%dma_wait3A_154 : memref<336x128xf32, #tpu.memory_space<vmem_shared>>) dst(%arg21 : memref<64x128xf32, #tpu.memory_space<vmem>>)
          tpu.yield
        }) : () -> ()
        %scan3A_116 = arith.constant 0 : i32
        %scan3A_117 = arith.constant 0 : i32
        %scan3A_118 = arith.constant 16 : i32
        %scan3A_119 = arith.addi %scan3A_117, %scan3A_118 : i32
        %scan3A_120 = arith.constant 1 : i32
        %scan3A_121 = scf.for %scan3A_147 = %scan3A_117 to %scan3A_119 step %scan3A_120 iter_args(%scan3A_148 = %scan3A_116) -> (i32)  : i32 {
          %mul3A_149 = arith.constant 64 : i32
          %mul3A_150 = arith.muli %while3A_107, %mul3A_149 : i32
          %mul3A_151 = arith.constant 4 : i32
          %mul3A_152 = arith.muli %scan3A_147, %mul3A_151 : i32
          %add3A_153 = arith.addi %mul3A_150, %mul3A_152 : i32
          %shift_right_arithmetic3A_154 = arith.constant 2 : i32
          %shift_right_arithmetic3A_155 = vector.broadcast %shift_right_arithmetic3A_154 : i32 to vector<16xi32>
          %shift_right_arithmetic3A_156 = arith.shrsi %iota3A, %shift_right_arithmetic3A_155 : vector<16xi32>
          %add3A_157 = vector.broadcast %add3A_153 : i32 to vector<16xi32>
          %add3A_158 = arith.addi %add3A_157, %shift_right_arithmetic3A_156 : vector<16xi32>
          %mul3A_159 = arith.constant 4 : i32
          %mul3A_160 = arith.muli %scan3A_147, %mul3A_159 : i32
          %shift_right_arithmetic3A_161 = arith.constant 2 : i32
          %shift_right_arithmetic3A_162 = vector.broadcast %shift_right_arithmetic3A_161 : i32 to vector<16xi32>
          %shift_right_arithmetic3A_163 = arith.shrsi %iota3A, %shift_right_arithmetic3A_162 : vector<16xi32>
          %add3A_164 = vector.broadcast %mul3A_160 : i32 to vector<16xi32>
          %add3A_165 = arith.addi %add3A_164, %shift_right_arithmetic3A_163 : vector<16xi32>
          %and3A = arith.constant 3 : i32
          %and3A_166 = vector.broadcast %and3A : i32 to vector<16xi32>
          %and3A_167 = arith.andi %iota3A, %and3A_166 : vector<16xi32>
          %gather3A = tpu.vector_load_idx %arg14[%add3A_158] : memref<1024xi32, #tpu.memory_space<vmem>>[vector<16xi32>], vector<16xi32>,
          %gather3A_168 = tpu.vector_load_idx %arg15[%add3A_158] : memref<1024xi32, #tpu.memory_space<vmem>>[vector<16xi32>], vector<16xi32>,
          %and3A_169 = arith.constant 31 : i32
          %and3A_170 = vector.broadcast %and3A_169 : i32 to vector<16xi32>
          %and3A_171 = arith.andi %gather3A, %and3A_170 : vector<16xi32>
          %shift_left3A_172 = arith.constant 2 : i32
          %shift_left3A_173 = vector.broadcast %shift_left3A_172 : i32 to vector<16xi32>
          %shift_left3A_174 = arith.shli %and3A_171, %shift_left3A_173 : vector<16xi32>
          %add3A_175 = arith.addi %shift_left3A_174, %and3A_167 : vector<16xi32>
          %gather3A_176 = tpu.vector_load_idx %arg21[%add3A_165, %add3A_175] : memref<64x128xf32, #tpu.memory_space<vmem>>[vector<16xi32>, vector<16xi32>], vector<16xf32>,
          %min3A = arith.constant 4999 : i32
          %min3A_177 = vector.broadcast %min3A : i32 to vector<16xi32>
          %min3A_178 = arith.minsi %gather3A_168, %min3A_177 : vector<16xi32>
          %shift_left3A_179 = arith.constant 2 : i32
          %shift_left3A_180 = vector.broadcast %shift_left3A_179 : i32 to vector<16xi32>
          %shift_left3A_181 = arith.shli %min3A_178, %shift_left3A_180 : vector<16xi32>
          %add3A_182 = arith.addi %shift_left3A_181, %and3A_167 : vector<16xi32>
          %gather3A_183 = tpu.vector_load_idx %arg11[%add3A_182] : memref<20000xf32, #tpu.memory_space<vmem>>[vector<16xi32>], vector<16xf32>,
          %add3A_184 = arith.addf %gather3A_176, %gather3A_183 : vector<16xf32>
          %gt3A_185 = arith.constant 0.000000e+00 : f32
          %gt3A_186 = vector.broadcast %gt3A_185 : f32 to vector<16xf32>
          %gt3A_187 = arith.cmpf ogt, %add3A_184, %gt3A_186 : vector<16xf32>
          %mul3A_188 = arith.constant 2.000000e-01 : f32
          %mul3A_189 = vector.broadcast %mul3A_188 : f32 to vector<16xf32>
          %mul3A_190 = arith.mulf %mul3A_189, %add3A_184 : vector<16xf32>
          %select_n3A = arith.select %gt3A_187, %add3A_184, %mul3A_190 : vector<16xi1>, vector<16xf32>
          %max3A = arith.constant -1.000000e+01 : f32
          %max3A_191 = vector.broadcast %max3A : f32 to vector<16xf32>
          %max3A_192 = arith.maximumf %select_n3A, %max3A_191 : vector<16xf32>
          %mul3A_193 = arith.constant 1.44269502 : f32
          %mul3A_194 = vector.broadcast %mul3A_193 : f32 to vector<16xf32>
          %mul3A_195 = arith.mulf %max3A_192, %mul3A_194 : vector<16xf32>
          %add3A_196 = arith.constant 1.650000e+01 : f32
          %add3A_197 = vector.broadcast %add3A_196 : f32 to vector<16xf32>
          %add3A_198 = arith.addf %mul3A_195, %add3A_197 : vector<16xf32>
          %convert_element_type3A_199 = arith.fptosi %add3A_198 : vector<16xf32> to vector<16xi32>
          %sub3A = arith.constant 16 : i32
          %sub3A_200 = vector.broadcast %sub3A : i32 to vector<16xi32>
          %sub3A_201 = arith.subi %convert_element_type3A_199, %sub3A_200 : vector<16xi32>
          %convert_element_type3A_202 = arith.sitofp %sub3A_201 : vector<16xi32> to vector<16xf32>
          %mul3A_203 = arith.constant 0.693147182 : f32
          %mul3A_204 = vector.broadcast %mul3A_203 : f32 to vector<16xf32>
          %mul3A_205 = arith.mulf %convert_element_type3A_202, %mul3A_204 : vector<16xf32>
          %sub3A_206 = arith.subf %max3A_192, %mul3A_205 : vector<16xf32>
          %mul3A_207 = arith.constant 0.00833333377 : f32
          %mul3A_208 = vector.broadcast %mul3A_207 : f32 to vector<16xf32>
          %mul3A_209 = arith.mulf %sub3A_206, %mul3A_208 : vector<16xf32>
          %add3A_210 = arith.constant 0.0416666679 : f32
          %add3A_211 = vector.broadcast %add3A_210 : f32 to vector<16xf32>
          %add3A_212 = arith.addf %add3A_211, %mul3A_209 : vector<16xf32>
          %mul3A_213 = arith.mulf %sub3A_206, %add3A_212 : vector<16xf32>
          %add3A_214 = arith.constant 0.166666672 : f32
          %add3A_215 = vector.broadcast %add3A_214 : f32 to vector<16xf32>
          %add3A_216 = arith.addf %add3A_215, %mul3A_213 : vector<16xf32>
          %mul3A_217 = arith.mulf %sub3A_206, %add3A_216 : vector<16xf32>
          %add3A_218 = arith.constant 5.000000e-01 : f32
          %add3A_219 = vector.broadcast %add3A_218 : f32 to vector<16xf32>
          %add3A_220 = arith.addf %add3A_219, %mul3A_217 : vector<16xf32>
          %mul3A_221 = arith.mulf %sub3A_206, %add3A_220 : vector<16xf32>
          %add3A_222 = arith.constant 1.000000e+00 : f32
          %add3A_223 = vector.broadcast %add3A_222 : f32 to vector<16xf32>
          %add3A_224 = arith.addf %add3A_223, %mul3A_221 : vector<16xf32>
          %mul3A_225 = arith.mulf %sub3A_206, %add3A_224 : vector<16xf32>
          %add3A_226 = arith.constant 1.000000e+00 : f32
          %add3A_227 = vector.broadcast %add3A_226 : f32 to vector<16xf32>
          %add3A_228 = arith.addf %add3A_227, %mul3A_225 : vector<16xf32>
          %add3A_229 = arith.constant 127 : i32
          %add3A_230 = vector.broadcast %add3A_229 : i32 to vector<16xi32>
          %add3A_231 = arith.addi %sub3A_201, %add3A_230 : vector<16xi32>
          %shift_left3A_232 = arith.constant 23 : i32
          %shift_left3A_233 = vector.broadcast %shift_left3A_232 : i32 to vector<16xi32>
          %shift_left3A_234 = arith.shli %add3A_231, %shift_left3A_233 : vector<16xi32>
          %bitcast3A = vector.bitcast %shift_left3A_234 : vector<16xi32> to vector<16xf32>
          %mul3A_235 = arith.mulf %add3A_228, %bitcast3A : vector<16xf32>
          %mul3A_236 = arith.constant 16 : i32
          %mul3A_237 = arith.muli %scan3A_147, %mul3A_236 : i32
          %swap3A = arith.index_cast %mul3A_237 : i32 to index
          %swap3A_238 = tpu.vector_load %arg18[%swap3A] {strides = array<i32>} : memref<256xf32, #tpu.memory_space<vmem>>, vector<16xf32>,
          tpu.vector_store %arg18[%swap3A], %mul3A_235 {strides = array<i32>} : memref<256xf32, #tpu.memory_space<vmem>>, vector<16xf32>,
          %scan3A_239 = arith.constant 0 : i32
          scf.yield %scan3A_239 : i32
        }
        %scan3A_122 = arith.constant 16 : i32
        %gt3A_123 = arith.constant 0 : i32
        %gt3A_124 = arith.cmpi sgt, %while3A_107, %gt3A_123 : i32
        %convert_element_type3A_125 = arith.extui %gt3A_124 : i1 to i32
        %cond3A_126 = arith.constant 0 : i32
        %cond3A_127 = arith.cmpi ne, %convert_element_type3A_125, %cond3A_126 : i32
        scf.if %cond3A_127 {
          %sub3A = arith.constant 1 : i32
          %sub3A_147 = arith.subi %while3A_107, %sub3A : i32
          %dma_wait3A_148 = arith.constant 0 : i32
          %dma_wait3A_149 = tpu.memref_slice %arg17[%sub3A_147, %dma_wait3A_148] : memref<16x128xi32, #tpu.memory_space<vmem>> -> memref<1x128xi32, #tpu.memory_space<vmem>>
          %dma_wait3A_150 = tpu.memref_squeeze %dma_wait3A_149 : memref<1x128xi32, #tpu.memory_space<vmem>> -> memref<128xi32, #tpu.memory_space<vmem>>
          %dma_wait3A_151 = arith.constant 0 : i32
          %dma_wait3A_152 = arith.constant 0 : i32
          %dma_wait3A_153 = tpu.memref_slice %arg9[%dma_wait3A_151, %dma_wait3A_152] : memref<5376x128xf32, #tpu.memory_space<vmem_shared>> -> memref<5376x128xf32, #tpu.memory_space<vmem_shared>>
          tpu.wait_indirect_dma semaphore(%arg26 : memref<!tpu.dma_semaphore, #tpu.memory_space<semaphore_mem>>) src(%arg23 : memref<128x128xf32, #tpu.memory_space<vmem>>) dst(%dma_wait3A_153 : memref<5376x128xf32, #tpu.memory_space<vmem_shared>>)
          %scan3A_154 = arith.constant 0 : i32
          %scan3A_155 = arith.constant 0 : i32
          %scan3A_156 = arith.constant 64 : i32
          %scan3A_157 = arith.addi %scan3A_155, %scan3A_156 : i32
          %scan3A_158 = arith.constant 1 : i32
          %scan3A_159 = scf.for %scan3A_161 = %scan3A_155 to %scan3A_157 step %scan3A_158 iter_args(%scan3A_162 = %scan3A_154) -> (i32)  : i32 {
            %mul3A_163 = arith.constant 64 : i32
            %mul3A_164 = arith.muli %sub3A_147, %mul3A_163 : i32
            %add3A_165 = arith.addi %mul3A_164, %scan3A_161 : i32
            %add3A_166 = vector.broadcast %add3A_165 : i32 to vector<16xi32>
            %add3A_167 = arith.addi %broadcast_in_dim3A_3, %add3A_166 : vector<16xi32>
            %gather3A = tpu.vector_load_idx %arg15[%add3A_167] : memref<1024xi32, #tpu.memory_space<vmem>>[vector<16xi32>], vector<16xi32>,
            %and3A = arith.constant 31 : i32
            %and3A_168 = vector.broadcast %and3A : i32 to vector<16xi32>
            %and3A_169 = arith.andi %gather3A, %and3A_168 : vector<16xi32>
            %shift_left3A_170 = arith.constant 2 : i32
            %shift_left3A_171 = vector.broadcast %shift_left3A_170 : i32 to vector<16xi32>
            %shift_left3A_172 = arith.shli %and3A_169, %shift_left3A_171 : vector<16xi32>
            %add3A_173 = arith.addi %shift_left3A_172, %iota3A : vector<16xi32>
            %and3A_174 = arith.constant 127 : i32
            %and3A_175 = vector.broadcast %and3A_174 : i32 to vector<16xi32>
            %and3A_176 = arith.andi %add3A_173, %and3A_175 : vector<16xi32>
            %add3A_177 = arith.constant 64 : i32
            %add3A_178 = arith.addi %add3A_177, %scan3A_161 : i32
            %add3A_179 = vector.broadcast %add3A_178 : i32 to vector<16xi32>
            %add3A_180 = arith.addi %broadcast_in_dim3A_3, %add3A_179 : vector<16xi32>
            tpu.vector_store_idx %arg23[%add3A_180, %and3A_176], %broadcast_in_dim3A_1 : memref<128x128xf32, #tpu.memory_space<vmem>>[vector<16xi32>, vector<16xi32>], vector<16xf32>,
            %scan3A_181 = arith.constant 0 : i32
            scf.yield %scan3A_181 : i32
          }
          %scan3A_160 = arith.constant 64 : i32
        } else {
        }
        %mul3A_128 = arith.constant 64 : i32
        %mul3A_129 = arith.muli %while3A_107, %mul3A_128 : i32
        %dma_wait3A = tpu.memref_slice %arg14[%mul3A_129] : memref<1024xi32, #tpu.memory_space<vmem>> -> memref<64xi32, #tpu.memory_space<vmem>>
        %dma_wait3A_130 = arith.constant 0 : i32
        %dma_wait3A_131 = arith.constant 0 : i32
        %dma_wait3A_132 = tpu.memref_slice %arg2[%dma_wait3A_130, %dma_wait3A_131] : memref<10000x128xf32, #tpu.memory_space<hbm>> -> memref<10000x128xf32, #tpu.memory_space<hbm>>
        tpu.wait_indirect_dma semaphore(%arg25 : memref<!tpu.dma_semaphore, #tpu.memory_space<semaphore_mem>>) src(%dma_wait3A_132 : memref<10000x128xf32, #tpu.memory_space<hbm>>) dst(%arg19 : memref<64x128xf32, #tpu.memory_space<vmem>>)
        %scan3A_133 = arith.constant 0 : i32
        %scan3A_134 = arith.constant 0 : i32
        %scan3A_135 = arith.constant 64 : i32
        %scan3A_136 = arith.addi %scan3A_134, %scan3A_135 : i32
        %scan3A_137 = arith.constant 1 : i32
        %scan3A_138 = scf.for %scan3A_147 = %scan3A_134 to %scan3A_136 step %scan3A_137 iter_args(%scan3A_148 = %scan3A_133) -> (i32)  : i32 {
          %mul3A_149 = arith.constant 4 : i32
          %mul3A_150 = arith.muli %scan3A_147, %mul3A_149 : i32
          %add3A_151 = arith.constant 0 : i32
          %add3A_152 = arith.addi %mul3A_150, %add3A_151 : i32
          %add3A_153 = vector.broadcast %add3A_152 : i32 to vector<16xi32>
          %add3A_154 = arith.addi %broadcast_in_dim3A_3, %add3A_153 : vector<16xi32>
          %gather3A = tpu.vector_load_idx %arg18[%add3A_154] : memref<256xf32, #tpu.memory_space<vmem>>[vector<16xi32>], vector<16xf32>,
          %mul3A_155 = arith.constant 4 : i32
          %mul3A_156 = arith.muli %scan3A_147, %mul3A_155 : i32
          %add3A_157 = arith.constant 1 : i32
          %add3A_158 = arith.addi %mul3A_156, %add3A_157 : i32
          %add3A_159 = vector.broadcast %add3A_158 : i32 to vector<16xi32>
          %add3A_160 = arith.addi %broadcast_in_dim3A_3, %add3A_159 : vector<16xi32>
          %gather3A_161 = tpu.vector_load_idx %arg18[%add3A_160] : memref<256xf32, #tpu.memory_space<vmem>>[vector<16xi32>], vector<16xf32>,
          %mul3A_162 = arith.constant 4 : i32
          %mul3A_163 = arith.muli %scan3A_147, %mul3A_162 : i32
          %add3A_164 = arith.constant 2 : i32
          %add3A_165 = arith.addi %mul3A_163, %add3A_164 : i32
          %add3A_166 = vector.broadcast %add3A_165 : i32 to vector<16xi32>
          %add3A_167 = arith.addi %broadcast_in_dim3A_3, %add3A_166 : vector<16xi32>
          %gather3A_168 = tpu.vector_load_idx %arg18[%add3A_167] : memref<256xf32, #tpu.memory_space<vmem>>[vector<16xi32>], vector<16xf32>,
          %mul3A_169 = arith.constant 4 : i32
          %mul3A_170 = arith.muli %scan3A_147, %mul3A_169 : i32
          %add3A_171 = arith.constant 3 : i32
          %add3A_172 = arith.addi %mul3A_170, %add3A_171 : i32
          %add3A_173 = vector.broadcast %add3A_172 : i32 to vector<16xi32>
          %add3A_174 = arith.addi %broadcast_in_dim3A_3, %add3A_173 : vector<16xi32>
          %gather3A_175 = tpu.vector_load_idx %arg18[%add3A_174] : memref<256xf32, #tpu.memory_space<vmem>>[vector<16xi32>], vector<16xf32>,
          %get3A = arith.index_cast %scan3A_147 : i32 to index
          %get3A_176 = arith.constant 0 : index
          %get3A_177 = tpu.vector_load %arg19[%get3A, %get3A_176] {strides = array<i32>} : memref<64x128xf32, #tpu.memory_space<vmem>>, vector<16xf32>,
          %mul3A_178 = arith.mulf %gather3A, %get3A_177 : vector<16xf32>
          %swap3A = arith.index_cast %scan3A_147 : i32 to index
          %swap3A_179 = arith.constant 0 : index
          %swap3A_180 = tpu.vector_load %arg23[%swap3A, %swap3A_179] {strides = array<i32>} : memref<128x128xf32, #tpu.memory_space<vmem>>, vector<16xf32>,
          tpu.vector_store %arg23[%swap3A, %swap3A_179], %mul3A_178 {strides = array<i32>} : memref<128x128xf32, #tpu.memory_space<vmem>>, vector<16xf32>,
          %get3A_181 = arith.index_cast %scan3A_147 : i32 to index
          %get3A_182 = arith.constant 16 : index
          %get3A_183 = tpu.vector_load %arg19[%get3A_181, %get3A_182] {strides = array<i32>} : memref<64x128xf32, #tpu.memory_space<vmem>>, vector<16xf32>,
          %mul3A_184 = arith.mulf %gather3A, %get3A_183 : vector<16xf32>
          %swap3A_185 = arith.index_cast %scan3A_147 : i32 to index
          %swap3A_186 = arith.constant 16 : index
          %swap3A_187 = tpu.vector_load %arg23[%swap3A_185, %swap3A_186] {strides = array<i32>} : memref<128x128xf32, #tpu.memory_space<vmem>>, vector<16xf32>,
          tpu.vector_store %arg23[%swap3A_185, %swap3A_186], %mul3A_184 {strides = array<i32>} : memref<128x128xf32, #tpu.memory_space<vmem>>, vector<16xf32>,
          %get3A_188 = arith.index_cast %scan3A_147 : i32 to index
          %get3A_189 = arith.constant 32 : index
          %get3A_190 = tpu.vector_load %arg19[%get3A_188, %get3A_189] {strides = array<i32>} : memref<64x128xf32, #tpu.memory_space<vmem>>, vector<16xf32>,
          %mul3A_191 = arith.mulf %gather3A_161, %get3A_190 : vector<16xf32>
          %swap3A_192 = arith.index_cast %scan3A_147 : i32 to index
          %swap3A_193 = arith.constant 32 : index
          %swap3A_194 = tpu.vector_load %arg23[%swap3A_192, %swap3A_193] {strides = array<i32>} : memref<128x128xf32, #tpu.memory_space<vmem>>, vector<16xf32>,
          tpu.vector_store %arg23[%swap3A_192, %swap3A_193], %mul3A_191 {strides = array<i32>} : memref<128x128xf32, #tpu.memory_space<vmem>>, vector<16xf32>,
          %get3A_195 = arith.index_cast %scan3A_147 : i32 to index
          %get3A_196 = arith.constant 48 : index
          %get3A_197 = tpu.vector_load %arg19[%get3A_195, %get3A_196] {strides = array<i32>} : memref<64x128xf32, #tpu.memory_space<vmem>>, vector<16xf32>,
          %mul3A_198 = arith.mulf %gather3A_161, %get3A_197 : vector<16xf32>
          %swap3A_199 = arith.index_cast %scan3A_147 : i32 to index
          %swap3A_200 = arith.constant 48 : index
          %swap3A_201 = tpu.vector_load %arg23[%swap3A_199, %swap3A_200] {strides = array<i32>} : memref<128x128xf32, #tpu.memory_space<vmem>>, vector<16xf32>,
          tpu.vector_store %arg23[%swap3A_199, %swap3A_200], %mul3A_198 {strides = array<i32>} : memref<128x128xf32, #tpu.memory_space<vmem>>, vector<16xf32>,
          %get3A_202 = arith.index_cast %scan3A_147 : i32 to index
          %get3A_203 = arith.constant 64 : index
          %get3A_204 = tpu.vector_load %arg19[%get3A_202, %get3A_203] {strides = array<i32>} : memref<64x128xf32, #tpu.memory_space<vmem>>, vector<16xf32>,
          %mul3A_205 = arith.mulf %gather3A_168, %get3A_204 : vector<16xf32>
          %swap3A_206 = arith.index_cast %scan3A_147 : i32 to index
          %swap3A_207 = arith.constant 64 : index
          %swap3A_208 = tpu.vector_load %arg23[%swap3A_206, %swap3A_207] {strides = array<i32>} : memref<128x128xf32, #tpu.memory_space<vmem>>, vector<16xf32>,
          tpu.vector_store %arg23[%swap3A_206, %swap3A_207], %mul3A_205 {strides = array<i32>} : memref<128x128xf32, #tpu.memory_space<vmem>>, vector<16xf32>,
          %get3A_209 = arith.index_cast %scan3A_147 : i32 to index
          %get3A_210 = arith.constant 80 : index
          %get3A_211 = tpu.vector_load %arg19[%get3A_209, %get3A_210] {strides = array<i32>} : memref<64x128xf32, #tpu.memory_space<vmem>>, vector<16xf32>,
          %mul3A_212 = arith.mulf %gather3A_168, %get3A_211 : vector<16xf32>
          %swap3A_213 = arith.index_cast %scan3A_147 : i32 to index
          %swap3A_214 = arith.constant 80 : index
          %swap3A_215 = tpu.vector_load %arg23[%swap3A_213, %swap3A_214] {strides = array<i32>} : memref<128x128xf32, #tpu.memory_space<vmem>>, vector<16xf32>,
          tpu.vector_store %arg23[%swap3A_213, %swap3A_214], %mul3A_212 {strides = array<i32>} : memref<128x128xf32, #tpu.memory_space<vmem>>, vector<16xf32>,
          %get3A_216 = arith.index_cast %scan3A_147 : i32 to index
          %get3A_217 = arith.constant 96 : index
          %get3A_218 = tpu.vector_load %arg19[%get3A_216, %get3A_217] {strides = array<i32>} : memref<64x128xf32, #tpu.memory_space<vmem>>, vector<16xf32>,
          %mul3A_219 = arith.mulf %gather3A_175, %get3A_218 : vector<16xf32>
          %swap3A_220 = arith.index_cast %scan3A_147 : i32 to index
          %swap3A_221 = arith.constant 96 : index
          %swap3A_222 = tpu.vector_load %arg23[%swap3A_220, %swap3A_221] {strides = array<i32>} : memref<128x128xf32, #tpu.memory_space<vmem>>, vector<16xf32>,
          tpu.vector_store %arg23[%swap3A_220, %swap3A_221], %mul3A_219 {strides = array<i32>} : memref<128x128xf32, #tpu.memory_space<vmem>>, vector<16xf32>,
          %get3A_223 = arith.index_cast %scan3A_147 : i32 to index
          %get3A_224 = arith.constant 112 : index
          %get3A_225 = tpu.vector_load %arg19[%get3A_223, %get3A_224] {strides = array<i32>} : memref<64x128xf32, #tpu.memory_space<vmem>>, vector<16xf32>,
          %mul3A_226 = arith.mulf %gather3A_175, %get3A_225 : vector<16xf32>
          %swap3A_227 = arith.index_cast %scan3A_147 : i32 to index
          %swap3A_228 = arith.constant 112 : index
          %swap3A_229 = tpu.vector_load %arg23[%swap3A_227, %swap3A_228] {strides = array<i32>} : memref<128x128xf32, #tpu.memory_space<vmem>>, vector<16xf32>,
          tpu.vector_store %arg23[%swap3A_227, %swap3A_228], %mul3A_226 {strides = array<i32>} : memref<128x128xf32, #tpu.memory_space<vmem>>, vector<16xf32>,
          %mul3A_230 = arith.constant 4 : i32
          %mul3A_231 = arith.muli %scan3A_147, %mul3A_230 : i32
          %and3A = arith.constant 3 : i32
          %and3A_232 = vector.broadcast %and3A : i32 to vector<16xi32>
          %and3A_233 = arith.andi %iota3A, %and3A_232 : vector<16xi32>
          %add3A_234 = vector.broadcast %mul3A_231 : i32 to vector<16xi32>
          %add3A_235 = arith.addi %add3A_234, %and3A_233 : vector<16xi32>
          %gather3A_236 = tpu.vector_load_idx %arg18[%add3A_235] : memref<256xf32, #tpu.memory_space<vmem>>[vector<16xi32>], vector<16xf32>,
          %mul3A_237 = arith.constant 64 : i32
          %mul3A_238 = arith.muli %while3A_107, %mul3A_237 : i32
          %add3A_239 = arith.addi %mul3A_238, %scan3A_147 : i32
          %add3A_240 = vector.broadcast %add3A_239 : i32 to vector<16xi32>
          %add3A_241 = arith.addi %broadcast_in_dim3A_3, %add3A_240 : vector<16xi32>
          %gather3A_242 = tpu.vector_load_idx %arg15[%add3A_241] : memref<1024xi32, #tpu.memory_space<vmem>>[vector<16xi32>], vector<16xi32>,
          %and3A_243 = arith.constant 31 : i32
          %and3A_244 = vector.broadcast %and3A_243 : i32 to vector<16xi32>
          %and3A_245 = arith.andi %gather3A_242, %and3A_244 : vector<16xi32>
          %shift_left3A_246 = arith.constant 2 : i32
          %shift_left3A_247 = vector.broadcast %shift_left3A_246 : i32 to vector<16xi32>
          %shift_left3A_248 = arith.shli %and3A_245, %shift_left3A_247 : vector<16xi32>
          %add3A_249 = arith.addi %shift_left3A_248, %iota3A : vector<16xi32>
          %and3A_250 = arith.constant 127 : i32
          %and3A_251 = vector.broadcast %and3A_250 : i32 to vector<16xi32>
          %and3A_252 = arith.andi %add3A_249, %and3A_251 : vector<16xi32>
          %lt3A_253 = arith.constant 4 : i32
          %lt3A_254 = vector.broadcast %lt3A_253 : i32 to vector<16xi32>
          %lt3A_255 = arith.cmpi slt, %iota3A, %lt3A_254 : vector<16xi32>
          %jit3A = arith.constant 0.000000e+00 : f32
          %broadcast_in_dim3A_256 = vector.broadcast %jit3A : f32 to vector<16xf32>
          %select_n3A = arith.select %lt3A_255, %gather3A_236, %broadcast_in_dim3A_256 : vector<16xi1>, vector<16xf32>
          %add3A_257 = arith.constant 64 : i32
          %add3A_258 = arith.addi %add3A_257, %scan3A_147 : i32
          %add3A_259 = vector.broadcast %add3A_258 : i32 to vector<16xi32>
          %add3A_260 = arith.addi %broadcast_in_dim3A_3, %add3A_259 : vector<16xi32>
          tpu.vector_store_idx %arg23[%add3A_260, %and3A_252], %select_n3A : memref<128x128xf32, #tpu.memory_space<vmem>>[vector<16xi32>, vector<16xi32>], vector<16xf32>,
          %scan3A_261 = arith.constant 0 : i32
          scf.yield %scan3A_261 : i32
        }
        %scan3A_139 = arith.constant 64 : i32
        %dma_start3A_140 = arith.constant 0 : i32
        %dma_start3A_141 = tpu.memref_slice %arg17[%while3A_107, %dma_start3A_140] : memref<16x128xi32, #tpu.memory_space<vmem>> -> memref<1x128xi32, #tpu.memory_space<vmem>>
        %dma_start3A_142 = tpu.memref_squeeze %dma_start3A_141 : memref<1x128xi32, #tpu.memory_space<vmem>> -> memref<128xi32, #tpu.memory_space<vmem>>
        %dma_start3A_143 = arith.constant 0 : i32
        %dma_start3A_144 = arith.constant 0 : i32
        %dma_start3A_145 = tpu.memref_slice %arg9[%dma_start3A_143, %dma_start3A_144] : memref<5376x128xf32, #tpu.memory_space<vmem_shared>> -> memref<5376x128xf32, #tpu.memory_space<vmem_shared>>
        tpu.enqueue_indirect_dma source(%arg23 : memref<128x128xf32, #tpu.memory_space<vmem>>) target(%dma_start3A_145 : memref<5376x128xf32, #tpu.memory_space<vmem_shared>>) offsets(%dma_start3A_142 : memref<128xi32, #tpu.memory_space<vmem>>) semaphore(%arg26 : memref<!tpu.dma_semaphore, #tpu.memory_space<semaphore_mem>>) {add = true}
        %while3A_146 = arith.constant 0 : i32
        scf.yield %while3A_146 : i32
      }
      %gt3A = arith.constant 0 : i32
      %gt3A_102 = arith.cmpi sgt, %shift_right_arithmetic3A_77, %gt3A : i32
      %convert_element_type3A_103 = arith.extui %gt3A_102 : i1 to i32
      %cond3A_104 = arith.constant 0 : i32
      %cond3A_105 = arith.cmpi ne, %convert_element_type3A_103, %cond3A_104 : i32
      scf.if %cond3A_105 {
        %sub3A = arith.constant 1 : i32
        %sub3A_107 = arith.subi %shift_right_arithmetic3A_77, %sub3A : i32
        %dma_wait3A = arith.constant 0 : i32
        %dma_wait3A_108 = tpu.memref_slice %arg17[%sub3A_107, %dma_wait3A] : memref<16x128xi32, #tpu.memory_space<vmem>> -> memref<1x128xi32, #tpu.memory_space<vmem>>
        %dma_wait3A_109 = tpu.memref_squeeze %dma_wait3A_108 : memref<1x128xi32, #tpu.memory_space<vmem>> -> memref<128xi32, #tpu.memory_space<vmem>>
        %dma_wait3A_110 = arith.constant 0 : i32
        %dma_wait3A_111 = arith.constant 0 : i32
        %dma_wait3A_112 = tpu.memref_slice %arg9[%dma_wait3A_110, %dma_wait3A_111] : memref<5376x128xf32, #tpu.memory_space<vmem_shared>> -> memref<5376x128xf32, #tpu.memory_space<vmem_shared>>
        tpu.wait_indirect_dma semaphore(%arg26 : memref<!tpu.dma_semaphore, #tpu.memory_space<semaphore_mem>>) src(%arg23 : memref<128x128xf32, #tpu.memory_space<vmem>>) dst(%dma_wait3A_112 : memref<5376x128xf32, #tpu.memory_space<vmem_shared>>)
        %scan3A_113 = arith.constant 0 : i32
        %scan3A_114 = arith.constant 0 : i32
        %scan3A_115 = arith.constant 64 : i32
        %scan3A_116 = arith.addi %scan3A_114, %scan3A_115 : i32
        %scan3A_117 = arith.constant 1 : i32
        %scan3A_118 = scf.for %scan3A_120 = %scan3A_114 to %scan3A_116 step %scan3A_117 iter_args(%scan3A_121 = %scan3A_113) -> (i32)  : i32 {
          %mul3A_122 = arith.constant 64 : i32
          %mul3A_123 = arith.muli %sub3A_107, %mul3A_122 : i32
          %add3A_124 = arith.addi %mul3A_123, %scan3A_120 : i32
          %add3A_125 = vector.broadcast %add3A_124 : i32 to vector<16xi32>
          %add3A_126 = arith.addi %broadcast_in_dim3A_3, %add3A_125 : vector<16xi32>
          %gather3A = tpu.vector_load_idx %arg15[%add3A_126] : memref<1024xi32, #tpu.memory_space<vmem>>[vector<16xi32>], vector<16xi32>,
          %and3A = arith.constant 31 : i32
          %and3A_127 = vector.broadcast %and3A : i32 to vector<16xi32>
          %and3A_128 = arith.andi %gather3A, %and3A_127 : vector<16xi32>
          %shift_left3A_129 = arith.constant 2 : i32
          %shift_left3A_130 = vector.broadcast %shift_left3A_129 : i32 to vector<16xi32>
          %shift_left3A_131 = arith.shli %and3A_128, %shift_left3A_130 : vector<16xi32>
          %add3A_132 = arith.addi %shift_left3A_131, %iota3A : vector<16xi32>
          %and3A_133 = arith.constant 127 : i32
          %and3A_134 = vector.broadcast %and3A_133 : i32 to vector<16xi32>
          %and3A_135 = arith.andi %add3A_132, %and3A_134 : vector<16xi32>
          %add3A_136 = arith.constant 64 : i32
          %add3A_137 = arith.addi %add3A_136, %scan3A_120 : i32
          %add3A_138 = vector.broadcast %add3A_137 : i32 to vector<16xi32>
          %add3A_139 = arith.addi %broadcast_in_dim3A_3, %add3A_138 : vector<16xi32>
          tpu.vector_store_idx %arg23[%add3A_139, %and3A_135], %broadcast_in_dim3A_1 : memref<128x128xf32, #tpu.memory_space<vmem>>[vector<16xi32>, vector<16xi32>], vector<16xf32>,
          %scan3A_140 = arith.constant 0 : i32
          scf.yield %scan3A_140 : i32
        }
        %scan3A_119 = arith.constant 64 : i32
      } else {
      }
      %scan3A_106 = arith.constant 0 : i32
      scf.yield %scan3A_106 : i32
    }
    %scan3A_39 = arith.constant 50 : i32
    %barrier3A_40 = arith.constant 0 : index
    tpu.barrier barrier_id(%barrier3A_40)
    %lt3A = arith.constant 15 : i32
    %lt3A_41 = arith.cmpi slt, %arg1, %lt3A : i32
    %convert_element_type3A = arith.extui %lt3A_41 : i1 to i32
    %cond3A = arith.constant 0 : i32
    %cond3A_42 = arith.cmpi ne, %convert_element_type3A, %cond3A : i32
    scf.if %cond3A_42 {
      %mul3A_52 = arith.constant 312 : i32
      %mul3A_53 = arith.muli %arg1, %mul3A_52 : i32
      %mul3A_54 = arith.constant 312 : i32
      %mul3A_55 = arith.muli %arg1, %mul3A_54 : i32
      %add3A = arith.addi %mul3A_0, %mul3A_55 : i32
      "tpu.region"() ({
        %run_scoped3A = tpu.sem_alloc : memref<!tpu.dma_semaphore, #tpu.memory_space<semaphore_mem>>
        %dma_start3A = arith.constant 0 : i32
        %dma_start3A_56 = tpu.memref_slice %arg7[%add3A, %dma_start3A] : memref<10000x128xf32, #tpu.memory_space<hbm>> -> memref<312x128xf32, #tpu.memory_space<hbm>>
        %dma_start3A_57 = arith.constant 0 : i32
        %dma_start3A_58 = tpu.memref_slice %arg9[%mul3A_53, %dma_start3A_57] : memref<5376x128xf32, #tpu.memory_space<vmem_shared>> -> memref<312x128xf32, #tpu.memory_space<vmem_shared>>
        tpu.enqueue_dma source(%dma_start3A_58 : memref<312x128xf32, #tpu.memory_space<vmem_shared>>) target(%dma_start3A_56 : memref<312x128xf32, #tpu.memory_space<hbm>>) target_semaphore(%run_scoped3A : memref<!tpu.dma_semaphore, #tpu.memory_space<semaphore_mem>>)
        %dma_wait3A = arith.constant 0 : i32
        %dma_wait3A_59 = tpu.memref_slice %arg7[%add3A, %dma_wait3A] : memref<10000x128xf32, #tpu.memory_space<hbm>> -> memref<312x128xf32, #tpu.memory_space<hbm>>
        %dma_wait3A_60 = arith.constant 0 : i32
        %dma_wait3A_61 = tpu.memref_slice %arg9[%mul3A_53, %dma_wait3A_60] : memref<5376x128xf32, #tpu.memory_space<vmem_shared>> -> memref<312x128xf32, #tpu.memory_space<vmem_shared>>
        tpu.wait_dma2 semaphore(%run_scoped3A : memref<!tpu.dma_semaphore, #tpu.memory_space<semaphore_mem>>) src(%dma_wait3A_61 : memref<312x128xf32, #tpu.memory_space<vmem_shared>>) dst(%dma_wait3A_59 : memref<312x128xf32, #tpu.memory_space<hbm>>)
        tpu.yield
      }) : () -> ()
    } else {
    }
    %eq3A = arith.constant 15 : i32
    %eq3A_43 = arith.cmpi eq, %arg1, %eq3A : i32
    %convert_element_type3A_44 = arith.extui %eq3A_43 : i1 to i32
    %cond3A_45 = arith.constant 0 : i32
    %cond3A_46 = arith.cmpi ne, %convert_element_type3A_44, %cond3A_45 : i32
    scf.if %cond3A_46 {
      %add3A = arith.constant 4680 : i32
      %add3A_52 = arith.addi %mul3A_0, %add3A : i32
      "tpu.region"() ({
        %run_scoped3A = tpu.sem_alloc : memref<!tpu.dma_semaphore, #tpu.memory_space<semaphore_mem>>
        %dma_start3A = arith.constant 0 : i32
        %dma_start3A_53 = tpu.memref_slice %arg7[%add3A_52, %dma_start3A] : memref<10000x128xf32, #tpu.memory_space<hbm>> -> memref<320x128xf32, #tpu.memory_space<hbm>>
        %dma_start3A_54 = arith.constant 4680 : i32
        %dma_start3A_55 = arith.constant 0 : i32
        %dma_start3A_56 = tpu.memref_slice %arg9[%dma_start3A_54, %dma_start3A_55] : memref<5376x128xf32, #tpu.memory_space<vmem_shared>> -> memref<320x128xf32, #tpu.memory_space<vmem_shared>>
        tpu.enqueue_dma source(%dma_start3A_56 : memref<320x128xf32, #tpu.memory_space<vmem_shared>>) target(%dma_start3A_53 : memref<320x128xf32, #tpu.memory_space<hbm>>) target_semaphore(%run_scoped3A : memref<!tpu.dma_semaphore, #tpu.memory_space<semaphore_mem>>)
        %dma_wait3A = arith.constant 0 : i32
        %dma_wait3A_57 = tpu.memref_slice %arg7[%add3A_52, %dma_wait3A] : memref<10000x128xf32, #tpu.memory_space<hbm>> -> memref<320x128xf32, #tpu.memory_space<hbm>>
        %dma_wait3A_58 = arith.constant 4680 : i32
        %dma_wait3A_59 = arith.constant 0 : i32
        %dma_wait3A_60 = tpu.memref_slice %arg9[%dma_wait3A_58, %dma_wait3A_59] : memref<5376x128xf32, #tpu.memory_space<vmem_shared>> -> memref<320x128xf32, #tpu.memory_space<vmem_shared>>
        tpu.wait_dma2 semaphore(%run_scoped3A : memref<!tpu.dma_semaphore, #tpu.memory_space<semaphore_mem>>) src(%dma_wait3A_60 : memref<320x128xf32, #tpu.memory_space<vmem_shared>>) dst(%dma_wait3A_57 : memref<320x128xf32, #tpu.memory_space<hbm>>)
        tpu.yield
      }) : () -> ()
    } else {
    }
    %lt3A_47 = arith.constant 10 : i32
    %lt3A_48 = arith.cmpi slt, %arg1, %lt3A_47 : i32
    %convert_element_type3A_49 = arith.extui %lt3A_48 : i1 to i32
    %cond3A_50 = arith.constant 0 : i32
    %cond3A_51 = arith.cmpi ne, %convert_element_type3A_49, %cond3A_50 : i32
    scf.if %cond3A_51 {
      %mul3A_52 = arith.constant 16 : i32
      %mul3A_53 = arith.muli %arg1, %mul3A_52 : i32
      %add3A = arith.constant 5008 : i32
      %add3A_54 = arith.addi %add3A, %mul3A_53 : i32
      %mul3A_55 = arith.constant 160 : i32
      %mul3A_56 = arith.muli %arg0, %mul3A_55 : i32
      %mul3A_57 = arith.constant 16 : i32
      %mul3A_58 = arith.muli %arg1, %mul3A_57 : i32
      %add3A_59 = arith.addi %mul3A_56, %mul3A_58 : i32
      "tpu.region"() ({
        %run_scoped3A = tpu.sem_alloc : memref<!tpu.dma_semaphore, #tpu.memory_space<semaphore_mem>>
        %dma_start3A = arith.constant 0 : i32
        %dma_start3A_60 = tpu.memref_slice %arg8[%add3A_59, %dma_start3A] : memref<320x128xf32, #tpu.memory_space<hbm>> -> memref<16x128xf32, #tpu.memory_space<hbm>>
        %dma_start3A_61 = arith.constant 0 : i32
        %dma_start3A_62 = tpu.memref_slice %arg9[%add3A_54, %dma_start3A_61] : memref<5376x128xf32, #tpu.memory_space<vmem_shared>> -> memref<16x128xf32, #tpu.memory_space<vmem_shared>>
        tpu.enqueue_dma source(%dma_start3A_62 : memref<16x128xf32, #tpu.memory_space<vmem_shared>>) target(%dma_start3A_60 : memref<16x128xf32, #tpu.memory_space<hbm>>) target_semaphore(%run_scoped3A : memref<!tpu.dma_semaphore, #tpu.memory_space<semaphore_mem>>)
        %dma_wait3A = arith.constant 0 : i32
        %dma_wait3A_63 = tpu.memref_slice %arg8[%add3A_59, %dma_wait3A] : memref<320x128xf32, #tpu.memory_space<hbm>> -> memref<16x128xf32, #tpu.memory_space<hbm>>
        %dma_wait3A_64 = arith.constant 0 : i32
        %dma_wait3A_65 = tpu.memref_slice %arg9[%add3A_54, %dma_wait3A_64] : memref<5376x128xf32, #tpu.memory_space<vmem_shared>> -> memref<16x128xf32, #tpu.memory_space<vmem_shared>>
        tpu.wait_dma2 semaphore(%run_scoped3A : memref<!tpu.dma_semaphore, #tpu.memory_space<semaphore_mem>>) src(%dma_wait3A_65 : memref<16x128xf32, #tpu.memory_space<vmem_shared>>) dst(%dma_wait3A_63 : memref<16x128xf32, #tpu.memory_space<hbm>>)
        tpu.yield
      }) : () -> ()
    } else {
    }
    return
  }
}

#map = affine_map<(d0, d1) -> (0, 0)>
#map1 = affine_map<(d0, d1) -> (0)>
module attributes {stable_mosaic.version = 14 : i64} {
  func.func @_sc_gat(%arg0: i32, %arg1: i32, %arg2: memref<10000x128xf32, #tpu.memory_space<hbm>>, %arg3: memref<336x128xf32, #tpu.memory_space<hbm>>, %arg4: memref<40000xf32, #tpu.memory_space<hbm>>, %arg5: memref<640000xi32, #tpu.memory_space<hbm>>, %arg6: memref<640000xi32, #tpu.memory_space<hbm>>, %arg7: memref<10000x128xf32, #tpu.memory_space<hbm>>, %arg8: memref<320x128xf32, #tpu.memory_space<hbm>>, %arg9: memref<5376x128xf32, #tpu.memory_space<vmem_shared>>, %arg10: memref<336x128xf32, #tpu.memory_space<vmem_shared>>, %arg11: memref<20000xf32, #tpu.memory_space<vmem>>, %arg12: memref<800xi32, #tpu.memory_space<vmem>>, %arg13: memref<800xi32, #tpu.memory_space<vmem>>, %arg14: memref<1024xi32, #tpu.memory_space<vmem>>, %arg15: memref<1024xi32, #tpu.memory_space<vmem>>, %arg16: memref<1024xi32, #tpu.memory_space<vmem>>, %arg17: memref<16x128xi32, #tpu.memory_space<vmem>>, %arg18: memref<256xf32, #tpu.memory_space<vmem>>, %arg19: memref<64x128xf32, #tpu.memory_space<vmem>>, %arg20: memref<64x128xf32, #tpu.memory_space<vmem>>, %arg21: memref<64x128xf32, #tpu.memory_space<vmem>>, %arg22: memref<64x128xf32, #tpu.memory_space<vmem>>, %arg23: memref<128x128xf32, #tpu.memory_space<vmem>>, %arg24: memref<16x128xf32, #tpu.memory_space<vmem>>, %arg25: memref<!tpu.dma_semaphore, #tpu.memory_space<semaphore_mem>>, %arg26: memref<!tpu.dma_semaphore, #tpu.memory_space<semaphore_mem>>, %arg27: memref<!tpu.dma_semaphore, #tpu.memory_space<semaphore_mem>>, %arg28: memref<!tpu.dma_semaphore, #tpu.memory_space<semaphore_mem>>) attributes {dimension_semantics = [#tpu.dimension_semantics<core_parallel>, #tpu.dimension_semantics<subcore_parallel>], iteration_bounds = array<i64: 2, 16>, scalar_prefetch = 0 : i64, scratch_operands = 20 : i64, tpu.core_type = #tpu.core_type<sc_vector_subcore>, window_params = [{transform_indices = #map}, {transform_indices = #map}, {transform_indices = #map1}, {transform_indices = #map1}, {transform_indices = #map1}, {transform_indices = #map}, {transform_indices = #map}]} {
    %mul3A = arith.constant 5000 : i32
    %mul3A_0 = arith.muli %arg0, %mul3A : i32
    %iota3A = tpu.iota {dimensions = array<i32: 0>} : vector<16xi32>
    %broadcast_in_dim3A = arith.constant 0.000000e+00 : f32
    %broadcast_in_dim3A_1 = vector.broadcast %broadcast_in_dim3A : f32 to vector<16xf32>
    %broadcast_in_dim3A_2 = arith.constant 0 : i32
    %broadcast_in_dim3A_3 = vector.broadcast %broadcast_in_dim3A_2 : i32 to vector<16xi32>
    %scan3A = arith.constant 0 : i32
    %scan3A_4 = arith.constant 0 : i32
    %scan3A_5 = arith.constant 16 : i32
    %scan3A_6 = arith.addi %scan3A_4, %scan3A_5 : i32
    %scan3A_7 = arith.constant 1 : i32
    %scan3A_8 = scf.for %scan3A_52 = %scan3A_4 to %scan3A_6 step %scan3A_7 iter_args(%scan3A_53 = %scan3A) -> (i32)  : i32 {
      %scan3A_54 = arith.constant 0 : i32
      %scan3A_55 = arith.constant 0 : i32
      %scan3A_56 = arith.constant 8 : i32
      %scan3A_57 = arith.addi %scan3A_55, %scan3A_56 : i32
      %scan3A_58 = arith.constant 1 : i32
      %scan3A_59 = scf.for %scan3A_61 = %scan3A_55 to %scan3A_57 step %scan3A_58 iter_args(%scan3A_62 = %scan3A_54) -> (i32)  : i32 {
        %mul3A_63 = arith.constant 16 : i32
        %mul3A_64 = arith.muli %scan3A_61, %mul3A_63 : i32
        %swap3A = arith.index_cast %scan3A_52 : i32 to index
        %swap3A_65 = arith.index_cast %mul3A_64 : i32 to index
        %swap3A_66 = tpu.vector_load %arg24[%swap3A, %swap3A_65] {strides = array<i32>} : memref<16x128xf32, #tpu.memory_space<vmem>>, vector<16xf32>,
        tpu.vector_store %arg24[%swap3A, %swap3A_65], %broadcast_in_dim3A_1 {strides = array<i32>} : memref<16x128xf32, #tpu.memory_space<vmem>>, vector<16xf32>,
        %scan3A_67 = arith.constant 0 : i32
        scf.yield %scan3A_67 : i32
      }
      %scan3A_60 = arith.constant 8 : i32
      scf.yield %scan3A_59 : i32
    }
    %scan3A_9 = arith.constant 16 : i32
    %scan3A_10 = arith.constant 0 : i32
    %scan3A_11 = arith.constant 0 : i32
    %scan3A_12 = arith.constant 64 : i32
    %scan3A_13 = arith.addi %scan3A_11, %scan3A_12 : i32
    %scan3A_14 = arith.constant 1 : i32
    %scan3A_15 = scf.for %scan3A_52 = %scan3A_11 to %scan3A_13 step %scan3A_14 iter_args(%scan3A_53 = %scan3A_10) -> (i32)  : i32 {
      %scan3A_54 = arith.constant 0 : i32
      %scan3A_55 = arith.constant 0 : i32
      %scan3A_56 = arith.constant 8 : i32
      %scan3A_57 = arith.addi %scan3A_55, %scan3A_56 : i32
      %scan3A_58 = arith.constant 1 : i32
      %scan3A_59 = scf.for %scan3A_61 = %scan3A_55 to %scan3A_57 step %scan3A_58 iter_args(%scan3A_62 = %scan3A_54) -> (i32)  : i32 {
        %add3A = arith.constant 64 : i32
        %add3A_63 = arith.addi %add3A, %scan3A_52 : i32
        %mul3A_64 = arith.constant 16 : i32
        %mul3A_65 = arith.muli %scan3A_61, %mul3A_64 : i32
        %swap3A = arith.index_cast %add3A_63 : i32 to index
        %swap3A_66 = arith.index_cast %mul3A_65 : i32 to index
        %swap3A_67 = tpu.vector_load %arg23[%swap3A, %swap3A_66] {strides = array<i32>} : memref<128x128xf32, #tpu.memory_space<vmem>>, vector<16xf32>,
        tpu.vector_store %arg23[%swap3A, %swap3A_66], %broadcast_in_dim3A_1 {strides = array<i32>} : memref<128x128xf32, #tpu.memory_space<vmem>>, vector<16xf32>,
        %scan3A_68 = arith.constant 0 : i32
        scf.yield %scan3A_68 : i32
      }
      %scan3A_60 = arith.constant 8 : i32
      scf.yield %scan3A_59 : i32
    }
    %scan3A_16 = arith.constant 64 : i32
    %scan3A_17 = arith.constant 0 : i32
    %scan3A_18 = arith.constant 0 : i32
    %scan3A_19 = arith.constant 21 : i32
    %scan3A_20 = arith.addi %scan3A_18, %scan3A_19 : i32
    %scan3A_21 = arith.constant 1 : i32
    %scan3A_22 = scf.for %scan3A_52 = %scan3A_18 to %scan3A_20 step %scan3A_21 iter_args(%scan3A_53 = %scan3A_17) -> (i32)  : i32 {
      %mul3A_54 = arith.constant 336 : i32
      %mul3A_55 = arith.muli %arg1, %mul3A_54 : i32
      %mul3A_56 = arith.constant 16 : i32
      %mul3A_57 = arith.muli %scan3A_52, %mul3A_56 : i32
      %add3A = arith.addi %mul3A_55, %mul3A_57 : i32
      "tpu.region"() ({
        %run_scoped3A = tpu.sem_alloc : memref<!tpu.dma_semaphore, #tpu.memory_space<semaphore_mem>>
        %dma_start3A = arith.constant 0 : i32
        %dma_start3A_59 = tpu.memref_slice %arg9[%add3A, %dma_start3A] : memref<5376x128xf32, #tpu.memory_space<vmem_shared>> -> memref<16x128xf32, #tpu.memory_space<vmem_shared>>
        %dma_start3A_60 = arith.constant 0 : i32
        %dma_start3A_61 = tpu.memref_slice %arg9[%add3A, %dma_start3A_60] : memref<5376x128xf32, #tpu.memory_space<vmem_shared>> -> memref<16x128xf32, #tpu.memory_space<vmem_shared>>
        tpu.enqueue_dma source(%arg24 : memref<16x128xf32, #tpu.memory_space<vmem>>) target(%dma_start3A_61 : memref<16x128xf32, #tpu.memory_space<vmem_shared>>) target_semaphore(%run_scoped3A : memref<!tpu.dma_semaphore, #tpu.memory_space<semaphore_mem>>)
        %dma_wait3A = arith.constant 0 : i32
        %dma_wait3A_62 = tpu.memref_slice %arg9[%add3A, %dma_wait3A] : memref<5376x128xf32, #tpu.memory_space<vmem_shared>> -> memref<16x128xf32, #tpu.memory_space<vmem_shared>>
        %dma_wait3A_63 = arith.constant 0 : i32
        %dma_wait3A_64 = tpu.memref_slice %arg9[%add3A, %dma_wait3A_63] : memref<5376x128xf32, #tpu.memory_space<vmem_shared>> -> memref<16x128xf32, #tpu.memory_space<vmem_shared>>
        tpu.wait_dma2 semaphore(%run_scoped3A : memref<!tpu.dma_semaphore, #tpu.memory_space<semaphore_mem>>) src(%arg24 : memref<16x128xf32, #tpu.memory_space<vmem>>) dst(%dma_wait3A_64 : memref<16x128xf32, #tpu.memory_space<vmem_shared>>)
        tpu.yield
      }) : () -> ()
      %scan3A_58 = arith.constant 0 : i32
      scf.yield %scan3A_58 : i32
    }
    %scan3A_23 = arith.constant 21 : i32
    %scan3A_24 = arith.constant 0 : i32
    %scan3A_25 = arith.constant 0 : i32
    %scan3A_26 = arith.constant 2 : i32
    %scan3A_27 = arith.addi %scan3A_25, %scan3A_26 : i32
    %scan3A_28 = arith.constant 1 : i32
    %scan3A_29 = scf.for %scan3A_52 = %scan3A_25 to %scan3A_27 step %scan3A_28 iter_args(%scan3A_53 = %scan3A_24) -> (i32)  : i32 {
      %mul3A_54 = arith.constant 16 : i32
      %mul3A_55 = arith.muli %scan3A_52, %mul3A_54 : i32
      %add3A = arith.addi %arg1, %mul3A_55 : i32
      %lt3A_56 = arith.constant 21 : i32
      %lt3A_57 = arith.cmpi slt, %add3A, %lt3A_56 : i32
      %convert_element_type3A_58 = arith.extui %lt3A_57 : i1 to i32
      %cond3A_59 = arith.constant 0 : i32
      %cond3A_60 = arith.cmpi ne, %convert_element_type3A_58, %cond3A_59 : i32
      scf.if %cond3A_60 {
        %mul3A_62 = arith.constant 16 : i32
        %mul3A_63 = arith.muli %add3A, %mul3A_62 : i32
        "tpu.region"() ({
          %run_scoped3A = tpu.sem_alloc : memref<!tpu.dma_semaphore, #tpu.memory_space<semaphore_mem>>
          %dma_start3A = arith.constant 0 : i32
          %dma_start3A_64 = arith.constant 0 : i32
          %dma_start3A_65 = tpu.memref_slice %arg19[%dma_start3A, %dma_start3A_64] : memref<64x128xf32, #tpu.memory_space<vmem>> -> memref<16x128xf32, #tpu.memory_space<vmem>>
          %dma_start3A_66 = arith.constant 0 : i32
          %dma_start3A_67 = tpu.memref_slice %arg3[%mul3A_63, %dma_start3A_66] : memref<336x128xf32, #tpu.memory_space<hbm>> -> memref<16x128xf32, #tpu.memory_space<hbm>>
          %dma_start3A_68 = arith.constant 0 : i32
          %dma_start3A_69 = arith.constant 0 : i32
          %dma_start3A_70 = tpu.memref_slice %arg19[%dma_start3A_68, %dma_start3A_69] : memref<64x128xf32, #tpu.memory_space<vmem>> -> memref<16x128xf32, #tpu.memory_space<vmem>>
          %dma_start3A_71 = arith.constant 0 : i32
          %dma_start3A_72 = tpu.memref_slice %arg3[%mul3A_63, %dma_start3A_71] : memref<336x128xf32, #tpu.memory_space<hbm>> -> memref<16x128xf32, #tpu.memory_space<hbm>>
          tpu.enqueue_dma source(%dma_start3A_72 : memref<16x128xf32, #tpu.memory_space<hbm>>) target(%dma_start3A_70 : memref<16x128xf32, #tpu.memory_space<vmem>>) target_semaphore(%run_scoped3A : memref<!tpu.dma_semaphore, #tpu.memory_space<semaphore_mem>>)
          %dma_wait3A = arith.constant 0 : i32
          %dma_wait3A_73 = arith.constant 0 : i32
          %dma_wait3A_74 = tpu.memref_slice %arg19[%dma_wait3A, %dma_wait3A_73] : memref<64x128xf32, #tpu.memory_space<vmem>> -> memref<16x128xf32, #tpu.memory_space<vmem>>
          %dma_wait3A_75 = arith.constant 0 : i32
          %dma_wait3A_76 = tpu.memref_slice %arg3[%mul3A_63, %dma_wait3A_75] : memref<336x128xf32, #tpu.memory_space<hbm>> -> memref<16x128xf32, #tpu.memory_space<hbm>>
          %dma_wait3A_77 = arith.constant 0 : i32
          %dma_wait3A_78 = arith.constant 0 : i32
          %dma_wait3A_79 = tpu.memref_slice %arg19[%dma_wait3A_77, %dma_wait3A_78] : memref<64x128xf32, #tpu.memory_space<vmem>> -> memref<16x128xf32, #tpu.memory_space<vmem>>
          %dma_wait3A_80 = arith.constant 0 : i32
          %dma_wait3A_81 = tpu.memref_slice %arg3[%mul3A_63, %dma_wait3A_80] : memref<336x128xf32, #tpu.memory_space<hbm>> -> memref<16x128xf32, #tpu.memory_space<hbm>>
          tpu.wait_dma2 semaphore(%run_scoped3A : memref<!tpu.dma_semaphore, #tpu.memory_space<semaphore_mem>>) src(%dma_wait3A_81 : memref<16x128xf32, #tpu.memory_space<hbm>>) dst(%dma_wait3A_79 : memref<16x128xf32, #tpu.memory_space<vmem>>)
          tpu.yield
        }) : () -> ()
        "tpu.region"() ({
          %run_scoped3A = tpu.sem_alloc : memref<!tpu.dma_semaphore, #tpu.memory_space<semaphore_mem>>
          %dma_start3A = arith.constant 0 : i32
          %dma_start3A_64 = arith.constant 0 : i32
          %dma_start3A_65 = tpu.memref_slice %arg19[%dma_start3A, %dma_start3A_64] : memref<64x128xf32, #tpu.memory_space<vmem>> -> memref<16x128xf32, #tpu.memory_space<vmem>>
          %dma_start3A_66 = arith.constant 0 : i32
          %dma_start3A_67 = tpu.memref_slice %arg10[%mul3A_63, %dma_start3A_66] : memref<336x128xf32, #tpu.memory_space<vmem_shared>> -> memref<16x128xf32, #tpu.memory_space<vmem_shared>>
          %dma_start3A_68 = arith.constant 0 : i32
          %dma_start3A_69 = tpu.memref_slice %arg10[%mul3A_63, %dma_start3A_68] : memref<336x128xf32, #tpu.memory_space<vmem_shared>> -> memref<16x128xf32, #tpu.memory_space<vmem_shared>>
          %dma_start3A_70 = arith.constant 0 : i32
          %dma_start3A_71 = arith.constant 0 : i32
          %dma_start3A_72 = tpu.memref_slice %arg19[%dma_start3A_70, %dma_start3A_71] : memref<64x128xf32, #tpu.memory_space<vmem>> -> memref<16x128xf32, #tpu.memory_space<vmem>>
          tpu.enqueue_dma source(%dma_start3A_72 : memref<16x128xf32, #tpu.memory_space<vmem>>) target(%dma_start3A_69 : memref<16x128xf32, #tpu.memory_space<vmem_shared>>) target_semaphore(%run_scoped3A : memref<!tpu.dma_semaphore, #tpu.memory_space<semaphore_mem>>)
          %dma_wait3A = arith.constant 0 : i32
          %dma_wait3A_73 = arith.constant 0 : i32
          %dma_wait3A_74 = tpu.memref_slice %arg19[%dma_wait3A, %dma_wait3A_73] : memref<64x128xf32, #tpu.memory_space<vmem>> -> memref<16x128xf32, #tpu.memory_space<vmem>>
          %dma_wait3A_75 = arith.constant 0 : i32
          %dma_wait3A_76 = tpu.memref_slice %arg10[%mul3A_63, %dma_wait3A_75] : memref<336x128xf32, #tpu.memory_space<vmem_shared>> -> memref<16x128xf32, #tpu.memory_space<vmem_shared>>
          %dma_wait3A_77 = arith.constant 0 : i32
          %dma_wait3A_78 = tpu.memref_slice %arg10[%mul3A_63, %dma_wait3A_77] : memref<336x128xf32, #tpu.memory_space<vmem_shared>> -> memref<16x128xf32, #tpu.memory_space<vmem_shared>>
          %dma_wait3A_79 = arith.constant 0 : i32
          %dma_wait3A_80 = arith.constant 0 : i32
          %dma_wait3A_81 = tpu.memref_slice %arg19[%dma_wait3A_79, %dma_wait3A_80] : memref<64x128xf32, #tpu.memory_space<vmem>> -> memref<16x128xf32, #tpu.memory_space<vmem>>
          tpu.wait_dma2 semaphore(%run_scoped3A : memref<!tpu.dma_semaphore, #tpu.memory_space<semaphore_mem>>) src(%dma_wait3A_81 : memref<16x128xf32, #tpu.memory_space<vmem>>) dst(%dma_wait3A_78 : memref<16x128xf32, #tpu.memory_space<vmem_shared>>)
          tpu.yield
        }) : () -> ()
      } else {
      }
      %scan3A_61 = arith.constant 0 : i32
      scf.yield %scan3A_61 : i32
    }
    %scan3A_30 = arith.constant 2 : i32
    %mul3A_31 = arith.constant 4 : i32
    %mul3A_32 = arith.muli %mul3A_0, %mul3A_31 : i32
    "tpu.region"() ({
      %run_scoped3A = tpu.sem_alloc : memref<!tpu.dma_semaphore, #tpu.memory_space<semaphore_mem>>
      %dma_start3A = tpu.memref_slice %arg4[%mul3A_32] : memref<40000xf32, #tpu.memory_space<hbm>> -> memref<20000xf32, #tpu.memory_space<hbm>>
      %dma_start3A_52 = tpu.memref_slice %arg4[%mul3A_32] : memref<40000xf32, #tpu.memory_space<hbm>> -> memref<20000xf32, #tpu.memory_space<hbm>>
      tpu.enqueue_dma source(%dma_start3A_52 : memref<20000xf32, #tpu.memory_space<hbm>>) target(%arg11 : memref<20000xf32, #tpu.memory_space<vmem>>) target_semaphore(%run_scoped3A : memref<!tpu.dma_semaphore, #tpu.memory_space<semaphore_mem>>)
      %dma_wait3A = tpu.memref_slice %arg4[%mul3A_32] : memref<40000xf32, #tpu.memory_space<hbm>> -> memref<20000xf32, #tpu.memory_space<hbm>>
      %dma_wait3A_53 = tpu.memref_slice %arg4[%mul3A_32] : memref<40000xf32, #tpu.memory_space<hbm>> -> memref<20000xf32, #tpu.memory_space<hbm>>
      tpu.wait_dma2 semaphore(%run_scoped3A : memref<!tpu.dma_semaphore, #tpu.memory_space<semaphore_mem>>) src(%dma_wait3A_53 : memref<20000xf32, #tpu.memory_space<hbm>>) dst(%arg11 : memref<20000xf32, #tpu.memory_space<vmem>>)
      tpu.yield
    }) : () -> ()
    %barrier3A = arith.constant 0 : index
    tpu.barrier barrier_id(%barrier3A)
    %scan3A_33 = arith.constant 0 : i32
    %scan3A_34 = arith.constant 0 : i32
    %scan3A_35 = arith.constant 50 : i32
    %scan3A_36 = arith.addi %scan3A_34, %scan3A_35 : i32
    %scan3A_37 = arith.constant 1 : i32
    %scan3A_38 = scf.for %scan3A_52 = %scan3A_34 to %scan3A_36 step %scan3A_37 iter_args(%scan3A_53 = %scan3A_33) -> (i32)  : i32 {
      %mul3A_54 = arith.constant 40000 : i32
      %mul3A_55 = arith.muli %arg1, %mul3A_54 : i32
      %mul3A_56 = arith.constant 800 : i32
      %mul3A_57 = arith.muli %scan3A_52, %mul3A_56 : i32
      %add3A = arith.addi %mul3A_55, %mul3A_57 : i32
      "tpu.region"() ({
        %run_scoped3A = tpu.sem_alloc : memref<!tpu.dma_semaphore, #tpu.memory_space<semaphore_mem>>
        %dma_start3A = tpu.memref_slice %arg5[%add3A] : memref<640000xi32, #tpu.memory_space<hbm>> -> memref<800xi32, #tpu.memory_space<hbm>>
        %dma_start3A_107 = tpu.memref_slice %arg5[%add3A] : memref<640000xi32, #tpu.memory_space<hbm>> -> memref<800xi32, #tpu.memory_space<hbm>>
        tpu.enqueue_dma source(%dma_start3A_107 : memref<800xi32, #tpu.memory_space<hbm>>) target(%arg12 : memref<800xi32, #tpu.memory_space<vmem>>) target_semaphore(%run_scoped3A : memref<!tpu.dma_semaphore, #tpu.memory_space<semaphore_mem>>)
        %dma_wait3A = tpu.memref_slice %arg5[%add3A] : memref<640000xi32, #tpu.memory_space<hbm>> -> memref<800xi32, #tpu.memory_space<hbm>>
        %dma_wait3A_108 = tpu.memref_slice %arg5[%add3A] : memref<640000xi32, #tpu.memory_space<hbm>> -> memref<800xi32, #tpu.memory_space<hbm>>
        tpu.wait_dma2 semaphore(%run_scoped3A : memref<!tpu.dma_semaphore, #tpu.memory_space<semaphore_mem>>) src(%dma_wait3A_108 : memref<800xi32, #tpu.memory_space<hbm>>) dst(%arg12 : memref<800xi32, #tpu.memory_space<vmem>>)
        tpu.yield
      }) : () -> ()
      "tpu.region"() ({
        %run_scoped3A = tpu.sem_alloc : memref<!tpu.dma_semaphore, #tpu.memory_space<semaphore_mem>>
        %dma_start3A = tpu.memref_slice %arg6[%add3A] : memref<640000xi32, #tpu.memory_space<hbm>> -> memref<800xi32, #tpu.memory_space<hbm>>
        %dma_start3A_107 = tpu.memref_slice %arg6[%add3A] : memref<640000xi32, #tpu.memory_space<hbm>> -> memref<800xi32, #tpu.memory_space<hbm>>
        tpu.enqueue_dma source(%dma_start3A_107 : memref<800xi32, #tpu.memory_space<hbm>>) target(%arg13 : memref<800xi32, #tpu.memory_space<vmem>>) target_semaphore(%run_scoped3A : memref<!tpu.dma_semaphore, #tpu.memory_space<semaphore_mem>>)
        %dma_wait3A = tpu.memref_slice %arg6[%add3A] : memref<640000xi32, #tpu.memory_space<hbm>> -> memref<800xi32, #tpu.memory_space<hbm>>
        %dma_wait3A_108 = tpu.memref_slice %arg6[%add3A] : memref<640000xi32, #tpu.memory_space<hbm>> -> memref<800xi32, #tpu.memory_space<hbm>>
        tpu.wait_dma2 semaphore(%run_scoped3A : memref<!tpu.dma_semaphore, #tpu.memory_space<semaphore_mem>>) src(%dma_wait3A_108 : memref<800xi32, #tpu.memory_space<hbm>>) dst(%arg13 : memref<800xi32, #tpu.memory_space<vmem>>)
        tpu.yield
      }) : () -> ()
      %add3A_58 = arith.constant 5000 : i32
      %add3A_59 = vector.broadcast %add3A_58 : i32 to vector<16xi32>
      %add3A_60 = arith.addi %broadcast_in_dim3A_3, %add3A_59 : vector<16xi32>
      %scan3A_61 = arith.constant 0 : i32
      %scan3A_62 = arith.constant 0 : i32
      %scan3A_63 = arith.constant 64 : i32
      %scan3A_64 = arith.addi %scan3A_62, %scan3A_63 : i32
      %scan3A_65 = arith.constant 1 : i32
      %scan3A_66 = scf.for %scan3A_107 = %scan3A_62 to %scan3A_64 step %scan3A_65 iter_args(%scan3A_108 = %scan3A_61) -> (i32)  : i32 {
        %mul3A_109 = arith.constant 16 : i32
        %mul3A_110 = arith.muli %scan3A_107, %mul3A_109 : i32
        %swap3A = arith.index_cast %mul3A_110 : i32 to index
        %swap3A_111 = tpu.vector_load %arg14[%swap3A] {strides = array<i32>} : memref<1024xi32, #tpu.memory_space<vmem>>, vector<16xi32>,
        tpu.vector_store %arg14[%swap3A], %broadcast_in_dim3A_3 {strides = array<i32>} : memref<1024xi32, #tpu.memory_space<vmem>>, vector<16xi32>,
        %mul3A_112 = arith.constant 16 : i32
        %mul3A_113 = arith.muli %scan3A_107, %mul3A_112 : i32
        %swap3A_114 = arith.index_cast %mul3A_113 : i32 to index
        %swap3A_115 = tpu.vector_load %arg15[%swap3A_114] {strides = array<i32>} : memref<1024xi32, #tpu.memory_space<vmem>>, vector<16xi32>,
        tpu.vector_store %arg15[%swap3A_114], %add3A_60 {strides = array<i32>} : memref<1024xi32, #tpu.memory_space<vmem>>, vector<16xi32>,
        %mul3A_116 = arith.constant 16 : i32
        %mul3A_117 = arith.muli %scan3A_107, %mul3A_116 : i32
        %swap3A_118 = arith.index_cast %mul3A_117 : i32 to index
        %swap3A_119 = tpu.vector_load %arg16[%swap3A_118] {strides = array<i32>} : memref<1024xi32, #tpu.memory_space<vmem>>, vector<16xi32>,
        tpu.vector_store %arg16[%swap3A_118], %broadcast_in_dim3A_3 {strides = array<i32>} : memref<1024xi32, #tpu.memory_space<vmem>>, vector<16xi32>,
        %scan3A_120 = arith.constant 0 : i32
        scf.yield %scan3A_120 : i32
      }
      %scan3A_67 = arith.constant 64 : i32
      %scan3A_68 = arith.constant 0 : i32
      %scan3A_69 = arith.constant 0 : i32
      %scan3A_70 = arith.constant 50 : i32
      %scan3A_71 = arith.addi %scan3A_69, %scan3A_70 : i32
      %scan3A_72 = arith.constant 1 : i32
      %scan3A_73 = scf.for %scan3A_107 = %scan3A_69 to %scan3A_71 step %scan3A_72 iter_args(%scan3A_108 = %scan3A_68) -> (i32)  : i32 {
        %mul3A_109 = arith.constant 16 : i32
        %mul3A_110 = arith.muli %scan3A_107, %mul3A_109 : i32
        %get3A = arith.index_cast %mul3A_110 : i32 to index
        %get3A_111 = tpu.vector_load %arg12[%get3A] {strides = array<i32>} : memref<800xi32, #tpu.memory_space<vmem>>, vector<16xi32>,
        %mul3A_112 = arith.constant 16 : i32
        %mul3A_113 = arith.muli %scan3A_107, %mul3A_112 : i32
        %get3A_114 = arith.index_cast %mul3A_113 : i32 to index
        %get3A_115 = tpu.vector_load %arg13[%get3A_114] {strides = array<i32>} : memref<800xi32, #tpu.memory_space<vmem>>, vector<16xi32>,
        %sub3A = vector.broadcast %mul3A_0 : i32 to vector<16xi32>
        %sub3A_116 = arith.subi %get3A_115, %sub3A : vector<16xi32>
        %ge3A = arith.constant 0 : i32
        %ge3A_117 = vector.broadcast %ge3A : i32 to vector<16xi32>
        %ge3A_118 = arith.cmpi sge, %sub3A_116, %ge3A_117 : vector<16xi32>
        %lt3A_119 = arith.constant 5000 : i32
        %lt3A_120 = vector.broadcast %lt3A_119 : i32 to vector<16xi32>
        %lt3A_121 = arith.cmpi slt, %sub3A_116, %lt3A_120 : vector<16xi32>
        %and3A = arith.andi %ge3A_118, %lt3A_121 : vector<16xi1>
        %convert_element_type3A_122 = arith.extui %and3A : vector<16xi1> to vector<16xi32>
        %broadcast_in_dim3A_123 = arith.constant true
        %broadcast_in_dim3A_124 = vector.broadcast %broadcast_in_dim3A_123 : i1 to vector<16xi1>
        %masked_cumsum3A = tpu.scan <sum>, %convert_element_type3A_122 masked %broadcast_in_dim3A_124 : vector<16xi32>, vector<16xi1> -> vector<16xi32>
        %add3A_125 = vector.broadcast %scan3A_108 : i32 to vector<16xi32>
        %add3A_126 = arith.addi %add3A_125, %masked_cumsum3A : vector<16xi32>
        %sub3A_127 = arith.constant 1 : i32
        %sub3A_128 = vector.broadcast %sub3A_127 : i32 to vector<16xi32>
        %sub3A_129 = arith.subi %add3A_126, %sub3A_128 : vector<16xi32>
        %add3A_130 = arith.constant 1008 : i32
        %add3A_131 = vector.broadcast %add3A_130 : i32 to vector<16xi32>
        %add3A_132 = arith.addi %add3A_131, %iota3A : vector<16xi32>
        %select_n3A = arith.select %and3A, %sub3A_129, %add3A_132 : vector<16xi1>, vector<16xi32>
        tpu.vector_store_idx %arg14[%select_n3A], %get3A_111 : memref<1024xi32, #tpu.memory_space<vmem>>[vector<16xi32>], vector<16xi32>,
        tpu.vector_store_idx %arg15[%select_n3A], %sub3A_116 : memref<1024xi32, #tpu.memory_space<vmem>>[vector<16xi32>], vector<16xi32>,
        %shift_right_arithmetic3A_133 = arith.constant 5 : i32
        %shift_right_arithmetic3A_134 = vector.broadcast %shift_right_arithmetic3A_133 : i32 to vector<16xi32>
        %shift_right_arithmetic3A_135 = arith.shrsi %get3A_111, %shift_right_arithmetic3A_134 : vector<16xi32>
        tpu.vector_store_idx %arg16[%select_n3A], %shift_right_arithmetic3A_135 : memref<1024xi32, #tpu.memory_space<vmem>>[vector<16xi32>], vector<16xi32>,
        %reduce_sum3A = arith.constant true
        %reduce_sum3A_136 = vector.broadcast %reduce_sum3A : i1 to vector<16xi1>
        %reduce_sum3A_137 = tpu.scan <sum>, %convert_element_type3A_122 masked %reduce_sum3A_136 : vector<16xi32>, vector<16xi1> -> vector<16xi32>
        %reduce_sum3A_138 = vector.extract %reduce_sum3A_137[15] : i32 from vector<16xi32>
        %add3A_139 = arith.addi %scan3A_108, %reduce_sum3A_138 : i32
        scf.yield %add3A_139 : i32
      }
      %scan3A_74 = arith.constant 50 : i32
      %add3A_75 = arith.constant 63 : i32
      %add3A_76 = arith.addi %scan3A_73, %add3A_75 : i32
      %shift_right_arithmetic3A = arith.constant 6 : i32
      %shift_right_arithmetic3A_77 = arith.shrsi %add3A_76, %shift_right_arithmetic3A : i32
      %shift_left3A = arith.constant 2 : i32
      %shift_left3A_78 = arith.shli %shift_right_arithmetic3A_77, %shift_left3A : i32
      %while3A = arith.constant 0 : i32
      %while3A_79 = arith.constant 0 : i32
      %while3A_80 = arith.subi %shift_left3A_78, %while3A : i32
      %while3A_81 = arith.addi %while3A, %while3A_80 : i32
      %while3A_82 = arith.constant 1 : i32
      %while3A_83 = arith.divsi %while3A_80, %while3A_82 : i32
      %while3A_84 = arith.muli %while3A_83, %while3A_82 : i32
      %while3A_85 = arith.addi %while3A, %while3A_84 : i32
      %while3A_86 = arith.constant 1 : i32
      %while3A_87 = scf.for %while3A_107 = %while3A to %while3A_85 step %while3A_86 iter_args(%while3A_108 = %while3A_79) -> (i32)  : i32 {
        %mul3A_109 = arith.constant 16 : i32
        %mul3A_110 = arith.muli %while3A_107, %mul3A_109 : i32
        %get3A = arith.index_cast %mul3A_110 : i32 to index
        %get3A_111 = tpu.vector_load %arg15[%get3A] {strides = array<i32>} : memref<1024xi32, #tpu.memory_space<vmem>>, vector<16xi32>,
        %shift_right_arithmetic3A_112 = arith.constant 2 : i32
        %shift_right_arithmetic3A_113 = arith.shrsi %while3A_107, %shift_right_arithmetic3A_112 : i32
        %and3A = arith.constant 3 : i32
        %and3A_114 = arith.andi %while3A_107, %and3A : i32
        %mul3A_115 = arith.constant 16 : i32
        %mul3A_116 = arith.muli %and3A_114, %mul3A_115 : i32
        %swap3A = arith.index_cast %shift_right_arithmetic3A_113 : i32 to index
        %swap3A_117 = arith.index_cast %mul3A_116 : i32 to index
        %swap3A_118 = tpu.vector_load %arg17[%swap3A, %swap3A_117] {strides = array<i32>} : memref<16x128xi32, #tpu.memory_space<vmem>>, vector<16xi32>,
        tpu.vector_store %arg17[%swap3A, %swap3A_117], %get3A_111 {strides = array<i32>} : memref<16x128xi32, #tpu.memory_space<vmem>>, vector<16xi32>,
        %shift_right_arithmetic3A_119 = arith.constant 5 : i32
        %shift_right_arithmetic3A_120 = vector.broadcast %shift_right_arithmetic3A_119 : i32 to vector<16xi32>
        %shift_right_arithmetic3A_121 = arith.shrsi %get3A_111, %shift_right_arithmetic3A_120 : vector<16xi32>
        %add3A_122 = arith.constant 5008 : i32
        %add3A_123 = vector.broadcast %add3A_122 : i32 to vector<16xi32>
        %add3A_124 = arith.addi %add3A_123, %shift_right_arithmetic3A_121 : vector<16xi32>
        %shift_right_arithmetic3A_125 = arith.constant 2 : i32
        %shift_right_arithmetic3A_126 = arith.shrsi %while3A_107, %shift_right_arithmetic3A_125 : i32
        %and3A_127 = arith.constant 3 : i32
        %and3A_128 = arith.andi %while3A_107, %and3A_127 : i32
        %mul3A_129 = arith.constant 16 : i32
        %mul3A_130 = arith.muli %and3A_128, %mul3A_129 : i32
        %add3A_131 = arith.constant 64 : i32
        %add3A_132 = arith.addi %add3A_131, %mul3A_130 : i32
        %swap3A_133 = arith.index_cast %shift_right_arithmetic3A_126 : i32 to index
        %swap3A_134 = arith.index_cast %add3A_132 : i32 to index
        %swap3A_135 = tpu.vector_load %arg17[%swap3A_133, %swap3A_134] {strides = array<i32>} : memref<16x128xi32, #tpu.memory_space<vmem>>, vector<16xi32>,
        tpu.vector_store %arg17[%swap3A_133, %swap3A_134], %add3A_124 {strides = array<i32>} : memref<16x128xi32, #tpu.memory_space<vmem>>, vector<16xi32>,
        %while3A_136 = arith.constant 0 : i32
        scf.yield %while3A_136 : i32
      }
      %while3A_88 = arith.constant 1 : i32
      %while3A_89 = scf.for %while3A_107 = %while3A_85 to %while3A_81 step %while3A_88 iter_args(%while3A_108 = %while3A_87) -> (i32)  : i32 {
        %mul3A_109 = arith.constant 16 : i32
        %mul3A_110 = arith.muli %while3A_107, %mul3A_109 : i32
        %get3A = arith.index_cast %mul3A_110 : i32 to index
        %get3A_111 = tpu.vector_load %arg15[%get3A] {strides = array<i32>} : memref<1024xi32, #tpu.memory_space<vmem>>, vector<16xi32>,
        %shift_right_arithmetic3A_112 = arith.constant 2 : i32
        %shift_right_arithmetic3A_113 = arith.shrsi %while3A_107, %shift_right_arithmetic3A_112 : i32
        %and3A = arith.constant 3 : i32
        %and3A_114 = arith.andi %while3A_107, %and3A : i32
        %mul3A_115 = arith.constant 16 : i32
        %mul3A_116 = arith.muli %and3A_114, %mul3A_115 : i32
        %swap3A = arith.index_cast %shift_right_arithmetic3A_113 : i32 to index
        %swap3A_117 = arith.index_cast %mul3A_116 : i32 to index
        %swap3A_118 = tpu.vector_load %arg17[%swap3A, %swap3A_117] {strides = array<i32>} : memref<16x128xi32, #tpu.memory_space<vmem>>, vector<16xi32>,
        tpu.vector_store %arg17[%swap3A, %swap3A_117], %get3A_111 {strides = array<i32>} : memref<16x128xi32, #tpu.memory_space<vmem>>, vector<16xi32>,
        %shift_right_arithmetic3A_119 = arith.constant 5 : i32
        %shift_right_arithmetic3A_120 = vector.broadcast %shift_right_arithmetic3A_119 : i32 to vector<16xi32>
        %shift_right_arithmetic3A_121 = arith.shrsi %get3A_111, %shift_right_arithmetic3A_120 : vector<16xi32>
        %add3A_122 = arith.constant 5008 : i32
        %add3A_123 = vector.broadcast %add3A_122 : i32 to vector<16xi32>
        %add3A_124 = arith.addi %add3A_123, %shift_right_arithmetic3A_121 : vector<16xi32>
        %shift_right_arithmetic3A_125 = arith.constant 2 : i32
        %shift_right_arithmetic3A_126 = arith.shrsi %while3A_107, %shift_right_arithmetic3A_125 : i32
        %and3A_127 = arith.constant 3 : i32
        %and3A_128 = arith.andi %while3A_107, %and3A_127 : i32
        %mul3A_129 = arith.constant 16 : i32
        %mul3A_130 = arith.muli %and3A_128, %mul3A_129 : i32
        %add3A_131 = arith.constant 64 : i32
        %add3A_132 = arith.addi %add3A_131, %mul3A_130 : i32
        %swap3A_133 = arith.index_cast %shift_right_arithmetic3A_126 : i32 to index
        %swap3A_134 = arith.index_cast %add3A_132 : i32 to index
        %swap3A_135 = tpu.vector_load %arg17[%swap3A_133, %swap3A_134] {strides = array<i32>} : memref<16x128xi32, #tpu.memory_space<vmem>>, vector<16xi32>,
        tpu.vector_store %arg17[%swap3A_133, %swap3A_134], %add3A_124 {strides = array<i32>} : memref<16x128xi32, #tpu.memory_space<vmem>>, vector<16xi32>,
        %while3A_136 = arith.constant 0 : i32
        scf.yield %while3A_136 : i32
      }
      %while3A_90 = arith.constant 0 : i32
      %while3A_91 = arith.constant 0 : i32
      %while3A_92 = arith.subi %shift_right_arithmetic3A_77, %while3A_90 : i32
      %while3A_93 = arith.addi %while3A_90, %while3A_92 : i32
      %while3A_94 = arith.constant 1 : i32
      %while3A_95 = arith.divsi %while3A_92, %while3A_94 : i32
      %while3A_96 = arith.muli %while3A_95, %while3A_94 : i32
      %while3A_97 = arith.addi %while3A_90, %while3A_96 : i32
      %while3A_98 = arith.constant 1 : i32
      %while3A_99 = scf.for %while3A_107 = %while3A_90 to %while3A_97 step %while3A_98 iter_args(%while3A_108 = %while3A_91) -> (i32)  : i32 {
        %mul3A_109 = arith.constant 64 : i32
        %mul3A_110 = arith.muli %while3A_107, %mul3A_109 : i32
        %dma_start3A = tpu.memref_slice %arg14[%mul3A_110] : memref<1024xi32, #tpu.memory_space<vmem>> -> memref<64xi32, #tpu.memory_space<vmem>>
        %dma_start3A_111 = arith.constant 0 : i32
        %dma_start3A_112 = arith.constant 0 : i32
        %dma_start3A_113 = tpu.memref_slice %arg2[%dma_start3A_111, %dma_start3A_112] : memref<10000x128xf32, #tpu.memory_space<hbm>> -> memref<10000x128xf32, #tpu.memory_space<hbm>>
        tpu.enqueue_indirect_dma source(%dma_start3A_113 : memref<10000x128xf32, #tpu.memory_space<hbm>>) target(%arg19 : memref<64x128xf32, #tpu.memory_space<vmem>>) offsets(%dma_start3A : memref<64xi32, #tpu.memory_space<vmem>>) semaphore(%arg25 : memref<!tpu.dma_semaphore, #tpu.memory_space<semaphore_mem>>)
        %mul3A_114 = arith.constant 64 : i32
        %mul3A_115 = arith.muli %while3A_107, %mul3A_114 : i32
        "tpu.region"() ({
          %run_scoped3A = tpu.sem_alloc : memref<!tpu.dma_semaphore, #tpu.memory_space<semaphore_mem>>
          %dma_start3A_147 = tpu.memref_slice %arg16[%mul3A_115] : memref<1024xi32, #tpu.memory_space<vmem>> -> memref<64xi32, #tpu.memory_space<vmem>>
          %dma_start3A_148 = arith.constant 0 : i32
          %dma_start3A_149 = arith.constant 0 : i32
          %dma_start3A_150 = tpu.memref_slice %arg10[%dma_start3A_148, %dma_start3A_149] : memref<336x128xf32, #tpu.memory_space<vmem_shared>> -> memref<336x128xf32, #tpu.memory_space<vmem_shared>>
          tpu.enqueue_indirect_dma source(%dma_start3A_150 : memref<336x128xf32, #tpu.memory_space<vmem_shared>>) target(%arg21 : memref<64x128xf32, #tpu.memory_space<vmem>>) offsets(%dma_start3A_147 : memref<64xi32, #tpu.memory_space<vmem>>) semaphore(%run_scoped3A : memref<!tpu.dma_semaphore, #tpu.memory_space<semaphore_mem>>)
          %dma_wait3A_151 = tpu.memref_slice %arg16[%mul3A_115] : memref<1024xi32, #tpu.memory_space<vmem>> -> memref<64xi32, #tpu.memory_space<vmem>>
          %dma_wait3A_152 = arith.constant 0 : i32
          %dma_wait3A_153 = arith.constant 0 : i32
          %dma_wait3A_154 = tpu.memref_slice %arg10[%dma_wait3A_152, %dma_wait3A_153] : memref<336x128xf32, #tpu.memory_space<vmem_shared>> -> memref<336x128xf32, #tpu.memory_space<vmem_shared>>
          tpu.wait_indirect_dma semaphore(%run_scoped3A : memref<!tpu.dma_semaphore, #tpu.memory_space<semaphore_mem>>) src(%dma_wait3A_154 : memref<336x128xf32, #tpu.memory_space<vmem_shared>>) dst(%arg21 : memref<64x128xf32, #tpu.memory_space<vmem>>)
          tpu.yield
        }) : () -> ()
        %scan3A_116 = arith.constant 0 : i32
        %scan3A_117 = arith.constant 0 : i32
        %scan3A_118 = arith.constant 16 : i32
        %scan3A_119 = arith.addi %scan3A_117, %scan3A_118 : i32
        %scan3A_120 = arith.constant 1 : i32
        %scan3A_121 = scf.for %scan3A_147 = %scan3A_117 to %scan3A_119 step %scan3A_120 iter_args(%scan3A_148 = %scan3A_116) -> (i32)  : i32 {
          %mul3A_149 = arith.constant 64 : i32
          %mul3A_150 = arith.muli %while3A_107, %mul3A_149 : i32
          %mul3A_151 = arith.constant 4 : i32
          %mul3A_152 = arith.muli %scan3A_147, %mul3A_151 : i32
          %add3A_153 = arith.addi %mul3A_150, %mul3A_152 : i32
          %shift_right_arithmetic3A_154 = arith.constant 2 : i32
          %shift_right_arithmetic3A_155 = vector.broadcast %shift_right_arithmetic3A_154 : i32 to vector<16xi32>
          %shift_right_arithmetic3A_156 = arith.shrsi %iota3A, %shift_right_arithmetic3A_155 : vector<16xi32>
          %add3A_157 = vector.broadcast %add3A_153 : i32 to vector<16xi32>
          %add3A_158 = arith.addi %add3A_157, %shift_right_arithmetic3A_156 : vector<16xi32>
          %mul3A_159 = arith.constant 4 : i32
          %mul3A_160 = arith.muli %scan3A_147, %mul3A_159 : i32
          %shift_right_arithmetic3A_161 = arith.constant 2 : i32
          %shift_right_arithmetic3A_162 = vector.broadcast %shift_right_arithmetic3A_161 : i32 to vector<16xi32>
          %shift_right_arithmetic3A_163 = arith.shrsi %iota3A, %shift_right_arithmetic3A_162 : vector<16xi32>
          %add3A_164 = vector.broadcast %mul3A_160 : i32 to vector<16xi32>
          %add3A_165 = arith.addi %add3A_164, %shift_right_arithmetic3A_163 : vector<16xi32>
          %and3A = arith.constant 3 : i32
          %and3A_166 = vector.broadcast %and3A : i32 to vector<16xi32>
          %and3A_167 = arith.andi %iota3A, %and3A_166 : vector<16xi32>
          %gather3A = tpu.vector_load_idx %arg14[%add3A_158] : memref<1024xi32, #tpu.memory_space<vmem>>[vector<16xi32>], vector<16xi32>,
          %gather3A_168 = tpu.vector_load_idx %arg15[%add3A_158] : memref<1024xi32, #tpu.memory_space<vmem>>[vector<16xi32>], vector<16xi32>,
          %and3A_169 = arith.constant 31 : i32
          %and3A_170 = vector.broadcast %and3A_169 : i32 to vector<16xi32>
          %and3A_171 = arith.andi %gather3A, %and3A_170 : vector<16xi32>
          %shift_left3A_172 = arith.constant 2 : i32
          %shift_left3A_173 = vector.broadcast %shift_left3A_172 : i32 to vector<16xi32>
          %shift_left3A_174 = arith.shli %and3A_171, %shift_left3A_173 : vector<16xi32>
          %add3A_175 = arith.addi %shift_left3A_174, %and3A_167 : vector<16xi32>
          %gather3A_176 = tpu.vector_load_idx %arg21[%add3A_165, %add3A_175] : memref<64x128xf32, #tpu.memory_space<vmem>>[vector<16xi32>, vector<16xi32>], vector<16xf32>,
          %min3A = arith.constant 4999 : i32
          %min3A_177 = vector.broadcast %min3A : i32 to vector<16xi32>
          %min3A_178 = arith.minsi %gather3A_168, %min3A_177 : vector<16xi32>
          %shift_left3A_179 = arith.constant 2 : i32
          %shift_left3A_180 = vector.broadcast %shift_left3A_179 : i32 to vector<16xi32>
          %shift_left3A_181 = arith.shli %min3A_178, %shift_left3A_180 : vector<16xi32>
          %add3A_182 = arith.addi %shift_left3A_181, %and3A_167 : vector<16xi32>
          %gather3A_183 = tpu.vector_load_idx %arg11[%add3A_182] : memref<20000xf32, #tpu.memory_space<vmem>>[vector<16xi32>], vector<16xf32>,
          %add3A_184 = arith.addf %gather3A_176, %gather3A_183 : vector<16xf32>
          %gt3A_185 = arith.constant 0.000000e+00 : f32
          %gt3A_186 = vector.broadcast %gt3A_185 : f32 to vector<16xf32>
          %gt3A_187 = arith.cmpf ogt, %add3A_184, %gt3A_186 : vector<16xf32>
          %mul3A_188 = arith.constant 2.000000e-01 : f32
          %mul3A_189 = vector.broadcast %mul3A_188 : f32 to vector<16xf32>
          %mul3A_190 = arith.mulf %mul3A_189, %add3A_184 : vector<16xf32>
          %select_n3A = arith.select %gt3A_187, %add3A_184, %mul3A_190 : vector<16xi1>, vector<16xf32>
          %max3A = arith.constant -1.000000e+01 : f32
          %max3A_191 = vector.broadcast %max3A : f32 to vector<16xf32>
          %max3A_192 = arith.maximumf %select_n3A, %max3A_191 : vector<16xf32>
          %mul3A_193 = arith.constant 1.44269502 : f32
          %mul3A_194 = vector.broadcast %mul3A_193 : f32 to vector<16xf32>
          %mul3A_195 = arith.mulf %max3A_192, %mul3A_194 : vector<16xf32>
          %add3A_196 = arith.constant 1.650000e+01 : f32
          %add3A_197 = vector.broadcast %add3A_196 : f32 to vector<16xf32>
          %add3A_198 = arith.addf %mul3A_195, %add3A_197 : vector<16xf32>
          %convert_element_type3A_199 = arith.fptosi %add3A_198 : vector<16xf32> to vector<16xi32>
          %sub3A = arith.constant 16 : i32
          %sub3A_200 = vector.broadcast %sub3A : i32 to vector<16xi32>
          %sub3A_201 = arith.subi %convert_element_type3A_199, %sub3A_200 : vector<16xi32>
          %convert_element_type3A_202 = arith.sitofp %sub3A_201 : vector<16xi32> to vector<16xf32>
          %mul3A_203 = arith.constant 0.693147182 : f32
          %mul3A_204 = vector.broadcast %mul3A_203 : f32 to vector<16xf32>
          %mul3A_205 = arith.mulf %convert_element_type3A_202, %mul3A_204 : vector<16xf32>
          %sub3A_206 = arith.subf %max3A_192, %mul3A_205 : vector<16xf32>
          %mul3A_207 = arith.constant 0.00833333377 : f32
          %mul3A_208 = vector.broadcast %mul3A_207 : f32 to vector<16xf32>
          %mul3A_209 = arith.mulf %sub3A_206, %mul3A_208 : vector<16xf32>
          %add3A_210 = arith.constant 0.0416666679 : f32
          %add3A_211 = vector.broadcast %add3A_210 : f32 to vector<16xf32>
          %add3A_212 = arith.addf %add3A_211, %mul3A_209 : vector<16xf32>
          %mul3A_213 = arith.mulf %sub3A_206, %add3A_212 : vector<16xf32>
          %add3A_214 = arith.constant 0.166666672 : f32
          %add3A_215 = vector.broadcast %add3A_214 : f32 to vector<16xf32>
          %add3A_216 = arith.addf %add3A_215, %mul3A_213 : vector<16xf32>
          %mul3A_217 = arith.mulf %sub3A_206, %add3A_216 : vector<16xf32>
          %add3A_218 = arith.constant 5.000000e-01 : f32
          %add3A_219 = vector.broadcast %add3A_218 : f32 to vector<16xf32>
          %add3A_220 = arith.addf %add3A_219, %mul3A_217 : vector<16xf32>
          %mul3A_221 = arith.mulf %sub3A_206, %add3A_220 : vector<16xf32>
          %add3A_222 = arith.constant 1.000000e+00 : f32
          %add3A_223 = vector.broadcast %add3A_222 : f32 to vector<16xf32>
          %add3A_224 = arith.addf %add3A_223, %mul3A_221 : vector<16xf32>
          %mul3A_225 = arith.mulf %sub3A_206, %add3A_224 : vector<16xf32>
          %add3A_226 = arith.constant 1.000000e+00 : f32
          %add3A_227 = vector.broadcast %add3A_226 : f32 to vector<16xf32>
          %add3A_228 = arith.addf %add3A_227, %mul3A_225 : vector<16xf32>
          %add3A_229 = arith.constant 127 : i32
          %add3A_230 = vector.broadcast %add3A_229 : i32 to vector<16xi32>
          %add3A_231 = arith.addi %sub3A_201, %add3A_230 : vector<16xi32>
          %shift_left3A_232 = arith.constant 23 : i32
          %shift_left3A_233 = vector.broadcast %shift_left3A_232 : i32 to vector<16xi32>
          %shift_left3A_234 = arith.shli %add3A_231, %shift_left3A_233 : vector<16xi32>
          %bitcast3A = vector.bitcast %shift_left3A_234 : vector<16xi32> to vector<16xf32>
          %mul3A_235 = arith.mulf %add3A_228, %bitcast3A : vector<16xf32>
          %mul3A_236 = arith.constant 16 : i32
          %mul3A_237 = arith.muli %scan3A_147, %mul3A_236 : i32
          %swap3A = arith.index_cast %mul3A_237 : i32 to index
          %swap3A_238 = tpu.vector_load %arg18[%swap3A] {strides = array<i32>} : memref<256xf32, #tpu.memory_space<vmem>>, vector<16xf32>,
          tpu.vector_store %arg18[%swap3A], %mul3A_235 {strides = array<i32>} : memref<256xf32, #tpu.memory_space<vmem>>, vector<16xf32>,
          %scan3A_239 = arith.constant 0 : i32
          scf.yield %scan3A_239 : i32
        }
        %scan3A_122 = arith.constant 16 : i32
        %gt3A_123 = arith.constant 0 : i32
        %gt3A_124 = arith.cmpi sgt, %while3A_107, %gt3A_123 : i32
        %convert_element_type3A_125 = arith.extui %gt3A_124 : i1 to i32
        %cond3A_126 = arith.constant 0 : i32
        %cond3A_127 = arith.cmpi ne, %convert_element_type3A_125, %cond3A_126 : i32
        scf.if %cond3A_127 {
          %sub3A = arith.constant 1 : i32
          %sub3A_147 = arith.subi %while3A_107, %sub3A : i32
          %dma_wait3A_148 = arith.constant 0 : i32
          %dma_wait3A_149 = tpu.memref_slice %arg17[%sub3A_147, %dma_wait3A_148] : memref<16x128xi32, #tpu.memory_space<vmem>> -> memref<1x128xi32, #tpu.memory_space<vmem>>
          %dma_wait3A_150 = tpu.memref_squeeze %dma_wait3A_149 : memref<1x128xi32, #tpu.memory_space<vmem>> -> memref<128xi32, #tpu.memory_space<vmem>>
          %dma_wait3A_151 = arith.constant 0 : i32
          %dma_wait3A_152 = arith.constant 0 : i32
          %dma_wait3A_153 = tpu.memref_slice %arg9[%dma_wait3A_151, %dma_wait3A_152] : memref<5376x128xf32, #tpu.memory_space<vmem_shared>> -> memref<5376x128xf32, #tpu.memory_space<vmem_shared>>
          tpu.wait_indirect_dma semaphore(%arg26 : memref<!tpu.dma_semaphore, #tpu.memory_space<semaphore_mem>>) src(%arg23 : memref<128x128xf32, #tpu.memory_space<vmem>>) dst(%dma_wait3A_153 : memref<5376x128xf32, #tpu.memory_space<vmem_shared>>)
          %scan3A_154 = arith.constant 0 : i32
          %scan3A_155 = arith.constant 0 : i32
          %scan3A_156 = arith.constant 64 : i32
          %scan3A_157 = arith.addi %scan3A_155, %scan3A_156 : i32
          %scan3A_158 = arith.constant 1 : i32
          %scan3A_159 = scf.for %scan3A_161 = %scan3A_155 to %scan3A_157 step %scan3A_158 iter_args(%scan3A_162 = %scan3A_154) -> (i32)  : i32 {
            %mul3A_163 = arith.constant 64 : i32
            %mul3A_164 = arith.muli %sub3A_147, %mul3A_163 : i32
            %add3A_165 = arith.addi %mul3A_164, %scan3A_161 : i32
            %add3A_166 = vector.broadcast %add3A_165 : i32 to vector<16xi32>
            %add3A_167 = arith.addi %broadcast_in_dim3A_3, %add3A_166 : vector<16xi32>
            %gather3A = tpu.vector_load_idx %arg15[%add3A_167] : memref<1024xi32, #tpu.memory_space<vmem>>[vector<16xi32>], vector<16xi32>,
            %and3A = arith.constant 31 : i32
            %and3A_168 = vector.broadcast %and3A : i32 to vector<16xi32>
            %and3A_169 = arith.andi %gather3A, %and3A_168 : vector<16xi32>
            %shift_left3A_170 = arith.constant 2 : i32
            %shift_left3A_171 = vector.broadcast %shift_left3A_170 : i32 to vector<16xi32>
            %shift_left3A_172 = arith.shli %and3A_169, %shift_left3A_171 : vector<16xi32>
            %add3A_173 = arith.addi %shift_left3A_172, %iota3A : vector<16xi32>
            %and3A_174 = arith.constant 127 : i32
            %and3A_175 = vector.broadcast %and3A_174 : i32 to vector<16xi32>
            %and3A_176 = arith.andi %add3A_173, %and3A_175 : vector<16xi32>
            %add3A_177 = arith.constant 64 : i32
            %add3A_178 = arith.addi %add3A_177, %scan3A_161 : i32
            %add3A_179 = vector.broadcast %add3A_178 : i32 to vector<16xi32>
            %add3A_180 = arith.addi %broadcast_in_dim3A_3, %add3A_179 : vector<16xi32>
            tpu.vector_store_idx %arg23[%add3A_180, %and3A_176], %broadcast_in_dim3A_1 : memref<128x128xf32, #tpu.memory_space<vmem>>[vector<16xi32>, vector<16xi32>], vector<16xf32>,
            %scan3A_181 = arith.constant 0 : i32
            scf.yield %scan3A_181 : i32
          }
          %scan3A_160 = arith.constant 64 : i32
        } else {
        }
        %mul3A_128 = arith.constant 64 : i32
        %mul3A_129 = arith.muli %while3A_107, %mul3A_128 : i32
        %dma_wait3A = tpu.memref_slice %arg14[%mul3A_129] : memref<1024xi32, #tpu.memory_space<vmem>> -> memref<64xi32, #tpu.memory_space<vmem>>
        %dma_wait3A_130 = arith.constant 0 : i32
        %dma_wait3A_131 = arith.constant 0 : i32
        %dma_wait3A_132 = tpu.memref_slice %arg2[%dma_wait3A_130, %dma_wait3A_131] : memref<10000x128xf32, #tpu.memory_space<hbm>> -> memref<10000x128xf32, #tpu.memory_space<hbm>>
        tpu.wait_indirect_dma semaphore(%arg25 : memref<!tpu.dma_semaphore, #tpu.memory_space<semaphore_mem>>) src(%dma_wait3A_132 : memref<10000x128xf32, #tpu.memory_space<hbm>>) dst(%arg19 : memref<64x128xf32, #tpu.memory_space<vmem>>)
        %scan3A_133 = arith.constant 0 : i32
        %scan3A_134 = arith.constant 0 : i32
        %scan3A_135 = arith.constant 64 : i32
        %scan3A_136 = arith.addi %scan3A_134, %scan3A_135 : i32
        %scan3A_137 = arith.constant 1 : i32
        %scan3A_138 = scf.for %scan3A_147 = %scan3A_134 to %scan3A_136 step %scan3A_137 iter_args(%scan3A_148 = %scan3A_133) -> (i32)  : i32 {
          %mul3A_149 = arith.constant 4 : i32
          %mul3A_150 = arith.muli %scan3A_147, %mul3A_149 : i32
          %add3A_151 = arith.constant 0 : i32
          %add3A_152 = arith.addi %mul3A_150, %add3A_151 : i32
          %add3A_153 = vector.broadcast %add3A_152 : i32 to vector<16xi32>
          %add3A_154 = arith.addi %broadcast_in_dim3A_3, %add3A_153 : vector<16xi32>
          %gather3A = tpu.vector_load_idx %arg18[%add3A_154] : memref<256xf32, #tpu.memory_space<vmem>>[vector<16xi32>], vector<16xf32>,
          %mul3A_155 = arith.constant 4 : i32
          %mul3A_156 = arith.muli %scan3A_147, %mul3A_155 : i32
          %add3A_157 = arith.constant 1 : i32
          %add3A_158 = arith.addi %mul3A_156, %add3A_157 : i32
          %add3A_159 = vector.broadcast %add3A_158 : i32 to vector<16xi32>
          %add3A_160 = arith.addi %broadcast_in_dim3A_3, %add3A_159 : vector<16xi32>
          %gather3A_161 = tpu.vector_load_idx %arg18[%add3A_160] : memref<256xf32, #tpu.memory_space<vmem>>[vector<16xi32>], vector<16xf32>,
          %mul3A_162 = arith.constant 4 : i32
          %mul3A_163 = arith.muli %scan3A_147, %mul3A_162 : i32
          %add3A_164 = arith.constant 2 : i32
          %add3A_165 = arith.addi %mul3A_163, %add3A_164 : i32
          %add3A_166 = vector.broadcast %add3A_165 : i32 to vector<16xi32>
          %add3A_167 = arith.addi %broadcast_in_dim3A_3, %add3A_166 : vector<16xi32>
          %gather3A_168 = tpu.vector_load_idx %arg18[%add3A_167] : memref<256xf32, #tpu.memory_space<vmem>>[vector<16xi32>], vector<16xf32>,
          %mul3A_169 = arith.constant 4 : i32
          %mul3A_170 = arith.muli %scan3A_147, %mul3A_169 : i32
          %add3A_171 = arith.constant 3 : i32
          %add3A_172 = arith.addi %mul3A_170, %add3A_171 : i32
          %add3A_173 = vector.broadcast %add3A_172 : i32 to vector<16xi32>
          %add3A_174 = arith.addi %broadcast_in_dim3A_3, %add3A_173 : vector<16xi32>
          %gather3A_175 = tpu.vector_load_idx %arg18[%add3A_174] : memref<256xf32, #tpu.memory_space<vmem>>[vector<16xi32>], vector<16xf32>,
          %get3A = arith.index_cast %scan3A_147 : i32 to index
          %get3A_176 = arith.constant 0 : index
          %get3A_177 = tpu.vector_load %arg19[%get3A, %get3A_176] {strides = array<i32>} : memref<64x128xf32, #tpu.memory_space<vmem>>, vector<16xf32>,
          %mul3A_178 = arith.mulf %gather3A, %get3A_177 : vector<16xf32>
          %swap3A = arith.index_cast %scan3A_147 : i32 to index
          %swap3A_179 = arith.constant 0 : index
          %swap3A_180 = tpu.vector_load %arg23[%swap3A, %swap3A_179] {strides = array<i32>} : memref<128x128xf32, #tpu.memory_space<vmem>>, vector<16xf32>,
          tpu.vector_store %arg23[%swap3A, %swap3A_179], %mul3A_178 {strides = array<i32>} : memref<128x128xf32, #tpu.memory_space<vmem>>, vector<16xf32>,
          %get3A_181 = arith.index_cast %scan3A_147 : i32 to index
          %get3A_182 = arith.constant 16 : index
          %get3A_183 = tpu.vector_load %arg19[%get3A_181, %get3A_182] {strides = array<i32>} : memref<64x128xf32, #tpu.memory_space<vmem>>, vector<16xf32>,
          %mul3A_184 = arith.mulf %gather3A, %get3A_183 : vector<16xf32>
          %swap3A_185 = arith.index_cast %scan3A_147 : i32 to index
          %swap3A_186 = arith.constant 16 : index
          %swap3A_187 = tpu.vector_load %arg23[%swap3A_185, %swap3A_186] {strides = array<i32>} : memref<128x128xf32, #tpu.memory_space<vmem>>, vector<16xf32>,
          tpu.vector_store %arg23[%swap3A_185, %swap3A_186], %mul3A_184 {strides = array<i32>} : memref<128x128xf32, #tpu.memory_space<vmem>>, vector<16xf32>,
          %get3A_188 = arith.index_cast %scan3A_147 : i32 to index
          %get3A_189 = arith.constant 32 : index
          %get3A_190 = tpu.vector_load %arg19[%get3A_188, %get3A_189] {strides = array<i32>} : memref<64x128xf32, #tpu.memory_space<vmem>>, vector<16xf32>,
          %mul3A_191 = arith.mulf %gather3A_161, %get3A_190 : vector<16xf32>
          %swap3A_192 = arith.index_cast %scan3A_147 : i32 to index
          %swap3A_193 = arith.constant 32 : index
          %swap3A_194 = tpu.vector_load %arg23[%swap3A_192, %swap3A_193] {strides = array<i32>} : memref<128x128xf32, #tpu.memory_space<vmem>>, vector<16xf32>,
          tpu.vector_store %arg23[%swap3A_192, %swap3A_193], %mul3A_191 {strides = array<i32>} : memref<128x128xf32, #tpu.memory_space<vmem>>, vector<16xf32>,
          %get3A_195 = arith.index_cast %scan3A_147 : i32 to index
          %get3A_196 = arith.constant 48 : index
          %get3A_197 = tpu.vector_load %arg19[%get3A_195, %get3A_196] {strides = array<i32>} : memref<64x128xf32, #tpu.memory_space<vmem>>, vector<16xf32>,
          %mul3A_198 = arith.mulf %gather3A_161, %get3A_197 : vector<16xf32>
          %swap3A_199 = arith.index_cast %scan3A_147 : i32 to index
          %swap3A_200 = arith.constant 48 : index
          %swap3A_201 = tpu.vector_load %arg23[%swap3A_199, %swap3A_200] {strides = array<i32>} : memref<128x128xf32, #tpu.memory_space<vmem>>, vector<16xf32>,
          tpu.vector_store %arg23[%swap3A_199, %swap3A_200], %mul3A_198 {strides = array<i32>} : memref<128x128xf32, #tpu.memory_space<vmem>>, vector<16xf32>,
          %get3A_202 = arith.index_cast %scan3A_147 : i32 to index
          %get3A_203 = arith.constant 64 : index
          %get3A_204 = tpu.vector_load %arg19[%get3A_202, %get3A_203] {strides = array<i32>} : memref<64x128xf32, #tpu.memory_space<vmem>>, vector<16xf32>,
          %mul3A_205 = arith.mulf %gather3A_168, %get3A_204 : vector<16xf32>
          %swap3A_206 = arith.index_cast %scan3A_147 : i32 to index
          %swap3A_207 = arith.constant 64 : index
          %swap3A_208 = tpu.vector_load %arg23[%swap3A_206, %swap3A_207] {strides = array<i32>} : memref<128x128xf32, #tpu.memory_space<vmem>>, vector<16xf32>,
          tpu.vector_store %arg23[%swap3A_206, %swap3A_207], %mul3A_205 {strides = array<i32>} : memref<128x128xf32, #tpu.memory_space<vmem>>, vector<16xf32>,
          %get3A_209 = arith.index_cast %scan3A_147 : i32 to index
          %get3A_210 = arith.constant 80 : index
          %get3A_211 = tpu.vector_load %arg19[%get3A_209, %get3A_210] {strides = array<i32>} : memref<64x128xf32, #tpu.memory_space<vmem>>, vector<16xf32>,
          %mul3A_212 = arith.mulf %gather3A_168, %get3A_211 : vector<16xf32>
          %swap3A_213 = arith.index_cast %scan3A_147 : i32 to index
          %swap3A_214 = arith.constant 80 : index
          %swap3A_215 = tpu.vector_load %arg23[%swap3A_213, %swap3A_214] {strides = array<i32>} : memref<128x128xf32, #tpu.memory_space<vmem>>, vector<16xf32>,
          tpu.vector_store %arg23[%swap3A_213, %swap3A_214], %mul3A_212 {strides = array<i32>} : memref<128x128xf32, #tpu.memory_space<vmem>>, vector<16xf32>,
          %get3A_216 = arith.index_cast %scan3A_147 : i32 to index
          %get3A_217 = arith.constant 96 : index
          %get3A_218 = tpu.vector_load %arg19[%get3A_216, %get3A_217] {strides = array<i32>} : memref<64x128xf32, #tpu.memory_space<vmem>>, vector<16xf32>,
          %mul3A_219 = arith.mulf %gather3A_175, %get3A_218 : vector<16xf32>
          %swap3A_220 = arith.index_cast %scan3A_147 : i32 to index
          %swap3A_221 = arith.constant 96 : index
          %swap3A_222 = tpu.vector_load %arg23[%swap3A_220, %swap3A_221] {strides = array<i32>} : memref<128x128xf32, #tpu.memory_space<vmem>>, vector<16xf32>,
          tpu.vector_store %arg23[%swap3A_220, %swap3A_221], %mul3A_219 {strides = array<i32>} : memref<128x128xf32, #tpu.memory_space<vmem>>, vector<16xf32>,
          %get3A_223 = arith.index_cast %scan3A_147 : i32 to index
          %get3A_224 = arith.constant 112 : index
          %get3A_225 = tpu.vector_load %arg19[%get3A_223, %get3A_224] {strides = array<i32>} : memref<64x128xf32, #tpu.memory_space<vmem>>, vector<16xf32>,
          %mul3A_226 = arith.mulf %gather3A_175, %get3A_225 : vector<16xf32>
          %swap3A_227 = arith.index_cast %scan3A_147 : i32 to index
          %swap3A_228 = arith.constant 112 : index
          %swap3A_229 = tpu.vector_load %arg23[%swap3A_227, %swap3A_228] {strides = array<i32>} : memref<128x128xf32, #tpu.memory_space<vmem>>, vector<16xf32>,
          tpu.vector_store %arg23[%swap3A_227, %swap3A_228], %mul3A_226 {strides = array<i32>} : memref<128x128xf32, #tpu.memory_space<vmem>>, vector<16xf32>,
          %mul3A_230 = arith.constant 4 : i32
          %mul3A_231 = arith.muli %scan3A_147, %mul3A_230 : i32
          %and3A = arith.constant 3 : i32
          %and3A_232 = vector.broadcast %and3A : i32 to vector<16xi32>
          %and3A_233 = arith.andi %iota3A, %and3A_232 : vector<16xi32>
          %add3A_234 = vector.broadcast %mul3A_231 : i32 to vector<16xi32>
          %add3A_235 = arith.addi %add3A_234, %and3A_233 : vector<16xi32>
          %gather3A_236 = tpu.vector_load_idx %arg18[%add3A_235] : memref<256xf32, #tpu.memory_space<vmem>>[vector<16xi32>], vector<16xf32>,
          %mul3A_237 = arith.constant 64 : i32
          %mul3A_238 = arith.muli %while3A_107, %mul3A_237 : i32
          %add3A_239 = arith.addi %mul3A_238, %scan3A_147 : i32
          %add3A_240 = vector.broadcast %add3A_239 : i32 to vector<16xi32>
          %add3A_241 = arith.addi %broadcast_in_dim3A_3, %add3A_240 : vector<16xi32>
          %gather3A_242 = tpu.vector_load_idx %arg15[%add3A_241] : memref<1024xi32, #tpu.memory_space<vmem>>[vector<16xi32>], vector<16xi32>,
          %and3A_243 = arith.constant 31 : i32
          %and3A_244 = vector.broadcast %and3A_243 : i32 to vector<16xi32>
          %and3A_245 = arith.andi %gather3A_242, %and3A_244 : vector<16xi32>
          %shift_left3A_246 = arith.constant 2 : i32
          %shift_left3A_247 = vector.broadcast %shift_left3A_246 : i32 to vector<16xi32>
          %shift_left3A_248 = arith.shli %and3A_245, %shift_left3A_247 : vector<16xi32>
          %add3A_249 = arith.addi %shift_left3A_248, %iota3A : vector<16xi32>
          %and3A_250 = arith.constant 127 : i32
          %and3A_251 = vector.broadcast %and3A_250 : i32 to vector<16xi32>
          %and3A_252 = arith.andi %add3A_249, %and3A_251 : vector<16xi32>
          %lt3A_253 = arith.constant 4 : i32
          %lt3A_254 = vector.broadcast %lt3A_253 : i32 to vector<16xi32>
          %lt3A_255 = arith.cmpi slt, %iota3A, %lt3A_254 : vector<16xi32>
          %jit3A = arith.constant 0.000000e+00 : f32
          %broadcast_in_dim3A_256 = vector.broadcast %jit3A : f32 to vector<16xf32>
          %select_n3A = arith.select %lt3A_255, %gather3A_236, %broadcast_in_dim3A_256 : vector<16xi1>, vector<16xf32>
          %add3A_257 = arith.constant 64 : i32
          %add3A_258 = arith.addi %add3A_257, %scan3A_147 : i32
          %add3A_259 = vector.broadcast %add3A_258 : i32 to vector<16xi32>
          %add3A_260 = arith.addi %broadcast_in_dim3A_3, %add3A_259 : vector<16xi32>
          tpu.vector_store_idx %arg23[%add3A_260, %and3A_252], %select_n3A : memref<128x128xf32, #tpu.memory_space<vmem>>[vector<16xi32>, vector<16xi32>], vector<16xf32>,
          %scan3A_261 = arith.constant 0 : i32
          scf.yield %scan3A_261 : i32
        }
        %scan3A_139 = arith.constant 64 : i32
        %dma_start3A_140 = arith.constant 0 : i32
        %dma_start3A_141 = tpu.memref_slice %arg17[%while3A_107, %dma_start3A_140] : memref<16x128xi32, #tpu.memory_space<vmem>> -> memref<1x128xi32, #tpu.memory_space<vmem>>
        %dma_start3A_142 = tpu.memref_squeeze %dma_start3A_141 : memref<1x128xi32, #tpu.memory_space<vmem>> -> memref<128xi32, #tpu.memory_space<vmem>>
        %dma_start3A_143 = arith.constant 0 : i32
        %dma_start3A_144 = arith.constant 0 : i32
        %dma_start3A_145 = tpu.memref_slice %arg9[%dma_start3A_143, %dma_start3A_144] : memref<5376x128xf32, #tpu.memory_space<vmem_shared>> -> memref<5376x128xf32, #tpu.memory_space<vmem_shared>>
        tpu.enqueue_indirect_dma source(%arg23 : memref<128x128xf32, #tpu.memory_space<vmem>>) target(%dma_start3A_145 : memref<5376x128xf32, #tpu.memory_space<vmem_shared>>) offsets(%dma_start3A_142 : memref<128xi32, #tpu.memory_space<vmem>>) semaphore(%arg26 : memref<!tpu.dma_semaphore, #tpu.memory_space<semaphore_mem>>) {add = true}
        %while3A_146 = arith.constant 0 : i32
        scf.yield %while3A_146 : i32
      }
      %while3A_100 = arith.constant 1 : i32
      %while3A_101 = scf.for %while3A_107 = %while3A_97 to %while3A_93 step %while3A_100 iter_args(%while3A_108 = %while3A_99) -> (i32)  : i32 {
        %mul3A_109 = arith.constant 64 : i32
        %mul3A_110 = arith.muli %while3A_107, %mul3A_109 : i32
        %dma_start3A = tpu.memref_slice %arg14[%mul3A_110] : memref<1024xi32, #tpu.memory_space<vmem>> -> memref<64xi32, #tpu.memory_space<vmem>>
        %dma_start3A_111 = arith.constant 0 : i32
        %dma_start3A_112 = arith.constant 0 : i32
        %dma_start3A_113 = tpu.memref_slice %arg2[%dma_start3A_111, %dma_start3A_112] : memref<10000x128xf32, #tpu.memory_space<hbm>> -> memref<10000x128xf32, #tpu.memory_space<hbm>>
        tpu.enqueue_indirect_dma source(%dma_start3A_113 : memref<10000x128xf32, #tpu.memory_space<hbm>>) target(%arg19 : memref<64x128xf32, #tpu.memory_space<vmem>>) offsets(%dma_start3A : memref<64xi32, #tpu.memory_space<vmem>>) semaphore(%arg25 : memref<!tpu.dma_semaphore, #tpu.memory_space<semaphore_mem>>)
        %mul3A_114 = arith.constant 64 : i32
        %mul3A_115 = arith.muli %while3A_107, %mul3A_114 : i32
        "tpu.region"() ({
          %run_scoped3A = tpu.sem_alloc : memref<!tpu.dma_semaphore, #tpu.memory_space<semaphore_mem>>
          %dma_start3A_147 = tpu.memref_slice %arg16[%mul3A_115] : memref<1024xi32, #tpu.memory_space<vmem>> -> memref<64xi32, #tpu.memory_space<vmem>>
          %dma_start3A_148 = arith.constant 0 : i32
          %dma_start3A_149 = arith.constant 0 : i32
          %dma_start3A_150 = tpu.memref_slice %arg10[%dma_start3A_148, %dma_start3A_149] : memref<336x128xf32, #tpu.memory_space<vmem_shared>> -> memref<336x128xf32, #tpu.memory_space<vmem_shared>>
          tpu.enqueue_indirect_dma source(%dma_start3A_150 : memref<336x128xf32, #tpu.memory_space<vmem_shared>>) target(%arg21 : memref<64x128xf32, #tpu.memory_space<vmem>>) offsets(%dma_start3A_147 : memref<64xi32, #tpu.memory_space<vmem>>) semaphore(%run_scoped3A : memref<!tpu.dma_semaphore, #tpu.memory_space<semaphore_mem>>)
          %dma_wait3A_151 = tpu.memref_slice %arg16[%mul3A_115] : memref<1024xi32, #tpu.memory_space<vmem>> -> memref<64xi32, #tpu.memory_space<vmem>>
          %dma_wait3A_152 = arith.constant 0 : i32
          %dma_wait3A_153 = arith.constant 0 : i32
          %dma_wait3A_154 = tpu.memref_slice %arg10[%dma_wait3A_152, %dma_wait3A_153] : memref<336x128xf32, #tpu.memory_space<vmem_shared>> -> memref<336x128xf32, #tpu.memory_space<vmem_shared>>
          tpu.wait_indirect_dma semaphore(%run_scoped3A : memref<!tpu.dma_semaphore, #tpu.memory_space<semaphore_mem>>) src(%dma_wait3A_154 : memref<336x128xf32, #tpu.memory_space<vmem_shared>>) dst(%arg21 : memref<64x128xf32, #tpu.memory_space<vmem>>)
          tpu.yield
        }) : () -> ()
        %scan3A_116 = arith.constant 0 : i32
        %scan3A_117 = arith.constant 0 : i32
        %scan3A_118 = arith.constant 16 : i32
        %scan3A_119 = arith.addi %scan3A_117, %scan3A_118 : i32
        %scan3A_120 = arith.constant 1 : i32
        %scan3A_121 = scf.for %scan3A_147 = %scan3A_117 to %scan3A_119 step %scan3A_120 iter_args(%scan3A_148 = %scan3A_116) -> (i32)  : i32 {
          %mul3A_149 = arith.constant 64 : i32
          %mul3A_150 = arith.muli %while3A_107, %mul3A_149 : i32
          %mul3A_151 = arith.constant 4 : i32
          %mul3A_152 = arith.muli %scan3A_147, %mul3A_151 : i32
          %add3A_153 = arith.addi %mul3A_150, %mul3A_152 : i32
          %shift_right_arithmetic3A_154 = arith.constant 2 : i32
          %shift_right_arithmetic3A_155 = vector.broadcast %shift_right_arithmetic3A_154 : i32 to vector<16xi32>
          %shift_right_arithmetic3A_156 = arith.shrsi %iota3A, %shift_right_arithmetic3A_155 : vector<16xi32>
          %add3A_157 = vector.broadcast %add3A_153 : i32 to vector<16xi32>
          %add3A_158 = arith.addi %add3A_157, %shift_right_arithmetic3A_156 : vector<16xi32>
          %mul3A_159 = arith.constant 4 : i32
          %mul3A_160 = arith.muli %scan3A_147, %mul3A_159 : i32
          %shift_right_arithmetic3A_161 = arith.constant 2 : i32
          %shift_right_arithmetic3A_162 = vector.broadcast %shift_right_arithmetic3A_161 : i32 to vector<16xi32>
          %shift_right_arithmetic3A_163 = arith.shrsi %iota3A, %shift_right_arithmetic3A_162 : vector<16xi32>
          %add3A_164 = vector.broadcast %mul3A_160 : i32 to vector<16xi32>
          %add3A_165 = arith.addi %add3A_164, %shift_right_arithmetic3A_163 : vector<16xi32>
          %and3A = arith.constant 3 : i32
          %and3A_166 = vector.broadcast %and3A : i32 to vector<16xi32>
          %and3A_167 = arith.andi %iota3A, %and3A_166 : vector<16xi32>
          %gather3A = tpu.vector_load_idx %arg14[%add3A_158] : memref<1024xi32, #tpu.memory_space<vmem>>[vector<16xi32>], vector<16xi32>,
          %gather3A_168 = tpu.vector_load_idx %arg15[%add3A_158] : memref<1024xi32, #tpu.memory_space<vmem>>[vector<16xi32>], vector<16xi32>,
          %and3A_169 = arith.constant 31 : i32
          %and3A_170 = vector.broadcast %and3A_169 : i32 to vector<16xi32>
          %and3A_171 = arith.andi %gather3A, %and3A_170 : vector<16xi32>
          %shift_left3A_172 = arith.constant 2 : i32
          %shift_left3A_173 = vector.broadcast %shift_left3A_172 : i32 to vector<16xi32>
          %shift_left3A_174 = arith.shli %and3A_171, %shift_left3A_173 : vector<16xi32>
          %add3A_175 = arith.addi %shift_left3A_174, %and3A_167 : vector<16xi32>
          %gather3A_176 = tpu.vector_load_idx %arg21[%add3A_165, %add3A_175] : memref<64x128xf32, #tpu.memory_space<vmem>>[vector<16xi32>, vector<16xi32>], vector<16xf32>,
          %min3A = arith.constant 4999 : i32
          %min3A_177 = vector.broadcast %min3A : i32 to vector<16xi32>
          %min3A_178 = arith.minsi %gather3A_168, %min3A_177 : vector<16xi32>
          %shift_left3A_179 = arith.constant 2 : i32
          %shift_left3A_180 = vector.broadcast %shift_left3A_179 : i32 to vector<16xi32>
          %shift_left3A_181 = arith.shli %min3A_178, %shift_left3A_180 : vector<16xi32>
          %add3A_182 = arith.addi %shift_left3A_181, %and3A_167 : vector<16xi32>
          %gather3A_183 = tpu.vector_load_idx %arg11[%add3A_182] : memref<20000xf32, #tpu.memory_space<vmem>>[vector<16xi32>], vector<16xf32>,
          %add3A_184 = arith.addf %gather3A_176, %gather3A_183 : vector<16xf32>
          %gt3A_185 = arith.constant 0.000000e+00 : f32
          %gt3A_186 = vector.broadcast %gt3A_185 : f32 to vector<16xf32>
          %gt3A_187 = arith.cmpf ogt, %add3A_184, %gt3A_186 : vector<16xf32>
          %mul3A_188 = arith.constant 2.000000e-01 : f32
          %mul3A_189 = vector.broadcast %mul3A_188 : f32 to vector<16xf32>
          %mul3A_190 = arith.mulf %mul3A_189, %add3A_184 : vector<16xf32>
          %select_n3A = arith.select %gt3A_187, %add3A_184, %mul3A_190 : vector<16xi1>, vector<16xf32>
          %max3A = arith.constant -1.000000e+01 : f32
          %max3A_191 = vector.broadcast %max3A : f32 to vector<16xf32>
          %max3A_192 = arith.maximumf %select_n3A, %max3A_191 : vector<16xf32>
          %mul3A_193 = arith.constant 1.44269502 : f32
          %mul3A_194 = vector.broadcast %mul3A_193 : f32 to vector<16xf32>
          %mul3A_195 = arith.mulf %max3A_192, %mul3A_194 : vector<16xf32>
          %add3A_196 = arith.constant 1.650000e+01 : f32
          %add3A_197 = vector.broadcast %add3A_196 : f32 to vector<16xf32>
          %add3A_198 = arith.addf %mul3A_195, %add3A_197 : vector<16xf32>
          %convert_element_type3A_199 = arith.fptosi %add3A_198 : vector<16xf32> to vector<16xi32>
          %sub3A = arith.constant 16 : i32
          %sub3A_200 = vector.broadcast %sub3A : i32 to vector<16xi32>
          %sub3A_201 = arith.subi %convert_element_type3A_199, %sub3A_200 : vector<16xi32>
          %convert_element_type3A_202 = arith.sitofp %sub3A_201 : vector<16xi32> to vector<16xf32>
          %mul3A_203 = arith.constant 0.693147182 : f32
          %mul3A_204 = vector.broadcast %mul3A_203 : f32 to vector<16xf32>
          %mul3A_205 = arith.mulf %convert_element_type3A_202, %mul3A_204 : vector<16xf32>
          %sub3A_206 = arith.subf %max3A_192, %mul3A_205 : vector<16xf32>
          %mul3A_207 = arith.constant 0.00833333377 : f32
          %mul3A_208 = vector.broadcast %mul3A_207 : f32 to vector<16xf32>
          %mul3A_209 = arith.mulf %sub3A_206, %mul3A_208 : vector<16xf32>
          %add3A_210 = arith.constant 0.0416666679 : f32
          %add3A_211 = vector.broadcast %add3A_210 : f32 to vector<16xf32>
          %add3A_212 = arith.addf %add3A_211, %mul3A_209 : vector<16xf32>
          %mul3A_213 = arith.mulf %sub3A_206, %add3A_212 : vector<16xf32>
          %add3A_214 = arith.constant 0.166666672 : f32
          %add3A_215 = vector.broadcast %add3A_214 : f32 to vector<16xf32>
          %add3A_216 = arith.addf %add3A_215, %mul3A_213 : vector<16xf32>
          %mul3A_217 = arith.mulf %sub3A_206, %add3A_216 : vector<16xf32>
          %add3A_218 = arith.constant 5.000000e-01 : f32
          %add3A_219 = vector.broadcast %add3A_218 : f32 to vector<16xf32>
          %add3A_220 = arith.addf %add3A_219, %mul3A_217 : vector<16xf32>
          %mul3A_221 = arith.mulf %sub3A_206, %add3A_220 : vector<16xf32>
          %add3A_222 = arith.constant 1.000000e+00 : f32
          %add3A_223 = vector.broadcast %add3A_222 : f32 to vector<16xf32>
          %add3A_224 = arith.addf %add3A_223, %mul3A_221 : vector<16xf32>
          %mul3A_225 = arith.mulf %sub3A_206, %add3A_224 : vector<16xf32>
          %add3A_226 = arith.constant 1.000000e+00 : f32
          %add3A_227 = vector.broadcast %add3A_226 : f32 to vector<16xf32>
          %add3A_228 = arith.addf %add3A_227, %mul3A_225 : vector<16xf32>
          %add3A_229 = arith.constant 127 : i32
          %add3A_230 = vector.broadcast %add3A_229 : i32 to vector<16xi32>
          %add3A_231 = arith.addi %sub3A_201, %add3A_230 : vector<16xi32>
          %shift_left3A_232 = arith.constant 23 : i32
          %shift_left3A_233 = vector.broadcast %shift_left3A_232 : i32 to vector<16xi32>
          %shift_left3A_234 = arith.shli %add3A_231, %shift_left3A_233 : vector<16xi32>
          %bitcast3A = vector.bitcast %shift_left3A_234 : vector<16xi32> to vector<16xf32>
          %mul3A_235 = arith.mulf %add3A_228, %bitcast3A : vector<16xf32>
          %mul3A_236 = arith.constant 16 : i32
          %mul3A_237 = arith.muli %scan3A_147, %mul3A_236 : i32
          %swap3A = arith.index_cast %mul3A_237 : i32 to index
          %swap3A_238 = tpu.vector_load %arg18[%swap3A] {strides = array<i32>} : memref<256xf32, #tpu.memory_space<vmem>>, vector<16xf32>,
          tpu.vector_store %arg18[%swap3A], %mul3A_235 {strides = array<i32>} : memref<256xf32, #tpu.memory_space<vmem>>, vector<16xf32>,
          %scan3A_239 = arith.constant 0 : i32
          scf.yield %scan3A_239 : i32
        }
        %scan3A_122 = arith.constant 16 : i32
        %gt3A_123 = arith.constant 0 : i32
        %gt3A_124 = arith.cmpi sgt, %while3A_107, %gt3A_123 : i32
        %convert_element_type3A_125 = arith.extui %gt3A_124 : i1 to i32
        %cond3A_126 = arith.constant 0 : i32
        %cond3A_127 = arith.cmpi ne, %convert_element_type3A_125, %cond3A_126 : i32
        scf.if %cond3A_127 {
          %sub3A = arith.constant 1 : i32
          %sub3A_147 = arith.subi %while3A_107, %sub3A : i32
          %dma_wait3A_148 = arith.constant 0 : i32
          %dma_wait3A_149 = tpu.memref_slice %arg17[%sub3A_147, %dma_wait3A_148] : memref<16x128xi32, #tpu.memory_space<vmem>> -> memref<1x128xi32, #tpu.memory_space<vmem>>
          %dma_wait3A_150 = tpu.memref_squeeze %dma_wait3A_149 : memref<1x128xi32, #tpu.memory_space<vmem>> -> memref<128xi32, #tpu.memory_space<vmem>>
          %dma_wait3A_151 = arith.constant 0 : i32
          %dma_wait3A_152 = arith.constant 0 : i32
          %dma_wait3A_153 = tpu.memref_slice %arg9[%dma_wait3A_151, %dma_wait3A_152] : memref<5376x128xf32, #tpu.memory_space<vmem_shared>> -> memref<5376x128xf32, #tpu.memory_space<vmem_shared>>
          tpu.wait_indirect_dma semaphore(%arg26 : memref<!tpu.dma_semaphore, #tpu.memory_space<semaphore_mem>>) src(%arg23 : memref<128x128xf32, #tpu.memory_space<vmem>>) dst(%dma_wait3A_153 : memref<5376x128xf32, #tpu.memory_space<vmem_shared>>)
          %scan3A_154 = arith.constant 0 : i32
          %scan3A_155 = arith.constant 0 : i32
          %scan3A_156 = arith.constant 64 : i32
          %scan3A_157 = arith.addi %scan3A_155, %scan3A_156 : i32
          %scan3A_158 = arith.constant 1 : i32
          %scan3A_159 = scf.for %scan3A_161 = %scan3A_155 to %scan3A_157 step %scan3A_158 iter_args(%scan3A_162 = %scan3A_154) -> (i32)  : i32 {
            %mul3A_163 = arith.constant 64 : i32
            %mul3A_164 = arith.muli %sub3A_147, %mul3A_163 : i32
            %add3A_165 = arith.addi %mul3A_164, %scan3A_161 : i32
            %add3A_166 = vector.broadcast %add3A_165 : i32 to vector<16xi32>
            %add3A_167 = arith.addi %broadcast_in_dim3A_3, %add3A_166 : vector<16xi32>
            %gather3A = tpu.vector_load_idx %arg15[%add3A_167] : memref<1024xi32, #tpu.memory_space<vmem>>[vector<16xi32>], vector<16xi32>,
            %and3A = arith.constant 31 : i32
            %and3A_168 = vector.broadcast %and3A : i32 to vector<16xi32>
            %and3A_169 = arith.andi %gather3A, %and3A_168 : vector<16xi32>
            %shift_left3A_170 = arith.constant 2 : i32
            %shift_left3A_171 = vector.broadcast %shift_left3A_170 : i32 to vector<16xi32>
            %shift_left3A_172 = arith.shli %and3A_169, %shift_left3A_171 : vector<16xi32>
            %add3A_173 = arith.addi %shift_left3A_172, %iota3A : vector<16xi32>
            %and3A_174 = arith.constant 127 : i32
            %and3A_175 = vector.broadcast %and3A_174 : i32 to vector<16xi32>
            %and3A_176 = arith.andi %add3A_173, %and3A_175 : vector<16xi32>
            %add3A_177 = arith.constant 64 : i32
            %add3A_178 = arith.addi %add3A_177, %scan3A_161 : i32
            %add3A_179 = vector.broadcast %add3A_178 : i32 to vector<16xi32>
            %add3A_180 = arith.addi %broadcast_in_dim3A_3, %add3A_179 : vector<16xi32>
            tpu.vector_store_idx %arg23[%add3A_180, %and3A_176], %broadcast_in_dim3A_1 : memref<128x128xf32, #tpu.memory_space<vmem>>[vector<16xi32>, vector<16xi32>], vector<16xf32>,
            %scan3A_181 = arith.constant 0 : i32
            scf.yield %scan3A_181 : i32
          }
          %scan3A_160 = arith.constant 64 : i32
        } else {
        }
        %mul3A_128 = arith.constant 64 : i32
        %mul3A_129 = arith.muli %while3A_107, %mul3A_128 : i32
        %dma_wait3A = tpu.memref_slice %arg14[%mul3A_129] : memref<1024xi32, #tpu.memory_space<vmem>> -> memref<64xi32, #tpu.memory_space<vmem>>
        %dma_wait3A_130 = arith.constant 0 : i32
        %dma_wait3A_131 = arith.constant 0 : i32
        %dma_wait3A_132 = tpu.memref_slice %arg2[%dma_wait3A_130, %dma_wait3A_131] : memref<10000x128xf32, #tpu.memory_space<hbm>> -> memref<10000x128xf32, #tpu.memory_space<hbm>>
        tpu.wait_indirect_dma semaphore(%arg25 : memref<!tpu.dma_semaphore, #tpu.memory_space<semaphore_mem>>) src(%dma_wait3A_132 : memref<10000x128xf32, #tpu.memory_space<hbm>>) dst(%arg19 : memref<64x128xf32, #tpu.memory_space<vmem>>)
        %scan3A_133 = arith.constant 0 : i32
        %scan3A_134 = arith.constant 0 : i32
        %scan3A_135 = arith.constant 64 : i32
        %scan3A_136 = arith.addi %scan3A_134, %scan3A_135 : i32
        %scan3A_137 = arith.constant 1 : i32
        %scan3A_138 = scf.for %scan3A_147 = %scan3A_134 to %scan3A_136 step %scan3A_137 iter_args(%scan3A_148 = %scan3A_133) -> (i32)  : i32 {
          %mul3A_149 = arith.constant 4 : i32
          %mul3A_150 = arith.muli %scan3A_147, %mul3A_149 : i32
          %add3A_151 = arith.constant 0 : i32
          %add3A_152 = arith.addi %mul3A_150, %add3A_151 : i32
          %add3A_153 = vector.broadcast %add3A_152 : i32 to vector<16xi32>
          %add3A_154 = arith.addi %broadcast_in_dim3A_3, %add3A_153 : vector<16xi32>
          %gather3A = tpu.vector_load_idx %arg18[%add3A_154] : memref<256xf32, #tpu.memory_space<vmem>>[vector<16xi32>], vector<16xf32>,
          %mul3A_155 = arith.constant 4 : i32
          %mul3A_156 = arith.muli %scan3A_147, %mul3A_155 : i32
          %add3A_157 = arith.constant 1 : i32
          %add3A_158 = arith.addi %mul3A_156, %add3A_157 : i32
          %add3A_159 = vector.broadcast %add3A_158 : i32 to vector<16xi32>
          %add3A_160 = arith.addi %broadcast_in_dim3A_3, %add3A_159 : vector<16xi32>
          %gather3A_161 = tpu.vector_load_idx %arg18[%add3A_160] : memref<256xf32, #tpu.memory_space<vmem>>[vector<16xi32>], vector<16xf32>,
          %mul3A_162 = arith.constant 4 : i32
          %mul3A_163 = arith.muli %scan3A_147, %mul3A_162 : i32
          %add3A_164 = arith.constant 2 : i32
          %add3A_165 = arith.addi %mul3A_163, %add3A_164 : i32
          %add3A_166 = vector.broadcast %add3A_165 : i32 to vector<16xi32>
          %add3A_167 = arith.addi %broadcast_in_dim3A_3, %add3A_166 : vector<16xi32>
          %gather3A_168 = tpu.vector_load_idx %arg18[%add3A_167] : memref<256xf32, #tpu.memory_space<vmem>>[vector<16xi32>], vector<16xf32>,
          %mul3A_169 = arith.constant 4 : i32
          %mul3A_170 = arith.muli %scan3A_147, %mul3A_169 : i32
          %add3A_171 = arith.constant 3 : i32
          %add3A_172 = arith.addi %mul3A_170, %add3A_171 : i32
          %add3A_173 = vector.broadcast %add3A_172 : i32 to vector<16xi32>
          %add3A_174 = arith.addi %broadcast_in_dim3A_3, %add3A_173 : vector<16xi32>
          %gather3A_175 = tpu.vector_load_idx %arg18[%add3A_174] : memref<256xf32, #tpu.memory_space<vmem>>[vector<16xi32>], vector<16xf32>,
          %get3A = arith.index_cast %scan3A_147 : i32 to index
          %get3A_176 = arith.constant 0 : index
          %get3A_177 = tpu.vector_load %arg19[%get3A, %get3A_176] {strides = array<i32>} : memref<64x128xf32, #tpu.memory_space<vmem>>, vector<16xf32>,
          %mul3A_178 = arith.mulf %gather3A, %get3A_177 : vector<16xf32>
          %swap3A = arith.index_cast %scan3A_147 : i32 to index
          %swap3A_179 = arith.constant 0 : index
          %swap3A_180 = tpu.vector_load %arg23[%swap3A, %swap3A_179] {strides = array<i32>} : memref<128x128xf32, #tpu.memory_space<vmem>>, vector<16xf32>,
          tpu.vector_store %arg23[%swap3A, %swap3A_179], %mul3A_178 {strides = array<i32>} : memref<128x128xf32, #tpu.memory_space<vmem>>, vector<16xf32>,
          %get3A_181 = arith.index_cast %scan3A_147 : i32 to index
          %get3A_182 = arith.constant 16 : index
          %get3A_183 = tpu.vector_load %arg19[%get3A_181, %get3A_182] {strides = array<i32>} : memref<64x128xf32, #tpu.memory_space<vmem>>, vector<16xf32>,
          %mul3A_184 = arith.mulf %gather3A, %get3A_183 : vector<16xf32>
          %swap3A_185 = arith.index_cast %scan3A_147 : i32 to index
          %swap3A_186 = arith.constant 16 : index
          %swap3A_187 = tpu.vector_load %arg23[%swap3A_185, %swap3A_186] {strides = array<i32>} : memref<128x128xf32, #tpu.memory_space<vmem>>, vector<16xf32>,
          tpu.vector_store %arg23[%swap3A_185, %swap3A_186], %mul3A_184 {strides = array<i32>} : memref<128x128xf32, #tpu.memory_space<vmem>>, vector<16xf32>,
          %get3A_188 = arith.index_cast %scan3A_147 : i32 to index
          %get3A_189 = arith.constant 32 : index
          %get3A_190 = tpu.vector_load %arg19[%get3A_188, %get3A_189] {strides = array<i32>} : memref<64x128xf32, #tpu.memory_space<vmem>>, vector<16xf32>,
          %mul3A_191 = arith.mulf %gather3A_161, %get3A_190 : vector<16xf32>
          %swap3A_192 = arith.index_cast %scan3A_147 : i32 to index
          %swap3A_193 = arith.constant 32 : index
          %swap3A_194 = tpu.vector_load %arg23[%swap3A_192, %swap3A_193] {strides = array<i32>} : memref<128x128xf32, #tpu.memory_space<vmem>>, vector<16xf32>,
          tpu.vector_store %arg23[%swap3A_192, %swap3A_193], %mul3A_191 {strides = array<i32>} : memref<128x128xf32, #tpu.memory_space<vmem>>, vector<16xf32>,
          %get3A_195 = arith.index_cast %scan3A_147 : i32 to index
          %get3A_196 = arith.constant 48 : index
          %get3A_197 = tpu.vector_load %arg19[%get3A_195, %get3A_196] {strides = array<i32>} : memref<64x128xf32, #tpu.memory_space<vmem>>, vector<16xf32>,
          %mul3A_198 = arith.mulf %gather3A_161, %get3A_197 : vector<16xf32>
          %swap3A_199 = arith.index_cast %scan3A_147 : i32 to index
          %swap3A_200 = arith.constant 48 : index
          %swap3A_201 = tpu.vector_load %arg23[%swap3A_199, %swap3A_200] {strides = array<i32>} : memref<128x128xf32, #tpu.memory_space<vmem>>, vector<16xf32>,
          tpu.vector_store %arg23[%swap3A_199, %swap3A_200], %mul3A_198 {strides = array<i32>} : memref<128x128xf32, #tpu.memory_space<vmem>>, vector<16xf32>,
          %get3A_202 = arith.index_cast %scan3A_147 : i32 to index
          %get3A_203 = arith.constant 64 : index
          %get3A_204 = tpu.vector_load %arg19[%get3A_202, %get3A_203] {strides = array<i32>} : memref<64x128xf32, #tpu.memory_space<vmem>>, vector<16xf32>,
          %mul3A_205 = arith.mulf %gather3A_168, %get3A_204 : vector<16xf32>
          %swap3A_206 = arith.index_cast %scan3A_147 : i32 to index
          %swap3A_207 = arith.constant 64 : index
          %swap3A_208 = tpu.vector_load %arg23[%swap3A_206, %swap3A_207] {strides = array<i32>} : memref<128x128xf32, #tpu.memory_space<vmem>>, vector<16xf32>,
          tpu.vector_store %arg23[%swap3A_206, %swap3A_207], %mul3A_205 {strides = array<i32>} : memref<128x128xf32, #tpu.memory_space<vmem>>, vector<16xf32>,
          %get3A_209 = arith.index_cast %scan3A_147 : i32 to index
          %get3A_210 = arith.constant 80 : index
          %get3A_211 = tpu.vector_load %arg19[%get3A_209, %get3A_210] {strides = array<i32>} : memref<64x128xf32, #tpu.memory_space<vmem>>, vector<16xf32>,
          %mul3A_212 = arith.mulf %gather3A_168, %get3A_211 : vector<16xf32>
          %swap3A_213 = arith.index_cast %scan3A_147 : i32 to index
          %swap3A_214 = arith.constant 80 : index
          %swap3A_215 = tpu.vector_load %arg23[%swap3A_213, %swap3A_214] {strides = array<i32>} : memref<128x128xf32, #tpu.memory_space<vmem>>, vector<16xf32>,
          tpu.vector_store %arg23[%swap3A_213, %swap3A_214], %mul3A_212 {strides = array<i32>} : memref<128x128xf32, #tpu.memory_space<vmem>>, vector<16xf32>,
          %get3A_216 = arith.index_cast %scan3A_147 : i32 to index
          %get3A_217 = arith.constant 96 : index
          %get3A_218 = tpu.vector_load %arg19[%get3A_216, %get3A_217] {strides = array<i32>} : memref<64x128xf32, #tpu.memory_space<vmem>>, vector<16xf32>,
          %mul3A_219 = arith.mulf %gather3A_175, %get3A_218 : vector<16xf32>
          %swap3A_220 = arith.index_cast %scan3A_147 : i32 to index
          %swap3A_221 = arith.constant 96 : index
          %swap3A_222 = tpu.vector_load %arg23[%swap3A_220, %swap3A_221] {strides = array<i32>} : memref<128x128xf32, #tpu.memory_space<vmem>>, vector<16xf32>,
          tpu.vector_store %arg23[%swap3A_220, %swap3A_221], %mul3A_219 {strides = array<i32>} : memref<128x128xf32, #tpu.memory_space<vmem>>, vector<16xf32>,
          %get3A_223 = arith.index_cast %scan3A_147 : i32 to index
          %get3A_224 = arith.constant 112 : index
          %get3A_225 = tpu.vector_load %arg19[%get3A_223, %get3A_224] {strides = array<i32>} : memref<64x128xf32, #tpu.memory_space<vmem>>, vector<16xf32>,
          %mul3A_226 = arith.mulf %gather3A_175, %get3A_225 : vector<16xf32>
          %swap3A_227 = arith.index_cast %scan3A_147 : i32 to index
          %swap3A_228 = arith.constant 112 : index
          %swap3A_229 = tpu.vector_load %arg23[%swap3A_227, %swap3A_228] {strides = array<i32>} : memref<128x128xf32, #tpu.memory_space<vmem>>, vector<16xf32>,
          tpu.vector_store %arg23[%swap3A_227, %swap3A_228], %mul3A_226 {strides = array<i32>} : memref<128x128xf32, #tpu.memory_space<vmem>>, vector<16xf32>,
          %mul3A_230 = arith.constant 4 : i32
          %mul3A_231 = arith.muli %scan3A_147, %mul3A_230 : i32
          %and3A = arith.constant 3 : i32
          %and3A_232 = vector.broadcast %and3A : i32 to vector<16xi32>
          %and3A_233 = arith.andi %iota3A, %and3A_232 : vector<16xi32>
          %add3A_234 = vector.broadcast %mul3A_231 : i32 to vector<16xi32>
          %add3A_235 = arith.addi %add3A_234, %and3A_233 : vector<16xi32>
          %gather3A_236 = tpu.vector_load_idx %arg18[%add3A_235] : memref<256xf32, #tpu.memory_space<vmem>>[vector<16xi32>], vector<16xf32>,
          %mul3A_237 = arith.constant 64 : i32
          %mul3A_238 = arith.muli %while3A_107, %mul3A_237 : i32
          %add3A_239 = arith.addi %mul3A_238, %scan3A_147 : i32
          %add3A_240 = vector.broadcast %add3A_239 : i32 to vector<16xi32>
          %add3A_241 = arith.addi %broadcast_in_dim3A_3, %add3A_240 : vector<16xi32>
          %gather3A_242 = tpu.vector_load_idx %arg15[%add3A_241] : memref<1024xi32, #tpu.memory_space<vmem>>[vector<16xi32>], vector<16xi32>,
          %and3A_243 = arith.constant 31 : i32
          %and3A_244 = vector.broadcast %and3A_243 : i32 to vector<16xi32>
          %and3A_245 = arith.andi %gather3A_242, %and3A_244 : vector<16xi32>
          %shift_left3A_246 = arith.constant 2 : i32
          %shift_left3A_247 = vector.broadcast %shift_left3A_246 : i32 to vector<16xi32>
          %shift_left3A_248 = arith.shli %and3A_245, %shift_left3A_247 : vector<16xi32>
          %add3A_249 = arith.addi %shift_left3A_248, %iota3A : vector<16xi32>
          %and3A_250 = arith.constant 127 : i32
          %and3A_251 = vector.broadcast %and3A_250 : i32 to vector<16xi32>
          %and3A_252 = arith.andi %add3A_249, %and3A_251 : vector<16xi32>
          %lt3A_253 = arith.constant 4 : i32
          %lt3A_254 = vector.broadcast %lt3A_253 : i32 to vector<16xi32>
          %lt3A_255 = arith.cmpi slt, %iota3A, %lt3A_254 : vector<16xi32>
          %jit3A = arith.constant 0.000000e+00 : f32
          %broadcast_in_dim3A_256 = vector.broadcast %jit3A : f32 to vector<16xf32>
          %select_n3A = arith.select %lt3A_255, %gather3A_236, %broadcast_in_dim3A_256 : vector<16xi1>, vector<16xf32>
          %add3A_257 = arith.constant 64 : i32
          %add3A_258 = arith.addi %add3A_257, %scan3A_147 : i32
          %add3A_259 = vector.broadcast %add3A_258 : i32 to vector<16xi32>
          %add3A_260 = arith.addi %broadcast_in_dim3A_3, %add3A_259 : vector<16xi32>
          tpu.vector_store_idx %arg23[%add3A_260, %and3A_252], %select_n3A : memref<128x128xf32, #tpu.memory_space<vmem>>[vector<16xi32>, vector<16xi32>], vector<16xf32>,
          %scan3A_261 = arith.constant 0 : i32
          scf.yield %scan3A_261 : i32
        }
        %scan3A_139 = arith.constant 64 : i32
        %dma_start3A_140 = arith.constant 0 : i32
        %dma_start3A_141 = tpu.memref_slice %arg17[%while3A_107, %dma_start3A_140] : memref<16x128xi32, #tpu.memory_space<vmem>> -> memref<1x128xi32, #tpu.memory_space<vmem>>
        %dma_start3A_142 = tpu.memref_squeeze %dma_start3A_141 : memref<1x128xi32, #tpu.memory_space<vmem>> -> memref<128xi32, #tpu.memory_space<vmem>>
        %dma_start3A_143 = arith.constant 0 : i32
        %dma_start3A_144 = arith.constant 0 : i32
        %dma_start3A_145 = tpu.memref_slice %arg9[%dma_start3A_143, %dma_start3A_144] : memref<5376x128xf32, #tpu.memory_space<vmem_shared>> -> memref<5376x128xf32, #tpu.memory_space<vmem_shared>>
        tpu.enqueue_indirect_dma source(%arg23 : memref<128x128xf32, #tpu.memory_space<vmem>>) target(%dma_start3A_145 : memref<5376x128xf32, #tpu.memory_space<vmem_shared>>) offsets(%dma_start3A_142 : memref<128xi32, #tpu.memory_space<vmem>>) semaphore(%arg26 : memref<!tpu.dma_semaphore, #tpu.memory_space<semaphore_mem>>) {add = true}
        %while3A_146 = arith.constant 0 : i32
        scf.yield %while3A_146 : i32
      }
      %gt3A = arith.constant 0 : i32
      %gt3A_102 = arith.cmpi sgt, %shift_right_arithmetic3A_77, %gt3A : i32
      %convert_element_type3A_103 = arith.extui %gt3A_102 : i1 to i32
      %cond3A_104 = arith.constant 0 : i32
      %cond3A_105 = arith.cmpi ne, %convert_element_type3A_103, %cond3A_104 : i32
      scf.if %cond3A_105 {
        %sub3A = arith.constant 1 : i32
        %sub3A_107 = arith.subi %shift_right_arithmetic3A_77, %sub3A : i32
        %dma_wait3A = arith.constant 0 : i32
        %dma_wait3A_108 = tpu.memref_slice %arg17[%sub3A_107, %dma_wait3A] : memref<16x128xi32, #tpu.memory_space<vmem>> -> memref<1x128xi32, #tpu.memory_space<vmem>>
        %dma_wait3A_109 = tpu.memref_squeeze %dma_wait3A_108 : memref<1x128xi32, #tpu.memory_space<vmem>> -> memref<128xi32, #tpu.memory_space<vmem>>
        %dma_wait3A_110 = arith.constant 0 : i32
        %dma_wait3A_111 = arith.constant 0 : i32
        %dma_wait3A_112 = tpu.memref_slice %arg9[%dma_wait3A_110, %dma_wait3A_111] : memref<5376x128xf32, #tpu.memory_space<vmem_shared>> -> memref<5376x128xf32, #tpu.memory_space<vmem_shared>>
        tpu.wait_indirect_dma semaphore(%arg26 : memref<!tpu.dma_semaphore, #tpu.memory_space<semaphore_mem>>) src(%arg23 : memref<128x128xf32, #tpu.memory_space<vmem>>) dst(%dma_wait3A_112 : memref<5376x128xf32, #tpu.memory_space<vmem_shared>>)
        %scan3A_113 = arith.constant 0 : i32
        %scan3A_114 = arith.constant 0 : i32
        %scan3A_115 = arith.constant 64 : i32
        %scan3A_116 = arith.addi %scan3A_114, %scan3A_115 : i32
        %scan3A_117 = arith.constant 1 : i32
        %scan3A_118 = scf.for %scan3A_120 = %scan3A_114 to %scan3A_116 step %scan3A_117 iter_args(%scan3A_121 = %scan3A_113) -> (i32)  : i32 {
          %mul3A_122 = arith.constant 64 : i32
          %mul3A_123 = arith.muli %sub3A_107, %mul3A_122 : i32
          %add3A_124 = arith.addi %mul3A_123, %scan3A_120 : i32
          %add3A_125 = vector.broadcast %add3A_124 : i32 to vector<16xi32>
          %add3A_126 = arith.addi %broadcast_in_dim3A_3, %add3A_125 : vector<16xi32>
          %gather3A = tpu.vector_load_idx %arg15[%add3A_126] : memref<1024xi32, #tpu.memory_space<vmem>>[vector<16xi32>], vector<16xi32>,
          %and3A = arith.constant 31 : i32
          %and3A_127 = vector.broadcast %and3A : i32 to vector<16xi32>
          %and3A_128 = arith.andi %gather3A, %and3A_127 : vector<16xi32>
          %shift_left3A_129 = arith.constant 2 : i32
          %shift_left3A_130 = vector.broadcast %shift_left3A_129 : i32 to vector<16xi32>
          %shift_left3A_131 = arith.shli %and3A_128, %shift_left3A_130 : vector<16xi32>
          %add3A_132 = arith.addi %shift_left3A_131, %iota3A : vector<16xi32>
          %and3A_133 = arith.constant 127 : i32
          %and3A_134 = vector.broadcast %and3A_133 : i32 to vector<16xi32>
          %and3A_135 = arith.andi %add3A_132, %and3A_134 : vector<16xi32>
          %add3A_136 = arith.constant 64 : i32
          %add3A_137 = arith.addi %add3A_136, %scan3A_120 : i32
          %add3A_138 = vector.broadcast %add3A_137 : i32 to vector<16xi32>
          %add3A_139 = arith.addi %broadcast_in_dim3A_3, %add3A_138 : vector<16xi32>
          tpu.vector_store_idx %arg23[%add3A_139, %and3A_135], %broadcast_in_dim3A_1 : memref<128x128xf32, #tpu.memory_space<vmem>>[vector<16xi32>, vector<16xi32>], vector<16xf32>,
          %scan3A_140 = arith.constant 0 : i32
          scf.yield %scan3A_140 : i32
        }
        %scan3A_119 = arith.constant 64 : i32
      } else {
      }
      %scan3A_106 = arith.constant 0 : i32
      scf.yield %scan3A_106 : i32
    }
    %scan3A_39 = arith.constant 50 : i32
    %barrier3A_40 = arith.constant 0 : index
    tpu.barrier barrier_id(%barrier3A_40)
    %lt3A = arith.constant 15 : i32
    %lt3A_41 = arith.cmpi slt, %arg1, %lt3A : i32
    %convert_element_type3A = arith.extui %lt3A_41 : i1 to i32
    %cond3A = arith.constant 0 : i32
    %cond3A_42 = arith.cmpi ne, %convert_element_type3A, %cond3A : i32
    scf.if %cond3A_42 {
      %mul3A_52 = arith.constant 312 : i32
      %mul3A_53 = arith.muli %arg1, %mul3A_52 : i32
      %mul3A_54 = arith.constant 312 : i32
      %mul3A_55 = arith.muli %arg1, %mul3A_54 : i32
      %add3A = arith.addi %mul3A_0, %mul3A_55 : i32
      "tpu.region"() ({
        %run_scoped3A = tpu.sem_alloc : memref<!tpu.dma_semaphore, #tpu.memory_space<semaphore_mem>>
        %dma_start3A = arith.constant 0 : i32
        %dma_start3A_56 = tpu.memref_slice %arg7[%add3A, %dma_start3A] : memref<10000x128xf32, #tpu.memory_space<hbm>> -> memref<312x128xf32, #tpu.memory_space<hbm>>
        %dma_start3A_57 = arith.constant 0 : i32
        %dma_start3A_58 = tpu.memref_slice %arg9[%mul3A_53, %dma_start3A_57] : memref<5376x128xf32, #tpu.memory_space<vmem_shared>> -> memref<312x128xf32, #tpu.memory_space<vmem_shared>>
        tpu.enqueue_dma source(%dma_start3A_58 : memref<312x128xf32, #tpu.memory_space<vmem_shared>>) target(%dma_start3A_56 : memref<312x128xf32, #tpu.memory_space<hbm>>) target_semaphore(%run_scoped3A : memref<!tpu.dma_semaphore, #tpu.memory_space<semaphore_mem>>)
        %dma_wait3A = arith.constant 0 : i32
        %dma_wait3A_59 = tpu.memref_slice %arg7[%add3A, %dma_wait3A] : memref<10000x128xf32, #tpu.memory_space<hbm>> -> memref<312x128xf32, #tpu.memory_space<hbm>>
        %dma_wait3A_60 = arith.constant 0 : i32
        %dma_wait3A_61 = tpu.memref_slice %arg9[%mul3A_53, %dma_wait3A_60] : memref<5376x128xf32, #tpu.memory_space<vmem_shared>> -> memref<312x128xf32, #tpu.memory_space<vmem_shared>>
        tpu.wait_dma2 semaphore(%run_scoped3A : memref<!tpu.dma_semaphore, #tpu.memory_space<semaphore_mem>>) src(%dma_wait3A_61 : memref<312x128xf32, #tpu.memory_space<vmem_shared>>) dst(%dma_wait3A_59 : memref<312x128xf32, #tpu.memory_space<hbm>>)
        tpu.yield
      }) : () -> ()
    } else {
    }
    %eq3A = arith.constant 15 : i32
    %eq3A_43 = arith.cmpi eq, %arg1, %eq3A : i32
    %convert_element_type3A_44 = arith.extui %eq3A_43 : i1 to i32
    %cond3A_45 = arith.constant 0 : i32
    %cond3A_46 = arith.cmpi ne, %convert_element_type3A_44, %cond3A_45 : i32
    scf.if %cond3A_46 {
      %add3A = arith.constant 4680 : i32
      %add3A_52 = arith.addi %mul3A_0, %add3A : i32
      "tpu.region"() ({
        %run_scoped3A = tpu.sem_alloc : memref<!tpu.dma_semaphore, #tpu.memory_space<semaphore_mem>>
        %dma_start3A = arith.constant 0 : i32
        %dma_start3A_53 = tpu.memref_slice %arg7[%add3A_52, %dma_start3A] : memref<10000x128xf32, #tpu.memory_space<hbm>> -> memref<320x128xf32, #tpu.memory_space<hbm>>
        %dma_start3A_54 = arith.constant 4680 : i32
        %dma_start3A_55 = arith.constant 0 : i32
        %dma_start3A_56 = tpu.memref_slice %arg9[%dma_start3A_54, %dma_start3A_55] : memref<5376x128xf32, #tpu.memory_space<vmem_shared>> -> memref<320x128xf32, #tpu.memory_space<vmem_shared>>
        tpu.enqueue_dma source(%dma_start3A_56 : memref<320x128xf32, #tpu.memory_space<vmem_shared>>) target(%dma_start3A_53 : memref<320x128xf32, #tpu.memory_space<hbm>>) target_semaphore(%run_scoped3A : memref<!tpu.dma_semaphore, #tpu.memory_space<semaphore_mem>>)
        %dma_wait3A = arith.constant 0 : i32
        %dma_wait3A_57 = tpu.memref_slice %arg7[%add3A_52, %dma_wait3A] : memref<10000x128xf32, #tpu.memory_space<hbm>> -> memref<320x128xf32, #tpu.memory_space<hbm>>
        %dma_wait3A_58 = arith.constant 4680 : i32
        %dma_wait3A_59 = arith.constant 0 : i32
        %dma_wait3A_60 = tpu.memref_slice %arg9[%dma_wait3A_58, %dma_wait3A_59] : memref<5376x128xf32, #tpu.memory_space<vmem_shared>> -> memref<320x128xf32, #tpu.memory_space<vmem_shared>>
        tpu.wait_dma2 semaphore(%run_scoped3A : memref<!tpu.dma_semaphore, #tpu.memory_space<semaphore_mem>>) src(%dma_wait3A_60 : memref<320x128xf32, #tpu.memory_space<vmem_shared>>) dst(%dma_wait3A_57 : memref<320x128xf32, #tpu.memory_space<hbm>>)
        tpu.yield
      }) : () -> ()
    } else {
    }
    %lt3A_47 = arith.constant 10 : i32
    %lt3A_48 = arith.cmpi slt, %arg1, %lt3A_47 : i32
    %convert_element_type3A_49 = arith.extui %lt3A_48 : i1 to i32
    %cond3A_50 = arith.constant 0 : i32
    %cond3A_51 = arith.cmpi ne, %convert_element_type3A_49, %cond3A_50 : i32
    scf.if %cond3A_51 {
      %mul3A_52 = arith.constant 16 : i32
      %mul3A_53 = arith.muli %arg1, %mul3A_52 : i32
      %add3A = arith.constant 5008 : i32
      %add3A_54 = arith.addi %add3A, %mul3A_53 : i32
      %mul3A_55 = arith.constant 160 : i32
      %mul3A_56 = arith.muli %arg0, %mul3A_55 : i32
      %mul3A_57 = arith.constant 16 : i32
      %mul3A_58 = arith.muli %arg1, %mul3A_57 : i32
      %add3A_59 = arith.addi %mul3A_56, %mul3A_58 : i32
      "tpu.region"() ({
        %run_scoped3A = tpu.sem_alloc : memref<!tpu.dma_semaphore, #tpu.memory_space<semaphore_mem>>
        %dma_start3A = arith.constant 0 : i32
        %dma_start3A_60 = tpu.memref_slice %arg8[%add3A_59, %dma_start3A] : memref<320x128xf32, #tpu.memory_space<hbm>> -> memref<16x128xf32, #tpu.memory_space<hbm>>
        %dma_start3A_61 = arith.constant 0 : i32
        %dma_start3A_62 = tpu.memref_slice %arg9[%add3A_54, %dma_start3A_61] : memref<5376x128xf32, #tpu.memory_space<vmem_shared>> -> memref<16x128xf32, #tpu.memory_space<vmem_shared>>
        tpu.enqueue_dma source(%dma_start3A_62 : memref<16x128xf32, #tpu.memory_space<vmem_shared>>) target(%dma_start3A_60 : memref<16x128xf32, #tpu.memory_space<hbm>>) target_semaphore(%run_scoped3A : memref<!tpu.dma_semaphore, #tpu.memory_space<semaphore_mem>>)
        %dma_wait3A = arith.constant 0 : i32
        %dma_wait3A_63 = tpu.memref_slice %arg8[%add3A_59, %dma_wait3A] : memref<320x128xf32, #tpu.memory_space<hbm>> -> memref<16x128xf32, #tpu.memory_space<hbm>>
        %dma_wait3A_64 = arith.constant 0 : i32
        %dma_wait3A_65 = tpu.memref_slice %arg9[%add3A_54, %dma_wait3A_64] : memref<5376x128xf32, #tpu.memory_space<vmem_shared>> -> memref<16x128xf32, #tpu.memory_space<vmem_shared>>
        tpu.wait_dma2 semaphore(%run_scoped3A : memref<!tpu.dma_semaphore, #tpu.memory_space<semaphore_mem>>) src(%dma_wait3A_65 : memref<16x128xf32, #tpu.memory_space<vmem_shared>>) dst(%dma_wait3A_63 : memref<16x128xf32, #tpu.memory_space<hbm>>)
        tpu.yield
      }) : () -> ()
    } else {
    }
    return
  }
}

#map = affine_map<(d0, d1) -> (0, 0)>
#map1 = affine_map<(d0, d1) -> (0)>
module attributes {stable_mosaic.version = 14 : i64} {
  func.func @_sc_gat(%arg0: i32, %arg1: i32, %arg2: memref<10000x128xf32, #tpu.memory_space<hbm>>, %arg3: memref<336x128xf32, #tpu.memory_space<hbm>>, %arg4: memref<40000xf32, #tpu.memory_space<hbm>>, %arg5: memref<640000xi32, #tpu.memory_space<hbm>>, %arg6: memref<640000xi32, #tpu.memory_space<hbm>>, %arg7: memref<10000x128xf32, #tpu.memory_space<hbm>>, %arg8: memref<320x128xf32, #tpu.memory_space<hbm>>, %arg9: memref<5376x128xf32, #tpu.memory_space<vmem_shared>>, %arg10: memref<336x128xf32, #tpu.memory_space<vmem_shared>>, %arg11: memref<20000xf32, #tpu.memory_space<vmem>>, %arg12: memref<800xi32, #tpu.memory_space<vmem>>, %arg13: memref<800xi32, #tpu.memory_space<vmem>>, %arg14: memref<1024xi32, #tpu.memory_space<vmem>>, %arg15: memref<1024xi32, #tpu.memory_space<vmem>>, %arg16: memref<1024xi32, #tpu.memory_space<vmem>>, %arg17: memref<16x128xi32, #tpu.memory_space<vmem>>, %arg18: memref<256xf32, #tpu.memory_space<vmem>>, %arg19: memref<64x128xf32, #tpu.memory_space<vmem>>, %arg20: memref<64x128xf32, #tpu.memory_space<vmem>>, %arg21: memref<64x128xf32, #tpu.memory_space<vmem>>, %arg22: memref<64x128xf32, #tpu.memory_space<vmem>>, %arg23: memref<128x128xf32, #tpu.memory_space<vmem>>, %arg24: memref<16x128xf32, #tpu.memory_space<vmem>>, %arg25: memref<!tpu.dma_semaphore, #tpu.memory_space<semaphore_mem>>, %arg26: memref<!tpu.dma_semaphore, #tpu.memory_space<semaphore_mem>>, %arg27: memref<!tpu.dma_semaphore, #tpu.memory_space<semaphore_mem>>, %arg28: memref<!tpu.dma_semaphore, #tpu.memory_space<semaphore_mem>>) attributes {dimension_semantics = [#tpu.dimension_semantics<core_parallel>, #tpu.dimension_semantics<subcore_parallel>], iteration_bounds = array<i64: 2, 16>, scalar_prefetch = 0 : i64, scratch_operands = 20 : i64, tpu.core_type = #tpu.core_type<sc_vector_subcore>, window_params = [{transform_indices = #map}, {transform_indices = #map}, {transform_indices = #map1}, {transform_indices = #map1}, {transform_indices = #map1}, {transform_indices = #map}, {transform_indices = #map}]} {
    %mul3A = arith.constant 5000 : i32
    %mul3A_0 = arith.muli %arg0, %mul3A : i32
    %iota3A = tpu.iota {dimensions = array<i32: 0>} : vector<16xi32>
    %broadcast_in_dim3A = arith.constant 0.000000e+00 : f32
    %broadcast_in_dim3A_1 = vector.broadcast %broadcast_in_dim3A : f32 to vector<16xf32>
    %broadcast_in_dim3A_2 = arith.constant 0 : i32
    %broadcast_in_dim3A_3 = vector.broadcast %broadcast_in_dim3A_2 : i32 to vector<16xi32>
    %scan3A = arith.constant 0 : i32
    %scan3A_4 = arith.constant 0 : i32
    %scan3A_5 = arith.constant 16 : i32
    %scan3A_6 = arith.addi %scan3A_4, %scan3A_5 : i32
    %scan3A_7 = arith.constant 1 : i32
    %scan3A_8 = scf.for %scan3A_52 = %scan3A_4 to %scan3A_6 step %scan3A_7 iter_args(%scan3A_53 = %scan3A) -> (i32)  : i32 {
      %scan3A_54 = arith.constant 0 : i32
      %scan3A_55 = arith.constant 0 : i32
      %scan3A_56 = arith.constant 8 : i32
      %scan3A_57 = arith.addi %scan3A_55, %scan3A_56 : i32
      %scan3A_58 = arith.constant 1 : i32
      %scan3A_59 = scf.for %scan3A_61 = %scan3A_55 to %scan3A_57 step %scan3A_58 iter_args(%scan3A_62 = %scan3A_54) -> (i32)  : i32 {
        %mul3A_63 = arith.constant 16 : i32
        %mul3A_64 = arith.muli %scan3A_61, %mul3A_63 : i32
        %swap3A = arith.index_cast %scan3A_52 : i32 to index
        %swap3A_65 = arith.index_cast %mul3A_64 : i32 to index
        %swap3A_66 = tpu.vector_load %arg24[%swap3A, %swap3A_65] {strides = array<i32>} : memref<16x128xf32, #tpu.memory_space<vmem>>, vector<16xf32>,
        tpu.vector_store %arg24[%swap3A, %swap3A_65], %broadcast_in_dim3A_1 {strides = array<i32>} : memref<16x128xf32, #tpu.memory_space<vmem>>, vector<16xf32>,
        %scan3A_67 = arith.constant 0 : i32
        scf.yield %scan3A_67 : i32
      }
      %scan3A_60 = arith.constant 8 : i32
      scf.yield %scan3A_59 : i32
    }
    %scan3A_9 = arith.constant 16 : i32
    %scan3A_10 = arith.constant 0 : i32
    %scan3A_11 = arith.constant 0 : i32
    %scan3A_12 = arith.constant 64 : i32
    %scan3A_13 = arith.addi %scan3A_11, %scan3A_12 : i32
    %scan3A_14 = arith.constant 1 : i32
    %scan3A_15 = scf.for %scan3A_52 = %scan3A_11 to %scan3A_13 step %scan3A_14 iter_args(%scan3A_53 = %scan3A_10) -> (i32)  : i32 {
      %scan3A_54 = arith.constant 0 : i32
      %scan3A_55 = arith.constant 0 : i32
      %scan3A_56 = arith.constant 8 : i32
      %scan3A_57 = arith.addi %scan3A_55, %scan3A_56 : i32
      %scan3A_58 = arith.constant 1 : i32
      %scan3A_59 = scf.for %scan3A_61 = %scan3A_55 to %scan3A_57 step %scan3A_58 iter_args(%scan3A_62 = %scan3A_54) -> (i32)  : i32 {
        %add3A = arith.constant 64 : i32
        %add3A_63 = arith.addi %add3A, %scan3A_52 : i32
        %mul3A_64 = arith.constant 16 : i32
        %mul3A_65 = arith.muli %scan3A_61, %mul3A_64 : i32
        %swap3A = arith.index_cast %add3A_63 : i32 to index
        %swap3A_66 = arith.index_cast %mul3A_65 : i32 to index
        %swap3A_67 = tpu.vector_load %arg23[%swap3A, %swap3A_66] {strides = array<i32>} : memref<128x128xf32, #tpu.memory_space<vmem>>, vector<16xf32>,
        tpu.vector_store %arg23[%swap3A, %swap3A_66], %broadcast_in_dim3A_1 {strides = array<i32>} : memref<128x128xf32, #tpu.memory_space<vmem>>, vector<16xf32>,
        %scan3A_68 = arith.constant 0 : i32
        scf.yield %scan3A_68 : i32
      }
      %scan3A_60 = arith.constant 8 : i32
      scf.yield %scan3A_59 : i32
    }
    %scan3A_16 = arith.constant 64 : i32
    %scan3A_17 = arith.constant 0 : i32
    %scan3A_18 = arith.constant 0 : i32
    %scan3A_19 = arith.constant 21 : i32
    %scan3A_20 = arith.addi %scan3A_18, %scan3A_19 : i32
    %scan3A_21 = arith.constant 1 : i32
    %scan3A_22 = scf.for %scan3A_52 = %scan3A_18 to %scan3A_20 step %scan3A_21 iter_args(%scan3A_53 = %scan3A_17) -> (i32)  : i32 {
      %mul3A_54 = arith.constant 336 : i32
      %mul3A_55 = arith.muli %arg1, %mul3A_54 : i32
      %mul3A_56 = arith.constant 16 : i32
      %mul3A_57 = arith.muli %scan3A_52, %mul3A_56 : i32
      %add3A = arith.addi %mul3A_55, %mul3A_57 : i32
      "tpu.region"() ({
        %run_scoped3A = tpu.sem_alloc : memref<!tpu.dma_semaphore, #tpu.memory_space<semaphore_mem>>
        %dma_start3A = arith.constant 0 : i32
        %dma_start3A_59 = tpu.memref_slice %arg9[%add3A, %dma_start3A] : memref<5376x128xf32, #tpu.memory_space<vmem_shared>> -> memref<16x128xf32, #tpu.memory_space<vmem_shared>>
        %dma_start3A_60 = arith.constant 0 : i32
        %dma_start3A_61 = tpu.memref_slice %arg9[%add3A, %dma_start3A_60] : memref<5376x128xf32, #tpu.memory_space<vmem_shared>> -> memref<16x128xf32, #tpu.memory_space<vmem_shared>>
        tpu.enqueue_dma source(%arg24 : memref<16x128xf32, #tpu.memory_space<vmem>>) target(%dma_start3A_61 : memref<16x128xf32, #tpu.memory_space<vmem_shared>>) target_semaphore(%run_scoped3A : memref<!tpu.dma_semaphore, #tpu.memory_space<semaphore_mem>>)
        %dma_wait3A = arith.constant 0 : i32
        %dma_wait3A_62 = tpu.memref_slice %arg9[%add3A, %dma_wait3A] : memref<5376x128xf32, #tpu.memory_space<vmem_shared>> -> memref<16x128xf32, #tpu.memory_space<vmem_shared>>
        %dma_wait3A_63 = arith.constant 0 : i32
        %dma_wait3A_64 = tpu.memref_slice %arg9[%add3A, %dma_wait3A_63] : memref<5376x128xf32, #tpu.memory_space<vmem_shared>> -> memref<16x128xf32, #tpu.memory_space<vmem_shared>>
        tpu.wait_dma2 semaphore(%run_scoped3A : memref<!tpu.dma_semaphore, #tpu.memory_space<semaphore_mem>>) src(%arg24 : memref<16x128xf32, #tpu.memory_space<vmem>>) dst(%dma_wait3A_64 : memref<16x128xf32, #tpu.memory_space<vmem_shared>>)
        tpu.yield
      }) : () -> ()
      %scan3A_58 = arith.constant 0 : i32
      scf.yield %scan3A_58 : i32
    }
    %scan3A_23 = arith.constant 21 : i32
    %scan3A_24 = arith.constant 0 : i32
    %scan3A_25 = arith.constant 0 : i32
    %scan3A_26 = arith.constant 2 : i32
    %scan3A_27 = arith.addi %scan3A_25, %scan3A_26 : i32
    %scan3A_28 = arith.constant 1 : i32
    %scan3A_29 = scf.for %scan3A_52 = %scan3A_25 to %scan3A_27 step %scan3A_28 iter_args(%scan3A_53 = %scan3A_24) -> (i32)  : i32 {
      %mul3A_54 = arith.constant 16 : i32
      %mul3A_55 = arith.muli %scan3A_52, %mul3A_54 : i32
      %add3A = arith.addi %arg1, %mul3A_55 : i32
      %lt3A_56 = arith.constant 21 : i32
      %lt3A_57 = arith.cmpi slt, %add3A, %lt3A_56 : i32
      %convert_element_type3A_58 = arith.extui %lt3A_57 : i1 to i32
      %cond3A_59 = arith.constant 0 : i32
      %cond3A_60 = arith.cmpi ne, %convert_element_type3A_58, %cond3A_59 : i32
      scf.if %cond3A_60 {
        %mul3A_62 = arith.constant 16 : i32
        %mul3A_63 = arith.muli %add3A, %mul3A_62 : i32
        "tpu.region"() ({
          %run_scoped3A = tpu.sem_alloc : memref<!tpu.dma_semaphore, #tpu.memory_space<semaphore_mem>>
          %dma_start3A = arith.constant 0 : i32
          %dma_start3A_64 = arith.constant 0 : i32
          %dma_start3A_65 = tpu.memref_slice %arg19[%dma_start3A, %dma_start3A_64] : memref<64x128xf32, #tpu.memory_space<vmem>> -> memref<16x128xf32, #tpu.memory_space<vmem>>
          %dma_start3A_66 = arith.constant 0 : i32
          %dma_start3A_67 = tpu.memref_slice %arg3[%mul3A_63, %dma_start3A_66] : memref<336x128xf32, #tpu.memory_space<hbm>> -> memref<16x128xf32, #tpu.memory_space<hbm>>
          %dma_start3A_68 = arith.constant 0 : i32
          %dma_start3A_69 = arith.constant 0 : i32
          %dma_start3A_70 = tpu.memref_slice %arg19[%dma_start3A_68, %dma_start3A_69] : memref<64x128xf32, #tpu.memory_space<vmem>> -> memref<16x128xf32, #tpu.memory_space<vmem>>
          %dma_start3A_71 = arith.constant 0 : i32
          %dma_start3A_72 = tpu.memref_slice %arg3[%mul3A_63, %dma_start3A_71] : memref<336x128xf32, #tpu.memory_space<hbm>> -> memref<16x128xf32, #tpu.memory_space<hbm>>
          tpu.enqueue_dma source(%dma_start3A_72 : memref<16x128xf32, #tpu.memory_space<hbm>>) target(%dma_start3A_70 : memref<16x128xf32, #tpu.memory_space<vmem>>) target_semaphore(%run_scoped3A : memref<!tpu.dma_semaphore, #tpu.memory_space<semaphore_mem>>)
          %dma_wait3A = arith.constant 0 : i32
          %dma_wait3A_73 = arith.constant 0 : i32
          %dma_wait3A_74 = tpu.memref_slice %arg19[%dma_wait3A, %dma_wait3A_73] : memref<64x128xf32, #tpu.memory_space<vmem>> -> memref<16x128xf32, #tpu.memory_space<vmem>>
          %dma_wait3A_75 = arith.constant 0 : i32
          %dma_wait3A_76 = tpu.memref_slice %arg3[%mul3A_63, %dma_wait3A_75] : memref<336x128xf32, #tpu.memory_space<hbm>> -> memref<16x128xf32, #tpu.memory_space<hbm>>
          %dma_wait3A_77 = arith.constant 0 : i32
          %dma_wait3A_78 = arith.constant 0 : i32
          %dma_wait3A_79 = tpu.memref_slice %arg19[%dma_wait3A_77, %dma_wait3A_78] : memref<64x128xf32, #tpu.memory_space<vmem>> -> memref<16x128xf32, #tpu.memory_space<vmem>>
          %dma_wait3A_80 = arith.constant 0 : i32
          %dma_wait3A_81 = tpu.memref_slice %arg3[%mul3A_63, %dma_wait3A_80] : memref<336x128xf32, #tpu.memory_space<hbm>> -> memref<16x128xf32, #tpu.memory_space<hbm>>
          tpu.wait_dma2 semaphore(%run_scoped3A : memref<!tpu.dma_semaphore, #tpu.memory_space<semaphore_mem>>) src(%dma_wait3A_81 : memref<16x128xf32, #tpu.memory_space<hbm>>) dst(%dma_wait3A_79 : memref<16x128xf32, #tpu.memory_space<vmem>>)
          tpu.yield
        }) : () -> ()
        "tpu.region"() ({
          %run_scoped3A = tpu.sem_alloc : memref<!tpu.dma_semaphore, #tpu.memory_space<semaphore_mem>>
          %dma_start3A = arith.constant 0 : i32
          %dma_start3A_64 = arith.constant 0 : i32
          %dma_start3A_65 = tpu.memref_slice %arg19[%dma_start3A, %dma_start3A_64] : memref<64x128xf32, #tpu.memory_space<vmem>> -> memref<16x128xf32, #tpu.memory_space<vmem>>
          %dma_start3A_66 = arith.constant 0 : i32
          %dma_start3A_67 = tpu.memref_slice %arg10[%mul3A_63, %dma_start3A_66] : memref<336x128xf32, #tpu.memory_space<vmem_shared>> -> memref<16x128xf32, #tpu.memory_space<vmem_shared>>
          %dma_start3A_68 = arith.constant 0 : i32
          %dma_start3A_69 = tpu.memref_slice %arg10[%mul3A_63, %dma_start3A_68] : memref<336x128xf32, #tpu.memory_space<vmem_shared>> -> memref<16x128xf32, #tpu.memory_space<vmem_shared>>
          %dma_start3A_70 = arith.constant 0 : i32
          %dma_start3A_71 = arith.constant 0 : i32
          %dma_start3A_72 = tpu.memref_slice %arg19[%dma_start3A_70, %dma_start3A_71] : memref<64x128xf32, #tpu.memory_space<vmem>> -> memref<16x128xf32, #tpu.memory_space<vmem>>
          tpu.enqueue_dma source(%dma_start3A_72 : memref<16x128xf32, #tpu.memory_space<vmem>>) target(%dma_start3A_69 : memref<16x128xf32, #tpu.memory_space<vmem_shared>>) target_semaphore(%run_scoped3A : memref<!tpu.dma_semaphore, #tpu.memory_space<semaphore_mem>>)
          %dma_wait3A = arith.constant 0 : i32
          %dma_wait3A_73 = arith.constant 0 : i32
          %dma_wait3A_74 = tpu.memref_slice %arg19[%dma_wait3A, %dma_wait3A_73] : memref<64x128xf32, #tpu.memory_space<vmem>> -> memref<16x128xf32, #tpu.memory_space<vmem>>
          %dma_wait3A_75 = arith.constant 0 : i32
          %dma_wait3A_76 = tpu.memref_slice %arg10[%mul3A_63, %dma_wait3A_75] : memref<336x128xf32, #tpu.memory_space<vmem_shared>> -> memref<16x128xf32, #tpu.memory_space<vmem_shared>>
          %dma_wait3A_77 = arith.constant 0 : i32
          %dma_wait3A_78 = tpu.memref_slice %arg10[%mul3A_63, %dma_wait3A_77] : memref<336x128xf32, #tpu.memory_space<vmem_shared>> -> memref<16x128xf32, #tpu.memory_space<vmem_shared>>
          %dma_wait3A_79 = arith.constant 0 : i32
          %dma_wait3A_80 = arith.constant 0 : i32
          %dma_wait3A_81 = tpu.memref_slice %arg19[%dma_wait3A_79, %dma_wait3A_80] : memref<64x128xf32, #tpu.memory_space<vmem>> -> memref<16x128xf32, #tpu.memory_space<vmem>>
          tpu.wait_dma2 semaphore(%run_scoped3A : memref<!tpu.dma_semaphore, #tpu.memory_space<semaphore_mem>>) src(%dma_wait3A_81 : memref<16x128xf32, #tpu.memory_space<vmem>>) dst(%dma_wait3A_78 : memref<16x128xf32, #tpu.memory_space<vmem_shared>>)
          tpu.yield
        }) : () -> ()
      } else {
      }
      %scan3A_61 = arith.constant 0 : i32
      scf.yield %scan3A_61 : i32
    }
    %scan3A_30 = arith.constant 2 : i32
    %mul3A_31 = arith.constant 4 : i32
    %mul3A_32 = arith.muli %mul3A_0, %mul3A_31 : i32
    "tpu.region"() ({
      %run_scoped3A = tpu.sem_alloc : memref<!tpu.dma_semaphore, #tpu.memory_space<semaphore_mem>>
      %dma_start3A = tpu.memref_slice %arg4[%mul3A_32] : memref<40000xf32, #tpu.memory_space<hbm>> -> memref<20000xf32, #tpu.memory_space<hbm>>
      %dma_start3A_52 = tpu.memref_slice %arg4[%mul3A_32] : memref<40000xf32, #tpu.memory_space<hbm>> -> memref<20000xf32, #tpu.memory_space<hbm>>
      tpu.enqueue_dma source(%dma_start3A_52 : memref<20000xf32, #tpu.memory_space<hbm>>) target(%arg11 : memref<20000xf32, #tpu.memory_space<vmem>>) target_semaphore(%run_scoped3A : memref<!tpu.dma_semaphore, #tpu.memory_space<semaphore_mem>>)
      %dma_wait3A = tpu.memref_slice %arg4[%mul3A_32] : memref<40000xf32, #tpu.memory_space<hbm>> -> memref<20000xf32, #tpu.memory_space<hbm>>
      %dma_wait3A_53 = tpu.memref_slice %arg4[%mul3A_32] : memref<40000xf32, #tpu.memory_space<hbm>> -> memref<20000xf32, #tpu.memory_space<hbm>>
      tpu.wait_dma2 semaphore(%run_scoped3A : memref<!tpu.dma_semaphore, #tpu.memory_space<semaphore_mem>>) src(%dma_wait3A_53 : memref<20000xf32, #tpu.memory_space<hbm>>) dst(%arg11 : memref<20000xf32, #tpu.memory_space<vmem>>)
      tpu.yield
    }) : () -> ()
    %barrier3A = arith.constant 0 : index
    tpu.barrier barrier_id(%barrier3A)
    %scan3A_33 = arith.constant 0 : i32
    %scan3A_34 = arith.constant 0 : i32
    %scan3A_35 = arith.constant 50 : i32
    %scan3A_36 = arith.addi %scan3A_34, %scan3A_35 : i32
    %scan3A_37 = arith.constant 1 : i32
    %scan3A_38 = scf.for %scan3A_52 = %scan3A_34 to %scan3A_36 step %scan3A_37 iter_args(%scan3A_53 = %scan3A_33) -> (i32)  : i32 {
      %mul3A_54 = arith.constant 40000 : i32
      %mul3A_55 = arith.muli %arg1, %mul3A_54 : i32
      %mul3A_56 = arith.constant 800 : i32
      %mul3A_57 = arith.muli %scan3A_52, %mul3A_56 : i32
      %add3A = arith.addi %mul3A_55, %mul3A_57 : i32
      "tpu.region"() ({
        %run_scoped3A = tpu.sem_alloc : memref<!tpu.dma_semaphore, #tpu.memory_space<semaphore_mem>>
        %dma_start3A = tpu.memref_slice %arg5[%add3A] : memref<640000xi32, #tpu.memory_space<hbm>> -> memref<800xi32, #tpu.memory_space<hbm>>
        %dma_start3A_107 = tpu.memref_slice %arg5[%add3A] : memref<640000xi32, #tpu.memory_space<hbm>> -> memref<800xi32, #tpu.memory_space<hbm>>
        tpu.enqueue_dma source(%dma_start3A_107 : memref<800xi32, #tpu.memory_space<hbm>>) target(%arg12 : memref<800xi32, #tpu.memory_space<vmem>>) target_semaphore(%run_scoped3A : memref<!tpu.dma_semaphore, #tpu.memory_space<semaphore_mem>>)
        %dma_wait3A = tpu.memref_slice %arg5[%add3A] : memref<640000xi32, #tpu.memory_space<hbm>> -> memref<800xi32, #tpu.memory_space<hbm>>
        %dma_wait3A_108 = tpu.memref_slice %arg5[%add3A] : memref<640000xi32, #tpu.memory_space<hbm>> -> memref<800xi32, #tpu.memory_space<hbm>>
        tpu.wait_dma2 semaphore(%run_scoped3A : memref<!tpu.dma_semaphore, #tpu.memory_space<semaphore_mem>>) src(%dma_wait3A_108 : memref<800xi32, #tpu.memory_space<hbm>>) dst(%arg12 : memref<800xi32, #tpu.memory_space<vmem>>)
        tpu.yield
      }) : () -> ()
      "tpu.region"() ({
        %run_scoped3A = tpu.sem_alloc : memref<!tpu.dma_semaphore, #tpu.memory_space<semaphore_mem>>
        %dma_start3A = tpu.memref_slice %arg6[%add3A] : memref<640000xi32, #tpu.memory_space<hbm>> -> memref<800xi32, #tpu.memory_space<hbm>>
        %dma_start3A_107 = tpu.memref_slice %arg6[%add3A] : memref<640000xi32, #tpu.memory_space<hbm>> -> memref<800xi32, #tpu.memory_space<hbm>>
        tpu.enqueue_dma source(%dma_start3A_107 : memref<800xi32, #tpu.memory_space<hbm>>) target(%arg13 : memref<800xi32, #tpu.memory_space<vmem>>) target_semaphore(%run_scoped3A : memref<!tpu.dma_semaphore, #tpu.memory_space<semaphore_mem>>)
        %dma_wait3A = tpu.memref_slice %arg6[%add3A] : memref<640000xi32, #tpu.memory_space<hbm>> -> memref<800xi32, #tpu.memory_space<hbm>>
        %dma_wait3A_108 = tpu.memref_slice %arg6[%add3A] : memref<640000xi32, #tpu.memory_space<hbm>> -> memref<800xi32, #tpu.memory_space<hbm>>
        tpu.wait_dma2 semaphore(%run_scoped3A : memref<!tpu.dma_semaphore, #tpu.memory_space<semaphore_mem>>) src(%dma_wait3A_108 : memref<800xi32, #tpu.memory_space<hbm>>) dst(%arg13 : memref<800xi32, #tpu.memory_space<vmem>>)
        tpu.yield
      }) : () -> ()
      %add3A_58 = arith.constant 5000 : i32
      %add3A_59 = vector.broadcast %add3A_58 : i32 to vector<16xi32>
      %add3A_60 = arith.addi %broadcast_in_dim3A_3, %add3A_59 : vector<16xi32>
      %scan3A_61 = arith.constant 0 : i32
      %scan3A_62 = arith.constant 0 : i32
      %scan3A_63 = arith.constant 64 : i32
      %scan3A_64 = arith.addi %scan3A_62, %scan3A_63 : i32
      %scan3A_65 = arith.constant 1 : i32
      %scan3A_66 = scf.for %scan3A_107 = %scan3A_62 to %scan3A_64 step %scan3A_65 iter_args(%scan3A_108 = %scan3A_61) -> (i32)  : i32 {
        %mul3A_109 = arith.constant 16 : i32
        %mul3A_110 = arith.muli %scan3A_107, %mul3A_109 : i32
        %swap3A = arith.index_cast %mul3A_110 : i32 to index
        %swap3A_111 = tpu.vector_load %arg14[%swap3A] {strides = array<i32>} : memref<1024xi32, #tpu.memory_space<vmem>>, vector<16xi32>,
        tpu.vector_store %arg14[%swap3A], %broadcast_in_dim3A_3 {strides = array<i32>} : memref<1024xi32, #tpu.memory_space<vmem>>, vector<16xi32>,
        %mul3A_112 = arith.constant 16 : i32
        %mul3A_113 = arith.muli %scan3A_107, %mul3A_112 : i32
        %swap3A_114 = arith.index_cast %mul3A_113 : i32 to index
        %swap3A_115 = tpu.vector_load %arg15[%swap3A_114] {strides = array<i32>} : memref<1024xi32, #tpu.memory_space<vmem>>, vector<16xi32>,
        tpu.vector_store %arg15[%swap3A_114], %add3A_60 {strides = array<i32>} : memref<1024xi32, #tpu.memory_space<vmem>>, vector<16xi32>,
        %mul3A_116 = arith.constant 16 : i32
        %mul3A_117 = arith.muli %scan3A_107, %mul3A_116 : i32
        %swap3A_118 = arith.index_cast %mul3A_117 : i32 to index
        %swap3A_119 = tpu.vector_load %arg16[%swap3A_118] {strides = array<i32>} : memref<1024xi32, #tpu.memory_space<vmem>>, vector<16xi32>,
        tpu.vector_store %arg16[%swap3A_118], %broadcast_in_dim3A_3 {strides = array<i32>} : memref<1024xi32, #tpu.memory_space<vmem>>, vector<16xi32>,
        %scan3A_120 = arith.constant 0 : i32
        scf.yield %scan3A_120 : i32
      }
      %scan3A_67 = arith.constant 64 : i32
      %scan3A_68 = arith.constant 0 : i32
      %scan3A_69 = arith.constant 0 : i32
      %scan3A_70 = arith.constant 50 : i32
      %scan3A_71 = arith.addi %scan3A_69, %scan3A_70 : i32
      %scan3A_72 = arith.constant 1 : i32
      %scan3A_73 = scf.for %scan3A_107 = %scan3A_69 to %scan3A_71 step %scan3A_72 iter_args(%scan3A_108 = %scan3A_68) -> (i32)  : i32 {
        %mul3A_109 = arith.constant 16 : i32
        %mul3A_110 = arith.muli %scan3A_107, %mul3A_109 : i32
        %get3A = arith.index_cast %mul3A_110 : i32 to index
        %get3A_111 = tpu.vector_load %arg12[%get3A] {strides = array<i32>} : memref<800xi32, #tpu.memory_space<vmem>>, vector<16xi32>,
        %mul3A_112 = arith.constant 16 : i32
        %mul3A_113 = arith.muli %scan3A_107, %mul3A_112 : i32
        %get3A_114 = arith.index_cast %mul3A_113 : i32 to index
        %get3A_115 = tpu.vector_load %arg13[%get3A_114] {strides = array<i32>} : memref<800xi32, #tpu.memory_space<vmem>>, vector<16xi32>,
        %sub3A = vector.broadcast %mul3A_0 : i32 to vector<16xi32>
        %sub3A_116 = arith.subi %get3A_115, %sub3A : vector<16xi32>
        %ge3A = arith.constant 0 : i32
        %ge3A_117 = vector.broadcast %ge3A : i32 to vector<16xi32>
        %ge3A_118 = arith.cmpi sge, %sub3A_116, %ge3A_117 : vector<16xi32>
        %lt3A_119 = arith.constant 5000 : i32
        %lt3A_120 = vector.broadcast %lt3A_119 : i32 to vector<16xi32>
        %lt3A_121 = arith.cmpi slt, %sub3A_116, %lt3A_120 : vector<16xi32>
        %and3A = arith.andi %ge3A_118, %lt3A_121 : vector<16xi1>
        %convert_element_type3A_122 = arith.extui %and3A : vector<16xi1> to vector<16xi32>
        %broadcast_in_dim3A_123 = arith.constant true
        %broadcast_in_dim3A_124 = vector.broadcast %broadcast_in_dim3A_123 : i1 to vector<16xi1>
        %masked_cumsum3A = tpu.scan <sum>, %convert_element_type3A_122 masked %broadcast_in_dim3A_124 : vector<16xi32>, vector<16xi1> -> vector<16xi32>
        %add3A_125 = vector.broadcast %scan3A_108 : i32 to vector<16xi32>
        %add3A_126 = arith.addi %add3A_125, %masked_cumsum3A : vector<16xi32>
        %sub3A_127 = arith.constant 1 : i32
        %sub3A_128 = vector.broadcast %sub3A_127 : i32 to vector<16xi32>
        %sub3A_129 = arith.subi %add3A_126, %sub3A_128 : vector<16xi32>
        %add3A_130 = arith.constant 1008 : i32
        %add3A_131 = vector.broadcast %add3A_130 : i32 to vector<16xi32>
        %add3A_132 = arith.addi %add3A_131, %iota3A : vector<16xi32>
        %select_n3A = arith.select %and3A, %sub3A_129, %add3A_132 : vector<16xi1>, vector<16xi32>
        tpu.vector_store_idx %arg14[%select_n3A], %get3A_111 : memref<1024xi32, #tpu.memory_space<vmem>>[vector<16xi32>], vector<16xi32>,
        tpu.vector_store_idx %arg15[%select_n3A], %sub3A_116 : memref<1024xi32, #tpu.memory_space<vmem>>[vector<16xi32>], vector<16xi32>,
        %shift_right_arithmetic3A_133 = arith.constant 5 : i32
        %shift_right_arithmetic3A_134 = vector.broadcast %shift_right_arithmetic3A_133 : i32 to vector<16xi32>
        %shift_right_arithmetic3A_135 = arith.shrsi %get3A_111, %shift_right_arithmetic3A_134 : vector<16xi32>
        tpu.vector_store_idx %arg16[%select_n3A], %shift_right_arithmetic3A_135 : memref<1024xi32, #tpu.memory_space<vmem>>[vector<16xi32>], vector<16xi32>,
        %reduce_sum3A = arith.constant true
        %reduce_sum3A_136 = vector.broadcast %reduce_sum3A : i1 to vector<16xi1>
        %reduce_sum3A_137 = tpu.scan <sum>, %convert_element_type3A_122 masked %reduce_sum3A_136 : vector<16xi32>, vector<16xi1> -> vector<16xi32>
        %reduce_sum3A_138 = vector.extract %reduce_sum3A_137[15] : i32 from vector<16xi32>
        %add3A_139 = arith.addi %scan3A_108, %reduce_sum3A_138 : i32
        scf.yield %add3A_139 : i32
      }
      %scan3A_74 = arith.constant 50 : i32
      %add3A_75 = arith.constant 63 : i32
      %add3A_76 = arith.addi %scan3A_73, %add3A_75 : i32
      %shift_right_arithmetic3A = arith.constant 6 : i32
      %shift_right_arithmetic3A_77 = arith.shrsi %add3A_76, %shift_right_arithmetic3A : i32
      %shift_left3A = arith.constant 2 : i32
      %shift_left3A_78 = arith.shli %shift_right_arithmetic3A_77, %shift_left3A : i32
      %while3A = arith.constant 0 : i32
      %while3A_79 = arith.constant 0 : i32
      %while3A_80 = arith.subi %shift_left3A_78, %while3A : i32
      %while3A_81 = arith.addi %while3A, %while3A_80 : i32
      %while3A_82 = arith.constant 1 : i32
      %while3A_83 = arith.divsi %while3A_80, %while3A_82 : i32
      %while3A_84 = arith.muli %while3A_83, %while3A_82 : i32
      %while3A_85 = arith.addi %while3A, %while3A_84 : i32
      %while3A_86 = arith.constant 1 : i32
      %while3A_87 = scf.for %while3A_107 = %while3A to %while3A_85 step %while3A_86 iter_args(%while3A_108 = %while3A_79) -> (i32)  : i32 {
        %mul3A_109 = arith.constant 16 : i32
        %mul3A_110 = arith.muli %while3A_107, %mul3A_109 : i32
        %get3A = arith.index_cast %mul3A_110 : i32 to index
        %get3A_111 = tpu.vector_load %arg15[%get3A] {strides = array<i32>} : memref<1024xi32, #tpu.memory_space<vmem>>, vector<16xi32>,
        %shift_right_arithmetic3A_112 = arith.constant 2 : i32
        %shift_right_arithmetic3A_113 = arith.shrsi %while3A_107, %shift_right_arithmetic3A_112 : i32
        %and3A = arith.constant 3 : i32
        %and3A_114 = arith.andi %while3A_107, %and3A : i32
        %mul3A_115 = arith.constant 16 : i32
        %mul3A_116 = arith.muli %and3A_114, %mul3A_115 : i32
        %swap3A = arith.index_cast %shift_right_arithmetic3A_113 : i32 to index
        %swap3A_117 = arith.index_cast %mul3A_116 : i32 to index
        %swap3A_118 = tpu.vector_load %arg17[%swap3A, %swap3A_117] {strides = array<i32>} : memref<16x128xi32, #tpu.memory_space<vmem>>, vector<16xi32>,
        tpu.vector_store %arg17[%swap3A, %swap3A_117], %get3A_111 {strides = array<i32>} : memref<16x128xi32, #tpu.memory_space<vmem>>, vector<16xi32>,
        %shift_right_arithmetic3A_119 = arith.constant 5 : i32
        %shift_right_arithmetic3A_120 = vector.broadcast %shift_right_arithmetic3A_119 : i32 to vector<16xi32>
        %shift_right_arithmetic3A_121 = arith.shrsi %get3A_111, %shift_right_arithmetic3A_120 : vector<16xi32>
        %add3A_122 = arith.constant 5008 : i32
        %add3A_123 = vector.broadcast %add3A_122 : i32 to vector<16xi32>
        %add3A_124 = arith.addi %add3A_123, %shift_right_arithmetic3A_121 : vector<16xi32>
        %shift_right_arithmetic3A_125 = arith.constant 2 : i32
        %shift_right_arithmetic3A_126 = arith.shrsi %while3A_107, %shift_right_arithmetic3A_125 : i32
        %and3A_127 = arith.constant 3 : i32
        %and3A_128 = arith.andi %while3A_107, %and3A_127 : i32
        %mul3A_129 = arith.constant 16 : i32
        %mul3A_130 = arith.muli %and3A_128, %mul3A_129 : i32
        %add3A_131 = arith.constant 64 : i32
        %add3A_132 = arith.addi %add3A_131, %mul3A_130 : i32
        %swap3A_133 = arith.index_cast %shift_right_arithmetic3A_126 : i32 to index
        %swap3A_134 = arith.index_cast %add3A_132 : i32 to index
        %swap3A_135 = tpu.vector_load %arg17[%swap3A_133, %swap3A_134] {strides = array<i32>} : memref<16x128xi32, #tpu.memory_space<vmem>>, vector<16xi32>,
        tpu.vector_store %arg17[%swap3A_133, %swap3A_134], %add3A_124 {strides = array<i32>} : memref<16x128xi32, #tpu.memory_space<vmem>>, vector<16xi32>,
        %while3A_136 = arith.constant 0 : i32
        scf.yield %while3A_136 : i32
      }
      %while3A_88 = arith.constant 1 : i32
      %while3A_89 = scf.for %while3A_107 = %while3A_85 to %while3A_81 step %while3A_88 iter_args(%while3A_108 = %while3A_87) -> (i32)  : i32 {
        %mul3A_109 = arith.constant 16 : i32
        %mul3A_110 = arith.muli %while3A_107, %mul3A_109 : i32
        %get3A = arith.index_cast %mul3A_110 : i32 to index
        %get3A_111 = tpu.vector_load %arg15[%get3A] {strides = array<i32>} : memref<1024xi32, #tpu.memory_space<vmem>>, vector<16xi32>,
        %shift_right_arithmetic3A_112 = arith.constant 2 : i32
        %shift_right_arithmetic3A_113 = arith.shrsi %while3A_107, %shift_right_arithmetic3A_112 : i32
        %and3A = arith.constant 3 : i32
        %and3A_114 = arith.andi %while3A_107, %and3A : i32
        %mul3A_115 = arith.constant 16 : i32
        %mul3A_116 = arith.muli %and3A_114, %mul3A_115 : i32
        %swap3A = arith.index_cast %shift_right_arithmetic3A_113 : i32 to index
        %swap3A_117 = arith.index_cast %mul3A_116 : i32 to index
        %swap3A_118 = tpu.vector_load %arg17[%swap3A, %swap3A_117] {strides = array<i32>} : memref<16x128xi32, #tpu.memory_space<vmem>>, vector<16xi32>,
        tpu.vector_store %arg17[%swap3A, %swap3A_117], %get3A_111 {strides = array<i32>} : memref<16x128xi32, #tpu.memory_space<vmem>>, vector<16xi32>,
        %shift_right_arithmetic3A_119 = arith.constant 5 : i32
        %shift_right_arithmetic3A_120 = vector.broadcast %shift_right_arithmetic3A_119 : i32 to vector<16xi32>
        %shift_right_arithmetic3A_121 = arith.shrsi %get3A_111, %shift_right_arithmetic3A_120 : vector<16xi32>
        %add3A_122 = arith.constant 5008 : i32
        %add3A_123 = vector.broadcast %add3A_122 : i32 to vector<16xi32>
        %add3A_124 = arith.addi %add3A_123, %shift_right_arithmetic3A_121 : vector<16xi32>
        %shift_right_arithmetic3A_125 = arith.constant 2 : i32
        %shift_right_arithmetic3A_126 = arith.shrsi %while3A_107, %shift_right_arithmetic3A_125 : i32
        %and3A_127 = arith.constant 3 : i32
        %and3A_128 = arith.andi %while3A_107, %and3A_127 : i32
        %mul3A_129 = arith.constant 16 : i32
        %mul3A_130 = arith.muli %and3A_128, %mul3A_129 : i32
        %add3A_131 = arith.constant 64 : i32
        %add3A_132 = arith.addi %add3A_131, %mul3A_130 : i32
        %swap3A_133 = arith.index_cast %shift_right_arithmetic3A_126 : i32 to index
        %swap3A_134 = arith.index_cast %add3A_132 : i32 to index
        %swap3A_135 = tpu.vector_load %arg17[%swap3A_133, %swap3A_134] {strides = array<i32>} : memref<16x128xi32, #tpu.memory_space<vmem>>, vector<16xi32>,
        tpu.vector_store %arg17[%swap3A_133, %swap3A_134], %add3A_124 {strides = array<i32>} : memref<16x128xi32, #tpu.memory_space<vmem>>, vector<16xi32>,
        %while3A_136 = arith.constant 0 : i32
        scf.yield %while3A_136 : i32
      }
      %while3A_90 = arith.constant 0 : i32
      %while3A_91 = arith.constant 0 : i32
      %while3A_92 = arith.subi %shift_right_arithmetic3A_77, %while3A_90 : i32
      %while3A_93 = arith.addi %while3A_90, %while3A_92 : i32
      %while3A_94 = arith.constant 1 : i32
      %while3A_95 = arith.divsi %while3A_92, %while3A_94 : i32
      %while3A_96 = arith.muli %while3A_95, %while3A_94 : i32
      %while3A_97 = arith.addi %while3A_90, %while3A_96 : i32
      %while3A_98 = arith.constant 1 : i32
      %while3A_99 = scf.for %while3A_107 = %while3A_90 to %while3A_97 step %while3A_98 iter_args(%while3A_108 = %while3A_91) -> (i32)  : i32 {
        %mul3A_109 = arith.constant 64 : i32
        %mul3A_110 = arith.muli %while3A_107, %mul3A_109 : i32
        %dma_start3A = tpu.memref_slice %arg14[%mul3A_110] : memref<1024xi32, #tpu.memory_space<vmem>> -> memref<64xi32, #tpu.memory_space<vmem>>
        %dma_start3A_111 = arith.constant 0 : i32
        %dma_start3A_112 = arith.constant 0 : i32
        %dma_start3A_113 = tpu.memref_slice %arg2[%dma_start3A_111, %dma_start3A_112] : memref<10000x128xf32, #tpu.memory_space<hbm>> -> memref<10000x128xf32, #tpu.memory_space<hbm>>
        tpu.enqueue_indirect_dma source(%dma_start3A_113 : memref<10000x128xf32, #tpu.memory_space<hbm>>) target(%arg19 : memref<64x128xf32, #tpu.memory_space<vmem>>) offsets(%dma_start3A : memref<64xi32, #tpu.memory_space<vmem>>) semaphore(%arg25 : memref<!tpu.dma_semaphore, #tpu.memory_space<semaphore_mem>>)
        %mul3A_114 = arith.constant 64 : i32
        %mul3A_115 = arith.muli %while3A_107, %mul3A_114 : i32
        "tpu.region"() ({
          %run_scoped3A = tpu.sem_alloc : memref<!tpu.dma_semaphore, #tpu.memory_space<semaphore_mem>>
          %dma_start3A_147 = tpu.memref_slice %arg16[%mul3A_115] : memref<1024xi32, #tpu.memory_space<vmem>> -> memref<64xi32, #tpu.memory_space<vmem>>
          %dma_start3A_148 = arith.constant 0 : i32
          %dma_start3A_149 = arith.constant 0 : i32
          %dma_start3A_150 = tpu.memref_slice %arg10[%dma_start3A_148, %dma_start3A_149] : memref<336x128xf32, #tpu.memory_space<vmem_shared>> -> memref<336x128xf32, #tpu.memory_space<vmem_shared>>
          tpu.enqueue_indirect_dma source(%dma_start3A_150 : memref<336x128xf32, #tpu.memory_space<vmem_shared>>) target(%arg21 : memref<64x128xf32, #tpu.memory_space<vmem>>) offsets(%dma_start3A_147 : memref<64xi32, #tpu.memory_space<vmem>>) semaphore(%run_scoped3A : memref<!tpu.dma_semaphore, #tpu.memory_space<semaphore_mem>>)
          %dma_wait3A_151 = tpu.memref_slice %arg16[%mul3A_115] : memref<1024xi32, #tpu.memory_space<vmem>> -> memref<64xi32, #tpu.memory_space<vmem>>
          %dma_wait3A_152 = arith.constant 0 : i32
          %dma_wait3A_153 = arith.constant 0 : i32
          %dma_wait3A_154 = tpu.memref_slice %arg10[%dma_wait3A_152, %dma_wait3A_153] : memref<336x128xf32, #tpu.memory_space<vmem_shared>> -> memref<336x128xf32, #tpu.memory_space<vmem_shared>>
          tpu.wait_indirect_dma semaphore(%run_scoped3A : memref<!tpu.dma_semaphore, #tpu.memory_space<semaphore_mem>>) src(%dma_wait3A_154 : memref<336x128xf32, #tpu.memory_space<vmem_shared>>) dst(%arg21 : memref<64x128xf32, #tpu.memory_space<vmem>>)
          tpu.yield
        }) : () -> ()
        %scan3A_116 = arith.constant 0 : i32
        %scan3A_117 = arith.constant 0 : i32
        %scan3A_118 = arith.constant 16 : i32
        %scan3A_119 = arith.addi %scan3A_117, %scan3A_118 : i32
        %scan3A_120 = arith.constant 1 : i32
        %scan3A_121 = scf.for %scan3A_147 = %scan3A_117 to %scan3A_119 step %scan3A_120 iter_args(%scan3A_148 = %scan3A_116) -> (i32)  : i32 {
          %mul3A_149 = arith.constant 64 : i32
          %mul3A_150 = arith.muli %while3A_107, %mul3A_149 : i32
          %mul3A_151 = arith.constant 4 : i32
          %mul3A_152 = arith.muli %scan3A_147, %mul3A_151 : i32
          %add3A_153 = arith.addi %mul3A_150, %mul3A_152 : i32
          %shift_right_arithmetic3A_154 = arith.constant 2 : i32
          %shift_right_arithmetic3A_155 = vector.broadcast %shift_right_arithmetic3A_154 : i32 to vector<16xi32>
          %shift_right_arithmetic3A_156 = arith.shrsi %iota3A, %shift_right_arithmetic3A_155 : vector<16xi32>
          %add3A_157 = vector.broadcast %add3A_153 : i32 to vector<16xi32>
          %add3A_158 = arith.addi %add3A_157, %shift_right_arithmetic3A_156 : vector<16xi32>
          %mul3A_159 = arith.constant 4 : i32
          %mul3A_160 = arith.muli %scan3A_147, %mul3A_159 : i32
          %shift_right_arithmetic3A_161 = arith.constant 2 : i32
          %shift_right_arithmetic3A_162 = vector.broadcast %shift_right_arithmetic3A_161 : i32 to vector<16xi32>
          %shift_right_arithmetic3A_163 = arith.shrsi %iota3A, %shift_right_arithmetic3A_162 : vector<16xi32>
          %add3A_164 = vector.broadcast %mul3A_160 : i32 to vector<16xi32>
          %add3A_165 = arith.addi %add3A_164, %shift_right_arithmetic3A_163 : vector<16xi32>
          %and3A = arith.constant 3 : i32
          %and3A_166 = vector.broadcast %and3A : i32 to vector<16xi32>
          %and3A_167 = arith.andi %iota3A, %and3A_166 : vector<16xi32>
          %gather3A = tpu.vector_load_idx %arg14[%add3A_158] : memref<1024xi32, #tpu.memory_space<vmem>>[vector<16xi32>], vector<16xi32>,
          %gather3A_168 = tpu.vector_load_idx %arg15[%add3A_158] : memref<1024xi32, #tpu.memory_space<vmem>>[vector<16xi32>], vector<16xi32>,
          %and3A_169 = arith.constant 31 : i32
          %and3A_170 = vector.broadcast %and3A_169 : i32 to vector<16xi32>
          %and3A_171 = arith.andi %gather3A, %and3A_170 : vector<16xi32>
          %shift_left3A_172 = arith.constant 2 : i32
          %shift_left3A_173 = vector.broadcast %shift_left3A_172 : i32 to vector<16xi32>
          %shift_left3A_174 = arith.shli %and3A_171, %shift_left3A_173 : vector<16xi32>
          %add3A_175 = arith.addi %shift_left3A_174, %and3A_167 : vector<16xi32>
          %gather3A_176 = tpu.vector_load_idx %arg21[%add3A_165, %add3A_175] : memref<64x128xf32, #tpu.memory_space<vmem>>[vector<16xi32>, vector<16xi32>], vector<16xf32>,
          %min3A = arith.constant 4999 : i32
          %min3A_177 = vector.broadcast %min3A : i32 to vector<16xi32>
          %min3A_178 = arith.minsi %gather3A_168, %min3A_177 : vector<16xi32>
          %shift_left3A_179 = arith.constant 2 : i32
          %shift_left3A_180 = vector.broadcast %shift_left3A_179 : i32 to vector<16xi32>
          %shift_left3A_181 = arith.shli %min3A_178, %shift_left3A_180 : vector<16xi32>
          %add3A_182 = arith.addi %shift_left3A_181, %and3A_167 : vector<16xi32>
          %gather3A_183 = tpu.vector_load_idx %arg11[%add3A_182] : memref<20000xf32, #tpu.memory_space<vmem>>[vector<16xi32>], vector<16xf32>,
          %add3A_184 = arith.addf %gather3A_176, %gather3A_183 : vector<16xf32>
          %gt3A_185 = arith.constant 0.000000e+00 : f32
          %gt3A_186 = vector.broadcast %gt3A_185 : f32 to vector<16xf32>
          %gt3A_187 = arith.cmpf ogt, %add3A_184, %gt3A_186 : vector<16xf32>
          %mul3A_188 = arith.constant 2.000000e-01 : f32
          %mul3A_189 = vector.broadcast %mul3A_188 : f32 to vector<16xf32>
          %mul3A_190 = arith.mulf %mul3A_189, %add3A_184 : vector<16xf32>
          %select_n3A = arith.select %gt3A_187, %add3A_184, %mul3A_190 : vector<16xi1>, vector<16xf32>
          %max3A = arith.constant -1.000000e+01 : f32
          %max3A_191 = vector.broadcast %max3A : f32 to vector<16xf32>
          %max3A_192 = arith.maximumf %select_n3A, %max3A_191 : vector<16xf32>
          %mul3A_193 = arith.constant 1.44269502 : f32
          %mul3A_194 = vector.broadcast %mul3A_193 : f32 to vector<16xf32>
          %mul3A_195 = arith.mulf %max3A_192, %mul3A_194 : vector<16xf32>
          %add3A_196 = arith.constant 1.650000e+01 : f32
          %add3A_197 = vector.broadcast %add3A_196 : f32 to vector<16xf32>
          %add3A_198 = arith.addf %mul3A_195, %add3A_197 : vector<16xf32>
          %convert_element_type3A_199 = arith.fptosi %add3A_198 : vector<16xf32> to vector<16xi32>
          %sub3A = arith.constant 16 : i32
          %sub3A_200 = vector.broadcast %sub3A : i32 to vector<16xi32>
          %sub3A_201 = arith.subi %convert_element_type3A_199, %sub3A_200 : vector<16xi32>
          %convert_element_type3A_202 = arith.sitofp %sub3A_201 : vector<16xi32> to vector<16xf32>
          %mul3A_203 = arith.constant 0.693147182 : f32
          %mul3A_204 = vector.broadcast %mul3A_203 : f32 to vector<16xf32>
          %mul3A_205 = arith.mulf %convert_element_type3A_202, %mul3A_204 : vector<16xf32>
          %sub3A_206 = arith.subf %max3A_192, %mul3A_205 : vector<16xf32>
          %mul3A_207 = arith.constant 0.00833333377 : f32
          %mul3A_208 = vector.broadcast %mul3A_207 : f32 to vector<16xf32>
          %mul3A_209 = arith.mulf %sub3A_206, %mul3A_208 : vector<16xf32>
          %add3A_210 = arith.constant 0.0416666679 : f32
          %add3A_211 = vector.broadcast %add3A_210 : f32 to vector<16xf32>
          %add3A_212 = arith.addf %add3A_211, %mul3A_209 : vector<16xf32>
          %mul3A_213 = arith.mulf %sub3A_206, %add3A_212 : vector<16xf32>
          %add3A_214 = arith.constant 0.166666672 : f32
          %add3A_215 = vector.broadcast %add3A_214 : f32 to vector<16xf32>
          %add3A_216 = arith.addf %add3A_215, %mul3A_213 : vector<16xf32>
          %mul3A_217 = arith.mulf %sub3A_206, %add3A_216 : vector<16xf32>
          %add3A_218 = arith.constant 5.000000e-01 : f32
          %add3A_219 = vector.broadcast %add3A_218 : f32 to vector<16xf32>
          %add3A_220 = arith.addf %add3A_219, %mul3A_217 : vector<16xf32>
          %mul3A_221 = arith.mulf %sub3A_206, %add3A_220 : vector<16xf32>
          %add3A_222 = arith.constant 1.000000e+00 : f32
          %add3A_223 = vector.broadcast %add3A_222 : f32 to vector<16xf32>
          %add3A_224 = arith.addf %add3A_223, %mul3A_221 : vector<16xf32>
          %mul3A_225 = arith.mulf %sub3A_206, %add3A_224 : vector<16xf32>
          %add3A_226 = arith.constant 1.000000e+00 : f32
          %add3A_227 = vector.broadcast %add3A_226 : f32 to vector<16xf32>
          %add3A_228 = arith.addf %add3A_227, %mul3A_225 : vector<16xf32>
          %add3A_229 = arith.constant 127 : i32
          %add3A_230 = vector.broadcast %add3A_229 : i32 to vector<16xi32>
          %add3A_231 = arith.addi %sub3A_201, %add3A_230 : vector<16xi32>
          %shift_left3A_232 = arith.constant 23 : i32
          %shift_left3A_233 = vector.broadcast %shift_left3A_232 : i32 to vector<16xi32>
          %shift_left3A_234 = arith.shli %add3A_231, %shift_left3A_233 : vector<16xi32>
          %bitcast3A = vector.bitcast %shift_left3A_234 : vector<16xi32> to vector<16xf32>
          %mul3A_235 = arith.mulf %add3A_228, %bitcast3A : vector<16xf32>
          %mul3A_236 = arith.constant 16 : i32
          %mul3A_237 = arith.muli %scan3A_147, %mul3A_236 : i32
          %swap3A = arith.index_cast %mul3A_237 : i32 to index
          %swap3A_238 = tpu.vector_load %arg18[%swap3A] {strides = array<i32>} : memref<256xf32, #tpu.memory_space<vmem>>, vector<16xf32>,
          tpu.vector_store %arg18[%swap3A], %mul3A_235 {strides = array<i32>} : memref<256xf32, #tpu.memory_space<vmem>>, vector<16xf32>,
          %scan3A_239 = arith.constant 0 : i32
          scf.yield %scan3A_239 : i32
        }
        %scan3A_122 = arith.constant 16 : i32
        %gt3A_123 = arith.constant 0 : i32
        %gt3A_124 = arith.cmpi sgt, %while3A_107, %gt3A_123 : i32
        %convert_element_type3A_125 = arith.extui %gt3A_124 : i1 to i32
        %cond3A_126 = arith.constant 0 : i32
        %cond3A_127 = arith.cmpi ne, %convert_element_type3A_125, %cond3A_126 : i32
        scf.if %cond3A_127 {
          %sub3A = arith.constant 1 : i32
          %sub3A_147 = arith.subi %while3A_107, %sub3A : i32
          %dma_wait3A_148 = arith.constant 0 : i32
          %dma_wait3A_149 = tpu.memref_slice %arg17[%sub3A_147, %dma_wait3A_148] : memref<16x128xi32, #tpu.memory_space<vmem>> -> memref<1x128xi32, #tpu.memory_space<vmem>>
          %dma_wait3A_150 = tpu.memref_squeeze %dma_wait3A_149 : memref<1x128xi32, #tpu.memory_space<vmem>> -> memref<128xi32, #tpu.memory_space<vmem>>
          %dma_wait3A_151 = arith.constant 0 : i32
          %dma_wait3A_152 = arith.constant 0 : i32
          %dma_wait3A_153 = tpu.memref_slice %arg9[%dma_wait3A_151, %dma_wait3A_152] : memref<5376x128xf32, #tpu.memory_space<vmem_shared>> -> memref<5376x128xf32, #tpu.memory_space<vmem_shared>>
          tpu.wait_indirect_dma semaphore(%arg26 : memref<!tpu.dma_semaphore, #tpu.memory_space<semaphore_mem>>) src(%arg23 : memref<128x128xf32, #tpu.memory_space<vmem>>) dst(%dma_wait3A_153 : memref<5376x128xf32, #tpu.memory_space<vmem_shared>>)
          %scan3A_154 = arith.constant 0 : i32
          %scan3A_155 = arith.constant 0 : i32
          %scan3A_156 = arith.constant 64 : i32
          %scan3A_157 = arith.addi %scan3A_155, %scan3A_156 : i32
          %scan3A_158 = arith.constant 1 : i32
          %scan3A_159 = scf.for %scan3A_161 = %scan3A_155 to %scan3A_157 step %scan3A_158 iter_args(%scan3A_162 = %scan3A_154) -> (i32)  : i32 {
            %mul3A_163 = arith.constant 64 : i32
            %mul3A_164 = arith.muli %sub3A_147, %mul3A_163 : i32
            %add3A_165 = arith.addi %mul3A_164, %scan3A_161 : i32
            %add3A_166 = vector.broadcast %add3A_165 : i32 to vector<16xi32>
            %add3A_167 = arith.addi %broadcast_in_dim3A_3, %add3A_166 : vector<16xi32>
            %gather3A = tpu.vector_load_idx %arg15[%add3A_167] : memref<1024xi32, #tpu.memory_space<vmem>>[vector<16xi32>], vector<16xi32>,
            %and3A = arith.constant 31 : i32
            %and3A_168 = vector.broadcast %and3A : i32 to vector<16xi32>
            %and3A_169 = arith.andi %gather3A, %and3A_168 : vector<16xi32>
            %shift_left3A_170 = arith.constant 2 : i32
            %shift_left3A_171 = vector.broadcast %shift_left3A_170 : i32 to vector<16xi32>
            %shift_left3A_172 = arith.shli %and3A_169, %shift_left3A_171 : vector<16xi32>
            %add3A_173 = arith.addi %shift_left3A_172, %iota3A : vector<16xi32>
            %and3A_174 = arith.constant 127 : i32
            %and3A_175 = vector.broadcast %and3A_174 : i32 to vector<16xi32>
            %and3A_176 = arith.andi %add3A_173, %and3A_175 : vector<16xi32>
            %add3A_177 = arith.constant 64 : i32
            %add3A_178 = arith.addi %add3A_177, %scan3A_161 : i32
            %add3A_179 = vector.broadcast %add3A_178 : i32 to vector<16xi32>
            %add3A_180 = arith.addi %broadcast_in_dim3A_3, %add3A_179 : vector<16xi32>
            tpu.vector_store_idx %arg23[%add3A_180, %and3A_176], %broadcast_in_dim3A_1 : memref<128x128xf32, #tpu.memory_space<vmem>>[vector<16xi32>, vector<16xi32>], vector<16xf32>,
            %scan3A_181 = arith.constant 0 : i32
            scf.yield %scan3A_181 : i32
          }
          %scan3A_160 = arith.constant 64 : i32
        } else {
        }
        %mul3A_128 = arith.constant 64 : i32
        %mul3A_129 = arith.muli %while3A_107, %mul3A_128 : i32
        %dma_wait3A = tpu.memref_slice %arg14[%mul3A_129] : memref<1024xi32, #tpu.memory_space<vmem>> -> memref<64xi32, #tpu.memory_space<vmem>>
        %dma_wait3A_130 = arith.constant 0 : i32
        %dma_wait3A_131 = arith.constant 0 : i32
        %dma_wait3A_132 = tpu.memref_slice %arg2[%dma_wait3A_130, %dma_wait3A_131] : memref<10000x128xf32, #tpu.memory_space<hbm>> -> memref<10000x128xf32, #tpu.memory_space<hbm>>
        tpu.wait_indirect_dma semaphore(%arg25 : memref<!tpu.dma_semaphore, #tpu.memory_space<semaphore_mem>>) src(%dma_wait3A_132 : memref<10000x128xf32, #tpu.memory_space<hbm>>) dst(%arg19 : memref<64x128xf32, #tpu.memory_space<vmem>>)
        %scan3A_133 = arith.constant 0 : i32
        %scan3A_134 = arith.constant 0 : i32
        %scan3A_135 = arith.constant 64 : i32
        %scan3A_136 = arith.addi %scan3A_134, %scan3A_135 : i32
        %scan3A_137 = arith.constant 1 : i32
        %scan3A_138 = scf.for %scan3A_147 = %scan3A_134 to %scan3A_136 step %scan3A_137 iter_args(%scan3A_148 = %scan3A_133) -> (i32)  : i32 {
          %mul3A_149 = arith.constant 4 : i32
          %mul3A_150 = arith.muli %scan3A_147, %mul3A_149 : i32
          %add3A_151 = arith.constant 0 : i32
          %add3A_152 = arith.addi %mul3A_150, %add3A_151 : i32
          %add3A_153 = vector.broadcast %add3A_152 : i32 to vector<16xi32>
          %add3A_154 = arith.addi %broadcast_in_dim3A_3, %add3A_153 : vector<16xi32>
          %gather3A = tpu.vector_load_idx %arg18[%add3A_154] : memref<256xf32, #tpu.memory_space<vmem>>[vector<16xi32>], vector<16xf32>,
          %mul3A_155 = arith.constant 4 : i32
          %mul3A_156 = arith.muli %scan3A_147, %mul3A_155 : i32
          %add3A_157 = arith.constant 1 : i32
          %add3A_158 = arith.addi %mul3A_156, %add3A_157 : i32
          %add3A_159 = vector.broadcast %add3A_158 : i32 to vector<16xi32>
          %add3A_160 = arith.addi %broadcast_in_dim3A_3, %add3A_159 : vector<16xi32>
          %gather3A_161 = tpu.vector_load_idx %arg18[%add3A_160] : memref<256xf32, #tpu.memory_space<vmem>>[vector<16xi32>], vector<16xf32>,
          %mul3A_162 = arith.constant 4 : i32
          %mul3A_163 = arith.muli %scan3A_147, %mul3A_162 : i32
          %add3A_164 = arith.constant 2 : i32
          %add3A_165 = arith.addi %mul3A_163, %add3A_164 : i32
          %add3A_166 = vector.broadcast %add3A_165 : i32 to vector<16xi32>
          %add3A_167 = arith.addi %broadcast_in_dim3A_3, %add3A_166 : vector<16xi32>
          %gather3A_168 = tpu.vector_load_idx %arg18[%add3A_167] : memref<256xf32, #tpu.memory_space<vmem>>[vector<16xi32>], vector<16xf32>,
          %mul3A_169 = arith.constant 4 : i32
          %mul3A_170 = arith.muli %scan3A_147, %mul3A_169 : i32
          %add3A_171 = arith.constant 3 : i32
          %add3A_172 = arith.addi %mul3A_170, %add3A_171 : i32
          %add3A_173 = vector.broadcast %add3A_172 : i32 to vector<16xi32>
          %add3A_174 = arith.addi %broadcast_in_dim3A_3, %add3A_173 : vector<16xi32>
          %gather3A_175 = tpu.vector_load_idx %arg18[%add3A_174] : memref<256xf32, #tpu.memory_space<vmem>>[vector<16xi32>], vector<16xf32>,
          %get3A = arith.index_cast %scan3A_147 : i32 to index
          %get3A_176 = arith.constant 0 : index
          %get3A_177 = tpu.vector_load %arg19[%get3A, %get3A_176] {strides = array<i32>} : memref<64x128xf32, #tpu.memory_space<vmem>>, vector<16xf32>,
          %mul3A_178 = arith.mulf %gather3A, %get3A_177 : vector<16xf32>
          %swap3A = arith.index_cast %scan3A_147 : i32 to index
          %swap3A_179 = arith.constant 0 : index
          %swap3A_180 = tpu.vector_load %arg23[%swap3A, %swap3A_179] {strides = array<i32>} : memref<128x128xf32, #tpu.memory_space<vmem>>, vector<16xf32>,
          tpu.vector_store %arg23[%swap3A, %swap3A_179], %mul3A_178 {strides = array<i32>} : memref<128x128xf32, #tpu.memory_space<vmem>>, vector<16xf32>,
          %get3A_181 = arith.index_cast %scan3A_147 : i32 to index
          %get3A_182 = arith.constant 16 : index
          %get3A_183 = tpu.vector_load %arg19[%get3A_181, %get3A_182] {strides = array<i32>} : memref<64x128xf32, #tpu.memory_space<vmem>>, vector<16xf32>,
          %mul3A_184 = arith.mulf %gather3A, %get3A_183 : vector<16xf32>
          %swap3A_185 = arith.index_cast %scan3A_147 : i32 to index
          %swap3A_186 = arith.constant 16 : index
          %swap3A_187 = tpu.vector_load %arg23[%swap3A_185, %swap3A_186] {strides = array<i32>} : memref<128x128xf32, #tpu.memory_space<vmem>>, vector<16xf32>,
          tpu.vector_store %arg23[%swap3A_185, %swap3A_186], %mul3A_184 {strides = array<i32>} : memref<128x128xf32, #tpu.memory_space<vmem>>, vector<16xf32>,
          %get3A_188 = arith.index_cast %scan3A_147 : i32 to index
          %get3A_189 = arith.constant 32 : index
          %get3A_190 = tpu.vector_load %arg19[%get3A_188, %get3A_189] {strides = array<i32>} : memref<64x128xf32, #tpu.memory_space<vmem>>, vector<16xf32>,
          %mul3A_191 = arith.mulf %gather3A_161, %get3A_190 : vector<16xf32>
          %swap3A_192 = arith.index_cast %scan3A_147 : i32 to index
          %swap3A_193 = arith.constant 32 : index
          %swap3A_194 = tpu.vector_load %arg23[%swap3A_192, %swap3A_193] {strides = array<i32>} : memref<128x128xf32, #tpu.memory_space<vmem>>, vector<16xf32>,
          tpu.vector_store %arg23[%swap3A_192, %swap3A_193], %mul3A_191 {strides = array<i32>} : memref<128x128xf32, #tpu.memory_space<vmem>>, vector<16xf32>,
          %get3A_195 = arith.index_cast %scan3A_147 : i32 to index
          %get3A_196 = arith.constant 48 : index
          %get3A_197 = tpu.vector_load %arg19[%get3A_195, %get3A_196] {strides = array<i32>} : memref<64x128xf32, #tpu.memory_space<vmem>>, vector<16xf32>,
          %mul3A_198 = arith.mulf %gather3A_161, %get3A_197 : vector<16xf32>
          %swap3A_199 = arith.index_cast %scan3A_147 : i32 to index
          %swap3A_200 = arith.constant 48 : index
          %swap3A_201 = tpu.vector_load %arg23[%swap3A_199, %swap3A_200] {strides = array<i32>} : memref<128x128xf32, #tpu.memory_space<vmem>>, vector<16xf32>,
          tpu.vector_store %arg23[%swap3A_199, %swap3A_200], %mul3A_198 {strides = array<i32>} : memref<128x128xf32, #tpu.memory_space<vmem>>, vector<16xf32>,
          %get3A_202 = arith.index_cast %scan3A_147 : i32 to index
          %get3A_203 = arith.constant 64 : index
          %get3A_204 = tpu.vector_load %arg19[%get3A_202, %get3A_203] {strides = array<i32>} : memref<64x128xf32, #tpu.memory_space<vmem>>, vector<16xf32>,
          %mul3A_205 = arith.mulf %gather3A_168, %get3A_204 : vector<16xf32>
          %swap3A_206 = arith.index_cast %scan3A_147 : i32 to index
          %swap3A_207 = arith.constant 64 : index
          %swap3A_208 = tpu.vector_load %arg23[%swap3A_206, %swap3A_207] {strides = array<i32>} : memref<128x128xf32, #tpu.memory_space<vmem>>, vector<16xf32>,
          tpu.vector_store %arg23[%swap3A_206, %swap3A_207], %mul3A_205 {strides = array<i32>} : memref<128x128xf32, #tpu.memory_space<vmem>>, vector<16xf32>,
          %get3A_209 = arith.index_cast %scan3A_147 : i32 to index
          %get3A_210 = arith.constant 80 : index
          %get3A_211 = tpu.vector_load %arg19[%get3A_209, %get3A_210] {strides = array<i32>} : memref<64x128xf32, #tpu.memory_space<vmem>>, vector<16xf32>,
          %mul3A_212 = arith.mulf %gather3A_168, %get3A_211 : vector<16xf32>
          %swap3A_213 = arith.index_cast %scan3A_147 : i32 to index
          %swap3A_214 = arith.constant 80 : index
          %swap3A_215 = tpu.vector_load %arg23[%swap3A_213, %swap3A_214] {strides = array<i32>} : memref<128x128xf32, #tpu.memory_space<vmem>>, vector<16xf32>,
          tpu.vector_store %arg23[%swap3A_213, %swap3A_214], %mul3A_212 {strides = array<i32>} : memref<128x128xf32, #tpu.memory_space<vmem>>, vector<16xf32>,
          %get3A_216 = arith.index_cast %scan3A_147 : i32 to index
          %get3A_217 = arith.constant 96 : index
          %get3A_218 = tpu.vector_load %arg19[%get3A_216, %get3A_217] {strides = array<i32>} : memref<64x128xf32, #tpu.memory_space<vmem>>, vector<16xf32>,
          %mul3A_219 = arith.mulf %gather3A_175, %get3A_218 : vector<16xf32>
          %swap3A_220 = arith.index_cast %scan3A_147 : i32 to index
          %swap3A_221 = arith.constant 96 : index
          %swap3A_222 = tpu.vector_load %arg23[%swap3A_220, %swap3A_221] {strides = array<i32>} : memref<128x128xf32, #tpu.memory_space<vmem>>, vector<16xf32>,
          tpu.vector_store %arg23[%swap3A_220, %swap3A_221], %mul3A_219 {strides = array<i32>} : memref<128x128xf32, #tpu.memory_space<vmem>>, vector<16xf32>,
          %get3A_223 = arith.index_cast %scan3A_147 : i32 to index
          %get3A_224 = arith.constant 112 : index
          %get3A_225 = tpu.vector_load %arg19[%get3A_223, %get3A_224] {strides = array<i32>} : memref<64x128xf32, #tpu.memory_space<vmem>>, vector<16xf32>,
          %mul3A_226 = arith.mulf %gather3A_175, %get3A_225 : vector<16xf32>
          %swap3A_227 = arith.index_cast %scan3A_147 : i32 to index
          %swap3A_228 = arith.constant 112 : index
          %swap3A_229 = tpu.vector_load %arg23[%swap3A_227, %swap3A_228] {strides = array<i32>} : memref<128x128xf32, #tpu.memory_space<vmem>>, vector<16xf32>,
          tpu.vector_store %arg23[%swap3A_227, %swap3A_228], %mul3A_226 {strides = array<i32>} : memref<128x128xf32, #tpu.memory_space<vmem>>, vector<16xf32>,
          %mul3A_230 = arith.constant 4 : i32
          %mul3A_231 = arith.muli %scan3A_147, %mul3A_230 : i32
          %and3A = arith.constant 3 : i32
          %and3A_232 = vector.broadcast %and3A : i32 to vector<16xi32>
          %and3A_233 = arith.andi %iota3A, %and3A_232 : vector<16xi32>
          %add3A_234 = vector.broadcast %mul3A_231 : i32 to vector<16xi32>
          %add3A_235 = arith.addi %add3A_234, %and3A_233 : vector<16xi32>
          %gather3A_236 = tpu.vector_load_idx %arg18[%add3A_235] : memref<256xf32, #tpu.memory_space<vmem>>[vector<16xi32>], vector<16xf32>,
          %mul3A_237 = arith.constant 64 : i32
          %mul3A_238 = arith.muli %while3A_107, %mul3A_237 : i32
          %add3A_239 = arith.addi %mul3A_238, %scan3A_147 : i32
          %add3A_240 = vector.broadcast %add3A_239 : i32 to vector<16xi32>
          %add3A_241 = arith.addi %broadcast_in_dim3A_3, %add3A_240 : vector<16xi32>
          %gather3A_242 = tpu.vector_load_idx %arg15[%add3A_241] : memref<1024xi32, #tpu.memory_space<vmem>>[vector<16xi32>], vector<16xi32>,
          %and3A_243 = arith.constant 31 : i32
          %and3A_244 = vector.broadcast %and3A_243 : i32 to vector<16xi32>
          %and3A_245 = arith.andi %gather3A_242, %and3A_244 : vector<16xi32>
          %shift_left3A_246 = arith.constant 2 : i32
          %shift_left3A_247 = vector.broadcast %shift_left3A_246 : i32 to vector<16xi32>
          %shift_left3A_248 = arith.shli %and3A_245, %shift_left3A_247 : vector<16xi32>
          %add3A_249 = arith.addi %shift_left3A_248, %iota3A : vector<16xi32>
          %and3A_250 = arith.constant 127 : i32
          %and3A_251 = vector.broadcast %and3A_250 : i32 to vector<16xi32>
          %and3A_252 = arith.andi %add3A_249, %and3A_251 : vector<16xi32>
          %lt3A_253 = arith.constant 4 : i32
          %lt3A_254 = vector.broadcast %lt3A_253 : i32 to vector<16xi32>
          %lt3A_255 = arith.cmpi slt, %iota3A, %lt3A_254 : vector<16xi32>
          %jit3A = arith.constant 0.000000e+00 : f32
          %broadcast_in_dim3A_256 = vector.broadcast %jit3A : f32 to vector<16xf32>
          %select_n3A = arith.select %lt3A_255, %gather3A_236, %broadcast_in_dim3A_256 : vector<16xi1>, vector<16xf32>
          %add3A_257 = arith.constant 64 : i32
          %add3A_258 = arith.addi %add3A_257, %scan3A_147 : i32
          %add3A_259 = vector.broadcast %add3A_258 : i32 to vector<16xi32>
          %add3A_260 = arith.addi %broadcast_in_dim3A_3, %add3A_259 : vector<16xi32>
          tpu.vector_store_idx %arg23[%add3A_260, %and3A_252], %select_n3A : memref<128x128xf32, #tpu.memory_space<vmem>>[vector<16xi32>, vector<16xi32>], vector<16xf32>,
          %scan3A_261 = arith.constant 0 : i32
          scf.yield %scan3A_261 : i32
        }
        %scan3A_139 = arith.constant 64 : i32
        %dma_start3A_140 = arith.constant 0 : i32
        %dma_start3A_141 = tpu.memref_slice %arg17[%while3A_107, %dma_start3A_140] : memref<16x128xi32, #tpu.memory_space<vmem>> -> memref<1x128xi32, #tpu.memory_space<vmem>>
        %dma_start3A_142 = tpu.memref_squeeze %dma_start3A_141 : memref<1x128xi32, #tpu.memory_space<vmem>> -> memref<128xi32, #tpu.memory_space<vmem>>
        %dma_start3A_143 = arith.constant 0 : i32
        %dma_start3A_144 = arith.constant 0 : i32
        %dma_start3A_145 = tpu.memref_slice %arg9[%dma_start3A_143, %dma_start3A_144] : memref<5376x128xf32, #tpu.memory_space<vmem_shared>> -> memref<5376x128xf32, #tpu.memory_space<vmem_shared>>
        tpu.enqueue_indirect_dma source(%arg23 : memref<128x128xf32, #tpu.memory_space<vmem>>) target(%dma_start3A_145 : memref<5376x128xf32, #tpu.memory_space<vmem_shared>>) offsets(%dma_start3A_142 : memref<128xi32, #tpu.memory_space<vmem>>) semaphore(%arg26 : memref<!tpu.dma_semaphore, #tpu.memory_space<semaphore_mem>>) {add = true}
        %while3A_146 = arith.constant 0 : i32
        scf.yield %while3A_146 : i32
      }
      %while3A_100 = arith.constant 1 : i32
      %while3A_101 = scf.for %while3A_107 = %while3A_97 to %while3A_93 step %while3A_100 iter_args(%while3A_108 = %while3A_99) -> (i32)  : i32 {
        %mul3A_109 = arith.constant 64 : i32
        %mul3A_110 = arith.muli %while3A_107, %mul3A_109 : i32
        %dma_start3A = tpu.memref_slice %arg14[%mul3A_110] : memref<1024xi32, #tpu.memory_space<vmem>> -> memref<64xi32, #tpu.memory_space<vmem>>
        %dma_start3A_111 = arith.constant 0 : i32
        %dma_start3A_112 = arith.constant 0 : i32
        %dma_start3A_113 = tpu.memref_slice %arg2[%dma_start3A_111, %dma_start3A_112] : memref<10000x128xf32, #tpu.memory_space<hbm>> -> memref<10000x128xf32, #tpu.memory_space<hbm>>
        tpu.enqueue_indirect_dma source(%dma_start3A_113 : memref<10000x128xf32, #tpu.memory_space<hbm>>) target(%arg19 : memref<64x128xf32, #tpu.memory_space<vmem>>) offsets(%dma_start3A : memref<64xi32, #tpu.memory_space<vmem>>) semaphore(%arg25 : memref<!tpu.dma_semaphore, #tpu.memory_space<semaphore_mem>>)
        %mul3A_114 = arith.constant 64 : i32
        %mul3A_115 = arith.muli %while3A_107, %mul3A_114 : i32
        "tpu.region"() ({
          %run_scoped3A = tpu.sem_alloc : memref<!tpu.dma_semaphore, #tpu.memory_space<semaphore_mem>>
          %dma_start3A_147 = tpu.memref_slice %arg16[%mul3A_115] : memref<1024xi32, #tpu.memory_space<vmem>> -> memref<64xi32, #tpu.memory_space<vmem>>
          %dma_start3A_148 = arith.constant 0 : i32
          %dma_start3A_149 = arith.constant 0 : i32
          %dma_start3A_150 = tpu.memref_slice %arg10[%dma_start3A_148, %dma_start3A_149] : memref<336x128xf32, #tpu.memory_space<vmem_shared>> -> memref<336x128xf32, #tpu.memory_space<vmem_shared>>
          tpu.enqueue_indirect_dma source(%dma_start3A_150 : memref<336x128xf32, #tpu.memory_space<vmem_shared>>) target(%arg21 : memref<64x128xf32, #tpu.memory_space<vmem>>) offsets(%dma_start3A_147 : memref<64xi32, #tpu.memory_space<vmem>>) semaphore(%run_scoped3A : memref<!tpu.dma_semaphore, #tpu.memory_space<semaphore_mem>>)
          %dma_wait3A_151 = tpu.memref_slice %arg16[%mul3A_115] : memref<1024xi32, #tpu.memory_space<vmem>> -> memref<64xi32, #tpu.memory_space<vmem>>
          %dma_wait3A_152 = arith.constant 0 : i32
          %dma_wait3A_153 = arith.constant 0 : i32
          %dma_wait3A_154 = tpu.memref_slice %arg10[%dma_wait3A_152, %dma_wait3A_153] : memref<336x128xf32, #tpu.memory_space<vmem_shared>> -> memref<336x128xf32, #tpu.memory_space<vmem_shared>>
          tpu.wait_indirect_dma semaphore(%run_scoped3A : memref<!tpu.dma_semaphore, #tpu.memory_space<semaphore_mem>>) src(%dma_wait3A_154 : memref<336x128xf32, #tpu.memory_space<vmem_shared>>) dst(%arg21 : memref<64x128xf32, #tpu.memory_space<vmem>>)
          tpu.yield
        }) : () -> ()
        %scan3A_116 = arith.constant 0 : i32
        %scan3A_117 = arith.constant 0 : i32
        %scan3A_118 = arith.constant 16 : i32
        %scan3A_119 = arith.addi %scan3A_117, %scan3A_118 : i32
        %scan3A_120 = arith.constant 1 : i32
        %scan3A_121 = scf.for %scan3A_147 = %scan3A_117 to %scan3A_119 step %scan3A_120 iter_args(%scan3A_148 = %scan3A_116) -> (i32)  : i32 {
          %mul3A_149 = arith.constant 64 : i32
          %mul3A_150 = arith.muli %while3A_107, %mul3A_149 : i32
          %mul3A_151 = arith.constant 4 : i32
          %mul3A_152 = arith.muli %scan3A_147, %mul3A_151 : i32
          %add3A_153 = arith.addi %mul3A_150, %mul3A_152 : i32
          %shift_right_arithmetic3A_154 = arith.constant 2 : i32
          %shift_right_arithmetic3A_155 = vector.broadcast %shift_right_arithmetic3A_154 : i32 to vector<16xi32>
          %shift_right_arithmetic3A_156 = arith.shrsi %iota3A, %shift_right_arithmetic3A_155 : vector<16xi32>
          %add3A_157 = vector.broadcast %add3A_153 : i32 to vector<16xi32>
          %add3A_158 = arith.addi %add3A_157, %shift_right_arithmetic3A_156 : vector<16xi32>
          %mul3A_159 = arith.constant 4 : i32
          %mul3A_160 = arith.muli %scan3A_147, %mul3A_159 : i32
          %shift_right_arithmetic3A_161 = arith.constant 2 : i32
          %shift_right_arithmetic3A_162 = vector.broadcast %shift_right_arithmetic3A_161 : i32 to vector<16xi32>
          %shift_right_arithmetic3A_163 = arith.shrsi %iota3A, %shift_right_arithmetic3A_162 : vector<16xi32>
          %add3A_164 = vector.broadcast %mul3A_160 : i32 to vector<16xi32>
          %add3A_165 = arith.addi %add3A_164, %shift_right_arithmetic3A_163 : vector<16xi32>
          %and3A = arith.constant 3 : i32
          %and3A_166 = vector.broadcast %and3A : i32 to vector<16xi32>
          %and3A_167 = arith.andi %iota3A, %and3A_166 : vector<16xi32>
          %gather3A = tpu.vector_load_idx %arg14[%add3A_158] : memref<1024xi32, #tpu.memory_space<vmem>>[vector<16xi32>], vector<16xi32>,
          %gather3A_168 = tpu.vector_load_idx %arg15[%add3A_158] : memref<1024xi32, #tpu.memory_space<vmem>>[vector<16xi32>], vector<16xi32>,
          %and3A_169 = arith.constant 31 : i32
          %and3A_170 = vector.broadcast %and3A_169 : i32 to vector<16xi32>
          %and3A_171 = arith.andi %gather3A, %and3A_170 : vector<16xi32>
          %shift_left3A_172 = arith.constant 2 : i32
          %shift_left3A_173 = vector.broadcast %shift_left3A_172 : i32 to vector<16xi32>
          %shift_left3A_174 = arith.shli %and3A_171, %shift_left3A_173 : vector<16xi32>
          %add3A_175 = arith.addi %shift_left3A_174, %and3A_167 : vector<16xi32>
          %gather3A_176 = tpu.vector_load_idx %arg21[%add3A_165, %add3A_175] : memref<64x128xf32, #tpu.memory_space<vmem>>[vector<16xi32>, vector<16xi32>], vector<16xf32>,
          %min3A = arith.constant 4999 : i32
          %min3A_177 = vector.broadcast %min3A : i32 to vector<16xi32>
          %min3A_178 = arith.minsi %gather3A_168, %min3A_177 : vector<16xi32>
          %shift_left3A_179 = arith.constant 2 : i32
          %shift_left3A_180 = vector.broadcast %shift_left3A_179 : i32 to vector<16xi32>
          %shift_left3A_181 = arith.shli %min3A_178, %shift_left3A_180 : vector<16xi32>
          %add3A_182 = arith.addi %shift_left3A_181, %and3A_167 : vector<16xi32>
          %gather3A_183 = tpu.vector_load_idx %arg11[%add3A_182] : memref<20000xf32, #tpu.memory_space<vmem>>[vector<16xi32>], vector<16xf32>,
          %add3A_184 = arith.addf %gather3A_176, %gather3A_183 : vector<16xf32>
          %gt3A_185 = arith.constant 0.000000e+00 : f32
          %gt3A_186 = vector.broadcast %gt3A_185 : f32 to vector<16xf32>
          %gt3A_187 = arith.cmpf ogt, %add3A_184, %gt3A_186 : vector<16xf32>
          %mul3A_188 = arith.constant 2.000000e-01 : f32
          %mul3A_189 = vector.broadcast %mul3A_188 : f32 to vector<16xf32>
          %mul3A_190 = arith.mulf %mul3A_189, %add3A_184 : vector<16xf32>
          %select_n3A = arith.select %gt3A_187, %add3A_184, %mul3A_190 : vector<16xi1>, vector<16xf32>
          %max3A = arith.constant -1.000000e+01 : f32
          %max3A_191 = vector.broadcast %max3A : f32 to vector<16xf32>
          %max3A_192 = arith.maximumf %select_n3A, %max3A_191 : vector<16xf32>
          %mul3A_193 = arith.constant 1.44269502 : f32
          %mul3A_194 = vector.broadcast %mul3A_193 : f32 to vector<16xf32>
          %mul3A_195 = arith.mulf %max3A_192, %mul3A_194 : vector<16xf32>
          %add3A_196 = arith.constant 1.650000e+01 : f32
          %add3A_197 = vector.broadcast %add3A_196 : f32 to vector<16xf32>
          %add3A_198 = arith.addf %mul3A_195, %add3A_197 : vector<16xf32>
          %convert_element_type3A_199 = arith.fptosi %add3A_198 : vector<16xf32> to vector<16xi32>
          %sub3A = arith.constant 16 : i32
          %sub3A_200 = vector.broadcast %sub3A : i32 to vector<16xi32>
          %sub3A_201 = arith.subi %convert_element_type3A_199, %sub3A_200 : vector<16xi32>
          %convert_element_type3A_202 = arith.sitofp %sub3A_201 : vector<16xi32> to vector<16xf32>
          %mul3A_203 = arith.constant 0.693147182 : f32
          %mul3A_204 = vector.broadcast %mul3A_203 : f32 to vector<16xf32>
          %mul3A_205 = arith.mulf %convert_element_type3A_202, %mul3A_204 : vector<16xf32>
          %sub3A_206 = arith.subf %max3A_192, %mul3A_205 : vector<16xf32>
          %mul3A_207 = arith.constant 0.00833333377 : f32
          %mul3A_208 = vector.broadcast %mul3A_207 : f32 to vector<16xf32>
          %mul3A_209 = arith.mulf %sub3A_206, %mul3A_208 : vector<16xf32>
          %add3A_210 = arith.constant 0.0416666679 : f32
          %add3A_211 = vector.broadcast %add3A_210 : f32 to vector<16xf32>
          %add3A_212 = arith.addf %add3A_211, %mul3A_209 : vector<16xf32>
          %mul3A_213 = arith.mulf %sub3A_206, %add3A_212 : vector<16xf32>
          %add3A_214 = arith.constant 0.166666672 : f32
          %add3A_215 = vector.broadcast %add3A_214 : f32 to vector<16xf32>
          %add3A_216 = arith.addf %add3A_215, %mul3A_213 : vector<16xf32>
          %mul3A_217 = arith.mulf %sub3A_206, %add3A_216 : vector<16xf32>
          %add3A_218 = arith.constant 5.000000e-01 : f32
          %add3A_219 = vector.broadcast %add3A_218 : f32 to vector<16xf32>
          %add3A_220 = arith.addf %add3A_219, %mul3A_217 : vector<16xf32>
          %mul3A_221 = arith.mulf %sub3A_206, %add3A_220 : vector<16xf32>
          %add3A_222 = arith.constant 1.000000e+00 : f32
          %add3A_223 = vector.broadcast %add3A_222 : f32 to vector<16xf32>
          %add3A_224 = arith.addf %add3A_223, %mul3A_221 : vector<16xf32>
          %mul3A_225 = arith.mulf %sub3A_206, %add3A_224 : vector<16xf32>
          %add3A_226 = arith.constant 1.000000e+00 : f32
          %add3A_227 = vector.broadcast %add3A_226 : f32 to vector<16xf32>
          %add3A_228 = arith.addf %add3A_227, %mul3A_225 : vector<16xf32>
          %add3A_229 = arith.constant 127 : i32
          %add3A_230 = vector.broadcast %add3A_229 : i32 to vector<16xi32>
          %add3A_231 = arith.addi %sub3A_201, %add3A_230 : vector<16xi32>
          %shift_left3A_232 = arith.constant 23 : i32
          %shift_left3A_233 = vector.broadcast %shift_left3A_232 : i32 to vector<16xi32>
          %shift_left3A_234 = arith.shli %add3A_231, %shift_left3A_233 : vector<16xi32>
          %bitcast3A = vector.bitcast %shift_left3A_234 : vector<16xi32> to vector<16xf32>
          %mul3A_235 = arith.mulf %add3A_228, %bitcast3A : vector<16xf32>
          %mul3A_236 = arith.constant 16 : i32
          %mul3A_237 = arith.muli %scan3A_147, %mul3A_236 : i32
          %swap3A = arith.index_cast %mul3A_237 : i32 to index
          %swap3A_238 = tpu.vector_load %arg18[%swap3A] {strides = array<i32>} : memref<256xf32, #tpu.memory_space<vmem>>, vector<16xf32>,
          tpu.vector_store %arg18[%swap3A], %mul3A_235 {strides = array<i32>} : memref<256xf32, #tpu.memory_space<vmem>>, vector<16xf32>,
          %scan3A_239 = arith.constant 0 : i32
          scf.yield %scan3A_239 : i32
        }
        %scan3A_122 = arith.constant 16 : i32
        %gt3A_123 = arith.constant 0 : i32
        %gt3A_124 = arith.cmpi sgt, %while3A_107, %gt3A_123 : i32
        %convert_element_type3A_125 = arith.extui %gt3A_124 : i1 to i32
        %cond3A_126 = arith.constant 0 : i32
        %cond3A_127 = arith.cmpi ne, %convert_element_type3A_125, %cond3A_126 : i32
        scf.if %cond3A_127 {
          %sub3A = arith.constant 1 : i32
          %sub3A_147 = arith.subi %while3A_107, %sub3A : i32
          %dma_wait3A_148 = arith.constant 0 : i32
          %dma_wait3A_149 = tpu.memref_slice %arg17[%sub3A_147, %dma_wait3A_148] : memref<16x128xi32, #tpu.memory_space<vmem>> -> memref<1x128xi32, #tpu.memory_space<vmem>>
          %dma_wait3A_150 = tpu.memref_squeeze %dma_wait3A_149 : memref<1x128xi32, #tpu.memory_space<vmem>> -> memref<128xi32, #tpu.memory_space<vmem>>
          %dma_wait3A_151 = arith.constant 0 : i32
          %dma_wait3A_152 = arith.constant 0 : i32
          %dma_wait3A_153 = tpu.memref_slice %arg9[%dma_wait3A_151, %dma_wait3A_152] : memref<5376x128xf32, #tpu.memory_space<vmem_shared>> -> memref<5376x128xf32, #tpu.memory_space<vmem_shared>>
          tpu.wait_indirect_dma semaphore(%arg26 : memref<!tpu.dma_semaphore, #tpu.memory_space<semaphore_mem>>) src(%arg23 : memref<128x128xf32, #tpu.memory_space<vmem>>) dst(%dma_wait3A_153 : memref<5376x128xf32, #tpu.memory_space<vmem_shared>>)
          %scan3A_154 = arith.constant 0 : i32
          %scan3A_155 = arith.constant 0 : i32
          %scan3A_156 = arith.constant 64 : i32
          %scan3A_157 = arith.addi %scan3A_155, %scan3A_156 : i32
          %scan3A_158 = arith.constant 1 : i32
          %scan3A_159 = scf.for %scan3A_161 = %scan3A_155 to %scan3A_157 step %scan3A_158 iter_args(%scan3A_162 = %scan3A_154) -> (i32)  : i32 {
            %mul3A_163 = arith.constant 64 : i32
            %mul3A_164 = arith.muli %sub3A_147, %mul3A_163 : i32
            %add3A_165 = arith.addi %mul3A_164, %scan3A_161 : i32
            %add3A_166 = vector.broadcast %add3A_165 : i32 to vector<16xi32>
            %add3A_167 = arith.addi %broadcast_in_dim3A_3, %add3A_166 : vector<16xi32>
            %gather3A = tpu.vector_load_idx %arg15[%add3A_167] : memref<1024xi32, #tpu.memory_space<vmem>>[vector<16xi32>], vector<16xi32>,
            %and3A = arith.constant 31 : i32
            %and3A_168 = vector.broadcast %and3A : i32 to vector<16xi32>
            %and3A_169 = arith.andi %gather3A, %and3A_168 : vector<16xi32>
            %shift_left3A_170 = arith.constant 2 : i32
            %shift_left3A_171 = vector.broadcast %shift_left3A_170 : i32 to vector<16xi32>
            %shift_left3A_172 = arith.shli %and3A_169, %shift_left3A_171 : vector<16xi32>
            %add3A_173 = arith.addi %shift_left3A_172, %iota3A : vector<16xi32>
            %and3A_174 = arith.constant 127 : i32
            %and3A_175 = vector.broadcast %and3A_174 : i32 to vector<16xi32>
            %and3A_176 = arith.andi %add3A_173, %and3A_175 : vector<16xi32>
            %add3A_177 = arith.constant 64 : i32
            %add3A_178 = arith.addi %add3A_177, %scan3A_161 : i32
            %add3A_179 = vector.broadcast %add3A_178 : i32 to vector<16xi32>
            %add3A_180 = arith.addi %broadcast_in_dim3A_3, %add3A_179 : vector<16xi32>
            tpu.vector_store_idx %arg23[%add3A_180, %and3A_176], %broadcast_in_dim3A_1 : memref<128x128xf32, #tpu.memory_space<vmem>>[vector<16xi32>, vector<16xi32>], vector<16xf32>,
            %scan3A_181 = arith.constant 0 : i32
            scf.yield %scan3A_181 : i32
          }
          %scan3A_160 = arith.constant 64 : i32
        } else {
        }
        %mul3A_128 = arith.constant 64 : i32
        %mul3A_129 = arith.muli %while3A_107, %mul3A_128 : i32
        %dma_wait3A = tpu.memref_slice %arg14[%mul3A_129] : memref<1024xi32, #tpu.memory_space<vmem>> -> memref<64xi32, #tpu.memory_space<vmem>>
        %dma_wait3A_130 = arith.constant 0 : i32
        %dma_wait3A_131 = arith.constant 0 : i32
        %dma_wait3A_132 = tpu.memref_slice %arg2[%dma_wait3A_130, %dma_wait3A_131] : memref<10000x128xf32, #tpu.memory_space<hbm>> -> memref<10000x128xf32, #tpu.memory_space<hbm>>
        tpu.wait_indirect_dma semaphore(%arg25 : memref<!tpu.dma_semaphore, #tpu.memory_space<semaphore_mem>>) src(%dma_wait3A_132 : memref<10000x128xf32, #tpu.memory_space<hbm>>) dst(%arg19 : memref<64x128xf32, #tpu.memory_space<vmem>>)
        %scan3A_133 = arith.constant 0 : i32
        %scan3A_134 = arith.constant 0 : i32
        %scan3A_135 = arith.constant 64 : i32
        %scan3A_136 = arith.addi %scan3A_134, %scan3A_135 : i32
        %scan3A_137 = arith.constant 1 : i32
        %scan3A_138 = scf.for %scan3A_147 = %scan3A_134 to %scan3A_136 step %scan3A_137 iter_args(%scan3A_148 = %scan3A_133) -> (i32)  : i32 {
          %mul3A_149 = arith.constant 4 : i32
          %mul3A_150 = arith.muli %scan3A_147, %mul3A_149 : i32
          %add3A_151 = arith.constant 0 : i32
          %add3A_152 = arith.addi %mul3A_150, %add3A_151 : i32
          %add3A_153 = vector.broadcast %add3A_152 : i32 to vector<16xi32>
          %add3A_154 = arith.addi %broadcast_in_dim3A_3, %add3A_153 : vector<16xi32>
          %gather3A = tpu.vector_load_idx %arg18[%add3A_154] : memref<256xf32, #tpu.memory_space<vmem>>[vector<16xi32>], vector<16xf32>,
          %mul3A_155 = arith.constant 4 : i32
          %mul3A_156 = arith.muli %scan3A_147, %mul3A_155 : i32
          %add3A_157 = arith.constant 1 : i32
          %add3A_158 = arith.addi %mul3A_156, %add3A_157 : i32
          %add3A_159 = vector.broadcast %add3A_158 : i32 to vector<16xi32>
          %add3A_160 = arith.addi %broadcast_in_dim3A_3, %add3A_159 : vector<16xi32>
          %gather3A_161 = tpu.vector_load_idx %arg18[%add3A_160] : memref<256xf32, #tpu.memory_space<vmem>>[vector<16xi32>], vector<16xf32>,
          %mul3A_162 = arith.constant 4 : i32
          %mul3A_163 = arith.muli %scan3A_147, %mul3A_162 : i32
          %add3A_164 = arith.constant 2 : i32
          %add3A_165 = arith.addi %mul3A_163, %add3A_164 : i32
          %add3A_166 = vector.broadcast %add3A_165 : i32 to vector<16xi32>
          %add3A_167 = arith.addi %broadcast_in_dim3A_3, %add3A_166 : vector<16xi32>
          %gather3A_168 = tpu.vector_load_idx %arg18[%add3A_167] : memref<256xf32, #tpu.memory_space<vmem>>[vector<16xi32>], vector<16xf32>,
          %mul3A_169 = arith.constant 4 : i32
          %mul3A_170 = arith.muli %scan3A_147, %mul3A_169 : i32
          %add3A_171 = arith.constant 3 : i32
          %add3A_172 = arith.addi %mul3A_170, %add3A_171 : i32
          %add3A_173 = vector.broadcast %add3A_172 : i32 to vector<16xi32>
          %add3A_174 = arith.addi %broadcast_in_dim3A_3, %add3A_173 : vector<16xi32>
          %gather3A_175 = tpu.vector_load_idx %arg18[%add3A_174] : memref<256xf32, #tpu.memory_space<vmem>>[vector<16xi32>], vector<16xf32>,
          %get3A = arith.index_cast %scan3A_147 : i32 to index
          %get3A_176 = arith.constant 0 : index
          %get3A_177 = tpu.vector_load %arg19[%get3A, %get3A_176] {strides = array<i32>} : memref<64x128xf32, #tpu.memory_space<vmem>>, vector<16xf32>,
          %mul3A_178 = arith.mulf %gather3A, %get3A_177 : vector<16xf32>
          %swap3A = arith.index_cast %scan3A_147 : i32 to index
          %swap3A_179 = arith.constant 0 : index
          %swap3A_180 = tpu.vector_load %arg23[%swap3A, %swap3A_179] {strides = array<i32>} : memref<128x128xf32, #tpu.memory_space<vmem>>, vector<16xf32>,
          tpu.vector_store %arg23[%swap3A, %swap3A_179], %mul3A_178 {strides = array<i32>} : memref<128x128xf32, #tpu.memory_space<vmem>>, vector<16xf32>,
          %get3A_181 = arith.index_cast %scan3A_147 : i32 to index
          %get3A_182 = arith.constant 16 : index
          %get3A_183 = tpu.vector_load %arg19[%get3A_181, %get3A_182] {strides = array<i32>} : memref<64x128xf32, #tpu.memory_space<vmem>>, vector<16xf32>,
          %mul3A_184 = arith.mulf %gather3A, %get3A_183 : vector<16xf32>
          %swap3A_185 = arith.index_cast %scan3A_147 : i32 to index
          %swap3A_186 = arith.constant 16 : index
          %swap3A_187 = tpu.vector_load %arg23[%swap3A_185, %swap3A_186] {strides = array<i32>} : memref<128x128xf32, #tpu.memory_space<vmem>>, vector<16xf32>,
          tpu.vector_store %arg23[%swap3A_185, %swap3A_186], %mul3A_184 {strides = array<i32>} : memref<128x128xf32, #tpu.memory_space<vmem>>, vector<16xf32>,
          %get3A_188 = arith.index_cast %scan3A_147 : i32 to index
          %get3A_189 = arith.constant 32 : index
          %get3A_190 = tpu.vector_load %arg19[%get3A_188, %get3A_189] {strides = array<i32>} : memref<64x128xf32, #tpu.memory_space<vmem>>, vector<16xf32>,
          %mul3A_191 = arith.mulf %gather3A_161, %get3A_190 : vector<16xf32>
          %swap3A_192 = arith.index_cast %scan3A_147 : i32 to index
          %swap3A_193 = arith.constant 32 : index
          %swap3A_194 = tpu.vector_load %arg23[%swap3A_192, %swap3A_193] {strides = array<i32>} : memref<128x128xf32, #tpu.memory_space<vmem>>, vector<16xf32>,
          tpu.vector_store %arg23[%swap3A_192, %swap3A_193], %mul3A_191 {strides = array<i32>} : memref<128x128xf32, #tpu.memory_space<vmem>>, vector<16xf32>,
          %get3A_195 = arith.index_cast %scan3A_147 : i32 to index
          %get3A_196 = arith.constant 48 : index
          %get3A_197 = tpu.vector_load %arg19[%get3A_195, %get3A_196] {strides = array<i32>} : memref<64x128xf32, #tpu.memory_space<vmem>>, vector<16xf32>,
          %mul3A_198 = arith.mulf %gather3A_161, %get3A_197 : vector<16xf32>
          %swap3A_199 = arith.index_cast %scan3A_147 : i32 to index
          %swap3A_200 = arith.constant 48 : index
          %swap3A_201 = tpu.vector_load %arg23[%swap3A_199, %swap3A_200] {strides = array<i32>} : memref<128x128xf32, #tpu.memory_space<vmem>>, vector<16xf32>,
          tpu.vector_store %arg23[%swap3A_199, %swap3A_200], %mul3A_198 {strides = array<i32>} : memref<128x128xf32, #tpu.memory_space<vmem>>, vector<16xf32>,
          %get3A_202 = arith.index_cast %scan3A_147 : i32 to index
          %get3A_203 = arith.constant 64 : index
          %get3A_204 = tpu.vector_load %arg19[%get3A_202, %get3A_203] {strides = array<i32>} : memref<64x128xf32, #tpu.memory_space<vmem>>, vector<16xf32>,
          %mul3A_205 = arith.mulf %gather3A_168, %get3A_204 : vector<16xf32>
          %swap3A_206 = arith.index_cast %scan3A_147 : i32 to index
          %swap3A_207 = arith.constant 64 : index
          %swap3A_208 = tpu.vector_load %arg23[%swap3A_206, %swap3A_207] {strides = array<i32>} : memref<128x128xf32, #tpu.memory_space<vmem>>, vector<16xf32>,
          tpu.vector_store %arg23[%swap3A_206, %swap3A_207], %mul3A_205 {strides = array<i32>} : memref<128x128xf32, #tpu.memory_space<vmem>>, vector<16xf32>,
          %get3A_209 = arith.index_cast %scan3A_147 : i32 to index
          %get3A_210 = arith.constant 80 : index
          %get3A_211 = tpu.vector_load %arg19[%get3A_209, %get3A_210] {strides = array<i32>} : memref<64x128xf32, #tpu.memory_space<vmem>>, vector<16xf32>,
          %mul3A_212 = arith.mulf %gather3A_168, %get3A_211 : vector<16xf32>
          %swap3A_213 = arith.index_cast %scan3A_147 : i32 to index
          %swap3A_214 = arith.constant 80 : index
          %swap3A_215 = tpu.vector_load %arg23[%swap3A_213, %swap3A_214] {strides = array<i32>} : memref<128x128xf32, #tpu.memory_space<vmem>>, vector<16xf32>,
          tpu.vector_store %arg23[%swap3A_213, %swap3A_214], %mul3A_212 {strides = array<i32>} : memref<128x128xf32, #tpu.memory_space<vmem>>, vector<16xf32>,
          %get3A_216 = arith.index_cast %scan3A_147 : i32 to index
          %get3A_217 = arith.constant 96 : index
          %get3A_218 = tpu.vector_load %arg19[%get3A_216, %get3A_217] {strides = array<i32>} : memref<64x128xf32, #tpu.memory_space<vmem>>, vector<16xf32>,
          %mul3A_219 = arith.mulf %gather3A_175, %get3A_218 : vector<16xf32>
          %swap3A_220 = arith.index_cast %scan3A_147 : i32 to index
          %swap3A_221 = arith.constant 96 : index
          %swap3A_222 = tpu.vector_load %arg23[%swap3A_220, %swap3A_221] {strides = array<i32>} : memref<128x128xf32, #tpu.memory_space<vmem>>, vector<16xf32>,
          tpu.vector_store %arg23[%swap3A_220, %swap3A_221], %mul3A_219 {strides = array<i32>} : memref<128x128xf32, #tpu.memory_space<vmem>>, vector<16xf32>,
          %get3A_223 = arith.index_cast %scan3A_147 : i32 to index
          %get3A_224 = arith.constant 112 : index
          %get3A_225 = tpu.vector_load %arg19[%get3A_223, %get3A_224] {strides = array<i32>} : memref<64x128xf32, #tpu.memory_space<vmem>>, vector<16xf32>,
          %mul3A_226 = arith.mulf %gather3A_175, %get3A_225 : vector<16xf32>
          %swap3A_227 = arith.index_cast %scan3A_147 : i32 to index
          %swap3A_228 = arith.constant 112 : index
          %swap3A_229 = tpu.vector_load %arg23[%swap3A_227, %swap3A_228] {strides = array<i32>} : memref<128x128xf32, #tpu.memory_space<vmem>>, vector<16xf32>,
          tpu.vector_store %arg23[%swap3A_227, %swap3A_228], %mul3A_226 {strides = array<i32>} : memref<128x128xf32, #tpu.memory_space<vmem>>, vector<16xf32>,
          %mul3A_230 = arith.constant 4 : i32
          %mul3A_231 = arith.muli %scan3A_147, %mul3A_230 : i32
          %and3A = arith.constant 3 : i32
          %and3A_232 = vector.broadcast %and3A : i32 to vector<16xi32>
          %and3A_233 = arith.andi %iota3A, %and3A_232 : vector<16xi32>
          %add3A_234 = vector.broadcast %mul3A_231 : i32 to vector<16xi32>
          %add3A_235 = arith.addi %add3A_234, %and3A_233 : vector<16xi32>
          %gather3A_236 = tpu.vector_load_idx %arg18[%add3A_235] : memref<256xf32, #tpu.memory_space<vmem>>[vector<16xi32>], vector<16xf32>,
          %mul3A_237 = arith.constant 64 : i32
          %mul3A_238 = arith.muli %while3A_107, %mul3A_237 : i32
          %add3A_239 = arith.addi %mul3A_238, %scan3A_147 : i32
          %add3A_240 = vector.broadcast %add3A_239 : i32 to vector<16xi32>
          %add3A_241 = arith.addi %broadcast_in_dim3A_3, %add3A_240 : vector<16xi32>
          %gather3A_242 = tpu.vector_load_idx %arg15[%add3A_241] : memref<1024xi32, #tpu.memory_space<vmem>>[vector<16xi32>], vector<16xi32>,
          %and3A_243 = arith.constant 31 : i32
          %and3A_244 = vector.broadcast %and3A_243 : i32 to vector<16xi32>
          %and3A_245 = arith.andi %gather3A_242, %and3A_244 : vector<16xi32>
          %shift_left3A_246 = arith.constant 2 : i32
          %shift_left3A_247 = vector.broadcast %shift_left3A_246 : i32 to vector<16xi32>
          %shift_left3A_248 = arith.shli %and3A_245, %shift_left3A_247 : vector<16xi32>
          %add3A_249 = arith.addi %shift_left3A_248, %iota3A : vector<16xi32>
          %and3A_250 = arith.constant 127 : i32
          %and3A_251 = vector.broadcast %and3A_250 : i32 to vector<16xi32>
          %and3A_252 = arith.andi %add3A_249, %and3A_251 : vector<16xi32>
          %lt3A_253 = arith.constant 4 : i32
          %lt3A_254 = vector.broadcast %lt3A_253 : i32 to vector<16xi32>
          %lt3A_255 = arith.cmpi slt, %iota3A, %lt3A_254 : vector<16xi32>
          %jit3A = arith.constant 0.000000e+00 : f32
          %broadcast_in_dim3A_256 = vector.broadcast %jit3A : f32 to vector<16xf32>
          %select_n3A = arith.select %lt3A_255, %gather3A_236, %broadcast_in_dim3A_256 : vector<16xi1>, vector<16xf32>
          %add3A_257 = arith.constant 64 : i32
          %add3A_258 = arith.addi %add3A_257, %scan3A_147 : i32
          %add3A_259 = vector.broadcast %add3A_258 : i32 to vector<16xi32>
          %add3A_260 = arith.addi %broadcast_in_dim3A_3, %add3A_259 : vector<16xi32>
          tpu.vector_store_idx %arg23[%add3A_260, %and3A_252], %select_n3A : memref<128x128xf32, #tpu.memory_space<vmem>>[vector<16xi32>, vector<16xi32>], vector<16xf32>,
          %scan3A_261 = arith.constant 0 : i32
          scf.yield %scan3A_261 : i32
        }
        %scan3A_139 = arith.constant 64 : i32
        %dma_start3A_140 = arith.constant 0 : i32
        %dma_start3A_141 = tpu.memref_slice %arg17[%while3A_107, %dma_start3A_140] : memref<16x128xi32, #tpu.memory_space<vmem>> -> memref<1x128xi32, #tpu.memory_space<vmem>>
        %dma_start3A_142 = tpu.memref_squeeze %dma_start3A_141 : memref<1x128xi32, #tpu.memory_space<vmem>> -> memref<128xi32, #tpu.memory_space<vmem>>
        %dma_start3A_143 = arith.constant 0 : i32
        %dma_start3A_144 = arith.constant 0 : i32
        %dma_start3A_145 = tpu.memref_slice %arg9[%dma_start3A_143, %dma_start3A_144] : memref<5376x128xf32, #tpu.memory_space<vmem_shared>> -> memref<5376x128xf32, #tpu.memory_space<vmem_shared>>
        tpu.enqueue_indirect_dma source(%arg23 : memref<128x128xf32, #tpu.memory_space<vmem>>) target(%dma_start3A_145 : memref<5376x128xf32, #tpu.memory_space<vmem_shared>>) offsets(%dma_start3A_142 : memref<128xi32, #tpu.memory_space<vmem>>) semaphore(%arg26 : memref<!tpu.dma_semaphore, #tpu.memory_space<semaphore_mem>>) {add = true}
        %while3A_146 = arith.constant 0 : i32
        scf.yield %while3A_146 : i32
      }
      %gt3A = arith.constant 0 : i32
      %gt3A_102 = arith.cmpi sgt, %shift_right_arithmetic3A_77, %gt3A : i32
      %convert_element_type3A_103 = arith.extui %gt3A_102 : i1 to i32
      %cond3A_104 = arith.constant 0 : i32
      %cond3A_105 = arith.cmpi ne, %convert_element_type3A_103, %cond3A_104 : i32
      scf.if %cond3A_105 {
        %sub3A = arith.constant 1 : i32
        %sub3A_107 = arith.subi %shift_right_arithmetic3A_77, %sub3A : i32
        %dma_wait3A = arith.constant 0 : i32
        %dma_wait3A_108 = tpu.memref_slice %arg17[%sub3A_107, %dma_wait3A] : memref<16x128xi32, #tpu.memory_space<vmem>> -> memref<1x128xi32, #tpu.memory_space<vmem>>
        %dma_wait3A_109 = tpu.memref_squeeze %dma_wait3A_108 : memref<1x128xi32, #tpu.memory_space<vmem>> -> memref<128xi32, #tpu.memory_space<vmem>>
        %dma_wait3A_110 = arith.constant 0 : i32
        %dma_wait3A_111 = arith.constant 0 : i32
        %dma_wait3A_112 = tpu.memref_slice %arg9[%dma_wait3A_110, %dma_wait3A_111] : memref<5376x128xf32, #tpu.memory_space<vmem_shared>> -> memref<5376x128xf32, #tpu.memory_space<vmem_shared>>
        tpu.wait_indirect_dma semaphore(%arg26 : memref<!tpu.dma_semaphore, #tpu.memory_space<semaphore_mem>>) src(%arg23 : memref<128x128xf32, #tpu.memory_space<vmem>>) dst(%dma_wait3A_112 : memref<5376x128xf32, #tpu.memory_space<vmem_shared>>)
        %scan3A_113 = arith.constant 0 : i32
        %scan3A_114 = arith.constant 0 : i32
        %scan3A_115 = arith.constant 64 : i32
        %scan3A_116 = arith.addi %scan3A_114, %scan3A_115 : i32
        %scan3A_117 = arith.constant 1 : i32
        %scan3A_118 = scf.for %scan3A_120 = %scan3A_114 to %scan3A_116 step %scan3A_117 iter_args(%scan3A_121 = %scan3A_113) -> (i32)  : i32 {
          %mul3A_122 = arith.constant 64 : i32
          %mul3A_123 = arith.muli %sub3A_107, %mul3A_122 : i32
          %add3A_124 = arith.addi %mul3A_123, %scan3A_120 : i32
          %add3A_125 = vector.broadcast %add3A_124 : i32 to vector<16xi32>
          %add3A_126 = arith.addi %broadcast_in_dim3A_3, %add3A_125 : vector<16xi32>
          %gather3A = tpu.vector_load_idx %arg15[%add3A_126] : memref<1024xi32, #tpu.memory_space<vmem>>[vector<16xi32>], vector<16xi32>,
          %and3A = arith.constant 31 : i32
          %and3A_127 = vector.broadcast %and3A : i32 to vector<16xi32>
          %and3A_128 = arith.andi %gather3A, %and3A_127 : vector<16xi32>
          %shift_left3A_129 = arith.constant 2 : i32
          %shift_left3A_130 = vector.broadcast %shift_left3A_129 : i32 to vector<16xi32>
          %shift_left3A_131 = arith.shli %and3A_128, %shift_left3A_130 : vector<16xi32>
          %add3A_132 = arith.addi %shift_left3A_131, %iota3A : vector<16xi32>
          %and3A_133 = arith.constant 127 : i32
          %and3A_134 = vector.broadcast %and3A_133 : i32 to vector<16xi32>
          %and3A_135 = arith.andi %add3A_132, %and3A_134 : vector<16xi32>
          %add3A_136 = arith.constant 64 : i32
          %add3A_137 = arith.addi %add3A_136, %scan3A_120 : i32
          %add3A_138 = vector.broadcast %add3A_137 : i32 to vector<16xi32>
          %add3A_139 = arith.addi %broadcast_in_dim3A_3, %add3A_138 : vector<16xi32>
          tpu.vector_store_idx %arg23[%add3A_139, %and3A_135], %broadcast_in_dim3A_1 : memref<128x128xf32, #tpu.memory_space<vmem>>[vector<16xi32>, vector<16xi32>], vector<16xf32>,
          %scan3A_140 = arith.constant 0 : i32
          scf.yield %scan3A_140 : i32
        }
        %scan3A_119 = arith.constant 64 : i32
      } else {
      }
      %scan3A_106 = arith.constant 0 : i32
      scf.yield %scan3A_106 : i32
    }
    %scan3A_39 = arith.constant 50 : i32
    %barrier3A_40 = arith.constant 0 : index
    tpu.barrier barrier_id(%barrier3A_40)
    %lt3A = arith.constant 15 : i32
    %lt3A_41 = arith.cmpi slt, %arg1, %lt3A : i32
    %convert_element_type3A = arith.extui %lt3A_41 : i1 to i32
    %cond3A = arith.constant 0 : i32
    %cond3A_42 = arith.cmpi ne, %convert_element_type3A, %cond3A : i32
    scf.if %cond3A_42 {
      %mul3A_52 = arith.constant 312 : i32
      %mul3A_53 = arith.muli %arg1, %mul3A_52 : i32
      %mul3A_54 = arith.constant 312 : i32
      %mul3A_55 = arith.muli %arg1, %mul3A_54 : i32
      %add3A = arith.addi %mul3A_0, %mul3A_55 : i32
      "tpu.region"() ({
        %run_scoped3A = tpu.sem_alloc : memref<!tpu.dma_semaphore, #tpu.memory_space<semaphore_mem>>
        %dma_start3A = arith.constant 0 : i32
        %dma_start3A_56 = tpu.memref_slice %arg7[%add3A, %dma_start3A] : memref<10000x128xf32, #tpu.memory_space<hbm>> -> memref<312x128xf32, #tpu.memory_space<hbm>>
        %dma_start3A_57 = arith.constant 0 : i32
        %dma_start3A_58 = tpu.memref_slice %arg9[%mul3A_53, %dma_start3A_57] : memref<5376x128xf32, #tpu.memory_space<vmem_shared>> -> memref<312x128xf32, #tpu.memory_space<vmem_shared>>
        tpu.enqueue_dma source(%dma_start3A_58 : memref<312x128xf32, #tpu.memory_space<vmem_shared>>) target(%dma_start3A_56 : memref<312x128xf32, #tpu.memory_space<hbm>>) target_semaphore(%run_scoped3A : memref<!tpu.dma_semaphore, #tpu.memory_space<semaphore_mem>>)
        %dma_wait3A = arith.constant 0 : i32
        %dma_wait3A_59 = tpu.memref_slice %arg7[%add3A, %dma_wait3A] : memref<10000x128xf32, #tpu.memory_space<hbm>> -> memref<312x128xf32, #tpu.memory_space<hbm>>
        %dma_wait3A_60 = arith.constant 0 : i32
        %dma_wait3A_61 = tpu.memref_slice %arg9[%mul3A_53, %dma_wait3A_60] : memref<5376x128xf32, #tpu.memory_space<vmem_shared>> -> memref<312x128xf32, #tpu.memory_space<vmem_shared>>
        tpu.wait_dma2 semaphore(%run_scoped3A : memref<!tpu.dma_semaphore, #tpu.memory_space<semaphore_mem>>) src(%dma_wait3A_61 : memref<312x128xf32, #tpu.memory_space<vmem_shared>>) dst(%dma_wait3A_59 : memref<312x128xf32, #tpu.memory_space<hbm>>)
        tpu.yield
      }) : () -> ()
    } else {
    }
    %eq3A = arith.constant 15 : i32
    %eq3A_43 = arith.cmpi eq, %arg1, %eq3A : i32
    %convert_element_type3A_44 = arith.extui %eq3A_43 : i1 to i32
    %cond3A_45 = arith.constant 0 : i32
    %cond3A_46 = arith.cmpi ne, %convert_element_type3A_44, %cond3A_45 : i32
    scf.if %cond3A_46 {
      %add3A = arith.constant 4680 : i32
      %add3A_52 = arith.addi %mul3A_0, %add3A : i32
      "tpu.region"() ({
        %run_scoped3A = tpu.sem_alloc : memref<!tpu.dma_semaphore, #tpu.memory_space<semaphore_mem>>
        %dma_start3A = arith.constant 0 : i32
        %dma_start3A_53 = tpu.memref_slice %arg7[%add3A_52, %dma_start3A] : memref<10000x128xf32, #tpu.memory_space<hbm>> -> memref<320x128xf32, #tpu.memory_space<hbm>>
        %dma_start3A_54 = arith.constant 4680 : i32
        %dma_start3A_55 = arith.constant 0 : i32
        %dma_start3A_56 = tpu.memref_slice %arg9[%dma_start3A_54, %dma_start3A_55] : memref<5376x128xf32, #tpu.memory_space<vmem_shared>> -> memref<320x128xf32, #tpu.memory_space<vmem_shared>>
        tpu.enqueue_dma source(%dma_start3A_56 : memref<320x128xf32, #tpu.memory_space<vmem_shared>>) target(%dma_start3A_53 : memref<320x128xf32, #tpu.memory_space<hbm>>) target_semaphore(%run_scoped3A : memref<!tpu.dma_semaphore, #tpu.memory_space<semaphore_mem>>)
        %dma_wait3A = arith.constant 0 : i32
        %dma_wait3A_57 = tpu.memref_slice %arg7[%add3A_52, %dma_wait3A] : memref<10000x128xf32, #tpu.memory_space<hbm>> -> memref<320x128xf32, #tpu.memory_space<hbm>>
        %dma_wait3A_58 = arith.constant 4680 : i32
        %dma_wait3A_59 = arith.constant 0 : i32
        %dma_wait3A_60 = tpu.memref_slice %arg9[%dma_wait3A_58, %dma_wait3A_59] : memref<5376x128xf32, #tpu.memory_space<vmem_shared>> -> memref<320x128xf32, #tpu.memory_space<vmem_shared>>
        tpu.wait_dma2 semaphore(%run_scoped3A : memref<!tpu.dma_semaphore, #tpu.memory_space<semaphore_mem>>) src(%dma_wait3A_60 : memref<320x128xf32, #tpu.memory_space<vmem_shared>>) dst(%dma_wait3A_57 : memref<320x128xf32, #tpu.memory_space<hbm>>)
        tpu.yield
      }) : () -> ()
    } else {
    }
    %lt3A_47 = arith.constant 10 : i32
    %lt3A_48 = arith.cmpi slt, %arg1, %lt3A_47 : i32
    %convert_element_type3A_49 = arith.extui %lt3A_48 : i1 to i32
    %cond3A_50 = arith.constant 0 : i32
    %cond3A_51 = arith.cmpi ne, %convert_element_type3A_49, %cond3A_50 : i32
    scf.if %cond3A_51 {
      %mul3A_52 = arith.constant 16 : i32
      %mul3A_53 = arith.muli %arg1, %mul3A_52 : i32
      %add3A = arith.constant 5008 : i32
      %add3A_54 = arith.addi %add3A, %mul3A_53 : i32
      %mul3A_55 = arith.constant 160 : i32
      %mul3A_56 = arith.muli %arg0, %mul3A_55 : i32
      %mul3A_57 = arith.constant 16 : i32
      %mul3A_58 = arith.muli %arg1, %mul3A_57 : i32
      %add3A_59 = arith.addi %mul3A_56, %mul3A_58 : i32
      "tpu.region"() ({
        %run_scoped3A = tpu.sem_alloc : memref<!tpu.dma_semaphore, #tpu.memory_space<semaphore_mem>>
        %dma_start3A = arith.constant 0 : i32
        %dma_start3A_60 = tpu.memref_slice %arg8[%add3A_59, %dma_start3A] : memref<320x128xf32, #tpu.memory_space<hbm>> -> memref<16x128xf32, #tpu.memory_space<hbm>>
        %dma_start3A_61 = arith.constant 0 : i32
        %dma_start3A_62 = tpu.memref_slice %arg9[%add3A_54, %dma_start3A_61] : memref<5376x128xf32, #tpu.memory_space<vmem_shared>> -> memref<16x128xf32, #tpu.memory_space<vmem_shared>>
        tpu.enqueue_dma source(%dma_start3A_62 : memref<16x128xf32, #tpu.memory_space<vmem_shared>>) target(%dma_start3A_60 : memref<16x128xf32, #tpu.memory_space<hbm>>) target_semaphore(%run_scoped3A : memref<!tpu.dma_semaphore, #tpu.memory_space<semaphore_mem>>)
        %dma_wait3A = arith.constant 0 : i32
        %dma_wait3A_63 = tpu.memref_slice %arg8[%add3A_59, %dma_wait3A] : memref<320x128xf32, #tpu.memory_space<hbm>> -> memref<16x128xf32, #tpu.memory_space<hbm>>
        %dma_wait3A_64 = arith.constant 0 : i32
        %dma_wait3A_65 = tpu.memref_slice %arg9[%add3A_54, %dma_wait3A_64] : memref<5376x128xf32, #tpu.memory_space<vmem_shared>> -> memref<16x128xf32, #tpu.memory_space<vmem_shared>>
        tpu.wait_dma2 semaphore(%run_scoped3A : memref<!tpu.dma_semaphore, #tpu.memory_space<semaphore_mem>>) src(%dma_wait3A_65 : memref<16x128xf32, #tpu.memory_space<vmem_shared>>) dst(%dma_wait3A_63 : memref<16x128xf32, #tpu.memory_space<hbm>>)
        tpu.yield
      }) : () -> ()
    } else {
    }
    return
  }
}

module attributes {stable_mosaic.version = 14 : i64} {
  func.func @_feat_body(%arg0: i32, %arg1: memref<2000x128xf32, #tpu.memory_space<vmem>>, %arg2: memref<128x128xf32, #tpu.memory_space<vmem>>, %arg3: memref<128x4xf32, #tpu.memory_space<vmem>>, %arg4: memref<128x4xf32, #tpu.memory_space<vmem>>, %arg5: memref<2000x128xf32, #tpu.memory_space<vmem>>, %arg6: memref<2000x4xf32, #tpu.memory_space<vmem>>, %arg7: memref<2000x4xf32, #tpu.memory_space<vmem>>) attributes {dimension_semantics = [#tpu.dimension_semantics<arbitrary>], iteration_bounds = array<i64: 5>, scalar_prefetch = 0 : i64, scratch_operands = 0 : i64, tpu.core_type = #tpu.core_type<tc>, window_params = [{transform_indices = @transform_0, window_bounds = array<i64: 2000, 128>}, {pipeline_mode = #tpu.pipeline_mode<synchronous>, transform_indices = @transform_1, window_bounds = array<i64: 128, 128>}, {pipeline_mode = #tpu.pipeline_mode<synchronous>, transform_indices = @transform_2, window_bounds = array<i64: 128, 4>}, {pipeline_mode = #tpu.pipeline_mode<synchronous>, transform_indices = @transform_3, window_bounds = array<i64: 128, 4>}, {transform_indices = @transform_4, window_bounds = array<i64: 2000, 128>}, {transform_indices = @transform_5, window_bounds = array<i64: 2000, 4>}, {transform_indices = @transform_6, window_bounds = array<i64: 2000, 4>}]} {
    %get3A = arith.constant 0 : index
    %get3A_0 = arith.constant 0 : index
    %get3A_1 = vector.load %arg1[%get3A, %get3A_0] : memref<2000x128xf32, #tpu.memory_space<vmem>>, vector<2000x128xf32>
    %get3A_2 = arith.constant 0 : index
    %get3A_3 = arith.constant 0 : index
    %get3A_4 = vector.load %arg2[%get3A_2, %get3A_3] : memref<128x128xf32, #tpu.memory_space<vmem>>, vector<128x128xf32>
    %dot_general3A = arith.constant dense<0.000000e+00> : vector<2000x128xf32>
    %dot_general3A_5 = tpu.matmul %get3A_1, %get3A_4, %dot_general3A {dimension_numbers = #tpu.dot_dimension_numbers<[1], [0], [0], [1], [0, 0, 1, 1], [], []>, precision = #tpu.contract_precision<fp32>, transpose_lhs_hint = false} : vector<2000x128xf32>, vector<128x128xf32>, vector<2000x128xf32> -> vector<2000x128xf32>
    %swap3A = arith.constant 0 : index
    %swap3A_6 = arith.constant 0 : index
    %swap3A_7 = vector.load %arg5[%swap3A, %swap3A_6] : memref<2000x128xf32, #tpu.memory_space<vmem>>, vector<2000x128xf32>
    tpu.vector_store %arg5[%swap3A, %swap3A_6], %dot_general3A_5 {strides = array<i32>} : memref<2000x128xf32, #tpu.memory_space<vmem>>, vector<2000x128xf32>,
    %get3A_8 = arith.constant 0 : index
    %get3A_9 = arith.constant 0 : index
    %get3A_10 = vector.load %arg3[%get3A_8, %get3A_9] : memref<128x4xf32, #tpu.memory_space<vmem>>, vector<128x4xf32>
    %dot_general3A_11 = arith.constant dense<0.000000e+00> : vector<2000x4xf32>
    %dot_general3A_12 = tpu.matmul %dot_general3A_5, %get3A_10, %dot_general3A_11 {dimension_numbers = #tpu.dot_dimension_numbers<[1], [0], [0], [1], [0, 0, 1, 1], [], []>, precision = #tpu.contract_precision<fp32>, transpose_lhs_hint = false} : vector<2000x128xf32>, vector<128x4xf32>, vector<2000x4xf32> -> vector<2000x4xf32>
    %swap3A_13 = arith.constant 0 : index
    %swap3A_14 = arith.constant 0 : index
    %swap3A_15 = vector.load %arg6[%swap3A_13, %swap3A_14] : memref<2000x4xf32, #tpu.memory_space<vmem>>, vector<2000x4xf32>
    tpu.vector_store %arg6[%swap3A_13, %swap3A_14], %dot_general3A_12 {strides = array<i32>} : memref<2000x4xf32, #tpu.memory_space<vmem>>, vector<2000x4xf32>,
    %get3A_16 = arith.constant 0 : index
    %get3A_17 = arith.constant 0 : index
    %get3A_18 = vector.load %arg4[%get3A_16, %get3A_17] : memref<128x4xf32, #tpu.memory_space<vmem>>, vector<128x4xf32>
    %dot_general3A_19 = arith.constant dense<0.000000e+00> : vector<2000x4xf32>
    %dot_general3A_20 = tpu.matmul %dot_general3A_5, %get3A_18, %dot_general3A_19 {dimension_numbers = #tpu.dot_dimension_numbers<[1], [0], [0], [1], [0, 0, 1, 1], [], []>, precision = #tpu.contract_precision<fp32>, transpose_lhs_hint = false} : vector<2000x128xf32>, vector<128x4xf32>, vector<2000x4xf32> -> vector<2000x4xf32>
    %swap3A_21 = arith.constant 0 : index
    %swap3A_22 = arith.constant 0 : index
    %swap3A_23 = vector.load %arg7[%swap3A_21, %swap3A_22] : memref<2000x4xf32, #tpu.memory_space<vmem>>, vector<2000x4xf32>
    tpu.vector_store %arg7[%swap3A_21, %swap3A_22], %dot_general3A_20 {strides = array<i32>} : memref<2000x4xf32, #tpu.memory_space<vmem>>, vector<2000x4xf32>,
    return
  }
  func.func @transform_0(%arg0: i32) -> (i32, i32) {
    %c0_i32 = arith.constant 0 : i32
    %c0_i32_0 = arith.constant 0 : i32
    return %arg0, %c0_i32 : i32, i32
  }
  func.func @transform_1(%arg0: i32) -> (i32, i32) {
    %c0_i32 = arith.constant 0 : i32
    %c0_i32_0 = arith.constant 0 : i32
    %c0_i32_1 = arith.constant 0 : i32
    return %c0_i32, %c0_i32_0 : i32, i32
  }
  func.func @transform_2(%arg0: i32) -> (i32, i32) {
    %c0_i32 = arith.constant 0 : i32
    %c0_i32_0 = arith.constant 0 : i32
    %c0_i32_1 = arith.constant 0 : i32
    return %c0_i32, %c0_i32_0 : i32, i32
  }
  func.func @transform_3(%arg0: i32) -> (i32, i32) {
    %c0_i32 = arith.constant 0 : i32
    %c0_i32_0 = arith.constant 0 : i32
    %c0_i32_1 = arith.constant 0 : i32
    return %c0_i32, %c0_i32_0 : i32, i32
  }
  func.func @transform_4(%arg0: i32) -> (i32, i32) {
    %c0_i32 = arith.constant 0 : i32
    %c0_i32_0 = arith.constant 0 : i32
    return %arg0, %c0_i32 : i32, i32
  }
  func.func @transform_5(%arg0: i32) -> (i32, i32) {
    %c0_i32 = arith.constant 0 : i32
    %c0_i32_0 = arith.constant 0 : i32
    return %arg0, %c0_i32 : i32, i32
  }
  func.func @transform_6(%arg0: i32) -> (i32, i32) {
    %c0_i32 = arith.constant 0 : i32
    %c0_i32_0 = arith.constant 0 : i32
    return %arg0, %c0_i32 : i32, i32
  }
}

module attributes {stable_mosaic.version = 14 : i64} {
  func.func @_post_feat_body(%arg0: i32, %arg1: memref<2000x128xf32, #tpu.memory_space<vmem>>, %arg2: memref<2000x4xf32, #tpu.memory_space<vmem>>, %arg3: memref<2000x128xf32, #tpu.memory_space<vmem>>, %arg4: memref<1x128xf32, #tpu.memory_space<vmem>>, %arg5: memref<128x128xf32, #tpu.memory_space<vmem>>, %arg6: memref<128x4xf32, #tpu.memory_space<vmem>>, %arg7: memref<128x4xf32, #tpu.memory_space<vmem>>, %arg8: memref<2000x128xf32, #tpu.memory_space<vmem>>, %arg9: memref<2000x128xf32, #tpu.memory_space<vmem>>, %arg10: memref<2000x4xf32, #tpu.memory_space<vmem>>, %arg11: memref<2000x4xf32, #tpu.memory_space<vmem>>) attributes {dimension_semantics = [#tpu.dimension_semantics<arbitrary>], iteration_bounds = array<i64: 5>, scalar_prefetch = 0 : i64, scratch_operands = 0 : i64, tpu.core_type = #tpu.core_type<tc>, window_params = [{transform_indices = @transform_0, window_bounds = array<i64: 2000, 128>}, {transform_indices = @transform_1, window_bounds = array<i64: 2000, 4>}, {transform_indices = @transform_2, window_bounds = array<i64: 2000, 128>}, {pipeline_mode = #tpu.pipeline_mode<synchronous>, transform_indices = @transform_3, window_bounds = array<i64: 1, 128>}, {pipeline_mode = #tpu.pipeline_mode<synchronous>, transform_indices = @transform_4, window_bounds = array<i64: 128, 128>}, {pipeline_mode = #tpu.pipeline_mode<synchronous>, transform_indices = @transform_5, window_bounds = array<i64: 128, 4>}, {pipeline_mode = #tpu.pipeline_mode<synchronous>, transform_indices = @transform_6, window_bounds = array<i64: 128, 4>}, {transform_indices = @transform_7, window_bounds = array<i64: 2000, 128>}, {transform_indices = @transform_8, window_bounds = array<i64: 2000, 128>}, {transform_indices = @transform_9, window_bounds = array<i64: 2000, 4>}, {transform_indices = @transform_10, window_bounds = array<i64: 2000, 4>}]} {
    %get3A = arith.constant 0 : index
    %get3A_0 = arith.constant 0 : index
    %get3A_1 = vector.load %arg1[%get3A, %get3A_0] : memref<2000x128xf32, #tpu.memory_space<vmem>>, vector<2000x128xf32>
    %get3A_2 = arith.constant 0 : index
    %get3A_3 = arith.constant 0 : index
    %get3A_4 = vector.load %arg2[%get3A_2, %get3A_3] : memref<2000x4xf32, #tpu.memory_space<vmem>>, vector<2000x4xf32>
    %slice3A = vector.extract_strided_slice %get3A_1 {offsets = [0, 0], sizes = [2000, 32], strides = [1, 1]} : vector<2000x128xf32> to vector<2000x32xf32>
    %slice3A_5 = vector.extract_strided_slice %get3A_4 {offsets = [0, 0], sizes = [2000, 1], strides = [1, 1]} : vector<2000x4xf32> to vector<2000x1xf32>
    %add3A = arith.constant 9.99999971E-10 : f32
    %add3A_6 = vector.broadcast %add3A : f32 to vector<2000x1xf32>
    %add3A_7 = arith.addf %slice3A_5, %add3A_6 : vector<2000x1xf32>
    %div3A = vector.broadcast %add3A_7 : vector<2000x1xf32> to vector<2000x32xf32>
    %div3A_8 = arith.divf %slice3A, %div3A : vector<2000x32xf32>
    %slice3A_9 = vector.extract_strided_slice %get3A_1 {offsets = [0, 32], sizes = [2000, 32], strides = [1, 1]} : vector<2000x128xf32> to vector<2000x32xf32>
    %slice3A_10 = vector.extract_strided_slice %get3A_4 {offsets = [0, 1], sizes = [2000, 1], strides = [1, 1]} : vector<2000x4xf32> to vector<2000x1xf32>
    %add3A_11 = arith.constant 9.99999971E-10 : f32
    %add3A_12 = vector.broadcast %add3A_11 : f32 to vector<2000x1xf32>
    %add3A_13 = arith.addf %slice3A_10, %add3A_12 : vector<2000x1xf32>
    %div3A_14 = vector.broadcast %add3A_13 : vector<2000x1xf32> to vector<2000x32xf32>
    %div3A_15 = arith.divf %slice3A_9, %div3A_14 : vector<2000x32xf32>
    %slice3A_16 = vector.extract_strided_slice %get3A_1 {offsets = [0, 64], sizes = [2000, 32], strides = [1, 1]} : vector<2000x128xf32> to vector<2000x32xf32>
    %slice3A_17 = vector.extract_strided_slice %get3A_4 {offsets = [0, 2], sizes = [2000, 1], strides = [1, 1]} : vector<2000x4xf32> to vector<2000x1xf32>
    %add3A_18 = arith.constant 9.99999971E-10 : f32
    %add3A_19 = vector.broadcast %add3A_18 : f32 to vector<2000x1xf32>
    %add3A_20 = arith.addf %slice3A_17, %add3A_19 : vector<2000x1xf32>
    %div3A_21 = vector.broadcast %add3A_20 : vector<2000x1xf32> to vector<2000x32xf32>
    %div3A_22 = arith.divf %slice3A_16, %div3A_21 : vector<2000x32xf32>
    %slice3A_23 = vector.extract_strided_slice %get3A_1 {offsets = [0, 96], sizes = [2000, 32], strides = [1, 1]} : vector<2000x128xf32> to vector<2000x32xf32>
    %slice3A_24 = vector.extract_strided_slice %get3A_4 {offsets = [0, 3], sizes = [2000, 1], strides = [1, 1]} : vector<2000x4xf32> to vector<2000x1xf32>
    %add3A_25 = arith.constant 9.99999971E-10 : f32
    %add3A_26 = vector.broadcast %add3A_25 : f32 to vector<2000x1xf32>
    %add3A_27 = arith.addf %slice3A_24, %add3A_26 : vector<2000x1xf32>
    %div3A_28 = vector.broadcast %add3A_27 : vector<2000x1xf32> to vector<2000x32xf32>
    %div3A_29 = arith.divf %slice3A_23, %div3A_28 : vector<2000x32xf32>
    %concatenate3A = tpu.concatenate %div3A_8, %div3A_15, %div3A_22, %div3A_29 in 1 : vector<2000x32xf32>, vector<2000x32xf32>, vector<2000x32xf32>, vector<2000x32xf32> -> vector<2000x128xf32>
    %get3A_30 = arith.constant 0 : index
    %get3A_31 = arith.constant 0 : index
    %get3A_32 = vector.load %arg4[%get3A_30, %get3A_31] : memref<1x128xf32, #tpu.memory_space<vmem>>, vector<1x128xf32>
    %add3A_33 = vector.broadcast %get3A_32 : vector<1x128xf32> to vector<2000x128xf32>
    %add3A_34 = arith.addf %concatenate3A, %add3A_33 : vector<2000x128xf32>
    %gt3A = arith.constant 0.000000e+00 : f32
    %gt3A_35 = vector.broadcast %gt3A : f32 to vector<2000x128xf32>
    %gt3A_36 = arith.cmpf ogt, %add3A_34, %gt3A_35 : vector<2000x128xf32>
    %min3A = arith.constant 0.000000e+00 : f32
    %min3A_37 = vector.broadcast %min3A : f32 to vector<2000x128xf32>
    %min3A_38 = arith.minimumf %add3A_34, %min3A_37 : vector<2000x128xf32>
    %exp3A = math.exp %min3A_38 : vector<2000x128xf32>
    %sub3A = arith.constant 1.000000e+00 : f32
    %sub3A_39 = vector.broadcast %sub3A : f32 to vector<2000x128xf32>
    %sub3A_40 = arith.subf %exp3A, %sub3A_39 : vector<2000x128xf32>
    %select_n3A = arith.select %gt3A_36, %add3A_34, %sub3A_40 : vector<2000x128xi1>, vector<2000x128xf32>
    %swap3A = arith.constant 0 : index
    %swap3A_41 = arith.constant 0 : index
    %swap3A_42 = vector.load %arg8[%swap3A, %swap3A_41] : memref<2000x128xf32, #tpu.memory_space<vmem>>, vector<2000x128xf32>
    tpu.vector_store %arg8[%swap3A, %swap3A_41], %select_n3A {strides = array<i32>} : memref<2000x128xf32, #tpu.memory_space<vmem>>, vector<2000x128xf32>,
    %get3A_43 = arith.constant 0 : index
    %get3A_44 = arith.constant 0 : index
    %get3A_45 = vector.load %arg5[%get3A_43, %get3A_44] : memref<128x128xf32, #tpu.memory_space<vmem>>, vector<128x128xf32>
    %dot_general3A = arith.constant dense<0.000000e+00> : vector<2000x128xf32>
    %dot_general3A_46 = tpu.matmul %select_n3A, %get3A_45, %dot_general3A {dimension_numbers = #tpu.dot_dimension_numbers<[1], [0], [0], [1], [0, 0, 1, 1], [], []>, precision = #tpu.contract_precision<fp32>, transpose_lhs_hint = false} : vector<2000x128xf32>, vector<128x128xf32>, vector<2000x128xf32> -> vector<2000x128xf32>
    %swap3A_47 = arith.constant 0 : index
    %swap3A_48 = arith.constant 0 : index
    %swap3A_49 = vector.load %arg9[%swap3A_47, %swap3A_48] : memref<2000x128xf32, #tpu.memory_space<vmem>>, vector<2000x128xf32>
    tpu.vector_store %arg9[%swap3A_47, %swap3A_48], %dot_general3A_46 {strides = array<i32>} : memref<2000x128xf32, #tpu.memory_space<vmem>>, vector<2000x128xf32>,
    %get3A_50 = arith.constant 0 : index
    %get3A_51 = arith.constant 0 : index
    %get3A_52 = vector.load %arg6[%get3A_50, %get3A_51] : memref<128x4xf32, #tpu.memory_space<vmem>>, vector<128x4xf32>
    %dot_general3A_53 = arith.constant dense<0.000000e+00> : vector<2000x4xf32>
    %dot_general3A_54 = tpu.matmul %dot_general3A_46, %get3A_52, %dot_general3A_53 {dimension_numbers = #tpu.dot_dimension_numbers<[1], [0], [0], [1], [0, 0, 1, 1], [], []>, precision = #tpu.contract_precision<fp32>, transpose_lhs_hint = false} : vector<2000x128xf32>, vector<128x4xf32>, vector<2000x4xf32> -> vector<2000x4xf32>
    %swap3A_55 = arith.constant 0 : index
    %swap3A_56 = arith.constant 0 : index
    %swap3A_57 = vector.load %arg10[%swap3A_55, %swap3A_56] : memref<2000x4xf32, #tpu.memory_space<vmem>>, vector<2000x4xf32>
    tpu.vector_store %arg10[%swap3A_55, %swap3A_56], %dot_general3A_54 {strides = array<i32>} : memref<2000x4xf32, #tpu.memory_space<vmem>>, vector<2000x4xf32>,
    %get3A_58 = arith.constant 0 : index
    %get3A_59 = arith.constant 0 : index
    %get3A_60 = vector.load %arg7[%get3A_58, %get3A_59] : memref<128x4xf32, #tpu.memory_space<vmem>>, vector<128x4xf32>
    %dot_general3A_61 = arith.constant dense<0.000000e+00> : vector<2000x4xf32>
    %dot_general3A_62 = tpu.matmul %dot_general3A_46, %get3A_60, %dot_general3A_61 {dimension_numbers = #tpu.dot_dimension_numbers<[1], [0], [0], [1], [0, 0, 1, 1], [], []>, precision = #tpu.contract_precision<fp32>, transpose_lhs_hint = false} : vector<2000x128xf32>, vector<128x4xf32>, vector<2000x4xf32> -> vector<2000x4xf32>
    %swap3A_63 = arith.constant 0 : index
    %swap3A_64 = arith.constant 0 : index
    %swap3A_65 = vector.load %arg11[%swap3A_63, %swap3A_64] : memref<2000x4xf32, #tpu.memory_space<vmem>>, vector<2000x4xf32>
    tpu.vector_store %arg11[%swap3A_63, %swap3A_64], %dot_general3A_62 {strides = array<i32>} : memref<2000x4xf32, #tpu.memory_space<vmem>>, vector<2000x4xf32>,
    return
  }
  func.func @transform_0(%arg0: i32) -> (i32, i32) {
    %c0_i32 = arith.constant 0 : i32
    %c0_i32_0 = arith.constant 0 : i32
    return %arg0, %c0_i32 : i32, i32
  }
  func.func @transform_1(%arg0: i32) -> (i32, i32) {
    %c0_i32 = arith.constant 0 : i32
    %c0_i32_0 = arith.constant 0 : i32
    return %arg0, %c0_i32 : i32, i32
  }
  func.func @transform_2(%arg0: i32) -> (i32, i32) {
    %c0_i32 = arith.constant 0 : i32
    %c0_i32_0 = arith.constant 0 : i32
    return %arg0, %c0_i32 : i32, i32
  }
  func.func @transform_3(%arg0: i32) -> (i32, i32) {
    %c0_i32 = arith.constant 0 : i32
    %c0_i32_0 = arith.constant 0 : i32
    %c0_i32_1 = arith.constant 0 : i32
    return %c0_i32, %c0_i32_0 : i32, i32
  }
  func.func @transform_4(%arg0: i32) -> (i32, i32) {
    %c0_i32 = arith.constant 0 : i32
    %c0_i32_0 = arith.constant 0 : i32
    %c0_i32_1 = arith.constant 0 : i32
    return %c0_i32, %c0_i32_0 : i32, i32
  }
  func.func @transform_5(%arg0: i32) -> (i32, i32) {
    %c0_i32 = arith.constant 0 : i32
    %c0_i32_0 = arith.constant 0 : i32
    %c0_i32_1 = arith.constant 0 : i32
    return %c0_i32, %c0_i32_0 : i32, i32
  }
  func.func @transform_6(%arg0: i32) -> (i32, i32) {
    %c0_i32 = arith.constant 0 : i32
    %c0_i32_0 = arith.constant 0 : i32
    %c0_i32_1 = arith.constant 0 : i32
    return %c0_i32, %c0_i32_0 : i32, i32
  }
  func.func @transform_7(%arg0: i32) -> (i32, i32) {
    %c0_i32 = arith.constant 0 : i32
    %c0_i32_0 = arith.constant 0 : i32
    return %arg0, %c0_i32 : i32, i32
  }
  func.func @transform_8(%arg0: i32) -> (i32, i32) {
    %c0_i32 = arith.constant 0 : i32
    %c0_i32_0 = arith.constant 0 : i32
    return %arg0, %c0_i32 : i32, i32
  }
  func.func @transform_9(%arg0: i32) -> (i32, i32) {
    %c0_i32 = arith.constant 0 : i32
    %c0_i32_0 = arith.constant 0 : i32
    return %arg0, %c0_i32 : i32, i32
  }
  func.func @transform_10(%arg0: i32) -> (i32, i32) {
    %c0_i32 = arith.constant 0 : i32
    %c0_i32_0 = arith.constant 0 : i32
    return %arg0, %c0_i32 : i32, i32
  }
}

module attributes {stable_mosaic.version = 14 : i64} {
  func.func @_post_feat_body(%arg0: i32, %arg1: memref<2000x128xf32, #tpu.memory_space<vmem>>, %arg2: memref<2000x4xf32, #tpu.memory_space<vmem>>, %arg3: memref<2000x128xf32, #tpu.memory_space<vmem>>, %arg4: memref<1x128xf32, #tpu.memory_space<vmem>>, %arg5: memref<128x128xf32, #tpu.memory_space<vmem>>, %arg6: memref<128x4xf32, #tpu.memory_space<vmem>>, %arg7: memref<128x4xf32, #tpu.memory_space<vmem>>, %arg8: memref<2000x128xf32, #tpu.memory_space<vmem>>, %arg9: memref<2000x128xf32, #tpu.memory_space<vmem>>, %arg10: memref<2000x4xf32, #tpu.memory_space<vmem>>, %arg11: memref<2000x4xf32, #tpu.memory_space<vmem>>) attributes {dimension_semantics = [#tpu.dimension_semantics<arbitrary>], iteration_bounds = array<i64: 5>, scalar_prefetch = 0 : i64, scratch_operands = 0 : i64, tpu.core_type = #tpu.core_type<tc>, window_params = [{transform_indices = @transform_0, window_bounds = array<i64: 2000, 128>}, {transform_indices = @transform_1, window_bounds = array<i64: 2000, 4>}, {transform_indices = @transform_2, window_bounds = array<i64: 2000, 128>}, {pipeline_mode = #tpu.pipeline_mode<synchronous>, transform_indices = @transform_3, window_bounds = array<i64: 1, 128>}, {pipeline_mode = #tpu.pipeline_mode<synchronous>, transform_indices = @transform_4, window_bounds = array<i64: 128, 128>}, {pipeline_mode = #tpu.pipeline_mode<synchronous>, transform_indices = @transform_5, window_bounds = array<i64: 128, 4>}, {pipeline_mode = #tpu.pipeline_mode<synchronous>, transform_indices = @transform_6, window_bounds = array<i64: 128, 4>}, {transform_indices = @transform_7, window_bounds = array<i64: 2000, 128>}, {transform_indices = @transform_8, window_bounds = array<i64: 2000, 128>}, {transform_indices = @transform_9, window_bounds = array<i64: 2000, 4>}, {transform_indices = @transform_10, window_bounds = array<i64: 2000, 4>}]} {
    %get3A = arith.constant 0 : index
    %get3A_0 = arith.constant 0 : index
    %get3A_1 = vector.load %arg1[%get3A, %get3A_0] : memref<2000x128xf32, #tpu.memory_space<vmem>>, vector<2000x128xf32>
    %get3A_2 = arith.constant 0 : index
    %get3A_3 = arith.constant 0 : index
    %get3A_4 = vector.load %arg2[%get3A_2, %get3A_3] : memref<2000x4xf32, #tpu.memory_space<vmem>>, vector<2000x4xf32>
    %slice3A = vector.extract_strided_slice %get3A_1 {offsets = [0, 0], sizes = [2000, 32], strides = [1, 1]} : vector<2000x128xf32> to vector<2000x32xf32>
    %slice3A_5 = vector.extract_strided_slice %get3A_4 {offsets = [0, 0], sizes = [2000, 1], strides = [1, 1]} : vector<2000x4xf32> to vector<2000x1xf32>
    %add3A = arith.constant 9.99999971E-10 : f32
    %add3A_6 = vector.broadcast %add3A : f32 to vector<2000x1xf32>
    %add3A_7 = arith.addf %slice3A_5, %add3A_6 : vector<2000x1xf32>
    %div3A = vector.broadcast %add3A_7 : vector<2000x1xf32> to vector<2000x32xf32>
    %div3A_8 = arith.divf %slice3A, %div3A : vector<2000x32xf32>
    %slice3A_9 = vector.extract_strided_slice %get3A_1 {offsets = [0, 32], sizes = [2000, 32], strides = [1, 1]} : vector<2000x128xf32> to vector<2000x32xf32>
    %slice3A_10 = vector.extract_strided_slice %get3A_4 {offsets = [0, 1], sizes = [2000, 1], strides = [1, 1]} : vector<2000x4xf32> to vector<2000x1xf32>
    %add3A_11 = arith.constant 9.99999971E-10 : f32
    %add3A_12 = vector.broadcast %add3A_11 : f32 to vector<2000x1xf32>
    %add3A_13 = arith.addf %slice3A_10, %add3A_12 : vector<2000x1xf32>
    %div3A_14 = vector.broadcast %add3A_13 : vector<2000x1xf32> to vector<2000x32xf32>
    %div3A_15 = arith.divf %slice3A_9, %div3A_14 : vector<2000x32xf32>
    %slice3A_16 = vector.extract_strided_slice %get3A_1 {offsets = [0, 64], sizes = [2000, 32], strides = [1, 1]} : vector<2000x128xf32> to vector<2000x32xf32>
    %slice3A_17 = vector.extract_strided_slice %get3A_4 {offsets = [0, 2], sizes = [2000, 1], strides = [1, 1]} : vector<2000x4xf32> to vector<2000x1xf32>
    %add3A_18 = arith.constant 9.99999971E-10 : f32
    %add3A_19 = vector.broadcast %add3A_18 : f32 to vector<2000x1xf32>
    %add3A_20 = arith.addf %slice3A_17, %add3A_19 : vector<2000x1xf32>
    %div3A_21 = vector.broadcast %add3A_20 : vector<2000x1xf32> to vector<2000x32xf32>
    %div3A_22 = arith.divf %slice3A_16, %div3A_21 : vector<2000x32xf32>
    %slice3A_23 = vector.extract_strided_slice %get3A_1 {offsets = [0, 96], sizes = [2000, 32], strides = [1, 1]} : vector<2000x128xf32> to vector<2000x32xf32>
    %slice3A_24 = vector.extract_strided_slice %get3A_4 {offsets = [0, 3], sizes = [2000, 1], strides = [1, 1]} : vector<2000x4xf32> to vector<2000x1xf32>
    %add3A_25 = arith.constant 9.99999971E-10 : f32
    %add3A_26 = vector.broadcast %add3A_25 : f32 to vector<2000x1xf32>
    %add3A_27 = arith.addf %slice3A_24, %add3A_26 : vector<2000x1xf32>
    %div3A_28 = vector.broadcast %add3A_27 : vector<2000x1xf32> to vector<2000x32xf32>
    %div3A_29 = arith.divf %slice3A_23, %div3A_28 : vector<2000x32xf32>
    %concatenate3A = tpu.concatenate %div3A_8, %div3A_15, %div3A_22, %div3A_29 in 1 : vector<2000x32xf32>, vector<2000x32xf32>, vector<2000x32xf32>, vector<2000x32xf32> -> vector<2000x128xf32>
    %get3A_30 = arith.constant 0 : index
    %get3A_31 = arith.constant 0 : index
    %get3A_32 = vector.load %arg3[%get3A_30, %get3A_31] : memref<2000x128xf32, #tpu.memory_space<vmem>>, vector<2000x128xf32>
    %add3A_33 = arith.addf %concatenate3A, %get3A_32 : vector<2000x128xf32>
    %get3A_34 = arith.constant 0 : index
    %get3A_35 = arith.constant 0 : index
    %get3A_36 = vector.load %arg4[%get3A_34, %get3A_35] : memref<1x128xf32, #tpu.memory_space<vmem>>, vector<1x128xf32>
    %add3A_37 = vector.broadcast %get3A_36 : vector<1x128xf32> to vector<2000x128xf32>
    %add3A_38 = arith.addf %add3A_33, %add3A_37 : vector<2000x128xf32>
    %swap3A = arith.constant 0 : index
    %swap3A_39 = arith.constant 0 : index
    %swap3A_40 = vector.load %arg8[%swap3A, %swap3A_39] : memref<2000x128xf32, #tpu.memory_space<vmem>>, vector<2000x128xf32>
    tpu.vector_store %arg8[%swap3A, %swap3A_39], %add3A_38 {strides = array<i32>} : memref<2000x128xf32, #tpu.memory_space<vmem>>, vector<2000x128xf32>,
    %get3A_41 = arith.constant 0 : index
    %get3A_42 = arith.constant 0 : index
    %get3A_43 = vector.load %arg5[%get3A_41, %get3A_42] : memref<128x128xf32, #tpu.memory_space<vmem>>, vector<128x128xf32>
    %dot_general3A = arith.constant dense<0.000000e+00> : vector<2000x128xf32>
    %dot_general3A_44 = tpu.matmul %add3A_38, %get3A_43, %dot_general3A {dimension_numbers = #tpu.dot_dimension_numbers<[1], [0], [0], [1], [0, 0, 1, 1], [], []>, precision = #tpu.contract_precision<fp32>, transpose_lhs_hint = false} : vector<2000x128xf32>, vector<128x128xf32>, vector<2000x128xf32> -> vector<2000x128xf32>
    %swap3A_45 = arith.constant 0 : index
    %swap3A_46 = arith.constant 0 : index
    %swap3A_47 = vector.load %arg9[%swap3A_45, %swap3A_46] : memref<2000x128xf32, #tpu.memory_space<vmem>>, vector<2000x128xf32>
    tpu.vector_store %arg9[%swap3A_45, %swap3A_46], %dot_general3A_44 {strides = array<i32>} : memref<2000x128xf32, #tpu.memory_space<vmem>>, vector<2000x128xf32>,
    %get3A_48 = arith.constant 0 : index
    %get3A_49 = arith.constant 0 : index
    %get3A_50 = vector.load %arg6[%get3A_48, %get3A_49] : memref<128x4xf32, #tpu.memory_space<vmem>>, vector<128x4xf32>
    %dot_general3A_51 = arith.constant dense<0.000000e+00> : vector<2000x4xf32>
    %dot_general3A_52 = tpu.matmul %dot_general3A_44, %get3A_50, %dot_general3A_51 {dimension_numbers = #tpu.dot_dimension_numbers<[1], [0], [0], [1], [0, 0, 1, 1], [], []>, precision = #tpu.contract_precision<fp32>, transpose_lhs_hint = false} : vector<2000x128xf32>, vector<128x4xf32>, vector<2000x4xf32> -> vector<2000x4xf32>
    %swap3A_53 = arith.constant 0 : index
    %swap3A_54 = arith.constant 0 : index
    %swap3A_55 = vector.load %arg10[%swap3A_53, %swap3A_54] : memref<2000x4xf32, #tpu.memory_space<vmem>>, vector<2000x4xf32>
    tpu.vector_store %arg10[%swap3A_53, %swap3A_54], %dot_general3A_52 {strides = array<i32>} : memref<2000x4xf32, #tpu.memory_space<vmem>>, vector<2000x4xf32>,
    %get3A_56 = arith.constant 0 : index
    %get3A_57 = arith.constant 0 : index
    %get3A_58 = vector.load %arg7[%get3A_56, %get3A_57] : memref<128x4xf32, #tpu.memory_space<vmem>>, vector<128x4xf32>
    %dot_general3A_59 = arith.constant dense<0.000000e+00> : vector<2000x4xf32>
    %dot_general3A_60 = tpu.matmul %dot_general3A_44, %get3A_58, %dot_general3A_59 {dimension_numbers = #tpu.dot_dimension_numbers<[1], [0], [0], [1], [0, 0, 1, 1], [], []>, precision = #tpu.contract_precision<fp32>, transpose_lhs_hint = false} : vector<2000x128xf32>, vector<128x4xf32>, vector<2000x4xf32> -> vector<2000x4xf32>
    %swap3A_61 = arith.constant 0 : index
    %swap3A_62 = arith.constant 0 : index
    %swap3A_63 = vector.load %arg11[%swap3A_61, %swap3A_62] : memref<2000x4xf32, #tpu.memory_space<vmem>>, vector<2000x4xf32>
    tpu.vector_store %arg11[%swap3A_61, %swap3A_62], %dot_general3A_60 {strides = array<i32>} : memref<2000x4xf32, #tpu.memory_space<vmem>>, vector<2000x4xf32>,
    return
  }
  func.func @transform_0(%arg0: i32) -> (i32, i32) {
    %c0_i32 = arith.constant 0 : i32
    %c0_i32_0 = arith.constant 0 : i32
    return %arg0, %c0_i32 : i32, i32
  }
  func.func @transform_1(%arg0: i32) -> (i32, i32) {
    %c0_i32 = arith.constant 0 : i32
    %c0_i32_0 = arith.constant 0 : i32
    return %arg0, %c0_i32 : i32, i32
  }
  func.func @transform_2(%arg0: i32) -> (i32, i32) {
    %c0_i32 = arith.constant 0 : i32
    %c0_i32_0 = arith.constant 0 : i32
    return %arg0, %c0_i32 : i32, i32
  }
  func.func @transform_3(%arg0: i32) -> (i32, i32) {
    %c0_i32 = arith.constant 0 : i32
    %c0_i32_0 = arith.constant 0 : i32
    %c0_i32_1 = arith.constant 0 : i32
    return %c0_i32, %c0_i32_0 : i32, i32
  }
  func.func @transform_4(%arg0: i32) -> (i32, i32) {
    %c0_i32 = arith.constant 0 : i32
    %c0_i32_0 = arith.constant 0 : i32
    %c0_i32_1 = arith.constant 0 : i32
    return %c0_i32, %c0_i32_0 : i32, i32
  }
  func.func @transform_5(%arg0: i32) -> (i32, i32) {
    %c0_i32 = arith.constant 0 : i32
    %c0_i32_0 = arith.constant 0 : i32
    %c0_i32_1 = arith.constant 0 : i32
    return %c0_i32, %c0_i32_0 : i32, i32
  }
  func.func @transform_6(%arg0: i32) -> (i32, i32) {
    %c0_i32 = arith.constant 0 : i32
    %c0_i32_0 = arith.constant 0 : i32
    %c0_i32_1 = arith.constant 0 : i32
    return %c0_i32, %c0_i32_0 : i32, i32
  }
  func.func @transform_7(%arg0: i32) -> (i32, i32) {
    %c0_i32 = arith.constant 0 : i32
    %c0_i32_0 = arith.constant 0 : i32
    return %arg0, %c0_i32 : i32, i32
  }
  func.func @transform_8(%arg0: i32) -> (i32, i32) {
    %c0_i32 = arith.constant 0 : i32
    %c0_i32_0 = arith.constant 0 : i32
    return %arg0, %c0_i32 : i32, i32
  }
  func.func @transform_9(%arg0: i32) -> (i32, i32) {
    %c0_i32 = arith.constant 0 : i32
    %c0_i32_0 = arith.constant 0 : i32
    return %arg0, %c0_i32 : i32, i32
  }
  func.func @transform_10(%arg0: i32) -> (i32, i32) {
    %c0_i32 = arith.constant 0 : i32
    %c0_i32_0 = arith.constant 0 : i32
    return %arg0, %c0_i32 : i32, i32
  }
}

module attributes {stable_mosaic.version = 14 : i64} {
  func.func @_final_body(%arg0: i32, %arg1: memref<2000x128xf32, #tpu.memory_space<vmem>>, %arg2: memref<2000x4xf32, #tpu.memory_space<vmem>>, %arg3: memref<2000x128xf32, #tpu.memory_space<vmem>>, %arg4: memref<1x128xf32, #tpu.memory_space<vmem>>, %arg5: memref<32x1xf32, #tpu.memory_space<vmem>>, %arg6: memref<1x1xf32, #tpu.memory_space<vmem>>, %arg7: memref<32x1xf32, #tpu.memory_space<vmem>>, %arg8: memref<1x1xf32, #tpu.memory_space<vmem>>, %arg9: memref<2000x1xf32, #tpu.memory_space<vmem>>, %arg10: memref<1x1xf32, #tpu.memory_space<vmem>>, %arg11: memref<1x32xf32, #tpu.memory_space<vmem>>) attributes {dimension_semantics = [#tpu.dimension_semantics<arbitrary>], iteration_bounds = array<i64: 5>, scalar_prefetch = 0 : i64, scratch_operands = 1 : i64, tpu.core_type = #tpu.core_type<tc>, window_params = [{transform_indices = @transform_0, window_bounds = array<i64: 2000, 128>}, {transform_indices = @transform_1, window_bounds = array<i64: 2000, 4>}, {transform_indices = @transform_2, window_bounds = array<i64: 2000, 128>}, {pipeline_mode = #tpu.pipeline_mode<synchronous>, transform_indices = @transform_3, window_bounds = array<i64: 1, 128>}, {pipeline_mode = #tpu.pipeline_mode<synchronous>, transform_indices = @transform_4, window_bounds = array<i64: 32, 1>}, {pipeline_mode = #tpu.pipeline_mode<synchronous>, transform_indices = @transform_5, window_bounds = array<i64: 1, 1>}, {pipeline_mode = #tpu.pipeline_mode<synchronous>, transform_indices = @transform_6, window_bounds = array<i64: 32, 1>}, {pipeline_mode = #tpu.pipeline_mode<synchronous>, transform_indices = @transform_7, window_bounds = array<i64: 1, 1>}, {transform_indices = @transform_8, window_bounds = array<i64: 2000, 1>}, {pipeline_mode = #tpu.pipeline_mode<synchronous>, transform_indices = @transform_9, window_bounds = array<i64: 1, 1>}]} {
    %get3A = arith.constant 0 : index
    %get3A_0 = arith.constant 0 : index
    %get3A_1 = vector.load %arg1[%get3A, %get3A_0] : memref<2000x128xf32, #tpu.memory_space<vmem>>, vector<2000x128xf32>
    %get3A_2 = arith.constant 0 : index
    %get3A_3 = arith.constant 0 : index
    %get3A_4 = vector.load %arg2[%get3A_2, %get3A_3] : memref<2000x4xf32, #tpu.memory_space<vmem>>, vector<2000x4xf32>
    %slice3A = vector.extract_strided_slice %get3A_1 {offsets = [0, 0], sizes = [2000, 32], strides = [1, 1]} : vector<2000x128xf32> to vector<2000x32xf32>
    %slice3A_5 = vector.extract_strided_slice %get3A_4 {offsets = [0, 0], sizes = [2000, 1], strides = [1, 1]} : vector<2000x4xf32> to vector<2000x1xf32>
    %add3A = arith.constant 9.99999971E-10 : f32
    %add3A_6 = vector.broadcast %add3A : f32 to vector<2000x1xf32>
    %add3A_7 = arith.addf %slice3A_5, %add3A_6 : vector<2000x1xf32>
    %div3A = vector.broadcast %add3A_7 : vector<2000x1xf32> to vector<2000x32xf32>
    %div3A_8 = arith.divf %slice3A, %div3A : vector<2000x32xf32>
    %slice3A_9 = vector.extract_strided_slice %get3A_1 {offsets = [0, 32], sizes = [2000, 32], strides = [1, 1]} : vector<2000x128xf32> to vector<2000x32xf32>
    %slice3A_10 = vector.extract_strided_slice %get3A_4 {offsets = [0, 1], sizes = [2000, 1], strides = [1, 1]} : vector<2000x4xf32> to vector<2000x1xf32>
    %add3A_11 = arith.constant 9.99999971E-10 : f32
    %add3A_12 = vector.broadcast %add3A_11 : f32 to vector<2000x1xf32>
    %add3A_13 = arith.addf %slice3A_10, %add3A_12 : vector<2000x1xf32>
    %div3A_14 = vector.broadcast %add3A_13 : vector<2000x1xf32> to vector<2000x32xf32>
    %div3A_15 = arith.divf %slice3A_9, %div3A_14 : vector<2000x32xf32>
    %slice3A_16 = vector.extract_strided_slice %get3A_1 {offsets = [0, 64], sizes = [2000, 32], strides = [1, 1]} : vector<2000x128xf32> to vector<2000x32xf32>
    %slice3A_17 = vector.extract_strided_slice %get3A_4 {offsets = [0, 2], sizes = [2000, 1], strides = [1, 1]} : vector<2000x4xf32> to vector<2000x1xf32>
    %add3A_18 = arith.constant 9.99999971E-10 : f32
    %add3A_19 = vector.broadcast %add3A_18 : f32 to vector<2000x1xf32>
    %add3A_20 = arith.addf %slice3A_17, %add3A_19 : vector<2000x1xf32>
    %div3A_21 = vector.broadcast %add3A_20 : vector<2000x1xf32> to vector<2000x32xf32>
    %div3A_22 = arith.divf %slice3A_16, %div3A_21 : vector<2000x32xf32>
    %slice3A_23 = vector.extract_strided_slice %get3A_1 {offsets = [0, 96], sizes = [2000, 32], strides = [1, 1]} : vector<2000x128xf32> to vector<2000x32xf32>
    %slice3A_24 = vector.extract_strided_slice %get3A_4 {offsets = [0, 3], sizes = [2000, 1], strides = [1, 1]} : vector<2000x4xf32> to vector<2000x1xf32>
    %add3A_25 = arith.constant 9.99999971E-10 : f32
    %add3A_26 = vector.broadcast %add3A_25 : f32 to vector<2000x1xf32>
    %add3A_27 = arith.addf %slice3A_24, %add3A_26 : vector<2000x1xf32>
    %div3A_28 = vector.broadcast %add3A_27 : vector<2000x1xf32> to vector<2000x32xf32>
    %div3A_29 = arith.divf %slice3A_23, %div3A_28 : vector<2000x32xf32>
    %concatenate3A = tpu.concatenate %div3A_8, %div3A_15, %div3A_22, %div3A_29 in 1 : vector<2000x32xf32>, vector<2000x32xf32>, vector<2000x32xf32>, vector<2000x32xf32> -> vector<2000x128xf32>
    %get3A_30 = arith.constant 0 : index
    %get3A_31 = arith.constant 0 : index
    %get3A_32 = vector.load %arg3[%get3A_30, %get3A_31] : memref<2000x128xf32, #tpu.memory_space<vmem>>, vector<2000x128xf32>
    %add3A_33 = arith.addf %concatenate3A, %get3A_32 : vector<2000x128xf32>
    %get3A_34 = arith.constant 0 : index
    %get3A_35 = arith.constant 0 : index
    %get3A_36 = vector.load %arg4[%get3A_34, %get3A_35] : memref<1x128xf32, #tpu.memory_space<vmem>>, vector<1x128xf32>
    %add3A_37 = vector.broadcast %get3A_36 : vector<1x128xf32> to vector<2000x128xf32>
    %add3A_38 = arith.addf %add3A_33, %add3A_37 : vector<2000x128xf32>
    %slice3A_39 = vector.extract_strided_slice %add3A_38 {offsets = [0, 0], sizes = [2000, 32], strides = [1, 1]} : vector<2000x128xf32> to vector<2000x32xf32>
    %slice3A_40 = vector.extract_strided_slice %add3A_38 {offsets = [0, 32], sizes = [2000, 32], strides = [1, 1]} : vector<2000x128xf32> to vector<2000x32xf32>
    %add3A_41 = arith.addf %slice3A_39, %slice3A_40 : vector<2000x32xf32>
    %slice3A_42 = vector.extract_strided_slice %add3A_38 {offsets = [0, 64], sizes = [2000, 32], strides = [1, 1]} : vector<2000x128xf32> to vector<2000x32xf32>
    %add3A_43 = arith.addf %add3A_41, %slice3A_42 : vector<2000x32xf32>
    %slice3A_44 = vector.extract_strided_slice %add3A_38 {offsets = [0, 96], sizes = [2000, 32], strides = [1, 1]} : vector<2000x128xf32> to vector<2000x32xf32>
    %add3A_45 = arith.addf %add3A_43, %slice3A_44 : vector<2000x32xf32>
    %mul3A = arith.constant 2.500000e-01 : f32
    %mul3A_46 = vector.broadcast %mul3A : f32 to vector<2000x32xf32>
    %mul3A_47 = arith.mulf %add3A_45, %mul3A_46 : vector<2000x32xf32>
    %get3A_48 = arith.constant 0 : index
    %get3A_49 = arith.constant 0 : index
    %get3A_50 = vector.load %arg5[%get3A_48, %get3A_49] : memref<32x1xf32, #tpu.memory_space<vmem>>, vector<32x1xf32>
    %dot_general3A = arith.constant dense<0.000000e+00> : vector<2000x1xf32>
    %dot_general3A_51 = tpu.matmul %mul3A_47, %get3A_50, %dot_general3A {dimension_numbers = #tpu.dot_dimension_numbers<[1], [0], [0], [1], [0, 0, 1, 1], [], []>, precision = #tpu.contract_precision<fp32>, transpose_lhs_hint = false} : vector<2000x32xf32>, vector<32x1xf32>, vector<2000x1xf32> -> vector<2000x1xf32>
    %get3A_52 = arith.constant 0 : index
    %get3A_53 = arith.constant 0 : index
    %get3A_54 = vector.load %arg6[%get3A_52, %get3A_53] : memref<1x1xf32, #tpu.memory_space<vmem>>, vector<1x1xf32>
    %add3A_55 = vector.broadcast %get3A_54 : vector<1x1xf32> to vector<2000x1xf32>
    %add3A_56 = arith.addf %dot_general3A_51, %add3A_55 : vector<2000x1xf32>
    %swap3A = arith.constant 0 : index
    %swap3A_57 = arith.constant 0 : index
    %swap3A_58 = vector.load %arg9[%swap3A, %swap3A_57] : memref<2000x1xf32, #tpu.memory_space<vmem>>, vector<2000x1xf32>
    tpu.vector_store %arg9[%swap3A, %swap3A_57], %add3A_56 {strides = array<i32>} : memref<2000x1xf32, #tpu.memory_space<vmem>>, vector<2000x1xf32>,
    %eq3A = arith.constant 0 : i32
    %eq3A_59 = arith.cmpi eq, %arg0, %eq3A : i32
    %convert_element_type3A = arith.extui %eq3A_59 : i1 to i32
    %cond3A = arith.constant 0 : i32
    %cond3A_60 = arith.cmpi ne, %convert_element_type3A, %cond3A : i32
    scf.if %cond3A_60 {
      %broadcast_in_dim3A_74 = arith.constant 0.000000e+00 : f32
      %broadcast_in_dim3A_75 = vector.broadcast %broadcast_in_dim3A_74 : f32 to vector<1x32xf32>
      %swap3A_76 = arith.constant 0 : index
      %swap3A_77 = arith.constant 0 : index
      %swap3A_78 = vector.load %arg11[%swap3A_76, %swap3A_77] : memref<1x32xf32, #tpu.memory_space<vmem>>, vector<1x32xf32>
      tpu.vector_store %arg11[%swap3A_76, %swap3A_77], %broadcast_in_dim3A_75 {strides = array<i32>} : memref<1x32xf32, #tpu.memory_space<vmem>>, vector<1x32xf32>,
    } else {
    }
    %get3A_61 = arith.constant 0 : index
    %get3A_62 = arith.constant 0 : index
    %get3A_63 = vector.load %arg11[%get3A_61, %get3A_62] : memref<1x32xf32, #tpu.memory_space<vmem>>, vector<1x32xf32>
    %reduce_sum3A = arith.constant dense<0.000000e+00> : vector<32xf32>
    %reduce_sum3A_64 = vector.multi_reduction <add>, %mul3A_47, %reduce_sum3A [0] : vector<2000x32xf32> to vector<32xf32>
    %broadcast_in_dim3A = vector.shape_cast %reduce_sum3A_64 : vector<32xf32> to vector<1x32xf32>
    %add3A_65 = arith.addf %get3A_63, %broadcast_in_dim3A : vector<1x32xf32>
    %swap3A_66 = arith.constant 0 : index
    %swap3A_67 = arith.constant 0 : index
    %swap3A_68 = vector.load %arg11[%swap3A_66, %swap3A_67] : memref<1x32xf32, #tpu.memory_space<vmem>>, vector<1x32xf32>
    tpu.vector_store %arg11[%swap3A_66, %swap3A_67], %add3A_65 {strides = array<i32>} : memref<1x32xf32, #tpu.memory_space<vmem>>, vector<1x32xf32>,
    %eq3A_69 = arith.constant 4 : i32
    %eq3A_70 = arith.cmpi eq, %arg0, %eq3A_69 : i32
    %convert_element_type3A_71 = arith.extui %eq3A_70 : i1 to i32
    %cond3A_72 = arith.constant 0 : i32
    %cond3A_73 = arith.cmpi ne, %convert_element_type3A_71, %cond3A_72 : i32
    scf.if %cond3A_73 {
      %get3A_74 = arith.constant 0 : index
      %get3A_75 = arith.constant 0 : index
      %get3A_76 = vector.load %arg11[%get3A_74, %get3A_75] : memref<1x32xf32, #tpu.memory_space<vmem>>, vector<1x32xf32>
      %mul3A_77 = arith.constant 9.99999974E-5 : f32
      %mul3A_78 = vector.broadcast %mul3A_77 : f32 to vector<1x32xf32>
      %mul3A_79 = arith.mulf %get3A_76, %mul3A_78 : vector<1x32xf32>
      %get3A_80 = arith.constant 0 : index
      %get3A_81 = arith.constant 0 : index
      %get3A_82 = vector.load %arg7[%get3A_80, %get3A_81] : memref<32x1xf32, #tpu.memory_space<vmem>>, vector<32x1xf32>
      %dot_general3A_83 = arith.constant dense<0.000000e+00> : vector<1x1xf32>
      %dot_general3A_84 = tpu.matmul %mul3A_79, %get3A_82, %dot_general3A_83 {dimension_numbers = #tpu.dot_dimension_numbers<[1], [0], [0], [1], [0, 0, 1, 1], [], []>, precision = #tpu.contract_precision<fp32>, transpose_lhs_hint = false} : vector<1x32xf32>, vector<32x1xf32>, vector<1x1xf32> -> vector<1x1xf32>
      %get3A_85 = arith.constant 0 : index
      %get3A_86 = arith.constant 0 : index
      %get3A_87 = vector.load %arg8[%get3A_85, %get3A_86] : memref<1x1xf32, #tpu.memory_space<vmem>>, vector<1x1xf32>
      %add3A_88 = arith.addf %dot_general3A_84, %get3A_87 : vector<1x1xf32>
      %swap3A_89 = arith.constant 0 : index
      %swap3A_90 = arith.constant 0 : index
      %swap3A_91 = vector.load %arg10[%swap3A_89, %swap3A_90] : memref<1x1xf32, #tpu.memory_space<vmem>>, vector<1x1xf32>
      tpu.vector_store %arg10[%swap3A_89, %swap3A_90], %add3A_88 {strides = array<i32>} : memref<1x1xf32, #tpu.memory_space<vmem>>, vector<1x1xf32>,
    } else {
    }
    return
  }
  func.func @transform_0(%arg0: i32) -> (i32, i32) {
    %c0_i32 = arith.constant 0 : i32
    %c0_i32_0 = arith.constant 0 : i32
    return %arg0, %c0_i32 : i32, i32
  }
  func.func @transform_1(%arg0: i32) -> (i32, i32) {
    %c0_i32 = arith.constant 0 : i32
    %c0_i32_0 = arith.constant 0 : i32
    return %arg0, %c0_i32 : i32, i32
  }
  func.func @transform_2(%arg0: i32) -> (i32, i32) {
    %c0_i32 = arith.constant 0 : i32
    %c0_i32_0 = arith.constant 0 : i32
    return %arg0, %c0_i32 : i32, i32
  }
  func.func @transform_3(%arg0: i32) -> (i32, i32) {
    %c0_i32 = arith.constant 0 : i32
    %c0_i32_0 = arith.constant 0 : i32
    %c0_i32_1 = arith.constant 0 : i32
    return %c0_i32, %c0_i32_0 : i32, i32
  }
  func.func @transform_4(%arg0: i32) -> (i32, i32) {
    %c0_i32 = arith.constant 0 : i32
    %c0_i32_0 = arith.constant 0 : i32
    %c0_i32_1 = arith.constant 0 : i32
    return %c0_i32, %c0_i32_0 : i32, i32
  }
  func.func @transform_5(%arg0: i32) -> (i32, i32) {
    %c0_i32 = arith.constant 0 : i32
    %c0_i32_0 = arith.constant 0 : i32
    %c0_i32_1 = arith.constant 0 : i32
    return %c0_i32, %c0_i32_0 : i32, i32
  }
  func.func @transform_6(%arg0: i32) -> (i32, i32) {
    %c0_i32 = arith.constant 0 : i32
    %c0_i32_0 = arith.constant 0 : i32
    %c0_i32_1 = arith.constant 0 : i32
    return %c0_i32, %c0_i32_0 : i32, i32
  }
  func.func @transform_7(%arg0: i32) -> (i32, i32) {
    %c0_i32 = arith.constant 0 : i32
    %c0_i32_0 = arith.constant 0 : i32
    %c0_i32_1 = arith.constant 0 : i32
    return %c0_i32, %c0_i32_0 : i32, i32
  }
  func.func @transform_8(%arg0: i32) -> (i32, i32) {
    %c0_i32 = arith.constant 0 : i32
    %c0_i32_0 = arith.constant 0 : i32
    return %arg0, %c0_i32 : i32, i32
  }
  func.func @transform_9(%arg0: i32) -> (i32, i32) {
    %c0_i32 = arith.constant 0 : i32
    %c0_i32_0 = arith.constant 0 : i32
    %c0_i32_1 = arith.constant 0 : i32
    return %c0_i32, %c0_i32_0 : i32, i32
  }
}

</mosaic_0001>

<sc_bundles>
// kernel: kernel.12.cloned.1.call-start
scs
__scs_entry_jumppad:
0x0: {  	(pc) =	sbr.rel $0x88, $3  }
0x1: {  	(tag) =	ssettag $0x0;
	lr =	simm.s32 $0x1  }
0x2: {  	[smem:$0x3F93] =	sst lr;
	_ =	strace $0xD0000000  }
0x3: {  	_ = 	snop  }
0x4: {  	_ = 	snop  }
0x5: {  	_ = 	snop  }
0x6: {  	_ = 	snop  }
0x7: {  	_ = 	snop  }
__scs_overlays_trampoline_lowered:
0x8: {  	[smem:$0x3FA2] =	sst s0  }
0x9: {  	[smem:$0x3FA3] =	sst s1  }
0xa: {  	[smem:$0x3FA4] =	sst s2  }
0xb: {  	[smem:$0x3FA5] =	sst s3  }
0xc: {  	[smem:$0x3FA6] =	sst s4  }
0xd: {  	[smem:$0x3FA7] =	sst s5  }
0xe: {  	[smem:$0x3FA8] =	sst s6  }
0xf: {  	[smem:$0x3FA9] =	sst s7  }
0x10: {  	[smem:$0x3FAA] =	sst s8  }
0x11: {  	[smem:$0x3FAB] =	sst s9;
	s0 =	simm.s32 @!p0 $0x0  }
0x12: {  	s1 =	sld [smem:$0x3F91];
	s0 =	simm.s32 @p0 $0x1  }
0x13: {  	[smem:$0x3FAC] =	sst s0;
	s0 =	simm.s32 @!p1 $0x0  }
0x14: {  	s2 =	sld [smem:$0x3F90];
	s0 =	simm.s32 @p1 $0x1  }
0x15: {  	[smem:$0x3FAD] =	sst s0;
	s0 =	simm.s32 @!p2 $0x0  }
0x16: {  	s3 =	sld [smem:$0x3FDB];
	s0 =	simm.s32 @p2 $0x1  }
0x17: {  	s4 =	simm.s32 $0x1BF5;
	[smem:$0x3FAF] =	sst s0  }
0x18: {  	s0 =	sld [smem:$0x3F92];
	_ =	swait.ge [sflag:s4], $0x0  }
0x19: {  	s7 =	sld [smem:$0x3F93]  }
0x1a: {  	s8 =	sadd.s32 $0xFFFFE003, lr  }
0x1b: {  	s9 =	sadd.s32 $0xFFFFFEF7, lr;
	s5 =	simm.s32 $0xFFFFFFFF;
	p2 =	slt.u32 s8, $0xFFFFF086  }
0x1c: {  	p1 =	slt.u32 s9, $0xF7A;
	s5 =	simm.s32 @!p2 $0x0  }
0x1d: {  	s5 =	simm.s32 @p1 $0x1;
	p0 =	seq.s32 s7, s2  }
0x1e: {  	s7 =	smul.u32 @!p0 $0xF7A, s2;
	p2 =	seq.s32 @!p0 s5, $0x0  }
0x1f: {  	s9 =	smul.u32 $0xF7A, s1;
	s8 =	simm.s32 @!p0 $0x1BF5;
	p2 =	por !p2, p0  }
0x20: {  	[sflag:s8] =	ssyncset.s32 @!p0 $0xFFFFF086;
	s6 =	sadd.s32 @!p0 s3, s7;
	s7 =	simm.s32 @!p0 $0x108  }
0x21: {  	s3 =	sadd.s32 s3, s9;
	s6 =	sadd.s32 @!p0 $0x88, s6;
	s7 =	simm.s32 @p2 $0x1082  }
0x22: {  	[simem:s7], [sflag:s8] =	dma.local @!p0 [hbm:s6], $0xF7A  }
0x23: {  	s9 =	sor.u32 $0xD0000000, s2;
	s6 =	simm.s32 $0x108;
	_ =	swait.ge @!p0 [sflag:s8], $0x0  }
0x24: {  	s3 =	sadd.s32 $0x88, s3;
	s6 =	simm.s32 @!p1 $0x1082;
	[sflag:s4] =	ssyncset.s32 $0xFFFFF086  }
0x25: {  	[simem:s6], [sflag:s4] =	dma.local [hbm:s3], $0xF7A  }
0x26: {  	[smem:$0x3F93] =	sst s1;
	(tag) =	ssettag s2;
	_ =	strace s9  }
0x27: {  	s1 =	sld [smem:$0x3FA3]  }
0x28: {  	s2 =	sld [smem:$0x3FA4]  }
0x29: {  	s4 =	sld [smem:$0x3FA6]  }
0x2a: {  	p0 =	seq.s32 s5, $0x0;
	s5 =	sld [smem:$0x3FA7]  }
0x2b: {  	s6 =	sld [smem:$0x3FA8]  }
0x2c: {  	s7 =	sld [smem:$0x3FA9]  }
0x2d: {  	s3 =	simm.s32 $0x108;
	s8 =	sld [smem:$0x3FAA]  }
0x2e: {  	s3 =	simm.s32 @!p0 $0x1082;
	s9 =	sld [smem:$0x3FAB]  }
0x2f: {  	lr =	sadd.s32 s0, s3;
	s0 =	sld [smem:$0x3FA2]  }
0x30: {  	s3 =	sld [smem:$0x3FA5]  }
0x31: {  	[smem:$0x3FAE] =	sst s10  }
0x32: {  	s10 =	sld [smem:$0x3FAC];
	_ =	sdelay $0x3  }
0x33: {  	p0 =	seq.s32 s10, $0x1;
	s10 =	sld [smem:$0x3FAE];
	_ =	sdelay $0x3  }
0x34: {  	[smem:$0x3FAE] =	sst s10  }
0x35: {  	s10 =	sld [smem:$0x3FAD];
	_ =	sdelay $0x3  }
0x36: {  	p1 =	seq.s32 s10, $0x1;
	s10 =	sld [smem:$0x3FAE];
	_ =	sdelay $0x3  }
0x37: {  	[smem:$0x3FAE] =	sst s10  }
0x38: {  	s10 =	sld [smem:$0x3FAF]  }
0x39: {  	_ = 	snop;
	(pc) =	sbr.ind lr, $3  }
0x3a: {  	_ = 	snop  }
0x3b: {  	_ = 	snop  }
0x3c: {  	p2 =	seq.s32 s10, $0x1;
	s10 =	sld [smem:$0x3FAE]  }
0x3d: {  	_ =	shalt  }
0x3e: {  	_ =	shalt  }
0x3f: {  	_ =	shalt  }
0x40: {  	_ =	shalt  }
0x41: {  	_ =	shalt  }
0x42: {  	_ =	shalt  }
0x43: {  	_ =	shalt  }
0x44: {  	_ =	shalt  }
0x45: {  	_ =	shalt  }
0x46: {  	_ =	shalt  }
0x47: {  	_ =	shalt  }
0x48: {  	_ =	shalt  }
0x49: {  	_ =	shalt  }
0x4a: {  	_ =	shalt  }
0x4b: {  	_ =	shalt  }
0x4c: {  	_ =	shalt  }
0x4d: {  	_ =	shalt  }
0x4e: {  	_ =	shalt  }
0x4f: {  	_ =	shalt  }
0x50: {  	_ =	shalt  }
0x51: {  	_ =	shalt  }
0x52: {  	_ =	shalt  }
0x53: {  	_ =	shalt  }
0x54: {  	_ =	shalt  }
0x55: {  	_ =	shalt  }
0x56: {  	_ =	shalt  }
0x57: {  	_ =	shalt  }
0x58: {  	_ =	shalt  }
0x59: {  	_ =	shalt  }
0x5a: {  	_ =	shalt  }
0x5b: {  	_ =	shalt  }
0x5c: {  	_ =	shalt  }
0x5d: {  	_ =	shalt  }
0x5e: {  	_ =	shalt  }
0x5f: {  	_ =	shalt  }
0x60: {  	_ =	shalt  }
0x61: {  	_ =	shalt  }
0x62: {  	_ =	shalt  }
0x63: {  	_ =	shalt  }
0x64: {  	_ =	shalt  }
0x65: {  	_ =	shalt  }
0x66: {  	_ =	shalt  }
0x67: {  	_ =	shalt  }
0x68: {  	_ =	shalt  }
0x69: {  	_ =	shalt  }
0x6a: {  	_ =	shalt  }
0x6b: {  	_ =	shalt  }
0x6c: {  	_ =	shalt  }
0x6d: {  	_ =	shalt  }
0x6e: {  	_ =	shalt  }
0x6f: {  	_ =	shalt  }
0x70: {  	_ =	shalt  }
0x71: {  	_ =	shalt  }
0x72: {  	_ =	shalt  }
0x73: {  	_ =	shalt  }
0x74: {  	_ =	shalt  }
0x75: {  	_ =	shalt  }
0x76: {  	_ =	shalt  }
0x77: {  	_ =	shalt  }
0x78: {  	_ =	shalt  }
0x79: {  	_ =	shalt  }
0x7a: {  	_ =	shalt  }
0x7b: {  	_ =	shalt  }
0x7c: {  	_ =	shalt  }
0x7d: {  	_ =	shalt  }
0x7e: {  	_ =	shalt  }
0x7f: {  	_ =	shalt  }
0x80: {  	_ =	shalt  }
0x81: {  	_ =	shalt  }
0x82: {  	_ =	shalt  }
0x83: {  	_ =	shalt  }
0x84: {  	_ =	shalt  }
0x85: {  	_ =	shalt  }
0x86: {  	_ =	shalt  }
0x87: {  	_ =	shalt  }
.Lfunc_end0:
.L_simem_size_0:
called_computation.1_lowered:
.L_overlay_start_0:
0x88: {  	s2 =	sld [smem:$0x3FD9]  }
0x89: {  	s3 =	sld [smem:$0x3FFE];
	_ =	sdelay $0x1  }
0x8a: {  	s1 =	srdreg.scid  }
0x8b: {  	s0 =	sand.u32 $0x1, s1  }
0x8c: {  	s16 =	sshll.u32 s0, $0xA;
	s2 =	sadd.s32 s3, s2  }
0x8d: {  	s2 =	sadd.s32 s2, s16  }
0x8e: {  	[smem:$0x3FBA] =	sst s2  }
0x8f: {  	_ = 	snop  }
0x90: {  	(tm) =	ssettm $0x1  }
0x91: {  	s17 =	sld [smem:$0x3FFB];
	_ =	sdelay $0x3  }
0x92: {  	_ =	strace s17  }
0x93: {  	s2 =	sld [smem:$0x3FFC];
	_ =	sdelay $0x3  }
0x94: {  	_ =	strace s2  }
0x95: {  	s2 =	sld [smem:$0x3FFD];
	_ =	sdelay $0x3  }
0x96: {  	_ =	strace s2  }
0x97: {  	_ =	strace $0x8FFFFFFF  }
0x98: {  	s18 =	sld [smem:$0x3FDB];
	_ =	sdelay $0x1  }
0x99: {  	s19 =	simm.s32 $_scs_section_size  }
0x9a: {  	s4 =	simm.s32 $_size__tile_overlayer_lowered;
	s5 =	simm.s32 $_tile_overlayer_lowered  }
0x9b: {  	s22 =	simm.s32 $0x1BFF;
	s21 =	sshll.u32 s5, $0x1;
	s2 =	sadd.s32 s19, s18  }
0x9c: {  	s6 =	simm.s32 $0x0;
	s20 =	sshll.u32 s4, $0x1;
	s4 =	sadd.s32 s21, s2  }
0x9d: {  	[timem:s6], [sflag:s22] =	dma.local [hbm:s4], s20  }
0x9e: {  	_ =	swait.ge [sflag:s22], s20  }
0x9f: {  	s3 =	ssub.s32 $0x0, s20;
	[sflag:s22] =	ssyncset.done $0x0  }
0xa0: {  	[sflag:s22] =	ssyncadd.s32 s3;
	_ =	sdelay $0x1  }
0xa1: {  	s23 =	simm.s32 $0x1B8B  }
0xa2: {  	_ =	swait.ge [sflag:s23], $0x1  }
0xa3: {  	[sflag:s23] =	ssyncset.done $0x0  }
0xa4: {  	s25 =	simm.s32 $0x1B8E;
	s24 =	sld [smem:$0x3FFE];
	[sflag:s23] =	ssyncadd.s32 $0xFFFFFFFF  }
0xa5: {  	s26 =	simm.s32 $execute0_lowered;
	[smem:$0x3FD2] =	sst s25  }
0xa6: {  	s4 =	sshll.u32 s26, $0x1;
	_ =	strace $0x80000049;
	[dreg:$0x1] =	wrdreg $0xFFFFFFFF  }
0xa7: {  	s28 =	simm.s32 $_size_execute0_lowered;
	s2 =	sadd.s32 s2, s4;
	[dreg:$0x0] =	wrdreg $0x0  }
0xa8: {  	s4 =	sshll.u32 s28, $0x1;
	[dreg:$0x2] =	wrdreg s2  }
0xa9: {  	[dreg:$0x3] =	wrdreg s4  }
0xaa: {  	[dreg:$0x4] =	wrdreg $0xC0  }
0xab: {  	_ =	task [dreg:s6], $0x5FFFF  }
0xac: {  	[dreg:$0x1] =	wrdreg $0xFFFFFFFF  }
0xad: {  	[dreg:$0x0] =	wrdreg $0x60  }
0xae: {  	[dreg:$0x2] =	wrdreg s24  }
0xaf: {  	[dreg:$0x3] =	wrdreg $0x0  }
0xb0: {  	[dreg:$0x4] =	wrdreg $0xA8000  }
0xb1: {  	[dreg:$0x5] =	wrdreg $0x9  }
0xb2: {  	_ =	task.clear_ibuf [dreg:s6], $0x6FFFF;
	_ =	strace $0x90000049  }
0xb3: {  	s29 =	simm.s32 $0x9;
	_ =	strace $0x8000004B  }
0xb4: {  	_ =	swait.ge [sflag:s29], $0x1  }
0xb5: {  	[sflag:s29] =	ssyncadd.s32 $0xFFFFFFFF  }
0xb6: {  	_ =	strace $0x9000004B  }
0xb7: {  	_ =	sfence  }
0xb8: {  	s30 =	sld [smem:$0x0];
	_ =	sdelay $0x2  }
0xb9: {  	s31 =	sshll.u32 s1, $0xD;
	s1 =	sshrl.u32 s1, $0x2  }
0xba: {  	s3 =	sand.u32 $0x4000, s31;
	s1 =	sadd.s32 s1, s30  }
0xbb: {  	s0 =	sor.u32 s3, s0;
	s1 =	sshll.u32 s1, $0x11  }
0xbc: {  	s0 =	sor.u32 s1, s0  }
0xbd: {  	s0 =	sadd.s32 $0x8F2B, s0  }
0xbe: {  	[sflag:s0] =	ssyncadd.remote.s32 $0x1  }
0xbf: {  	_ =	sfence.sel $0xFFFF  }
0xc0: {  	[dreg:$0x0] =	wrdreg $0xFFFFFFFF;
	(pc) =	sbr.abs _section_cstart, $3  }
0xc1: {  	[dreg:$0x1] =	wrdreg $0xFFFFFFFF  }
0xc2: {  	_ =	task.clear_ibuf [dreg:s6], $0x2FFFF;
	_ =	strace $0x9FFFFFFF  }
0xc3: {  	(tm) =	ssettm $0x7FFFFFFF  }
tec
execute0_lowered:
.L_overlay_start_1:
0x0: {  	(tag) =	ssettag $0x1  }
0x1: {  	s0 =	rddreg [dreg:$0x0]  }
0x2: {  	s1 =	rddreg [dreg:$0x1]  }
0x3: {  	s2 =	rddreg [dreg:$0x2]  }
0x4: {  	s4 =	simm.s32 $0x0;
	s3 =	srdreg.scid;
	s6 =	stileid.u32  }
0x5: {  	s28 =	simm.s32 $0x11000;
	s29 =	simm.s32 $0x40;
	s30 =	simm.s32 $0x13D00  }
0x6: {  	s31 =	simm.s32 $0x1;
	[smem:$0x7FF] =	sst s4;
	s3 =	sand.u32 $0x1, s3  }
0x7: {  	s5 =	sadd.s32 $0x3C00, s0;
	s9 =	sadd.s32 $0x2AE00, s0;
	s11 =	sshll.u32 s6, $0xB  }
0x8: {  	s7 =	sadd.s32 $0x41200, s0;
	s15 =	sadd.s32 $0x2D800, s0;
	s10 =	smul.u32 $0x2A000, s6  }
0x9: {  	s12 =	sadd.s32 $0x7D200, s0;
	s16 =	smul.u32 $0x138, s6;
	s21 =	sor.u32 $0x10, s6  }
0xa: {  	s23 =	sshll.u32 s6, $0x8;
	p0 =	sne.s32 s6, $0xF;
	s14 =	smul.u32 $0x9C4, s3  }
0xb: {  	_ =	strace $0x8000004A;
	s8 =	smul.u32 $0x5000, s3;
	[dreg:$0x4] =	wrdreg s7  }
0xc: {  	[dreg:$0x5] =	wrdreg s15;
	s13 =	ssub.s32 $0x2, s3;
	s15 =	smul.u32 $0x27000, s6  }
0xd: {  	s18 =	sadd.s32 s11, s1;
	s26 =	sadd.s32 s11, s2;
	s10 =	sshrl.u32 s10, $0x2  }
0xe: {  	[dreg:$0x11] =	wrdreg s26;
	s4 =	sadd.s32 s14, s0;
	s7 =	sadd.s32 s10, s1  }
0xf: {  	s24 =	sshll.u32 s21, $0x8;
	s4 =	sadd.s32 $0x2C400, s4;
	[dreg:$0x6] =	wrdreg s7  }
0x10: {  	p2 =	sgt.u32 @p0 s6, $0x9;
	s20 =	sadd.s32 $0x800, s7;
	[dreg:$0x7] =	wrdreg s4  }
0x11: {  	p1 =	sgt.u32 s21, $0x14;
	s22 =	sadd.s32 $0x1000, s7;
	[dreg:$0xc] =	wrdreg s20  }
0x12: {  	s8 =	sadd.s32 s8, s11;
	s25 =	sadd.s32 $0x1800, s7;
	[dreg:$0xd] =	wrdreg s22  }
0x13: {  	s14 =	sshrl.u32 s13, $0x1;
	s11 =	sadd.s32 $0x2800, s7;
	[dreg:$0x10] =	wrdreg s25  }
0x14: {  	s17 =	sshrl.u32 s15, $0x2;
	s15 =	sadd.s32 $0x4800, s7;
	[dreg:$0x17] =	wrdreg s11  }
0x15: {  	s13 =	ssub.s32 s13, s14;
	s26 =	sadd.s32 $0xA000, s7;
	[dreg:$0x1b] =	wrdreg s15  }
0x16: {  	p2 =	por p2, !p0;
	s19 =	smax.u32 s13, $0x1;
	[smem:$0x7FD] =	sst s26  }
0x17: {  	s8 =	sshrl.u32 s8, $0x3;
	s13 =	sadd.s32 $0x3800, s7;
	[dreg:$0xb] =	wrdreg s19  }
0x18: {  	s4 =	sadd.s32 s17, s1;
	s17 =	sadd.s32 $0x5800, s7;
	[dreg:$0x19] =	wrdreg s13  }
0x19: {  	s8 =	sadd.s32 s8, s0;
	s20 =	sadd.s32 $0x7000, s7;
	[dreg:$0x1d] =	wrdreg s17  }
0x1a: {  	s0 =	smul.u32 $0x1388, s3;
	s22 =	sadd.s32 $0x8000, s7;
	[smem:$0x7F7] =	sst s20  }
0x1b: {  	s3 =	smul.u32 $0x9C400, s3;
	s25 =	sadd.s32 $0x9800, s7;
	[smem:$0x7F9] =	sst s22  }
0x1c: {  	s8 =	sadd.s32 $0x7BE00, s8;
	s19 =	sadd.s32 $0x6800, s7;
	[smem:$0x7FC] =	sst s25  }
0x1d: {  	s14 =	sadd.s32 s16, s0;
	s3 =	sshrl.u32 s3, $0x3;
	[dreg:$0x9] =	wrdreg s8  }
0x1e: {  	s16 =	sadd.s32 $0x5000, s7;
	[dreg:$0x1f] =	wrdreg s19;
	s14 =	sshll.u32 s14, $0x4  }
0x1f: {  	s3 =	sadd.s32 s12, s3;
	[dreg:$0x1c] =	wrdreg s16;
	s14 =	sadd.s32 s12, s14  }
0x20: {  	s10 =	smul.u32 $0x9C40, s6;
	s3 =	sadd.s32 $0x12480, s3;
	[dreg:$0x8] =	wrdreg s14  }
0x21: {  	s26 =	simm.s32 $0x10C00;
	s12 =	sadd.s32 s9, s23;
	[dreg:$0xa] =	wrdreg s3  }
0x22: {  	s20 =	simm.s32 $0x11D00;
	s9 =	sadd.s32 s9, s24;
	[dreg:$0xe] =	wrdreg s12  }
0x23: {  	s22 =	simm.s32 $0xB280;
	s23 =	sadd.s32 $0x8800, s7;
	[dreg:$0xf] =	wrdreg s9  }
0x24: {  	s25 =	simm.s32 $0x10800;
	s24 =	sadd.s32 $0x9000, s7;
	[smem:$0x7FA] =	sst s23  }
0x25: {  	s8 =	sadd.s32 $0x92400, s1;
	s9 =	sadd.s32 $0x2000, s7;
	[smem:$0x7FB] =	sst s24  }
0x26: {  	s19 =	simm.s32 $0x3;
	s12 =	sadd.s32 $0x3000, s7;
	[dreg:$0x16] =	wrdreg s9  }
0x27: {  	s14 =	sadd.s32 $0x9C800, s18;
	s18 =	sadd.s32 $0x6000, s7;
	[dreg:$0x18] =	wrdreg s12  }
0x28: {  	s3 =	sshll.u32 s21, $0xB;
	s21 =	sadd.s32 $0x7800, s7;
	[dreg:$0x1e] =	wrdreg s18  }
0x29: {  	v0 =	vmov s0;
	s0 =	simm.s32 $0x11C00;
	s3 =	sadd.s32 s3, s2;
	[smem:$0x7F8] =	sst s21  }
.Ltmp0:
0x2a: {  	[dreg:$0x12] =	wrdreg s3;
	s3 =	sshrl.u32 @p0 s4, $0x3;
	(pc) =	sbr.rel .LBB2_1-.Ltmp0, $4  }
0x2b: {  	s9 =	simm.s32 $0x2;
	[dreg:$0x13] =	wrdreg s3;
	s3 =	sshrl.u32 @!p2 s14, $0x3  }
0x2c: {  	v1 =	vimm.f32 $0.0e+00;
	v2 =	vimm.s32 $0x0;
	v3 =	vlaneseq.u32;
	s12 =	simm.s32 $0x0;
	s14 =	sadd.s32 $0x4000, s7;
	[dreg:$0x14] =	wrdreg s3  }
0x2d: {  	v4 =	vimm.s32 $0x1388;
	vm0 =	vmmov $0xf;
	v6 =	vshrl.u32 v3, $0x2;
	s4 =	simm.s32 $0x80;
	s3 =	sshrl.u32 @!p0 s8, $0x3;
	[dreg:$0x1a] =	wrdreg s14  }
0x2e: {  	v5 =	vor.u32 $0x3F0, v3;
	v8 =	vand.u32 $0x3, v3;
	v7 =	vmul.u32 $0x80, v6;
	s8 =	simm.s32 $0x0;
	[dreg:$0x15] =	wrdreg s3;
	s3 =	simm.s32 $0x15D00  }
.LBB2_30:
0x2f: {  	s6 =	stileid.u32;
	[bflag:$0x0] =	sbarrier.arrive $0xFFFF  }
0x30: {  	s6 =	sshll.u32 @p0 s6, $0x6;
	s7 =	rddreg [dreg:$0x8]  }
0x31: {  	s8 =	rddreg [dreg:$0x13];
	s6 =	sor.u32 @p0 $0x1C03, s6  }
0x32: {  	[hbm:s7], [sflag:s6] =	dma.local @p0 [spmem:s8], $0x1380  }
0x33: {  	s7 =	simm.s32 @p0 $0x3  }
0x34: {  	_ =	swait.ge @p0 [sflag:s7], $0x1380  }
0x35: {  	[sflag:s7] =	ssyncset.done @p0 $0x0;
	s8 =	rddreg [dreg:$0x14]  }
0x36: {  	[sflag:s7] =	ssyncadd.s32 @p0 $0xFFFFEC80;
	s7 =	rddreg [dreg:$0x9]  }
0x37: {  	[hbm:s7], [sflag:s6] =	dma.local @!p2 [spmem:s8], $0x100  }
0x38: {  	s6 =	simm.s32 @!p2 $0x3  }
0x39: {  	_ =	swait.ge @!p2 [sflag:s6], $0x100  }
0x3a: {  	[sflag:s6] =	ssyncset.done @!p2 $0x0;
	s7 =	rddreg [dreg:$0xa]  }
0x3b: {  	s8 =	rddreg [dreg:$0x15];
	[sflag:s6] =	ssyncadd.s32 @!p2 $0xFFFFFF00;
	s6 =	simm.s32 @!p0 $0x1FC3  }
0x3c: {  	[hbm:s7], [sflag:s6] =	dma.local @!p0 [spmem:s8], $0x1400  }
0x3d: {  	s6 =	simm.s32 @!p0 $0x3  }
0x3e: {  	_ =	swait.ge @!p0 [sflag:s6], $0x1400  }
0x3f: {  	s23 =	sld [smem:$0x7F6];
	_ =	sdelay $0x2  }
0x40: {  	s24 =	rddreg [dreg:$0xb];
	s8 =	sadd.s32 $0x1, s23  }
0x41: {  	p3 =	sne.s32 s8, s24  }
.Ltmp1:
0x42: {  	_ = 	snop;
	(pc) =	sbr.rel @!p3 .LBB2_31-.Ltmp1, $3  }
0x43: {  	_ =	sdelay $0x1  }
0x44: {  	[sflag:s6] =	ssyncset.done @!p0 $0x0  }
0x45: {  	[sflag:s6] =	ssyncadd.s32 @!p0 $0xFFFFEC00  }
.LBB2_1:
0x46: {  	[smem:$0x7F6] =	sst s8;
	s8 =	simm.s32 $0x0;
	s11 =	simm.s32 $0x200  }
.LBB2_2:
0x47: {  	p3 =	sne.s32 s11, $0x1E00;
	[tilespmem:s8+$0x19D70] =	vst v1  }
0x48: {  	[tilespmem:s8+$0x19D00] =	vst v1  }
0x49: {  	[tilespmem:s8+$0x19D10] =	vst v1  }
.Ltmp2:
0x4a: {  	[tilespmem:s8+$0x19D20] =	vst v1;
	(pc) =	sbr.rel @p3 .LBB2_2-.Ltmp2, $4  }
0x4b: {  	[tilespmem:s8+$0x19D30] =	vst v1  }
0x4c: {  	[tilespmem:s8+$0x19D40] =	vst v1  }
0x4d: {  	[tilespmem:s8+$0x19D50] =	vst v1  }
0x4e: {  	[tilespmem:s8+$0x19D60] =	vst v1;
	s8 =	sshra.s32 s11, $0x2;
	s11 =	sadd.s32 $0x200, s11  }
0x4f: {  	[tilespmem:s8+$0x19D70] =	vst v1  }
0x50: {  	[tilespmem:s8+$0x19D00] =	vst v1  }
0x51: {  	[tilespmem:s8+$0x19D10] =	vst v1  }
0x52: {  	[tilespmem:s8+$0x19D20] =	vst v1  }
0x53: {  	[tilespmem:s8+$0x19D30] =	vst v1  }
0x54: {  	[tilespmem:s8+$0x19D40] =	vst v1  }
0x55: {  	[tilespmem:s8+$0x19D50] =	vst v1  }
0x56: {  	[tilespmem:s8+$0x19D60] =	vst v1;
	s8 =	simm.s32 $0x0;
	s11 =	simm.s32 $0x200  }
.LBB2_4:
0x57: {  	p3 =	sne.s32 s11, $0x7E00;
	[tilespmem:s8+$0x17D70] =	vst v1  }
0x58: {  	[tilespmem:s8+$0x17D00] =	vst v1  }
0x59: {  	[tilespmem:s8+$0x17D10] =	vst v1  }
.Ltmp3:
0x5a: {  	[tilespmem:s8+$0x17D20] =	vst v1;
	(pc) =	sbr.rel @p3 .LBB2_4-.Ltmp3, $4  }
0x5b: {  	[tilespmem:s8+$0x17D30] =	vst v1  }
0x5c: {  	[tilespmem:s8+$0x17D40] =	vst v1  }
0x5d: {  	[tilespmem:s8+$0x17D50] =	vst v1  }
0x5e: {  	[tilespmem:s8+$0x17D60] =	vst v1;
	s8 =	sshra.s32 s11, $0x2;
	s11 =	sadd.s32 $0x200, s11  }
0x5f: {  	[tilespmem:s8+$0x17D70] =	vst v1  }
0x60: {  	[tilespmem:s8+$0x17D00] =	vst v1  }
0x61: {  	[tilespmem:s8+$0x17D10] =	vst v1  }
0x62: {  	[tilespmem:s8+$0x17D20] =	vst v1  }
0x63: {  	[tilespmem:s8+$0x17D30] =	vst v1  }
0x64: {  	[tilespmem:s8+$0x17D40] =	vst v1  }
0x65: {  	[tilespmem:s8+$0x17D50] =	vst v1  }
0x66: {  	[tilespmem:s8+$0x17D60] =	vst v1;
	s6 =	rddreg [dreg:$0x6];
	s7 =	simm.s32 $0x19D00  }
0x67: {  	[spmem:s6] =	stream.linear.scatter [tilespmem:s7], [sflag:$0x3], $0x800, $0x38;
	[tilespmem:$0x1A500] =	vst v63  }
0x68: {  	_ =	swait.ge [sflag:s19], $0x800  }
0x69: {  	[sflag:s19] =	ssyncset.done $0x0  }
0x6a: {  	s21 =	rddreg [dreg:$0xc];
	[sflag:s19] =	ssyncadd.s32 $0xFFFFF800  }
0x6b: {  	[spmem:s21] =	stream.linear.scatter [tilespmem:s7], [sflag:$0x3], $0x800, $0x38;
	[tilespmem:$0x1A500] =	vst v63  }
0x6c: {  	_ =	swait.ge [sflag:s19], $0x800  }
0x6d: {  	[sflag:s19] =	ssyncset.done $0x0  }
0x6e: {  	s23 =	rddreg [dreg:$0xd];
	[sflag:s19] =	ssyncadd.s32 $0xFFFFF800  }
0x6f: {  	[spmem:s23] =	stream.linear.scatter [tilespmem:s7], [sflag:$0x3], $0x800, $0x38;
	[tilespmem:$0x1A500] =	vst v63  }
0x70: {  	_ =	swait.ge [sflag:s19], $0x800  }
0x71: {  	[sflag:s19] =	ssyncset.done $0x0  }
0x72: {  	s24 =	rddreg [dreg:$0x10];
	[sflag:s19] =	ssyncadd.s32 $0xFFFFF800  }
0x73: {  	[spmem:s24] =	stream.linear.scatter [tilespmem:s7], [sflag:$0x3], $0x800, $0x38;
	[tilespmem:$0x1A500] =	vst v63  }
0x74: {  	_ =	swait.ge [sflag:s19], $0x800  }
0x75: {  	[sflag:s19] =	ssyncset.done $0x0  }
0x76: {  	s8 =	rddreg [dreg:$0x16];
	[sflag:s19] =	ssyncadd.s32 $0xFFFFF800  }
0x77: {  	[spmem:s8] =	stream.linear.scatter [tilespmem:s7], [sflag:$0x3], $0x800, $0x38;
	[tilespmem:$0x1A500] =	vst v63  }
0x78: {  	_ =	swait.ge [sflag:s19], $0x800  }
0x79: {  	[sflag:s19] =	ssyncset.done $0x0  }
0x7a: {  	s11 =	rddreg [dreg:$0x17];
	[sflag:s19] =	ssyncadd.s32 $0xFFFFF800  }
0x7b: {  	[spmem:s11] =	stream.linear.scatter [tilespmem:s7], [sflag:$0x3], $0x800, $0x38;
	[tilespmem:$0x1A500] =	vst v63  }
0x7c: {  	_ =	swait.ge [sflag:s19], $0x800  }
0x7d: {  	[sflag:s19] =	ssyncset.done $0x0  }
0x7e: {  	s13 =	rddreg [dreg:$0x18];
	[sflag:s19] =	ssyncadd.s32 $0xFFFFF800  }
0x7f: {  	[spmem:s13] =	stream.linear.scatter [tilespmem:s7], [sflag:$0x3], $0x800, $0x38;
	[tilespmem:$0x1A500] =	vst v63  }
0x80: {  	_ =	swait.ge [sflag:s19], $0x800  }
0x81: {  	[sflag:s19] =	ssyncset.done $0x0  }
0x82: {  	s14 =	rddreg [dreg:$0x19];
	[sflag:s19] =	ssyncadd.s32 $0xFFFFF800  }
0x83: {  	[spmem:s14] =	stream.linear.scatter [tilespmem:s7], [sflag:$0x3], $0x800, $0x38;
	[tilespmem:$0x1A500] =	vst v63  }
0x84: {  	_ =	swait.ge [sflag:s19], $0x800  }
0x85: {  	[sflag:s19] =	ssyncset.done $0x0  }
0x86: {  	s15 =	rddreg [dreg:$0x1a];
	[sflag:s19] =	ssyncadd.s32 $0xFFFFF800  }
0x87: {  	[spmem:s15] =	stream.linear.scatter [tilespmem:s7], [sflag:$0x3], $0x800, $0x38;
	[tilespmem:$0x1A500] =	vst v63  }
0x88: {  	_ =	swait.ge [sflag:s19], $0x800  }
0x89: {  	[sflag:s19] =	ssyncset.done $0x0  }
0x8a: {  	s16 =	rddreg [dreg:$0x1b];
	[sflag:s19] =	ssyncadd.s32 $0xFFFFF800  }
0x8b: {  	[spmem:s16] =	stream.linear.scatter [tilespmem:s7], [sflag:$0x3], $0x800, $0x38;
	[tilespmem:$0x1A500] =	vst v63  }
0x8c: {  	_ =	swait.ge [sflag:s19], $0x800  }
0x8d: {  	[sflag:s19] =	ssyncset.done $0x0  }
0x8e: {  	s17 =	rddreg [dreg:$0x1c];
	[sflag:s19] =	ssyncadd.s32 $0xFFFFF800  }
0x8f: {  	[spmem:s17] =	stream.linear.scatter [tilespmem:s7], [sflag:$0x3], $0x800, $0x38;
	[tilespmem:$0x1A500] =	vst v63  }
0x90: {  	_ =	swait.ge [sflag:s19], $0x800  }
0x91: {  	[sflag:s19] =	ssyncset.done $0x0  }
0x92: {  	s18 =	rddreg [dreg:$0x1d];
	[sflag:s19] =	ssyncadd.s32 $0xFFFFF800  }
0x93: {  	[spmem:s18] =	stream.linear.scatter [tilespmem:s7], [sflag:$0x3], $0x800, $0x38;
	[tilespmem:$0x1A500] =	vst v63  }
0x94: {  	_ =	swait.ge [sflag:s19], $0x800  }
0x95: {  	[sflag:s19] =	ssyncset.done $0x0  }
0x96: {  	s21 =	rddreg [dreg:$0x1e];
	[sflag:s19] =	ssyncadd.s32 $0xFFFFF800  }
0x97: {  	[spmem:s21] =	stream.linear.scatter [tilespmem:s7], [sflag:$0x3], $0x800, $0x38;
	[tilespmem:$0x1A500] =	vst v63  }
0x98: {  	_ =	swait.ge [sflag:s19], $0x800  }
0x99: {  	[sflag:s19] =	ssyncset.done $0x0  }
0x9a: {  	s23 =	rddreg [dreg:$0x1f];
	[sflag:s19] =	ssyncadd.s32 $0xFFFFF800  }
0x9b: {  	[spmem:s23] =	stream.linear.scatter [tilespmem:s7], [sflag:$0x3], $0x800, $0x38;
	[tilespmem:$0x1A500] =	vst v63  }
0x9c: {  	_ =	swait.ge [sflag:s19], $0x800  }
0x9d: {  	s24 =	sld [smem:$0x7F7]  }
0x9e: {  	[sflag:s19] =	ssyncset.done $0x0  }
0x9f: {  	[sflag:s19] =	ssyncadd.s32 $0xFFFFF800  }
0xa0: {  	[spmem:s24] =	stream.linear.scatter [tilespmem:s7], [sflag:$0x3], $0x800, $0x38;
	[tilespmem:$0x1A500] =	vst v63  }
0xa1: {  	_ =	swait.ge [sflag:s19], $0x800  }
0xa2: {  	s8 =	sld [smem:$0x7F8]  }
0xa3: {  	[sflag:s19] =	ssyncset.done $0x0  }
0xa4: {  	[sflag:s19] =	ssyncadd.s32 $0xFFFFF800  }
0xa5: {  	[spmem:s8] =	stream.linear.scatter [tilespmem:s7], [sflag:$0x3], $0x800, $0x38;
	[tilespmem:$0x1A500] =	vst v63  }
0xa6: {  	_ =	swait.ge [sflag:s19], $0x800  }
0xa7: {  	s11 =	sld [smem:$0x7F9]  }
0xa8: {  	[sflag:s19] =	ssyncset.done $0x0  }
0xa9: {  	[sflag:s19] =	ssyncadd.s32 $0xFFFFF800  }
0xaa: {  	[spmem:s11] =	stream.linear.scatter [tilespmem:s7], [sflag:$0x3], $0x800, $0x38;
	[tilespmem:$0x1A500] =	vst v63  }
0xab: {  	_ =	swait.ge [sflag:s19], $0x800  }
0xac: {  	s13 =	sld [smem:$0x7FA]  }
0xad: {  	[sflag:s19] =	ssyncset.done $0x0  }
0xae: {  	[sflag:s19] =	ssyncadd.s32 $0xFFFFF800  }
0xaf: {  	[spmem:s13] =	stream.linear.scatter [tilespmem:s7], [sflag:$0x3], $0x800, $0x38;
	[tilespmem:$0x1A500] =	vst v63  }
0xb0: {  	_ =	swait.ge [sflag:s19], $0x800  }
0xb1: {  	s14 =	sld [smem:$0x7FB]  }
0xb2: {  	[sflag:s19] =	ssyncset.done $0x0  }
0xb3: {  	[sflag:s19] =	ssyncadd.s32 $0xFFFFF800  }
0xb4: {  	[spmem:s14] =	stream.linear.scatter [tilespmem:s7], [sflag:$0x3], $0x800, $0x38;
	[tilespmem:$0x1A500] =	vst v63  }
0xb5: {  	_ =	swait.ge [sflag:s19], $0x800  }
0xb6: {  	s15 =	sld [smem:$0x7FC]  }
0xb7: {  	[sflag:s19] =	ssyncset.done $0x0  }
0xb8: {  	[sflag:s19] =	ssyncadd.s32 $0xFFFFF800  }
0xb9: {  	[spmem:s15] =	stream.linear.scatter [tilespmem:s7], [sflag:$0x3], $0x800, $0x38;
	[tilespmem:$0x1A500] =	vst v63  }
0xba: {  	_ =	swait.ge [sflag:s19], $0x800  }
0xbb: {  	s16 =	sld [smem:$0x7FD]  }
0xbc: {  	[sflag:s19] =	ssyncset.done $0x0  }
0xbd: {  	[sflag:s19] =	ssyncadd.s32 $0xFFFFF800  }
0xbe: {  	[spmem:s16] =	stream.linear.scatter [tilespmem:s7], [sflag:$0x3], $0x800, $0x38;
	[tilespmem:$0x1A500] =	vst v63  }
0xbf: {  	_ =	swait.ge [sflag:s19], $0x800  }
0xc0: {  	s17 =	simm.s32 $0x0;
	[sflag:s19] =	ssyncset.done $0x0  }
0xc1: {  	s21 =	simm.s32 $0x4;
	s18 =	rddreg [dreg:$0xe];
	[sflag:s19] =	ssyncadd.s32 $0xFFFFF800  }
0xc2: {  	[tilespmem:s20], [sflag:$0x4] =	stream.linear.gather [hbm4b:s18+s17], $0x800, $0x38;
	[tilespmem:$0x1A500] =	vst v63  }
0xc3: {  	_ =	swait.ge [sflag:s21], $0x800  }
0xc4: {  	[sflag:s21] =	ssyncset.done $0x0  }
0xc5: {  	s23 =	rddreg [dreg:$0x11];
	[sflag:s21] =	ssyncadd.s32 $0xFFFFF800  }
0xc6: {  	[spmem:s23] =	stream.linear.scatter [tilespmem:s20], [sflag:$0x3], $0x800, $0x38;
	[tilespmem:$0x1A500] =	vst v63  }
0xc7: {  	_ =	swait.ge [sflag:s19], $0x800  }
0xc8: {  	s8 =	simm.s32 @!p1 $0x0;
	[sflag:s19] =	ssyncset.done $0x0  }
0xc9: {  	s11 =	simm.s32 @!p1 $0x11D00;
	s6 =	rddreg [dreg:$0xf];
	[sflag:s19] =	ssyncadd.s32 $0xFFFFF800  }
0xca: {  	[tilespmem:s11], [sflag:$0x4] =	stream.linear.gather @!p1 [hbm4b:s6+s8], $0x800, $0x38;
	[tilespmem:$0x1A500] =	vst v63  }
0xcb: {  	s8 =	simm.s32 @!p1 $0x4  }
0xcc: {  	_ =	swait.ge @!p1 [sflag:s8], $0x800  }
0xcd: {  	[sflag:s8] =	ssyncset.done @!p1 $0x0  }
0xce: {  	s6 =	rddreg [dreg:$0x12];
	[sflag:s8] =	ssyncadd.s32 @!p1 $0xFFFFF800;
	s8 =	simm.s32 @!p1 $0x3  }
0xcf: {  	[spmem:s6] =	stream.linear.scatter @!p1 [tilespmem:s11], [sflag:$0x3], $0x800, $0x38;
	[tilespmem:$0x1A500] =	vst v63  }
0xd0: {  	_ =	swait.ge @!p1 [sflag:s8], $0x800  }
0xd1: {  	[sflag:s8] =	ssyncset.done @!p1 $0x0  }
0xd2: {  	s24 =	rddreg [dreg:$0x7];
	[sflag:s8] =	ssyncadd.s32 @!p1 $0xFFFFF800  }
0xd3: {  	[tilespmem:s22], [sflag:$0x3] =	stream.linear.gather [hbm4b:s24+s12], $0x4E20, $0x38;
	[tilespmem:$0x1A500] =	vst v63  }
.Ltmp4:
0xd4: {  	_ =	swait.ge [sflag:s19], $0x4E20;
	(pc) =	sbr.rel .LBB2_6-.Ltmp4, $4  }
0xd5: {  	[sflag:s19] =	ssyncset.done $0x0  }
0xd6: {  	[sflag:s19] =	ssyncadd.s32 $0xFFFFB1E0  }
0xd7: {  	[bflag:$0x0] =	sbarrier.arrive $0xFFFF  }
0xd8: {  	s13 =	simm.s32 $0x0  }
.LBB2_28:
0xd9: {  	v9 =	vor.u32 s14, v9;
	_ =	sdelay $0x4  }
0xda: {  	[tilespmem:v9+s3+$0x0] =	vst.idx.msk $0xffff, v1  }
.LBB2_29:
0xdb: {  	s13 =	sadd.s32 $0x1, s13  }
0xdc: {  	p3 =	sne.s32 s13, $0x32  }
.Ltmp5:
0xdd: {  	_ = 	snop;
	(pc) =	sbr.rel @!p3 .LBB2_30-.Ltmp5, $1  }
0xde: {  	_ =	sdelay $0x3  }
.LBB2_6:
0xdf: {  	s8 =	smul.u32 $0x320, s13;
	_ =	sdelay $0x1  }
0xe0: {  	s8 =	sadd.s32 s10, s8  }
0xe1: {  	s6 =	rddreg [dreg:$0x4];
	s8 =	sshrl.u32 s8, $0x3  }
0xe2: {  	s21 =	simm.s32 $0x10100;
	s11 =	sadd.s32 s6, s8  }
0xe3: {  	[tilespmem:s21], [sflag:$0x3] =	stream.linear.gather [hbm4b:s11+s12], $0x320, $0x38;
	[tilespmem:$0x1A500] =	vst v63  }
0xe4: {  	_ =	swait.ge [sflag:s19], $0x320  }
0xe5: {  	[sflag:s19] =	ssyncset.done $0x0;
	s23 =	rddreg [dreg:$0x5]  }
0xe6: {  	s24 =	simm.s32 $0x10480;
	[sflag:s19] =	ssyncadd.s32 $0xFFFFFCE0;
	s8 =	sadd.s32 s23, s8  }
0xe7: {  	[tilespmem:s24], [sflag:$0x3] =	stream.linear.gather [hbm4b:s8+s12], $0x320, $0x38;
	[tilespmem:$0x1A500] =	vst v63  }
0xe8: {  	_ =	swait.ge [sflag:s19], $0x320  }
0xe9: {  	[sflag:s19] =	ssyncset.done $0x0  }
0xea: {  	s8 =	simm.s32 $0x0;
	[sflag:s19] =	ssyncadd.s32 $0xFFFFFCE0  }
.LBB2_7:
0xeb: {  	p3 =	sne.s32 s8, $0xFC0  }
.Ltmp6:
0xec: {  	_ = 	snop;
	(pc) =	sbr.rel @p3 .LBB2_7-.Ltmp6, $4  }
0xed: {  	s11 =	sshra.s32 s8, $0x2  }
0xee: {  	[tilespmem:s11+$0x10800] =	vst v2  }
0xef: {  	[tilespmem:s11+$0x10C00] =	vst v4  }
0xf0: {  	s8 =	sadd.s32 $0x40, s8;
	[tilespmem:s11+$0x11000] =	vst v2  }
0xf1: {  	s11 =	simm.s32 $0x0  }
0xf2: {  	v9 =	vld [tilespmem:s11+$0x10480];
	_ =	sdelay $0x4  }
0xf3: {  	v9 =	vsub.s32 v9, v0  }
0xf4: {  	vm1 =	vlt.u32 v9, $0x1388  }
0xf5: {  	v10 =	vsel vm1, $0x1, v2  }
0xf6: {  	(xrf0) =	vadd.scan.msk.s32 $0xffff, v10;
	_ =	sdelay $0x1  }
0xf7: {  	s8 =	simm.s32 $0x0  }
0xf8: {  	v10 =	vmov s8  }
0xf9: {  	v10 =	vadd.s32 $0xFFFFFFFF, v10  }
0xfa: {  	v10 =	vbroadcast v10, $0x0  }
0xfb: {  	v11, _, _ =	vpop (xrf0)  }
0xfc: {  	v10 =	vadd.s32 v11, v10;
	(v2sf) =	vpush v11, $0xF  }
0xfd: {  	v11 =	vld [tilespmem:s11+$0x10100];
	v10 =	vsel vm1, v10, v5;
	_ =	sdelay $0x4  }
0xfe: {  	[tilespmem:v10+s25+$0x0] =	vst.idx.msk $0xffff, v11  }
0xff: {  	[tilespmem:v10+s26+$0x0] =	vst.idx.msk $0xffff, v9;
	v9 =	vshra.s32 v11, $0x5  }
0x100: {  	s11 =	simm.s32 $0x10;
	[tilespmem:v10+s28+$0x0] =	vst.idx.msk $0xffff, v9  }
0x101: {  	v9 =	vld [tilespmem:s11+$0x10480];
	_ =	sdelay $0x4  }
0x102: {  	v9 =	vsub.s32 v9, v0  }
0x103: {  	s14 =	simm.s32 $0x80;
	vm1 =	vlt.u32 v9, $0x1388;
	s15 =	spop (v2sf)  }
.LBB2_9:
0x104: {  	p3 =	sne.s32 s14, $0xC40  }
0x105: {  	v10 =	vsel vm1, $0x1, v2;
	s8 =	sadd.s32 s8, s15;
	s15 =	smov.u32 s14;
	s14 =	sadd.s32 $0x40, s14  }
0x106: {  	v11 =	vmov s8;
	(xrf0) =	vadd.scan.msk.s32 $0xffff, v10  }
0x107: {  	v10 =	vadd.s32 $0xFFFFFFFF, v11;
	_ =	sdelay $0x3  }
0x108: {  	v10 =	vbroadcast v10, $0x0  }
0x109: {  	v11, _, _ =	vpop (xrf0)  }
0x10a: {  	v10 =	vadd.s32 v11, v10;
	(v2sf) =	vpush v11, $0xF  }
0x10b: {  	v11 =	vld [tilespmem:s11+$0x10100];
	v10 =	vsel vm1, v10, v5;
	_ =	sdelay $0x4  }
0x10c: {  	[tilespmem:v10+s25+$0x0] =	vst.idx.msk $0xffff, v11  }
0x10d: {  	[tilespmem:v10+s26+$0x0] =	vst.idx.msk $0xffff, v9;
	v9 =	vshra.s32 v11, $0x5  }
0x10e: {  	s11 =	sshra.s32 s15, $0x2;
	[tilespmem:v10+s28+$0x0] =	vst.idx.msk $0xffff, v9  }
0x10f: {  	v9 =	vld [tilespmem:s11+$0x10480];
	_ =	sdelay $0x1  }
.Ltmp7:
0x110: {  	(pc) =	sbr.rel @p3 .LBB2_9-.Ltmp7, $3  }
0x111: {  	_ =	sdelay $0x1  }
0x112: {  	v9 =	vsub.s32 v9, v0  }
0x113: {  	vm1 =	vlt.u32 v9, $0x1388;
	s15 =	spop (v2sf)  }
0x114: {  	v10 =	vsel vm1, $0x1, v2  }
0x115: {  	(xrf0) =	vadd.scan.msk.s32 $0xffff, v10;
	_ =	sdelay $0x5  }
0x116: {  	v10, _, _ =	vpop (xrf0)  }
0x117: {  	(v2sf) =	vpush v10, $0xF;
	_ =	sdelay $0xa  }
0x118: {  	s8 =	sadd.s32 s8, s15  }
0x119: {  	v11 =	vmov s8  }
0x11a: {  	v11 =	vadd.s32 $0xFFFFFFFF, v11  }
0x11b: {  	v11 =	vbroadcast v11, $0x0  }
0x11c: {  	s24 =	spop (v2sf)  }
0x11d: {  	v10 =	vadd.s32 v10, v11;
	s8 =	sadd.s32 s8, s24  }
0x11e: {  	v11 =	vld [tilespmem:s11+$0x10100];
	v10 =	vsel vm1, v10, v5;
	s14 =	sadd.s32 $0x3F, s8  }
0x11f: {  	s15 =	sshra.s32 s14, $0x6  }
0x120: {  	p3 =	slt.s32 s15, $0x1  }
.Ltmp8:
0x121: {  	_ = 	snop;
	(pc) =	sbr.rel @p3 .LBB2_29-.Ltmp8, $4  }
0x122: {  	_ = 	snop  }
0x123: {  	[tilespmem:v10+s25+$0x0] =	vst.idx.msk $0xffff, v11  }
0x124: {  	[tilespmem:v10+s26+$0x0] =	vst.idx.msk $0xffff, v9;
	v9 =	vshra.s32 v11, $0x5  }
0x125: {  	[tilespmem:v10+s28+$0x0] =	vst.idx.msk $0xffff, v9  }
0x126: {  	s8 =	sshll.u32 s15, $0x2  }
0x127: {  	p4 =	sne.s32 s8, $0x1  }
.Ltmp9:
0x128: {  	_ = 	snop;
	(pc) =	sbr.rel @!p4 .LBB2_12-.Ltmp9, $3  }
0x129: {  	_ =	sdelay $0x1  }
0x12a: {  	s11 =	simm.s32 $0x10C00  }
0x12b: {  	s16 =	simm.s32 $0x0;
	p3 =	por $0x0, $0x0;
	v9 =	vld [tilespmem:s11+$0x0];
	s8 =	sadd.s32 $0xFFFFFFFF, s8  }
0x12c: {  	_ =	sdelay $0x1  }
0x12d: {  	p4 =	sne.s32 s8, $0x1  }
.Ltmp10:
0x12e: {  	s11 =	sand.u32 $0x30, s16;
	s17 =	sand.u32 $0xFFFFFF80, s16;
	(pc) =	sbr.rel @!p4 .LBB2_14-.Ltmp10, $4  }
0x12f: {  	s11 =	sor.u32 s11, s17;
	v10 =	vshra.s32 v9, $0x5  }
0x130: {  	[tilespmem:s11+$0x11400] =	vst v9;
	s11 =	sadd.s32 $0x11400, s11;
	v9 =	vadd.s32 $0x1390, v10  }
0x131: {  	s18 =	sadd.s32 $0xFFFFFFFF, s8;
	s17 =	simm.s32 $0x10C10;
	[tilespmem:s11+$0x40] =	vst v9  }
0x132: {  	p3 =	por $0x1, $0x1;
	s8 =	simm.s32 $0x0;
	s11 =	simm.s32 $0x0;
	v9 =	vld [tilespmem:s17+$0x0]  }
.LBB2_15:
0x133: {  	p4 =	sne.s32 s18, $0x1  }
0x134: {  	s8 =	sadd.s32 $0x20, s8;
	s11 =	sadd.s32 $0x10, s11  }
0x135: {  	s21 =	sand.u32 $0x30, s11;
	s23 =	sand.u32 $0xFFFFFF80, s8  }
.Ltmp11:
0x136: {  	s21 =	sor.u32 s21, s23;
	(pc) =	sbr.rel @p4 .LBB2_15-.Ltmp11, $4  }
0x137: {  	[tilespmem:s21+$0x11400] =	vst v9;
	v9 =	vshra.s32 v9, $0x5  }
0x138: {  	s21 =	sadd.s32 $0x11400, s21;
	v9 =	vadd.s32 $0x1390, v9  }
0x139: {  	s17 =	sadd.s32 $0x10, s17;
	[tilespmem:s21+$0x40] =	vst v9  }
0x13a: {  	s18 =	sadd.s32 $0xFFFFFFFF, s18;
	v9 =	vld [tilespmem:s17+$0x0]  }
.LBB2_16:
0x13b: {  	s8 =	sadd.s32 @p3 $0x20, s8  }
0x13c: {  	s11 =	sadd.s32 @p3 $0x10, s11;
	s17 =	simm.s32 $0x0;
	s18 =	simm.s32 $0x0  }
0x13d: {  	s17 =	smov.u32 @p3 s11;
	s18 =	smov.u32 @p3 s8  }
0x13e: {  	s23 =	sand.u32 $0x30, s17;
	s24 =	sand.u32 $0xFFFFFF80, s18  }
0x13f: {  	s8 =	sor.u32 s23, s24;
	v10 =	vshra.s32 v9, $0x5  }
0x140: {  	[tilespmem:s8+$0x11400] =	vst v9;
	s8 =	sadd.s32 $0x11400, s8;
	v9 =	vadd.s32 $0x1390, v10  }
0x141: {  	s17 =	simm.s32 $0x0;
	[tilespmem:s8+$0x40] =	vst v9  }
.LBB2_17:
0x142: {  	s8 =	sshll.u32 s17, $0x6  }
0x143: {  	s18 =	sadd.s32 $0x0, s16;
	s11 =	sadd.s32 $0x10800, s8  }
0x144: {  	[tilespmem:s20], [sflag:$0x1] =	stream.indirect.gather [hbm4b:s5+s29], $0x80, s11, s29, $0xb8;
	[tilespmem:$0x1A500] =	vst v63  }
0x145: {  	s8 =	sadd.s32 $0x11000, s8;
	v9 =	vor.u32 s18, v6  }
0x146: {  	[tilespmem:s30], [sflag:$0x3] =	stream.indirect.gather [spmem:s2], $0x80, s8, s29, $0xb8;
	[tilespmem:$0x1A500] =	vst v63  }
0x147: {  	_ =	swait.ge [sflag:s19], $0x2000  }
0x148: {  	[sflag:s19] =	ssyncset.done $0x0  }
0x149: {  	[sflag:s19] =	ssyncadd.s32 $0xFFFFE000  }
0x14a: {  	v10 =	vld.idx.msk [tilespmem:v9+s26+$0x0], $0xffff  }
0x14b: {  	v9 =	vld.idx.msk [tilespmem:v9+s25+$0x0], $0xffff;
	_ =	sdelay $0x2  }
0x14c: {  	s21 =	simm.s32 $0x0  }
0x14d: {  	v11 =	vmov s21;
	vm1 =	vlt.s32 v10, $0x1387  }
0x14e: {  	v11 =	vshll.u32 v11, $0x7;
	v9 =	vshll.u32 v9, $0x2;
	v10 =	vnsel vm1, $0x1387, v10  }
0x14f: {  	v11 =	vor.u32 v7, v11;
	v9 =	vand.u32 $0x7C, v9;
	v10 =	vshll.u32 v10, $0x2  }
0x150: {  	v9 =	vor.u32 v11, v9;
	v10 =	vor.u32 v8, v10  }
0x151: {  	v9 =	vor.u32 v8, v9;
	_ =	sdelay $0x3  }
0x152: {  	v10 =	vld.idx.msk [tilespmem:v10+s22+$0x0], $0xffff  }
0x153: {  	v9 =	vld.idx.msk [tilespmem:v9+s30+$0x0], $0xffff;
	_ =	sdelay $0x4  }
0x154: {  	v9 =	vadd.f32 v10, v9;
	_ =	sdelay $0x1  }
0x155: {  	v10 =	vmul.f32 $2.000000030e-01, v9  }
0x156: {  	vm1 =	vgt.f32 v9, $0.0e+00  }
0x157: {  	v9 =	vsel vm1, v9, v10  }
0x158: {  	v9 =	vmax.f32 v9, $-1.000000000e+01  }
0x159: {  	v10 =	vmul.f32 $1.442695020e+00, v9;
	_ =	sdelay $0x1  }
0x15a: {  	v10 =	vadd.f32 $1.650000000e+01, v10;
	_ =	sdelay $0x1  }
0x15b: {  	v10 =	vtrunc.f32 v10  }
0x15c: {  	v10 =	vcvt.f32.s32 v10;
	_ =	sdelay $0x1  }
0x15d: {  	v11 =	vadd.s32 $0xFFFFFFF0, v10  }
0x15e: {  	v11 =	vcvt.s32.f32 v11;
	_ =	sdelay $0x1  }
0x15f: {  	v11 =	vmul.f32 $-6.931471820e-01, v11;
	_ =	sdelay $0x1  }
0x160: {  	v9 =	vadd.f32 v11, v9;
	_ =	sdelay $0x1  }
0x161: {  	v11 =	vmul.f32 $8.333333770e-03, v9;
	_ =	sdelay $0x1  }
0x162: {  	v11 =	vadd.f32 $4.166666790e-02, v11;
	_ =	sdelay $0x1  }
0x163: {  	v11 =	vmul.f32 v11, v9;
	_ =	sdelay $0x1  }
0x164: {  	v11 =	vadd.f32 $1.666666720e-01, v11;
	_ =	sdelay $0x1  }
0x165: {  	v11 =	vmul.f32 v11, v9;
	_ =	sdelay $0x1  }
0x166: {  	v11 =	vadd.f32 $5.000000000e-01, v11;
	_ =	sdelay $0x1  }
0x167: {  	v11 =	vmul.f32 v11, v9;
	_ =	sdelay $0x1  }
0x168: {  	v11 =	vadd.f32 $1.000000000e+00, v11;
	_ =	sdelay $0x1  }
0x169: {  	v9 =	vmul.f32 v11, v9  }
0x16a: {  	s23 =	sadd.s32 $0x4, s16  }
0x16b: {  	v10 =	vshll.u32 v10, $0x17;
	v11 =	vor.u32 s23, v6;
	v9 =	vadd.f32 $1.000000000e+00, v9  }
0x16c: {  	v10 =	vadd.s32 $0x37800000, v10  }
0x16d: {  	v9 =	vmul.f32 v10, v9  }
0x16e: {  	s8 =	simm.s32 $0x11C00  }
0x16f: {  	[tilespmem:s8+$0x0] =	vst v9  }
0x170: {  	v9 =	vld.idx.msk [tilespmem:v11+s26+$0x0], $0xffff  }
0x171: {  	v10 =	vld.idx.msk [tilespmem:v11+s25+$0x0], $0xffff;
	_ =	sdelay $0x2  }
0x172: {  	s24 =	simm.s32 $0x4  }
0x173: {  	v11 =	vmov s24;
	vm1 =	vlt.s32 v9, $0x1387  }
0x174: {  	v11 =	vshll.u32 v11, $0x7;
	v10 =	vshll.u32 v10, $0x2;
	v9 =	vnsel vm1, $0x1387, v9  }
0x175: {  	v11 =	vor.u32 v7, v11;
	v10 =	vand.u32 $0x7C, v10;
	v9 =	vshll.u32 v9, $0x2  }
0x176: {  	v10 =	vor.u32 v11, v10;
	v9 =	vor.u32 v8, v9  }
0x177: {  	v10 =	vor.u32 v8, v10;
	_ =	sdelay $0x3  }
0x178: {  	v9 =	vld.idx.msk [tilespmem:v9+s22+$0x0], $0xffff  }
0x179: {  	v10 =	vld.idx.msk [tilespmem:v10+s30+$0x0], $0xffff;
	_ =	sdelay $0x4  }
0x17a: {  	v9 =	vadd.f32 v9, v10;
	_ =	sdelay $0x1  }
0x17b: {  	v10 =	vmul.f32 $2.000000030e-01, v9  }
0x17c: {  	vm1 =	vgt.f32 v9, $0.0e+00  }
0x17d: {  	v9 =	vsel vm1, v9, v10  }
0x17e: {  	v9 =	vmax.f32 v9, $-1.000000000e+01  }
0x17f: {  	v10 =	vmul.f32 $1.442695020e+00, v9;
	_ =	sdelay $0x1  }
0x180: {  	v10 =	vadd.f32 $1.650000000e+01, v10;
	_ =	sdelay $0x1  }
0x181: {  	v10 =	vtrunc.f32 v10  }
0x182: {  	v11 =	vcvt.f32.s32 v10;
	_ =	sdelay $0x1  }
0x183: {  	v10 =	vadd.s32 $0xFFFFFFF0, v11  }
0x184: {  	v10 =	vcvt.s32.f32 v10;
	_ =	sdelay $0x1  }
0x185: {  	v10 =	vmul.f32 $-6.931471820e-01, v10;
	_ =	sdelay $0x1  }
0x186: {  	v9 =	vadd.f32 v10, v9;
	_ =	sdelay $0x1  }
0x187: {  	v10 =	vmul.f32 $8.333333770e-03, v9;
	_ =	sdelay $0x1  }
0x188: {  	v10 =	vadd.f32 $4.166666790e-02, v10;
	_ =	sdelay $0x1  }
0x189: {  	v10 =	vmul.f32 v10, v9;
	_ =	sdelay $0x1  }
0x18a: {  	v10 =	vadd.f32 $1.666666720e-01, v10;
	_ =	sdelay $0x1  }
0x18b: {  	v10 =	vmul.f32 v10, v9;
	_ =	sdelay $0x1  }
0x18c: {  	v10 =	vadd.f32 $5.000000000e-01, v10;
	_ =	sdelay $0x1  }
0x18d: {  	v10 =	vmul.f32 v10, v9;
	_ =	sdelay $0x1  }
0x18e: {  	v10 =	vadd.f32 $1.000000000e+00, v10;
	_ =	sdelay $0x1  }
0x18f: {  	v10 =	vmul.f32 v10, v9  }
0x190: {  	s18 =	sadd.s32 $0x8, s16  }
0x191: {  	s11 =	simm.s32 $0x8;
	v11 =	vshll.u32 v11, $0x17;
	v9 =	vor.u32 s18, v6;
	s18 =	simm.s32 $0xC;
	v10 =	vadd.f32 $1.000000000e+00, v10  }
.LBB2_18:
0x192: {  	p3 =	sne.s32 s18, $0x3C;
	v11 =	vadd.s32 $0x37800000, v11  }
0x193: {  	v10 =	vmul.f32 v11, v10  }
0x194: {  	s8 =	sadd.s32 $0x10, s8  }
0x195: {  	[tilespmem:s8+$0x0] =	vst v10  }
0x196: {  	v10 =	vld.idx.msk [tilespmem:v9+s26+$0x0], $0xffff  }
0x197: {  	v9 =	vld.idx.msk [tilespmem:v9+s25+$0x0], $0xffff;
	_ =	sdelay $0x4  }
0x198: {  	v11 =	vmov s11;
	s11 =	smov.u32 s18;
	vm1 =	vlt.s32 v10, $0x1387  }
0x199: {  	v11 =	vshll.u32 v11, $0x7;
	v9 =	vshll.u32 v9, $0x2;
	v10 =	vnsel vm1, $0x1387, v10  }
0x19a: {  	v11 =	vor.u32 v7, v11;
	v9 =	vand.u32 $0x7C, v9;
	v10 =	vshll.u32 v10, $0x2  }
0x19b: {  	v9 =	vor.u32 v11, v9;
	v10 =	vor.u32 v8, v10  }
0x19c: {  	v9 =	vor.u32 v8, v9;
	_ =	sdelay $0x3  }
0x19d: {  	v10 =	vld.idx.msk [tilespmem:v10+s22+$0x0], $0xffff  }
0x19e: {  	v9 =	vld.idx.msk [tilespmem:v9+s30+$0x0], $0xffff;
	_ =	sdelay $0x5  }
0x19f: {  	v9 =	vadd.f32 v10, v9;
	_ =	sdelay $0x1  }
0x1a0: {  	v10 =	vmul.f32 $2.000000030e-01, v9  }
0x1a1: {  	vm1 =	vgt.f32 v9, $0.0e+00  }
0x1a2: {  	v9 =	vsel vm1, v9, v10  }
0x1a3: {  	v9 =	vmax.f32 v9, $-1.000000000e+01  }
0x1a4: {  	v10 =	vmul.f32 $1.442695020e+00, v9;
	_ =	sdelay $0x1  }
0x1a5: {  	v10 =	vadd.f32 $1.650000000e+01, v10;
	_ =	sdelay $0x1  }
0x1a6: {  	v10 =	vtrunc.f32 v10  }
0x1a7: {  	v11 =	vcvt.f32.s32 v10;
	_ =	sdelay $0x1  }
0x1a8: {  	v10 =	vadd.s32 $0xFFFFFFF0, v11  }
0x1a9: {  	v10 =	vcvt.s32.f32 v10;
	_ =	sdelay $0x1  }
0x1aa: {  	v10 =	vmul.f32 $-6.931471820e-01, v10;
	_ =	sdelay $0x1  }
0x1ab: {  	v9 =	vadd.f32 v10, v9;
	_ =	sdelay $0x1  }
0x1ac: {  	v10 =	vmul.f32 $8.333333770e-03, v9;
	_ =	sdelay $0x1  }
0x1ad: {  	v10 =	vadd.f32 $4.166666790e-02, v10;
	_ =	sdelay $0x1  }
0x1ae: {  	v10 =	vmul.f32 v10, v9;
	_ =	sdelay $0x1  }
0x1af: {  	v10 =	vadd.f32 $1.666666720e-01, v10;
	_ =	sdelay $0x1  }
0x1b0: {  	v10 =	vmul.f32 v10, v9;
	_ =	sdelay $0x1  }
0x1b1: {  	v10 =	vadd.f32 $5.000000000e-01, v10;
	_ =	sdelay $0x1  }
0x1b2: {  	v10 =	vmul.f32 v10, v9;
	_ =	sdelay $0x1  }
.Ltmp12:
0x1b3: {  	v10 =	vadd.f32 $1.000000000e+00, v10;
	(pc) =	sbr.rel @p3 .LBB2_18-.Ltmp12, $4  }
0x1b4: {  	_ = 	snop  }
0x1b5: {  	v10 =	vmul.f32 v10, v9  }
0x1b6: {  	s21 =	sadd.s32 s18, s16  }
0x1b7: {  	s18 =	sadd.s32 $0x4, s18;
	v11 =	vshll.u32 v11, $0x17;
	v9 =	vor.u32 s21, v6;
	v10 =	vadd.f32 $1.000000000e+00, v10  }
0x1b8: {  	v11 =	vadd.s32 $0x37800000, v11  }
0x1b9: {  	v10 =	vmul.f32 v11, v10  }
0x1ba: {  	s8 =	sadd.s32 $0x10, s8  }
0x1bb: {  	[tilespmem:s8+$0x0] =	vst v10  }
0x1bc: {  	v10 =	vld.idx.msk [tilespmem:v9+s26+$0x0], $0xffff  }
0x1bd: {  	v9 =	vld.idx.msk [tilespmem:v9+s25+$0x0], $0xffff;
	_ =	sdelay $0x3  }
0x1be: {  	v11 =	vmov s11;
	vm1 =	vlt.s32 v10, $0x1387  }
0x1bf: {  	v11 =	vshll.u32 v11, $0x7;
	v9 =	vshll.u32 v9, $0x2;
	v10 =	vnsel vm1, $0x1387, v10  }
0x1c0: {  	v11 =	vor.u32 v7, v11;
	v9 =	vand.u32 $0x7C, v9;
	v10 =	vshll.u32 v10, $0x2  }
0x1c1: {  	v9 =	vor.u32 v11, v9;
	v10 =	vor.u32 v8, v10  }
0x1c2: {  	v9 =	vor.u32 v8, v9;
	_ =	sdelay $0x3  }
0x1c3: {  	v10 =	vld.idx.msk [tilespmem:v10+s22+$0x0], $0xffff  }
0x1c4: {  	v9 =	vld.idx.msk [tilespmem:v9+s30+$0x0], $0xffff;
	_ =	sdelay $0x4  }
0x1c5: {  	v9 =	vadd.f32 v10, v9;
	_ =	sdelay $0x1  }
0x1c6: {  	v10 =	vmul.f32 $2.000000030e-01, v9  }
0x1c7: {  	vm1 =	vgt.f32 v9, $0.0e+00  }
0x1c8: {  	v9 =	vsel vm1, v9, v10  }
0x1c9: {  	v9 =	vmax.f32 v9, $-1.000000000e+01  }
0x1ca: {  	v10 =	vmul.f32 $1.442695020e+00, v9;
	_ =	sdelay $0x1  }
0x1cb: {  	v10 =	vadd.f32 $1.650000000e+01, v10;
	_ =	sdelay $0x1  }
0x1cc: {  	v10 =	vtrunc.f32 v10  }
0x1cd: {  	v10 =	vcvt.f32.s32 v10;
	_ =	sdelay $0x1  }
0x1ce: {  	v11 =	vadd.s32 $0xFFFFFFF0, v10  }
0x1cf: {  	v11 =	vcvt.s32.f32 v11;
	_ =	sdelay $0x1  }
0x1d0: {  	v11 =	vmul.f32 $-6.931471820e-01, v11;
	_ =	sdelay $0x1  }
0x1d1: {  	v9 =	vadd.f32 v11, v9;
	_ =	sdelay $0x1  }
0x1d2: {  	v11 =	vmul.f32 $8.333333770e-03, v9;
	_ =	sdelay $0x1  }
0x1d3: {  	v11 =	vadd.f32 $4.166666790e-02, v11;
	_ =	sdelay $0x1  }
0x1d4: {  	v11 =	vmul.f32 v11, v9;
	_ =	sdelay $0x1  }
0x1d5: {  	v11 =	vadd.f32 $1.666666720e-01, v11;
	_ =	sdelay $0x1  }
0x1d6: {  	v11 =	vmul.f32 v11, v9;
	_ =	sdelay $0x1  }
0x1d7: {  	v11 =	vadd.f32 $5.000000000e-01, v11;
	_ =	sdelay $0x1  }
0x1d8: {  	v11 =	vmul.f32 v11, v9;
	_ =	sdelay $0x1  }
0x1d9: {  	v11 =	vadd.f32 $1.000000000e+00, v11;
	_ =	sdelay $0x1  }
0x1da: {  	v9 =	vmul.f32 v11, v9  }
0x1db: {  	p3 =	seq.s32 s17, $0x0  }
.Ltmp13:
0x1dc: {  	v10 =	vshll.u32 v10, $0x17;
	v9 =	vadd.f32 $1.000000000e+00, v9;
	(pc) =	sbr.rel @p3 .LBB2_23-.Ltmp13, $4  }
0x1dd: {  	v10 =	vadd.s32 $0x37800000, v10  }
0x1de: {  	v9 =	vmul.f32 v10, v9  }
0x1df: {  	s8 =	sadd.s32 $0x10, s8  }
0x1e0: {  	[tilespmem:s8+$0x0] =	vst v9  }
0x1e1: {  	s8 =	sadd.s32 $0xFFFFFFC0, s16  }
0x1e2: {  	v9 =	vmov s8;
	_ =	sdelay $0x1  }
0x1e3: {  	_ =	swait.ge [sflag:s9], $0x4000  }
0x1e4: {  	[sflag:s9] =	ssyncset.done $0x0  }
0x1e5: {  	[sflag:s9] =	ssyncadd.s32 $0xFFFFC000  }
0x1e6: {  	v9 =	vld.idx.msk [tilespmem:v9+s26+$0x0], $0xffff;
	_ =	sdelay $0x1  }
0x1e7: {  	p3 =	por $0x0, $0x0  }
.Ltmp14:
0x1e8: {  	_ = 	snop;
	(pc) =	sbr.rel @p3 .LBB2_22-.Ltmp14, $4  }
0x1e9: {  	_ = 	snop  }
0x1ea: {  	v9 =	vshll.u32 v9, $0x2  }
0x1eb: {  	v9 =	vadd.s32 v3, v9  }
0x1ec: {  	s11 =	simm.s32 $0x2000;
	s8 =	simm.s32 $0xFFFFFFC1;
	v9 =	vand.u32 $0x7F, v9  }
.LBB2_21:
0x1ed: {  	s18 =	sadd.s32 s8, s16;
	v9 =	vor.u32 s11, v9;
	s11 =	smov.u32 s8;
	s8 =	sadd.s32 $0x1, s8  }
0x1ee: {  	v10 =	vmov s18;
	p3 =	seq.s32 s8, $0x0;
	_ =	sdelay $0x3  }
0x1ef: {  	[tilespmem:v9+s3+$0x0] =	vst.idx.msk $0xffff, v1  }
0x1f0: {  	v9 =	vld.idx.msk [tilespmem:v10+s26+$0x0], $0xffff;
	_ =	sdelay $0x3  }
.Ltmp15:
0x1f1: {  	(pc) =	sbr.rel @!p3 .LBB2_21-.Ltmp15, $4  }
0x1f2: {  	_ = 	snop  }
0x1f3: {  	v9 =	vshll.u32 v9, $0x2  }
0x1f4: {  	s11 =	sshll.u32 s11, $0x7;
	v9 =	vadd.s32 v3, v9  }
0x1f5: {  	s11 =	sadd.s32 $0x4000, s11;
	v9 =	vand.u32 $0x7F, v9  }
.LBB2_22:
0x1f6: {  	v9 =	vor.u32 s11, v9;
	_ =	sdelay $0x4  }
0x1f7: {  	[tilespmem:v9+s3+$0x0] =	vst.idx.msk $0xffff, v1  }
.LBB2_23:
0x1f8: {  	s11 =	simm.s32 $0x0  }
0x1f9: {  	v9 =	vmov s11  }
0x1fa: {  	_ =	swait.ge [sflag:s31], $0x2000  }
0x1fb: {  	s8 =	simm.s32 $0x2;
	[sflag:s31] =	ssyncset.done $0x0  }
0x1fc: {  	s18 =	simm.s32 $0x1;
	s21 =	simm.s32 $0x11D40;
	v10 =	vmov s8;
	[sflag:s31] =	ssyncadd.s32 $0xFFFFE000  }
0x1fd: {  	s23 =	simm.s32 $0x3;
	v11 =	vmov s18;
	v10 =	vand.u32 $0xFFFFFFFE, v10;
	v13 =	vld [tilespmem:s21+$0xFFFFFFC0]  }
0x1fe: {  	v12 =	vmov s23;
	v11 =	vand.u32 $0xFFFFFFFD, v11;
	v10 =	vbroadcast v10, $0x0;
	v9 =	vld.idx.msk [tilespmem:v9+s0+$0x0], $0xffff  }
0x1ff: {  	v11 =	vbroadcast v11, $0x0;
	_ =	sdelay $0x3  }
0x200: {  	v12 =	vld.idx.msk [tilespmem:v12+s0+$0x0], $0xffff;
	v13 =	vmul.f32 v13, v9  }
0x201: {  	s8 =	simm.s32 $0x15D40;
	v10 =	vld.idx.msk [tilespmem:v10+s0+$0x0], $0xffff  }
0x202: {  	v11 =	vld.idx.msk [tilespmem:v11+s0+$0x0], $0xffff;
	[tilespmem:s8+$0xFFFFFFC0] =	vst v13  }
0x203: {  	v13 =	vld [tilespmem:s21+$0xFFFFFFD0];
	_ =	sdelay $0x4  }
0x204: {  	v9 =	vmul.f32 v13, v9;
	_ =	sdelay $0x1  }
0x205: {  	[tilespmem:s8+$0xFFFFFFD0] =	vst v9  }
0x206: {  	v9 =	vld [tilespmem:s21+$0xFFFFFFE0];
	_ =	sdelay $0x4  }
0x207: {  	v9 =	vmul.f32 v9, v11;
	_ =	sdelay $0x1  }
0x208: {  	[tilespmem:s8+$0xFFFFFFE0] =	vst v9  }
0x209: {  	v9 =	vld [tilespmem:s21+$0xFFFFFFF0];
	_ =	sdelay $0x4  }
0x20a: {  	v9 =	vmul.f32 v9, v11;
	_ =	sdelay $0x1  }
0x20b: {  	[tilespmem:s8+$0xFFFFFFF0] =	vst v9  }
0x20c: {  	v9 =	vld [tilespmem:s21+$0x0];
	_ =	sdelay $0x4  }
0x20d: {  	v9 =	vmul.f32 v9, v10;
	_ =	sdelay $0x1  }
0x20e: {  	[tilespmem:s8+$0x0] =	vst v9  }
0x20f: {  	v9 =	vld [tilespmem:s21+$0x10];
	_ =	sdelay $0x4  }
0x210: {  	v9 =	vmul.f32 v9, v10;
	_ =	sdelay $0x1  }
0x211: {  	[tilespmem:s8+$0x10] =	vst v9  }
0x212: {  	v9 =	vld [tilespmem:s21+$0x20];
	_ =	sdelay $0x4  }
0x213: {  	v9 =	vmul.f32 v9, v12;
	_ =	sdelay $0x1  }
0x214: {  	[tilespmem:s8+$0x20] =	vst v9  }
0x215: {  	v9 =	vld [tilespmem:s21+$0x30]  }
0x216: {  	s24 =	sadd.s32 $0x40, s16  }
0x217: {  	s18 =	sadd.s32 $0xFFFFFFC0, s24  }
0x218: {  	v10 =	vmov s18;
	_ =	sdelay $0x1  }
0x219: {  	v9 =	vmul.f32 v9, v12;
	_ =	sdelay $0x1  }
0x21a: {  	[tilespmem:s8+$0x30] =	vst v9  }
0x21b: {  	v9 =	vld.idx.msk [tilespmem:v10+s26+$0x0], $0xffff;
	_ =	sdelay $0x1  }
0x21c: {  	v10 =	vor.u32 s11, v8;
	_ =	sdelay $0x2  }
0x21d: {  	v9 =	vshll.u32 v9, $0x2  }
0x21e: {  	v9 =	vadd.s32 v3, v9  }
0x21f: {  	s6 =	simm.s32 $0x2000;
	s23 =	simm.s32 $0x7;
	v11 =	vand.u32 $0x7F, v9;
	v9 =	vld.idx.msk [tilespmem:v10+s0+$0x0], $0xffff  }
0x220: {  	s24 =	simm.s32 $0xB;
	s18 =	simm.s32 $0x4;
	s11 =	simm.s32 $0x40;
	v10 =	vor.u32 s6, v11  }
.LBB2_24:
0x221: {  	p3 =	sne.s32 s24, $0xFF;
	v11 =	vmov s18;
	_ =	sdelay $0x2  }
0x222: {  	s6 =	sadd.s32 $0xFFFFFFFF, s23;
	v9 =	vnsel vm0, $0x0, v9  }
0x223: {  	s7 =	sadd.s32 $0xFFFFFFFE, s23;
	v12 =	vmov s6;
	[tilespmem:v10+s3+$0x0] =	vst.idx.msk $0xffff, v9  }
0x224: {  	s21 =	sadd.s32 $0x80, s21;
	v10 =	vmov s7;
	v9 =	vld.idx.msk [tilespmem:v11+s0+$0x0], $0xffff;
	v11 =	vand.u32 $0xFFFFFFFE, v12  }
0x225: {  	v10 =	vand.u32 $0xFFFFFFFD, v10;
	v12 =	vmov s23;
	s23 =	smov.u32 s24;
	v11 =	vbroadcast v11, $0x0;
	v13 =	vld [tilespmem:s21+$0xFFFFFFC0]  }
0x226: {  	v10 =	vbroadcast v10, $0x0;
	_ =	sdelay $0x3  }
0x227: {  	v12 =	vld.idx.msk [tilespmem:v12+s0+$0x0], $0xffff;
	v13 =	vmul.f32 v13, v9  }
0x228: {  	s8 =	sadd.s32 $0x80, s8;
	v11 =	vld.idx.msk [tilespmem:v11+s0+$0x0], $0xffff  }
0x229: {  	v10 =	vld.idx.msk [tilespmem:v10+s0+$0x0], $0xffff;
	[tilespmem:s8+$0xFFFFFFC0] =	vst v13  }
0x22a: {  	v13 =	vld [tilespmem:s21+$0xFFFFFFD0];
	_ =	sdelay $0x4  }
0x22b: {  	v9 =	vmul.f32 v13, v9;
	_ =	sdelay $0x1  }
0x22c: {  	[tilespmem:s8+$0xFFFFFFD0] =	vst v9  }
0x22d: {  	v9 =	vld [tilespmem:s21+$0xFFFFFFE0];
	_ =	sdelay $0x4  }
0x22e: {  	v9 =	vmul.f32 v9, v10;
	_ =	sdelay $0x1  }
0x22f: {  	[tilespmem:s8+$0xFFFFFFE0] =	vst v9  }
0x230: {  	v9 =	vld [tilespmem:s21+$0xFFFFFFF0];
	_ =	sdelay $0x4  }
0x231: {  	v9 =	vmul.f32 v9, v10;
	_ =	sdelay $0x1  }
0x232: {  	[tilespmem:s8+$0xFFFFFFF0] =	vst v9  }
0x233: {  	v9 =	vld [tilespmem:s21+$0x0];
	_ =	sdelay $0x4  }
0x234: {  	v9 =	vmul.f32 v9, v11;
	_ =	sdelay $0x1  }
0x235: {  	[tilespmem:s8+$0x0] =	vst v9  }
0x236: {  	v9 =	vld [tilespmem:s21+$0x10];
	_ =	sdelay $0x4  }
0x237: {  	v9 =	vmul.f32 v9, v11;
	_ =	sdelay $0x1  }
0x238: {  	[tilespmem:s8+$0x10] =	vst v9  }
0x239: {  	v9 =	vld [tilespmem:s21+$0x20];
	_ =	sdelay $0x4  }
0x23a: {  	v9 =	vmul.f32 v9, v12;
	_ =	sdelay $0x1  }
0x23b: {  	[tilespmem:s8+$0x20] =	vst v9  }
0x23c: {  	s11 =	sadd.s32 $0x1, s11;
	v9 =	vld [tilespmem:s21+$0x30]  }
0x23d: {  	s6 =	sadd.s32 s11, s16  }
0x23e: {  	s6 =	sadd.s32 $0xFFFFFFC0, s6  }
0x23f: {  	v10 =	vmov s6  }
0x240: {  	v11 =	vor.u32 s18, v8  }
0x241: {  	v9 =	vmul.f32 v9, v12;
	_ =	sdelay $0x1  }
0x242: {  	[tilespmem:s8+$0x30] =	vst v9  }
0x243: {  	v10 =	vld.idx.msk [tilespmem:v10+s26+$0x0], $0xffff  }
0x244: {  	v9 =	vld.idx.msk [tilespmem:v11+s0+$0x0], $0xffff;
	_ =	sdelay $0x3  }
.Ltmp16:
0x245: {  	(pc) =	sbr.rel @p3 .LBB2_24-.Ltmp16, $4  }
0x246: {  	v10 =	vshll.u32 v10, $0x2  }
0x247: {  	v10 =	vadd.s32 v3, v10  }
0x248: {  	s6 =	sshll.u32 s11, $0x7;
	v10 =	vand.u32 $0x7F, v10  }
0x249: {  	s24 =	sadd.s32 $0x4, s24;
	s18 =	sadd.s32 $0xFFFFFFFD, s23;
	v10 =	vor.u32 s6, v10  }
0x24a: {  	_ = 	snop  }
0x24b: {  	v11 =	vmov s18;
	_ =	sdelay $0x1  }
0x24c: {  	s6 =	sadd.s32 $0xFFFFFFFF, s23;
	v9 =	vnsel vm0, $0x0, v9  }
0x24d: {  	s7 =	sadd.s32 $0xFFFFFFFE, s23;
	s21 =	sadd.s32 $0x80, s21;
	v12 =	vmov s6;
	[tilespmem:v10+s3+$0x0] =	vst.idx.msk $0xffff, v9  }
0x24e: {  	v9 =	vmov s7;
	v10 =	vand.u32 $0xFFFFFFFE, v12;
	v13 =	vld [tilespmem:s21+$0xFFFFFFC0]  }
0x24f: {  	v63 =	vmov s23;
	v9 =	vand.u32 $0xFFFFFFFD, v9;
	v10 =	vbroadcast v10, $0x0;
	v11 =	vld.idx.msk [tilespmem:v11+s0+$0x0], $0xffff  }
0x250: {  	v9 =	vbroadcast v9, $0x0;
	_ =	sdelay $0x3  }
0x251: {  	v12 =	vld.idx.msk [tilespmem:v63+s0+$0x0], $0xffff;
	v13 =	vmul.f32 v13, v11  }
0x252: {  	s24 =	sadd.s32 $0x80, s8;
	v10 =	vld.idx.msk [tilespmem:v10+s0+$0x0], $0xffff  }
0x253: {  	v9 =	vld.idx.msk [tilespmem:v9+s0+$0x0], $0xffff;
	[tilespmem:s24+$0xFFFFFFC0] =	vst v13  }
0x254: {  	v13 =	vld [tilespmem:s21+$0xFFFFFFD0];
	_ =	sdelay $0x4  }
0x255: {  	v11 =	vmul.f32 v13, v11;
	_ =	sdelay $0x1  }
0x256: {  	[tilespmem:s24+$0xFFFFFFD0] =	vst v11  }
0x257: {  	v11 =	vld [tilespmem:s21+$0xFFFFFFE0];
	_ =	sdelay $0x4  }
0x258: {  	v11 =	vmul.f32 v11, v9;
	_ =	sdelay $0x1  }
0x259: {  	[tilespmem:s24+$0xFFFFFFE0] =	vst v11  }
0x25a: {  	v11 =	vld [tilespmem:s21+$0xFFFFFFF0];
	_ =	sdelay $0x4  }
0x25b: {  	v9 =	vmul.f32 v11, v9;
	_ =	sdelay $0x1  }
0x25c: {  	[tilespmem:s24+$0xFFFFFFF0] =	vst v9  }
0x25d: {  	v9 =	vld [tilespmem:s21+$0x0];
	_ =	sdelay $0x4  }
0x25e: {  	v9 =	vmul.f32 v9, v10;
	_ =	sdelay $0x1  }
0x25f: {  	[tilespmem:s24+$0x0] =	vst v9  }
0x260: {  	v9 =	vld [tilespmem:s21+$0x10];
	_ =	sdelay $0x4  }
0x261: {  	v9 =	vmul.f32 v9, v10;
	_ =	sdelay $0x1  }
0x262: {  	[tilespmem:s24+$0x10] =	vst v9  }
0x263: {  	v9 =	vld [tilespmem:s21+$0x20];
	_ =	sdelay $0x4  }
0x264: {  	v9 =	vmul.f32 v9, v12;
	_ =	sdelay $0x1  }
0x265: {  	[tilespmem:s24+$0x20] =	vst v9  }
0x266: {  	v9 =	vld [tilespmem:s21+$0x30];
	s21 =	sadd.s32 $0x1, s11  }
0x267: {  	s23 =	sadd.s32 s21, s16  }
0x268: {  	s8 =	sadd.s32 $0xFFFFFFC0, s23  }
0x269: {  	v10 =	vmov s8;
	_ =	sdelay $0x1  }
0x26a: {  	v9 =	vmul.f32 v9, v12;
	_ =	sdelay $0x1  }
0x26b: {  	[tilespmem:s24+$0x30] =	vst v9  }
0x26c: {  	v9 =	vld.idx.msk [tilespmem:v10+s26+$0x0], $0xffff;
	_ =	sdelay $0x1  }
0x26d: {  	v10 =	vor.u32 s18, v8;
	_ =	sdelay $0x2  }
0x26e: {  	v9 =	vshll.u32 v9, $0x2  }
0x26f: {  	v9 =	vadd.s32 v3, v9  }
0x270: {  	s6 =	sshll.u32 s21, $0x7;
	v10 =	vld.idx.msk [tilespmem:v10+s0+$0x0], $0xffff;
	v9 =	vand.u32 $0x7F, v9  }
0x271: {  	s24 =	sshll.u32 s17, $0x9;
	s17 =	sadd.s32 $0x1, s17;
	v9 =	vor.u32 s6, v9  }
0x272: {  	p3 =	sne.s32 s17, s15  }
.Ltmp17:
0x273: {  	_ = 	snop;
	(pc) =	sbr.rel @p3 .LBB2_17-.Ltmp17, $4  }
0x274: {  	_ = 	snop  }
0x275: {  	s6 =	sshra.s32 s24, $0x2;
	v10 =	vnsel vm0, $0x0, v10  }
0x276: {  	s16 =	sadd.s32 $0x40, s16;
	s6 =	sadd.s32 $0x11400, s6;
	[tilespmem:v9+s3+$0x0] =	vst.idx.msk $0xffff, v10  }
0x277: {  	[spmem:s1] =	stream.indirect.scatter.add.f32 [tilespmem:s3], [sflag:$0x2], $0x80, s6, s4, $0xb8;
	[tilespmem:$0x1A500] =	vst v63  }
0x278: {  	s8 =	sand.u32 $0xFFFFFFC0, s14  }
0x279: {  	s6 =	sadd.s32 $0xFFFFFFC0, s8  }
0x27a: {  	v9 =	vmov s6;
	_ =	sdelay $0x1  }
0x27b: {  	_ =	swait.ge [sflag:s9], $0x4000  }
0x27c: {  	[sflag:s9] =	ssyncset.done $0x0  }
0x27d: {  	[sflag:s9] =	ssyncadd.s32 $0xFFFFC000  }
0x27e: {  	v9 =	vld.idx.msk [tilespmem:v9+s26+$0x0], $0xffff;
	_ =	sdelay $0x1  }
0x27f: {  	p3 =	por $0x0, $0x0  }
.Ltmp18:
0x280: {  	_ = 	snop;
	(pc) =	sbr.rel @p3 .LBB2_28-.Ltmp18, $4  }
0x281: {  	_ = 	snop  }
0x282: {  	v9 =	vshll.u32 v9, $0x2  }
0x283: {  	v9 =	vadd.s32 v3, v9  }
0x284: {  	s11 =	simm.s32 $0xFFFFFFC1;
	s14 =	simm.s32 $0x2000;
	v9 =	vand.u32 $0x7F, v9  }
.LBB2_27:
0x285: {  	s6 =	sadd.s32 s11, s8;
	v9 =	vor.u32 s14, v9;
	s7 =	smov.u32 s11;
	s11 =	sadd.s32 $0x1, s11  }
0x286: {  	v10 =	vmov s6;
	p3 =	seq.s32 s11, $0x0;
	_ =	sdelay $0x3  }
0x287: {  	[tilespmem:v9+s3+$0x0] =	vst.idx.msk $0xffff, v1  }
0x288: {  	v9 =	vld.idx.msk [tilespmem:v10+s26+$0x0], $0xffff;
	_ =	sdelay $0x3  }
.Ltmp19:
0x289: {  	(pc) =	sbr.rel @!p3 .LBB2_27-.Ltmp19, $4  }
0x28a: {  	_ = 	snop  }
0x28b: {  	v9 =	vshll.u32 v9, $0x2  }
0x28c: {  	s6 =	sshll.u32 s7, $0x7;
	v9 =	vadd.s32 v3, v9  }
0x28d: {  	s14 =	sadd.s32 $0x4000, s6;
	v9 =	vand.u32 $0x7F, v9  }
.Ltmp20:
0x28e: {  	_ = 	snop;
	(pc) =	sbr.rel .LBB2_28-.Ltmp20, $1  }
0x28f: {  	_ =	sdelay $0x3  }
.LBB2_12:
.Ltmp21:
0x290: {  	(pc) =	sbr.rel .LBB2_16-.Ltmp21, $2  }
0x291: {  	_ =	sdelay $0x2  }
0x292: {  	s8 =	simm.s32 $0x0;
	s11 =	simm.s32 $0x0  }
.LBB2_14:
.Ltmp22:
0x293: {  	(pc) =	sbr.rel .LBB2_16-.Ltmp22, $2  }
0x294: {  	_ =	sdelay $0x2  }
0x295: {  	s8 =	simm.s32 $0x0;
	s11 =	simm.s32 $0x0  }
.LBB2_31:
0x296: {  	_ =	sfence.sel $0x180000  }
0x297: {  	[bflag:$0x0] =	sbarrier.arrive $0xFFFF  }
0x298: {  	_ =	strace $0x9000004A  }
0x299: {  	s0 =	stileid.u32;
	[bflag:$0x2] =	sbarrier.arrive $0xFFFF  }
0x29a: {  	p0 =	sne.s32 s0, $0x0;
	s0 =	rddreg [dreg:$0x3]  }
0x29b: {  	s0 =	sadd.s32 @!p0 $0x100000, s0  }
0x29c: {  	[sflag:s0] =	ssyncadd.tile.s32 @!p0 $0x1;
	_ =	shalt  }
.Lfunc_end2:
_tile_overlayer_lowered:
.L_overlay_start_2:
0x29d: {  	(tag) =	ssettag $0x2  }
0x29e: {  	s0 =	rddreg [dreg:$0x0];
	s2 =	stileid.u32  }
0x29f: {  	s1 =	rddreg [dreg:$0x1];
	p0 =	sne.s32 s2, $0x0  }
0x2a0: {  	s3 =	rddreg [dreg:$0x2];
	[bflag:$0x3] =	sbarrier.arrive $0xFFFF;
	s2 =	simm.s32 @!p0 $0x1C03  }
0x2a1: {  	[timem:s3], [sflag:s2] =	dma.local @!p0 [hbm:s0], s1  }
0x2a2: {  	s0 =	simm.s32 @!p0 $0x3  }
0x2a3: {  	_ =	swait.ge @!p0 [sflag:s0], s1  }
0x2a4: {  	s1 =	ssub.s32 @!p0 $0x0, s1;
	[sflag:s0] =	ssyncset.done @!p0 $0x0  }
0x2a5: {  	[sflag:s0] =	ssyncadd.s32 @!p0 s1  }
0x2a6: {  	[bflag:$0x3] =	sbarrier.arrive $0xFFFF  }
0x2a7: {  	_ =	shalt  }

// kernel: kernel.15.cloned.1.call-start
scs
__scs_entry_jumppad:
0x0: {  	(pc) =	sbr.rel $0x88, $3  }
0x1: {  	(tag) =	ssettag $0x0;
	lr =	simm.s32 $0x1  }
0x2: {  	[smem:$0x3F93] =	sst lr;
	_ =	strace $0xD0000000  }
0x3: {  	_ = 	snop  }
0x4: {  	_ = 	snop  }
0x5: {  	_ = 	snop  }
0x6: {  	_ = 	snop  }
0x7: {  	_ = 	snop  }
__scs_overlays_trampoline_lowered:
0x8: {  	[smem:$0x3FA2] =	sst s0  }
0x9: {  	[smem:$0x3FA3] =	sst s1  }
0xa: {  	[smem:$0x3FA4] =	sst s2  }
0xb: {  	[smem:$0x3FA5] =	sst s3  }
0xc: {  	[smem:$0x3FA6] =	sst s4  }
0xd: {  	[smem:$0x3FA7] =	sst s5  }
0xe: {  	[smem:$0x3FA8] =	sst s6  }
0xf: {  	[smem:$0x3FA9] =	sst s7  }
0x10: {  	[smem:$0x3FAA] =	sst s8  }
0x11: {  	[smem:$0x3FAB] =	sst s9;
	s0 =	simm.s32 @!p0 $0x0  }
0x12: {  	s1 =	sld [smem:$0x3F91];
	s0 =	simm.s32 @p0 $0x1  }
0x13: {  	[smem:$0x3FAC] =	sst s0;
	s0 =	simm.s32 @!p1 $0x0  }
0x14: {  	s2 =	sld [smem:$0x3F90];
	s0 =	simm.s32 @p1 $0x1  }
0x15: {  	[smem:$0x3FAD] =	sst s0;
	s0 =	simm.s32 @!p2 $0x0  }
0x16: {  	s3 =	sld [smem:$0x3FDB];
	s0 =	simm.s32 @p2 $0x1  }
0x17: {  	s4 =	simm.s32 $0x1BF5;
	[smem:$0x3FAF] =	sst s0  }
0x18: {  	s0 =	sld [smem:$0x3F92];
	_ =	swait.ge [sflag:s4], $0x0  }
0x19: {  	s7 =	sld [smem:$0x3F93]  }
0x1a: {  	s8 =	sadd.s32 $0xFFFFE003, lr  }
0x1b: {  	s9 =	sadd.s32 $0xFFFFFEF7, lr;
	s5 =	simm.s32 $0xFFFFFFFF;
	p2 =	slt.u32 s8, $0xFFFFF086  }
0x1c: {  	p1 =	slt.u32 s9, $0xF7A;
	s5 =	simm.s32 @!p2 $0x0  }
0x1d: {  	s5 =	simm.s32 @p1 $0x1;
	p0 =	seq.s32 s7, s2  }
0x1e: {  	s7 =	smul.u32 @!p0 $0xF7A, s2;
	p2 =	seq.s32 @!p0 s5, $0x0  }
0x1f: {  	s9 =	smul.u32 $0xF7A, s1;
	s8 =	simm.s32 @!p0 $0x1BF5;
	p2 =	por !p2, p0  }
0x20: {  	[sflag:s8] =	ssyncset.s32 @!p0 $0xFFFFF086;
	s6 =	sadd.s32 @!p0 s3, s7;
	s7 =	simm.s32 @!p0 $0x108  }
0x21: {  	s3 =	sadd.s32 s3, s9;
	s6 =	sadd.s32 @!p0 $0x88, s6;
	s7 =	simm.s32 @p2 $0x1082  }
0x22: {  	[simem:s7], [sflag:s8] =	dma.local @!p0 [hbm:s6], $0xF7A  }
0x23: {  	s9 =	sor.u32 $0xD0000000, s2;
	s6 =	simm.s32 $0x108;
	_ =	swait.ge @!p0 [sflag:s8], $0x0  }
0x24: {  	s3 =	sadd.s32 $0x88, s3;
	s6 =	simm.s32 @!p1 $0x1082;
	[sflag:s4] =	ssyncset.s32 $0xFFFFF086  }
0x25: {  	[simem:s6], [sflag:s4] =	dma.local [hbm:s3], $0xF7A  }
0x26: {  	[smem:$0x3F93] =	sst s1;
	(tag) =	ssettag s2;
	_ =	strace s9  }
0x27: {  	s1 =	sld [smem:$0x3FA3]  }
0x28: {  	s2 =	sld [smem:$0x3FA4]  }
0x29: {  	s4 =	sld [smem:$0x3FA6]  }
0x2a: {  	p0 =	seq.s32 s5, $0x0;
	s5 =	sld [smem:$0x3FA7]  }
0x2b: {  	s6 =	sld [smem:$0x3FA8]  }
0x2c: {  	s7 =	sld [smem:$0x3FA9]  }
0x2d: {  	s3 =	simm.s32 $0x108;
	s8 =	sld [smem:$0x3FAA]  }
0x2e: {  	s3 =	simm.s32 @!p0 $0x1082;
	s9 =	sld [smem:$0x3FAB]  }
0x2f: {  	lr =	sadd.s32 s0, s3;
	s0 =	sld [smem:$0x3FA2]  }
0x30: {  	s3 =	sld [smem:$0x3FA5]  }
0x31: {  	[smem:$0x3FAE] =	sst s10  }
0x32: {  	s10 =	sld [smem:$0x3FAC];
	_ =	sdelay $0x3  }
0x33: {  	p0 =	seq.s32 s10, $0x1;
	s10 =	sld [smem:$0x3FAE];
	_ =	sdelay $0x3  }
0x34: {  	[smem:$0x3FAE] =	sst s10  }
0x35: {  	s10 =	sld [smem:$0x3FAD];
	_ =	sdelay $0x3  }
0x36: {  	p1 =	seq.s32 s10, $0x1;
	s10 =	sld [smem:$0x3FAE];
	_ =	sdelay $0x3  }
0x37: {  	[smem:$0x3FAE] =	sst s10  }
0x38: {  	s10 =	sld [smem:$0x3FAF]  }
0x39: {  	_ = 	snop;
	(pc) =	sbr.ind lr, $3  }
0x3a: {  	_ = 	snop  }
0x3b: {  	_ = 	snop  }
0x3c: {  	p2 =	seq.s32 s10, $0x1;
	s10 =	sld [smem:$0x3FAE]  }
0x3d: {  	_ =	shalt  }
0x3e: {  	_ =	shalt  }
0x3f: {  	_ =	shalt  }
0x40: {  	_ =	shalt  }
0x41: {  	_ =	shalt  }
0x42: {  	_ =	shalt  }
0x43: {  	_ =	shalt  }
0x44: {  	_ =	shalt  }
0x45: {  	_ =	shalt  }
0x46: {  	_ =	shalt  }
0x47: {  	_ =	shalt  }
0x48: {  	_ =	shalt  }
0x49: {  	_ =	shalt  }
0x4a: {  	_ =	shalt  }
0x4b: {  	_ =	shalt  }
0x4c: {  	_ =	shalt  }
0x4d: {  	_ =	shalt  }
0x4e: {  	_ =	shalt  }
0x4f: {  	_ =	shalt  }
0x50: {  	_ =	shalt  }
0x51: {  	_ =	shalt  }
0x52: {  	_ =	shalt  }
0x53: {  	_ =	shalt  }
0x54: {  	_ =	shalt  }
0x55: {  	_ =	shalt  }
0x56: {  	_ =	shalt  }
0x57: {  	_ =	shalt  }
0x58: {  	_ =	shalt  }
0x59: {  	_ =	shalt  }
0x5a: {  	_ =	shalt  }
0x5b: {  	_ =	shalt  }
0x5c: {  	_ =	shalt  }
0x5d: {  	_ =	shalt  }
0x5e: {  	_ =	shalt  }
0x5f: {  	_ =	shalt  }
0x60: {  	_ =	shalt  }
0x61: {  	_ =	shalt  }
0x62: {  	_ =	shalt  }
0x63: {  	_ =	shalt  }
0x64: {  	_ =	shalt  }
0x65: {  	_ =	shalt  }
0x66: {  	_ =	shalt  }
0x67: {  	_ =	shalt  }
0x68: {  	_ =	shalt  }
0x69: {  	_ =	shalt  }
0x6a: {  	_ =	shalt  }
0x6b: {  	_ =	shalt  }
0x6c: {  	_ =	shalt  }
0x6d: {  	_ =	shalt  }
0x6e: {  	_ =	shalt  }
0x6f: {  	_ =	shalt  }
0x70: {  	_ =	shalt  }
0x71: {  	_ =	shalt  }
0x72: {  	_ =	shalt  }
0x73: {  	_ =	shalt  }
0x74: {  	_ =	shalt  }
0x75: {  	_ =	shalt  }
0x76: {  	_ =	shalt  }
0x77: {  	_ =	shalt  }
0x78: {  	_ =	shalt  }
0x79: {  	_ =	shalt  }
0x7a: {  	_ =	shalt  }
0x7b: {  	_ =	shalt  }
0x7c: {  	_ =	shalt  }
0x7d: {  	_ =	shalt  }
0x7e: {  	_ =	shalt  }
0x7f: {  	_ =	shalt  }
0x80: {  	_ =	shalt  }
0x81: {  	_ =	shalt  }
0x82: {  	_ =	shalt  }
0x83: {  	_ =	shalt  }
0x84: {  	_ =	shalt  }
0x85: {  	_ =	shalt  }
0x86: {  	_ =	shalt  }
0x87: {  	_ =	shalt  }
.Lfunc_end0:
.L_simem_size_0:
called_computation.2_lowered:
.L_overlay_start_0:
0x88: {  	s2 =	sld [smem:$0x3FD9]  }
0x89: {  	s3 =	sld [smem:$0x3FFE];
	_ =	sdelay $0x1  }
0x8a: {  	s1 =	srdreg.scid  }
0x8b: {  	s0 =	sand.u32 $0x1, s1  }
0x8c: {  	s16 =	sshll.u32 s0, $0xA;
	s2 =	sadd.s32 s3, s2  }
0x8d: {  	s2 =	sadd.s32 s2, s16  }
0x8e: {  	[smem:$0x3FBA] =	sst s2  }
0x8f: {  	_ = 	snop  }
0x90: {  	(tm) =	ssettm $0x1  }
0x91: {  	s17 =	sld [smem:$0x3FFB];
	_ =	sdelay $0x3  }
0x92: {  	_ =	strace s17  }
0x93: {  	s2 =	sld [smem:$0x3FFC];
	_ =	sdelay $0x3  }
0x94: {  	_ =	strace s2  }
0x95: {  	s2 =	sld [smem:$0x3FFD];
	_ =	sdelay $0x3  }
0x96: {  	_ =	strace s2  }
0x97: {  	_ =	strace $0x8FFFFFFF  }
0x98: {  	s18 =	sld [smem:$0x3FDB];
	_ =	sdelay $0x1  }
0x99: {  	s19 =	simm.s32 $_scs_section_size  }
0x9a: {  	s4 =	simm.s32 $_size__tile_overlayer_lowered;
	s5 =	simm.s32 $_tile_overlayer_lowered  }
0x9b: {  	s22 =	simm.s32 $0x1BFF;
	s21 =	sshll.u32 s5, $0x1;
	s2 =	sadd.s32 s19, s18  }
0x9c: {  	s6 =	simm.s32 $0x0;
	s20 =	sshll.u32 s4, $0x1;
	s4 =	sadd.s32 s21, s2  }
0x9d: {  	[timem:s6], [sflag:s22] =	dma.local [hbm:s4], s20  }
0x9e: {  	_ =	swait.ge [sflag:s22], s20  }
0x9f: {  	s3 =	ssub.s32 $0x0, s20;
	[sflag:s22] =	ssyncset.done $0x0  }
0xa0: {  	[sflag:s22] =	ssyncadd.s32 s3;
	_ =	sdelay $0x1  }
0xa1: {  	s23 =	simm.s32 $0x1B8B  }
0xa2: {  	_ =	swait.ge [sflag:s23], $0x1  }
0xa3: {  	[sflag:s23] =	ssyncset.done $0x0  }
0xa4: {  	s25 =	simm.s32 $0x1B8E;
	s24 =	sld [smem:$0x3FFE];
	[sflag:s23] =	ssyncadd.s32 $0xFFFFFFFF  }
0xa5: {  	s26 =	simm.s32 $execute0_lowered;
	[smem:$0x3FD2] =	sst s25  }
0xa6: {  	s4 =	sshll.u32 s26, $0x1;
	_ =	strace $0x8000004C;
	[dreg:$0x1] =	wrdreg $0xFFFFFFFF  }
0xa7: {  	s28 =	simm.s32 $_size_execute0_lowered;
	s2 =	sadd.s32 s2, s4;
	[dreg:$0x0] =	wrdreg $0x0  }
0xa8: {  	s4 =	sshll.u32 s28, $0x1;
	[dreg:$0x2] =	wrdreg s2  }
0xa9: {  	[dreg:$0x3] =	wrdreg s4  }
0xaa: {  	[dreg:$0x4] =	wrdreg $0xC0  }
0xab: {  	_ =	task [dreg:s6], $0x5FFFF  }
0xac: {  	[dreg:$0x1] =	wrdreg $0xFFFFFFFF  }
0xad: {  	[dreg:$0x0] =	wrdreg $0x60  }
0xae: {  	[dreg:$0x2] =	wrdreg s24  }
0xaf: {  	[dreg:$0x3] =	wrdreg $0x0  }
0xb0: {  	[dreg:$0x4] =	wrdreg $0xA8000  }
0xb1: {  	[dreg:$0x5] =	wrdreg $0x9  }
0xb2: {  	_ =	task.clear_ibuf [dreg:s6], $0x6FFFF;
	_ =	strace $0x9000004C  }
0xb3: {  	s29 =	simm.s32 $0x9;
	_ =	strace $0x8000004E  }
0xb4: {  	_ =	swait.ge [sflag:s29], $0x1  }
0xb5: {  	[sflag:s29] =	ssyncadd.s32 $0xFFFFFFFF  }
0xb6: {  	_ =	strace $0x9000004E  }
0xb7: {  	_ =	sfence  }
0xb8: {  	s30 =	sld [smem:$0x0];
	_ =	sdelay $0x2  }
0xb9: {  	s31 =	sshll.u32 s1, $0xD;
	s1 =	sshrl.u32 s1, $0x2  }
0xba: {  	s3 =	sand.u32 $0x4000, s31;
	s1 =	sadd.s32 s1, s30  }
0xbb: {  	s0 =	sor.u32 s3, s0;
	s1 =	sshll.u32 s1, $0x11  }
0xbc: {  	s0 =	sor.u32 s1, s0  }
0xbd: {  	s0 =	sadd.s32 $0x8F2B, s0  }
0xbe: {  	[sflag:s0] =	ssyncadd.remote.s32 $0x1  }
0xbf: {  	_ =	sfence.sel $0xFFFF  }
0xc0: {  	[dreg:$0x0] =	wrdreg $0xFFFFFFFF;
	(pc) =	sbr.abs _section_cstart, $3  }
0xc1: {  	[dreg:$0x1] =	wrdreg $0xFFFFFFFF  }
0xc2: {  	_ =	task.clear_ibuf [dreg:s6], $0x2FFFF;
	_ =	strace $0x9FFFFFFF  }
0xc3: {  	(tm) =	ssettm $0x7FFFFFFF  }
tec
execute0_lowered:
.L_overlay_start_1:
0x0: {  	(tag) =	ssettag $0x1  }
0x1: {  	s0 =	rddreg [dreg:$0x0]  }
0x2: {  	s1 =	rddreg [dreg:$0x1]  }
0x3: {  	s2 =	rddreg [dreg:$0x2]  }
0x4: {  	s4 =	simm.s32 $0x0;
	s3 =	srdreg.scid;
	s6 =	stileid.u32  }
0x5: {  	s28 =	simm.s32 $0x11000;
	s29 =	simm.s32 $0x40;
	s30 =	simm.s32 $0x13D00  }
0x6: {  	s31 =	simm.s32 $0x1;
	[smem:$0x7FF] =	sst s4;
	s3 =	sand.u32 $0x1, s3  }
0x7: {  	s5 =	sadd.s32 $0x3C00, s0;
	s9 =	sadd.s32 $0x2AE00, s0;
	s11 =	sshll.u32 s6, $0xB  }
0x8: {  	s7 =	sadd.s32 $0x41200, s0;
	s15 =	sadd.s32 $0x2D800, s0;
	s10 =	smul.u32 $0x2A000, s6  }
0x9: {  	s12 =	sadd.s32 $0x56000, s0;
	s16 =	smul.u32 $0x138, s6;
	s21 =	sor.u32 $0x10, s6  }
0xa: {  	s23 =	sshll.u32 s6, $0x8;
	p0 =	sne.s32 s6, $0xF;
	s14 =	smul.u32 $0x9C4, s3  }
0xb: {  	_ =	strace $0x8000004D;
	s8 =	smul.u32 $0x5000, s3;
	[dreg:$0x4] =	wrdreg s7  }
0xc: {  	[dreg:$0x5] =	wrdreg s15;
	s13 =	ssub.s32 $0x2, s3;
	s15 =	smul.u32 $0x27000, s6  }
0xd: {  	s18 =	sadd.s32 s11, s1;
	s26 =	sadd.s32 s11, s2;
	s10 =	sshrl.u32 s10, $0x2  }
0xe: {  	[dreg:$0x11] =	wrdreg s26;
	s4 =	sadd.s32 s14, s0;
	s7 =	sadd.s32 s10, s1  }
0xf: {  	s24 =	sshll.u32 s21, $0x8;
	s4 =	sadd.s32 $0x2C400, s4;
	[dreg:$0x6] =	wrdreg s7  }
0x10: {  	p2 =	sgt.u32 @p0 s6, $0x9;
	s20 =	sadd.s32 $0x800, s7;
	[dreg:$0x7] =	wrdreg s4  }
0x11: {  	p1 =	sgt.u32 s21, $0x14;
	s22 =	sadd.s32 $0x1000, s7;
	[dreg:$0xc] =	wrdreg s20  }
0x12: {  	s8 =	sadd.s32 s8, s11;
	s25 =	sadd.s32 $0x1800, s7;
	[dreg:$0xd] =	wrdreg s22  }
0x13: {  	s14 =	sshrl.u32 s13, $0x1;
	s11 =	sadd.s32 $0x2800, s7;
	[dreg:$0x10] =	wrdreg s25  }
0x14: {  	s17 =	sshrl.u32 s15, $0x2;
	s15 =	sadd.s32 $0x4800, s7;
	[dreg:$0x17] =	wrdreg s11  }
0x15: {  	s13 =	ssub.s32 s13, s14;
	s26 =	sadd.s32 $0xA000, s7;
	[dreg:$0x1b] =	wrdreg s15  }
0x16: {  	p2 =	por p2, !p0;
	s19 =	smax.u32 s13, $0x1;
	[smem:$0x7FD] =	sst s26  }
0x17: {  	s8 =	sshrl.u32 s8, $0x3;
	s13 =	sadd.s32 $0x3800, s7;
	[dreg:$0xb] =	wrdreg s19  }
0x18: {  	s4 =	sadd.s32 s17, s1;
	s17 =	sadd.s32 $0x5800, s7;
	[dreg:$0x19] =	wrdreg s13  }
0x19: {  	s8 =	sadd.s32 s8, s0;
	s20 =	sadd.s32 $0x7000, s7;
	[dreg:$0x1d] =	wrdreg s17  }
0x1a: {  	s0 =	smul.u32 $0x1388, s3;
	s22 =	sadd.s32 $0x8000, s7;
	[smem:$0x7F7] =	sst s20  }
0x1b: {  	s3 =	smul.u32 $0x9C400, s3;
	s25 =	sadd.s32 $0x9800, s7;
	[smem:$0x7F9] =	sst s22  }
0x1c: {  	s8 =	sadd.s32 $0x54C00, s8;
	s19 =	sadd.s32 $0x6800, s7;
	[smem:$0x7FC] =	sst s25  }
0x1d: {  	s14 =	sadd.s32 s16, s0;
	s3 =	sshrl.u32 s3, $0x3;
	[dreg:$0x9] =	wrdreg s8  }
0x1e: {  	s16 =	sadd.s32 $0x5000, s7;
	[dreg:$0x1f] =	wrdreg s19;
	s14 =	sshll.u32 s14, $0x4  }
0x1f: {  	s3 =	sadd.s32 s12, s3;
	[dreg:$0x1c] =	wrdreg s16;
	s14 =	sadd.s32 s12, s14  }
0x20: {  	s10 =	smul.u32 $0x9C40, s6;
	s3 =	sadd.s32 $0x12480, s3;
	[dreg:$0x8] =	wrdreg s14  }
0x21: {  	s26 =	simm.s32 $0x10C00;
	s12 =	sadd.s32 s9, s23;
	[dreg:$0xa] =	wrdreg s3  }
0x22: {  	s20 =	simm.s32 $0x11D00;
	s9 =	sadd.s32 s9, s24;
	[dreg:$0xe] =	wrdreg s12  }
0x23: {  	s22 =	simm.s32 $0xB280;
	s23 =	sadd.s32 $0x8800, s7;
	[dreg:$0xf] =	wrdreg s9  }
0x24: {  	s25 =	simm.s32 $0x10800;
	s24 =	sadd.s32 $0x9000, s7;
	[smem:$0x7FA] =	sst s23  }
0x25: {  	s8 =	sadd.s32 $0x92400, s1;
	s9 =	sadd.s32 $0x2000, s7;
	[smem:$0x7FB] =	sst s24  }
0x26: {  	s19 =	simm.s32 $0x3;
	s12 =	sadd.s32 $0x3000, s7;
	[dreg:$0x16] =	wrdreg s9  }
0x27: {  	s14 =	sadd.s32 $0x9C800, s18;
	s18 =	sadd.s32 $0x6000, s7;
	[dreg:$0x18] =	wrdreg s12  }
0x28: {  	s3 =	sshll.u32 s21, $0xB;
	s21 =	sadd.s32 $0x7800, s7;
	[dreg:$0x1e] =	wrdreg s18  }
0x29: {  	v0 =	vmov s0;
	s0 =	simm.s32 $0x11C00;
	s3 =	sadd.s32 s3, s2;
	[smem:$0x7F8] =	sst s21  }
.Ltmp0:
0x2a: {  	[dreg:$0x12] =	wrdreg s3;
	s3 =	sshrl.u32 @p0 s4, $0x3;
	(pc) =	sbr.rel .LBB2_1-.Ltmp0, $4  }
0x2b: {  	s9 =	simm.s32 $0x2;
	[dreg:$0x13] =	wrdreg s3;
	s3 =	sshrl.u32 @!p2 s14, $0x3  }
0x2c: {  	v1 =	vimm.f32 $0.0e+00;
	v2 =	vimm.s32 $0x0;
	v3 =	vlaneseq.u32;
	s12 =	simm.s32 $0x0;
	s14 =	sadd.s32 $0x4000, s7;
	[dreg:$0x14] =	wrdreg s3  }
0x2d: {  	v4 =	vimm.s32 $0x1388;
	vm0 =	vmmov $0xf;
	v6 =	vshrl.u32 v3, $0x2;
	s4 =	simm.s32 $0x80;
	s3 =	sshrl.u32 @!p0 s8, $0x3;
	[dreg:$0x1a] =	wrdreg s14  }
0x2e: {  	v5 =	vor.u32 $0x3F0, v3;
	v8 =	vand.u32 $0x3, v3;
	v7 =	vmul.u32 $0x80, v6;
	s8 =	simm.s32 $0x0;
	[dreg:$0x15] =	wrdreg s3;
	s3 =	simm.s32 $0x15D00  }
.LBB2_30:
0x2f: {  	s6 =	stileid.u32;
	[bflag:$0x0] =	sbarrier.arrive $0xFFFF  }
0x30: {  	s6 =	sshll.u32 @p0 s6, $0x6;
	s7 =	rddreg [dreg:$0x8]  }
0x31: {  	s8 =	rddreg [dreg:$0x13];
	s6 =	sor.u32 @p0 $0x1C03, s6  }
0x32: {  	[hbm:s7], [sflag:s6] =	dma.local @p0 [spmem:s8], $0x1380  }
0x33: {  	s7 =	simm.s32 @p0 $0x3  }
0x34: {  	_ =	swait.ge @p0 [sflag:s7], $0x1380  }
0x35: {  	[sflag:s7] =	ssyncset.done @p0 $0x0;
	s8 =	rddreg [dreg:$0x14]  }
0x36: {  	[sflag:s7] =	ssyncadd.s32 @p0 $0xFFFFEC80;
	s7 =	rddreg [dreg:$0x9]  }
0x37: {  	[hbm:s7], [sflag:s6] =	dma.local @!p2 [spmem:s8], $0x100  }
0x38: {  	s6 =	simm.s32 @!p2 $0x3  }
0x39: {  	_ =	swait.ge @!p2 [sflag:s6], $0x100  }
0x3a: {  	[sflag:s6] =	ssyncset.done @!p2 $0x0;
	s7 =	rddreg [dreg:$0xa]  }
0x3b: {  	s8 =	rddreg [dreg:$0x15];
	[sflag:s6] =	ssyncadd.s32 @!p2 $0xFFFFFF00;
	s6 =	simm.s32 @!p0 $0x1FC3  }
0x3c: {  	[hbm:s7], [sflag:s6] =	dma.local @!p0 [spmem:s8], $0x1400  }
0x3d: {  	s6 =	simm.s32 @!p0 $0x3  }
0x3e: {  	_ =	swait.ge @!p0 [sflag:s6], $0x1400  }
0x3f: {  	s23 =	sld [smem:$0x7F6];
	_ =	sdelay $0x2  }
0x40: {  	s24 =	rddreg [dreg:$0xb];
	s8 =	sadd.s32 $0x1, s23  }
0x41: {  	p3 =	sne.s32 s8, s24  }
.Ltmp1:
0x42: {  	_ = 	snop;
	(pc) =	sbr.rel @!p3 .LBB2_31-.Ltmp1, $3  }
0x43: {  	_ =	sdelay $0x1  }
0x44: {  	[sflag:s6] =	ssyncset.done @!p0 $0x0  }
0x45: {  	[sflag:s6] =	ssyncadd.s32 @!p0 $0xFFFFEC00  }
.LBB2_1:
0x46: {  	[smem:$0x7F6] =	sst s8;
	s8 =	simm.s32 $0x0;
	s11 =	simm.s32 $0x200  }
.LBB2_2:
0x47: {  	p3 =	sne.s32 s11, $0x1E00;
	[tilespmem:s8+$0x19D70] =	vst v1  }
0x48: {  	[tilespmem:s8+$0x19D00] =	vst v1  }
0x49: {  	[tilespmem:s8+$0x19D10] =	vst v1  }
.Ltmp2:
0x4a: {  	[tilespmem:s8+$0x19D20] =	vst v1;
	(pc) =	sbr.rel @p3 .LBB2_2-.Ltmp2, $4  }
0x4b: {  	[tilespmem:s8+$0x19D30] =	vst v1  }
0x4c: {  	[tilespmem:s8+$0x19D40] =	vst v1  }
0x4d: {  	[tilespmem:s8+$0x19D50] =	vst v1  }
0x4e: {  	[tilespmem:s8+$0x19D60] =	vst v1;
	s8 =	sshra.s32 s11, $0x2;
	s11 =	sadd.s32 $0x200, s11  }
0x4f: {  	[tilespmem:s8+$0x19D70] =	vst v1  }
0x50: {  	[tilespmem:s8+$0x19D00] =	vst v1  }
0x51: {  	[tilespmem:s8+$0x19D10] =	vst v1  }
0x52: {  	[tilespmem:s8+$0x19D20] =	vst v1  }
0x53: {  	[tilespmem:s8+$0x19D30] =	vst v1  }
0x54: {  	[tilespmem:s8+$0x19D40] =	vst v1  }
0x55: {  	[tilespmem:s8+$0x19D50] =	vst v1  }
0x56: {  	[tilespmem:s8+$0x19D60] =	vst v1;
	s8 =	simm.s32 $0x0;
	s11 =	simm.s32 $0x200  }
.LBB2_4:
0x57: {  	p3 =	sne.s32 s11, $0x7E00;
	[tilespmem:s8+$0x17D70] =	vst v1  }
0x58: {  	[tilespmem:s8+$0x17D00] =	vst v1  }
0x59: {  	[tilespmem:s8+$0x17D10] =	vst v1  }
.Ltmp3:
0x5a: {  	[tilespmem:s8+$0x17D20] =	vst v1;
	(pc) =	sbr.rel @p3 .LBB2_4-.Ltmp3, $4  }
0x5b: {  	[tilespmem:s8+$0x17D30] =	vst v1  }
0x5c: {  	[tilespmem:s8+$0x17D40] =	vst v1  }
0x5d: {  	[tilespmem:s8+$0x17D50] =	vst v1  }
0x5e: {  	[tilespmem:s8+$0x17D60] =	vst v1;
	s8 =	sshra.s32 s11, $0x2;
	s11 =	sadd.s32 $0x200, s11  }
0x5f: {  	[tilespmem:s8+$0x17D70] =	vst v1  }
0x60: {  	[tilespmem:s8+$0x17D00] =	vst v1  }
0x61: {  	[tilespmem:s8+$0x17D10] =	vst v1  }
0x62: {  	[tilespmem:s8+$0x17D20] =	vst v1  }
0x63: {  	[tilespmem:s8+$0x17D30] =	vst v1  }
0x64: {  	[tilespmem:s8+$0x17D40] =	vst v1  }
0x65: {  	[tilespmem:s8+$0x17D50] =	vst v1  }
0x66: {  	[tilespmem:s8+$0x17D60] =	vst v1;
	s6 =	rddreg [dreg:$0x6];
	s7 =	simm.s32 $0x19D00  }
0x67: {  	[spmem:s6] =	stream.linear.scatter [tilespmem:s7], [sflag:$0x3], $0x800, $0x38;
	[tilespmem:$0x1A500] =	vst v63  }
0x68: {  	_ =	swait.ge [sflag:s19], $0x800  }
0x69: {  	[sflag:s19] =	ssyncset.done $0x0  }
0x6a: {  	s21 =	rddreg [dreg:$0xc];
	[sflag:s19] =	ssyncadd.s32 $0xFFFFF800  }
0x6b: {  	[spmem:s21] =	stream.linear.scatter [tilespmem:s7], [sflag:$0x3], $0x800, $0x38;
	[tilespmem:$0x1A500] =	vst v63  }
0x6c: {  	_ =	swait.ge [sflag:s19], $0x800  }
0x6d: {  	[sflag:s19] =	ssyncset.done $0x0  }
0x6e: {  	s23 =	rddreg [dreg:$0xd];
	[sflag:s19] =	ssyncadd.s32 $0xFFFFF800  }
0x6f: {  	[spmem:s23] =	stream.linear.scatter [tilespmem:s7], [sflag:$0x3], $0x800, $0x38;
	[tilespmem:$0x1A500] =	vst v63  }
0x70: {  	_ =	swait.ge [sflag:s19], $0x800  }
0x71: {  	[sflag:s19] =	ssyncset.done $0x0  }
0x72: {  	s24 =	rddreg [dreg:$0x10];
	[sflag:s19] =	ssyncadd.s32 $0xFFFFF800  }
0x73: {  	[spmem:s24] =	stream.linear.scatter [tilespmem:s7], [sflag:$0x3], $0x800, $0x38;
	[tilespmem:$0x1A500] =	vst v63  }
0x74: {  	_ =	swait.ge [sflag:s19], $0x800  }
0x75: {  	[sflag:s19] =	ssyncset.done $0x0  }
0x76: {  	s8 =	rddreg [dreg:$0x16];
	[sflag:s19] =	ssyncadd.s32 $0xFFFFF800  }
0x77: {  	[spmem:s8] =	stream.linear.scatter [tilespmem:s7], [sflag:$0x3], $0x800, $0x38;
	[tilespmem:$0x1A500] =	vst v63  }
0x78: {  	_ =	swait.ge [sflag:s19], $0x800  }
0x79: {  	[sflag:s19] =	ssyncset.done $0x0  }
0x7a: {  	s11 =	rddreg [dreg:$0x17];
	[sflag:s19] =	ssyncadd.s32 $0xFFFFF800  }
0x7b: {  	[spmem:s11] =	stream.linear.scatter [tilespmem:s7], [sflag:$0x3], $0x800, $0x38;
	[tilespmem:$0x1A500] =	vst v63  }
0x7c: {  	_ =	swait.ge [sflag:s19], $0x800  }
0x7d: {  	[sflag:s19] =	ssyncset.done $0x0  }
0x7e: {  	s13 =	rddreg [dreg:$0x18];
	[sflag:s19] =	ssyncadd.s32 $0xFFFFF800  }
0x7f: {  	[spmem:s13] =	stream.linear.scatter [tilespmem:s7], [sflag:$0x3], $0x800, $0x38;
	[tilespmem:$0x1A500] =	vst v63  }
0x80: {  	_ =	swait.ge [sflag:s19], $0x800  }
0x81: {  	[sflag:s19] =	ssyncset.done $0x0  }
0x82: {  	s14 =	rddreg [dreg:$0x19];
	[sflag:s19] =	ssyncadd.s32 $0xFFFFF800  }
0x83: {  	[spmem:s14] =	stream.linear.scatter [tilespmem:s7], [sflag:$0x3], $0x800, $0x38;
	[tilespmem:$0x1A500] =	vst v63  }
0x84: {  	_ =	swait.ge [sflag:s19], $0x800  }
0x85: {  	[sflag:s19] =	ssyncset.done $0x0  }
0x86: {  	s15 =	rddreg [dreg:$0x1a];
	[sflag:s19] =	ssyncadd.s32 $0xFFFFF800  }
0x87: {  	[spmem:s15] =	stream.linear.scatter [tilespmem:s7], [sflag:$0x3], $0x800, $0x38;
	[tilespmem:$0x1A500] =	vst v63  }
0x88: {  	_ =	swait.ge [sflag:s19], $0x800  }
0x89: {  	[sflag:s19] =	ssyncset.done $0x0  }
0x8a: {  	s16 =	rddreg [dreg:$0x1b];
	[sflag:s19] =	ssyncadd.s32 $0xFFFFF800  }
0x8b: {  	[spmem:s16] =	stream.linear.scatter [tilespmem:s7], [sflag:$0x3], $0x800, $0x38;
	[tilespmem:$0x1A500] =	vst v63  }
0x8c: {  	_ =	swait.ge [sflag:s19], $0x800  }
0x8d: {  	[sflag:s19] =	ssyncset.done $0x0  }
0x8e: {  	s17 =	rddreg [dreg:$0x1c];
	[sflag:s19] =	ssyncadd.s32 $0xFFFFF800  }
0x8f: {  	[spmem:s17] =	stream.linear.scatter [tilespmem:s7], [sflag:$0x3], $0x800, $0x38;
	[tilespmem:$0x1A500] =	vst v63  }
0x90: {  	_ =	swait.ge [sflag:s19], $0x800  }
0x91: {  	[sflag:s19] =	ssyncset.done $0x0  }
0x92: {  	s18 =	rddreg [dreg:$0x1d];
	[sflag:s19] =	ssyncadd.s32 $0xFFFFF800  }
0x93: {  	[spmem:s18] =	stream.linear.scatter [tilespmem:s7], [sflag:$0x3], $0x800, $0x38;
	[tilespmem:$0x1A500] =	vst v63  }
0x94: {  	_ =	swait.ge [sflag:s19], $0x800  }
0x95: {  	[sflag:s19] =	ssyncset.done $0x0  }
0x96: {  	s21 =	rddreg [dreg:$0x1e];
	[sflag:s19] =	ssyncadd.s32 $0xFFFFF800  }
0x97: {  	[spmem:s21] =	stream.linear.scatter [tilespmem:s7], [sflag:$0x3], $0x800, $0x38;
	[tilespmem:$0x1A500] =	vst v63  }
0x98: {  	_ =	swait.ge [sflag:s19], $0x800  }
0x99: {  	[sflag:s19] =	ssyncset.done $0x0  }
0x9a: {  	s23 =	rddreg [dreg:$0x1f];
	[sflag:s19] =	ssyncadd.s32 $0xFFFFF800  }
0x9b: {  	[spmem:s23] =	stream.linear.scatter [tilespmem:s7], [sflag:$0x3], $0x800, $0x38;
	[tilespmem:$0x1A500] =	vst v63  }
0x9c: {  	_ =	swait.ge [sflag:s19], $0x800  }
0x9d: {  	s24 =	sld [smem:$0x7F7]  }
0x9e: {  	[sflag:s19] =	ssyncset.done $0x0  }
0x9f: {  	[sflag:s19] =	ssyncadd.s32 $0xFFFFF800  }
0xa0: {  	[spmem:s24] =	stream.linear.scatter [tilespmem:s7], [sflag:$0x3], $0x800, $0x38;
	[tilespmem:$0x1A500] =	vst v63  }
0xa1: {  	_ =	swait.ge [sflag:s19], $0x800  }
0xa2: {  	s8 =	sld [smem:$0x7F8]  }
0xa3: {  	[sflag:s19] =	ssyncset.done $0x0  }
0xa4: {  	[sflag:s19] =	ssyncadd.s32 $0xFFFFF800  }
0xa5: {  	[spmem:s8] =	stream.linear.scatter [tilespmem:s7], [sflag:$0x3], $0x800, $0x38;
	[tilespmem:$0x1A500] =	vst v63  }
0xa6: {  	_ =	swait.ge [sflag:s19], $0x800  }
0xa7: {  	s11 =	sld [smem:$0x7F9]  }
0xa8: {  	[sflag:s19] =	ssyncset.done $0x0  }
0xa9: {  	[sflag:s19] =	ssyncadd.s32 $0xFFFFF800  }
0xaa: {  	[spmem:s11] =	stream.linear.scatter [tilespmem:s7], [sflag:$0x3], $0x800, $0x38;
	[tilespmem:$0x1A500] =	vst v63  }
0xab: {  	_ =	swait.ge [sflag:s19], $0x800  }
0xac: {  	s13 =	sld [smem:$0x7FA]  }
0xad: {  	[sflag:s19] =	ssyncset.done $0x0  }
0xae: {  	[sflag:s19] =	ssyncadd.s32 $0xFFFFF800  }
0xaf: {  	[spmem:s13] =	stream.linear.scatter [tilespmem:s7], [sflag:$0x3], $0x800, $0x38;
	[tilespmem:$0x1A500] =	vst v63  }
0xb0: {  	_ =	swait.ge [sflag:s19], $0x800  }
0xb1: {  	s14 =	sld [smem:$0x7FB]  }
0xb2: {  	[sflag:s19] =	ssyncset.done $0x0  }
0xb3: {  	[sflag:s19] =	ssyncadd.s32 $0xFFFFF800  }
0xb4: {  	[spmem:s14] =	stream.linear.scatter [tilespmem:s7], [sflag:$0x3], $0x800, $0x38;
	[tilespmem:$0x1A500] =	vst v63  }
0xb5: {  	_ =	swait.ge [sflag:s19], $0x800  }
0xb6: {  	s15 =	sld [smem:$0x7FC]  }
0xb7: {  	[sflag:s19] =	ssyncset.done $0x0  }
0xb8: {  	[sflag:s19] =	ssyncadd.s32 $0xFFFFF800  }
0xb9: {  	[spmem:s15] =	stream.linear.scatter [tilespmem:s7], [sflag:$0x3], $0x800, $0x38;
	[tilespmem:$0x1A500] =	vst v63  }
0xba: {  	_ =	swait.ge [sflag:s19], $0x800  }
0xbb: {  	s16 =	sld [smem:$0x7FD]  }
0xbc: {  	[sflag:s19] =	ssyncset.done $0x0  }
0xbd: {  	[sflag:s19] =	ssyncadd.s32 $0xFFFFF800  }
0xbe: {  	[spmem:s16] =	stream.linear.scatter [tilespmem:s7], [sflag:$0x3], $0x800, $0x38;
	[tilespmem:$0x1A500] =	vst v63  }
0xbf: {  	_ =	swait.ge [sflag:s19], $0x800  }
0xc0: {  	s17 =	simm.s32 $0x0;
	[sflag:s19] =	ssyncset.done $0x0  }
0xc1: {  	s21 =	simm.s32 $0x4;
	s18 =	rddreg [dreg:$0xe];
	[sflag:s19] =	ssyncadd.s32 $0xFFFFF800  }
0xc2: {  	[tilespmem:s20], [sflag:$0x4] =	stream.linear.gather [hbm4b:s18+s17], $0x800, $0x38;
	[tilespmem:$0x1A500] =	vst v63  }
0xc3: {  	_ =	swait.ge [sflag:s21], $0x800  }
0xc4: {  	[sflag:s21] =	ssyncset.done $0x0  }
0xc5: {  	s23 =	rddreg [dreg:$0x11];
	[sflag:s21] =	ssyncadd.s32 $0xFFFFF800  }
0xc6: {  	[spmem:s23] =	stream.linear.scatter [tilespmem:s20], [sflag:$0x3], $0x800, $0x38;
	[tilespmem:$0x1A500] =	vst v63  }
0xc7: {  	_ =	swait.ge [sflag:s19], $0x800  }
0xc8: {  	s8 =	simm.s32 @!p1 $0x0;
	[sflag:s19] =	ssyncset.done $0x0  }
0xc9: {  	s11 =	simm.s32 @!p1 $0x11D00;
	s6 =	rddreg [dreg:$0xf];
	[sflag:s19] =	ssyncadd.s32 $0xFFFFF800  }
0xca: {  	[tilespmem:s11], [sflag:$0x4] =	stream.linear.gather @!p1 [hbm4b:s6+s8], $0x800, $0x38;
	[tilespmem:$0x1A500] =	vst v63  }
0xcb: {  	s8 =	simm.s32 @!p1 $0x4  }
0xcc: {  	_ =	swait.ge @!p1 [sflag:s8], $0x800  }
0xcd: {  	[sflag:s8] =	ssyncset.done @!p1 $0x0  }
0xce: {  	s6 =	rddreg [dreg:$0x12];
	[sflag:s8] =	ssyncadd.s32 @!p1 $0xFFFFF800;
	s8 =	simm.s32 @!p1 $0x3  }
0xcf: {  	[spmem:s6] =	stream.linear.scatter @!p1 [tilespmem:s11], [sflag:$0x3], $0x800, $0x38;
	[tilespmem:$0x1A500] =	vst v63  }
0xd0: {  	_ =	swait.ge @!p1 [sflag:s8], $0x800  }
0xd1: {  	[sflag:s8] =	ssyncset.done @!p1 $0x0  }
0xd2: {  	s24 =	rddreg [dreg:$0x7];
	[sflag:s8] =	ssyncadd.s32 @!p1 $0xFFFFF800  }
0xd3: {  	[tilespmem:s22], [sflag:$0x3] =	stream.linear.gather [hbm4b:s24+s12], $0x4E20, $0x38;
	[tilespmem:$0x1A500] =	vst v63  }
.Ltmp4:
0xd4: {  	_ =	swait.ge [sflag:s19], $0x4E20;
	(pc) =	sbr.rel .LBB2_6-.Ltmp4, $4  }
0xd5: {  	[sflag:s19] =	ssyncset.done $0x0  }
0xd6: {  	[sflag:s19] =	ssyncadd.s32 $0xFFFFB1E0  }
0xd7: {  	[bflag:$0x0] =	sbarrier.arrive $0xFFFF  }
0xd8: {  	s13 =	simm.s32 $0x0  }
.LBB2_28:
0xd9: {  	v9 =	vor.u32 s14, v9;
	_ =	sdelay $0x4  }
0xda: {  	[tilespmem:v9+s3+$0x0] =	vst.idx.msk $0xffff, v1  }
.LBB2_29:
0xdb: {  	s13 =	sadd.s32 $0x1, s13  }
0xdc: {  	p3 =	sne.s32 s13, $0x32  }
.Ltmp5:
0xdd: {  	_ = 	snop;
	(pc) =	sbr.rel @!p3 .LBB2_30-.Ltmp5, $1  }
0xde: {  	_ =	sdelay $0x3  }
.LBB2_6:
0xdf: {  	s8 =	smul.u32 $0x320, s13;
	_ =	sdelay $0x1  }
0xe0: {  	s8 =	sadd.s32 s10, s8  }
0xe1: {  	s6 =	rddreg [dreg:$0x4];
	s8 =	sshrl.u32 s8, $0x3  }
0xe2: {  	s21 =	simm.s32 $0x10100;
	s11 =	sadd.s32 s6, s8  }
0xe3: {  	[tilespmem:s21], [sflag:$0x3] =	stream.linear.gather [hbm4b:s11+s12], $0x320, $0x38;
	[tilespmem:$0x1A500] =	vst v63  }
0xe4: {  	_ =	swait.ge [sflag:s19], $0x320  }
0xe5: {  	[sflag:s19] =	ssyncset.done $0x0;
	s23 =	rddreg [dreg:$0x5]  }
0xe6: {  	s24 =	simm.s32 $0x10480;
	[sflag:s19] =	ssyncadd.s32 $0xFFFFFCE0;
	s8 =	sadd.s32 s23, s8  }
0xe7: {  	[tilespmem:s24], [sflag:$0x3] =	stream.linear.gather [hbm4b:s8+s12], $0x320, $0x38;
	[tilespmem:$0x1A500] =	vst v63  }
0xe8: {  	_ =	swait.ge [sflag:s19], $0x320  }
0xe9: {  	[sflag:s19] =	ssyncset.done $0x0  }
0xea: {  	s8 =	simm.s32 $0x0;
	[sflag:s19] =	ssyncadd.s32 $0xFFFFFCE0  }
.LBB2_7:
0xeb: {  	p3 =	sne.s32 s8, $0xFC0  }
.Ltmp6:
0xec: {  	_ = 	snop;
	(pc) =	sbr.rel @p3 .LBB2_7-.Ltmp6, $4  }
0xed: {  	s11 =	sshra.s32 s8, $0x2  }
0xee: {  	[tilespmem:s11+$0x10800] =	vst v2  }
0xef: {  	[tilespmem:s11+$0x10C00] =	vst v4  }
0xf0: {  	s8 =	sadd.s32 $0x40, s8;
	[tilespmem:s11+$0x11000] =	vst v2  }
0xf1: {  	s11 =	simm.s32 $0x0  }
0xf2: {  	v9 =	vld [tilespmem:s11+$0x10480];
	_ =	sdelay $0x4  }
0xf3: {  	v9 =	vsub.s32 v9, v0  }
0xf4: {  	vm1 =	vlt.u32 v9, $0x1388  }
0xf5: {  	v10 =	vsel vm1, $0x1, v2  }
0xf6: {  	(xrf0) =	vadd.scan.msk.s32 $0xffff, v10;
	_ =	sdelay $0x1  }
0xf7: {  	s8 =	simm.s32 $0x0  }
0xf8: {  	v10 =	vmov s8  }
0xf9: {  	v10 =	vadd.s32 $0xFFFFFFFF, v10  }
0xfa: {  	v10 =	vbroadcast v10, $0x0  }
0xfb: {  	v11, _, _ =	vpop (xrf0)  }
0xfc: {  	v10 =	vadd.s32 v11, v10;
	(v2sf) =	vpush v11, $0xF  }
0xfd: {  	v11 =	vld [tilespmem:s11+$0x10100];
	v10 =	vsel vm1, v10, v5;
	_ =	sdelay $0x4  }
0xfe: {  	[tilespmem:v10+s25+$0x0] =	vst.idx.msk $0xffff, v11  }
0xff: {  	[tilespmem:v10+s26+$0x0] =	vst.idx.msk $0xffff, v9;
	v9 =	vshra.s32 v11, $0x5  }
0x100: {  	s11 =	simm.s32 $0x10;
	[tilespmem:v10+s28+$0x0] =	vst.idx.msk $0xffff, v9  }
0x101: {  	v9 =	vld [tilespmem:s11+$0x10480];
	_ =	sdelay $0x4  }
0x102: {  	v9 =	vsub.s32 v9, v0  }
0x103: {  	s14 =	simm.s32 $0x80;
	vm1 =	vlt.u32 v9, $0x1388;
	s15 =	spop (v2sf)  }
.LBB2_9:
0x104: {  	p3 =	sne.s32 s14, $0xC40  }
0x105: {  	v10 =	vsel vm1, $0x1, v2;
	s8 =	sadd.s32 s8, s15;
	s15 =	smov.u32 s14;
	s14 =	sadd.s32 $0x40, s14  }
0x106: {  	v11 =	vmov s8;
	(xrf0) =	vadd.scan.msk.s32 $0xffff, v10  }
0x107: {  	v10 =	vadd.s32 $0xFFFFFFFF, v11;
	_ =	sdelay $0x3  }
0x108: {  	v10 =	vbroadcast v10, $0x0  }
0x109: {  	v11, _, _ =	vpop (xrf0)  }
0x10a: {  	v10 =	vadd.s32 v11, v10;
	(v2sf) =	vpush v11, $0xF  }
0x10b: {  	v11 =	vld [tilespmem:s11+$0x10100];
	v10 =	vsel vm1, v10, v5;
	_ =	sdelay $0x4  }
0x10c: {  	[tilespmem:v10+s25+$0x0] =	vst.idx.msk $0xffff, v11  }
0x10d: {  	[tilespmem:v10+s26+$0x0] =	vst.idx.msk $0xffff, v9;
	v9 =	vshra.s32 v11, $0x5  }
0x10e: {  	s11 =	sshra.s32 s15, $0x2;
	[tilespmem:v10+s28+$0x0] =	vst.idx.msk $0xffff, v9  }
0x10f: {  	v9 =	vld [tilespmem:s11+$0x10480];
	_ =	sdelay $0x1  }
.Ltmp7:
0x110: {  	(pc) =	sbr.rel @p3 .LBB2_9-.Ltmp7, $3  }
0x111: {  	_ =	sdelay $0x1  }
0x112: {  	v9 =	vsub.s32 v9, v0  }
0x113: {  	vm1 =	vlt.u32 v9, $0x1388;
	s15 =	spop (v2sf)  }
0x114: {  	v10 =	vsel vm1, $0x1, v2  }
0x115: {  	(xrf0) =	vadd.scan.msk.s32 $0xffff, v10;
	_ =	sdelay $0x5  }
0x116: {  	v10, _, _ =	vpop (xrf0)  }
0x117: {  	(v2sf) =	vpush v10, $0xF;
	_ =	sdelay $0xa  }
0x118: {  	s8 =	sadd.s32 s8, s15  }
0x119: {  	v11 =	vmov s8  }
0x11a: {  	v11 =	vadd.s32 $0xFFFFFFFF, v11  }
0x11b: {  	v11 =	vbroadcast v11, $0x0  }
0x11c: {  	s24 =	spop (v2sf)  }
0x11d: {  	v10 =	vadd.s32 v10, v11;
	s8 =	sadd.s32 s8, s24  }
0x11e: {  	v11 =	vld [tilespmem:s11+$0x10100];
	v10 =	vsel vm1, v10, v5;
	s14 =	sadd.s32 $0x3F, s8  }
0x11f: {  	s15 =	sshra.s32 s14, $0x6  }
0x120: {  	p3 =	slt.s32 s15, $0x1  }
.Ltmp8:
0x121: {  	_ = 	snop;
	(pc) =	sbr.rel @p3 .LBB2_29-.Ltmp8, $4  }
0x122: {  	_ = 	snop  }
0x123: {  	[tilespmem:v10+s25+$0x0] =	vst.idx.msk $0xffff, v11  }
0x124: {  	[tilespmem:v10+s26+$0x0] =	vst.idx.msk $0xffff, v9;
	v9 =	vshra.s32 v11, $0x5  }
0x125: {  	[tilespmem:v10+s28+$0x0] =	vst.idx.msk $0xffff, v9  }
0x126: {  	s8 =	sshll.u32 s15, $0x2  }
0x127: {  	p4 =	sne.s32 s8, $0x1  }
.Ltmp9:
0x128: {  	_ = 	snop;
	(pc) =	sbr.rel @!p4 .LBB2_12-.Ltmp9, $3  }
0x129: {  	_ =	sdelay $0x1  }
0x12a: {  	s11 =	simm.s32 $0x10C00  }
0x12b: {  	s16 =	simm.s32 $0x0;
	p3 =	por $0x0, $0x0;
	v9 =	vld [tilespmem:s11+$0x0];
	s8 =	sadd.s32 $0xFFFFFFFF, s8  }
0x12c: {  	_ =	sdelay $0x1  }
0x12d: {  	p4 =	sne.s32 s8, $0x1  }
.Ltmp10:
0x12e: {  	s11 =	sand.u32 $0x30, s16;
	s17 =	sand.u32 $0xFFFFFF80, s16;
	(pc) =	sbr.rel @!p4 .LBB2_14-.Ltmp10, $4  }
0x12f: {  	s11 =	sor.u32 s11, s17;
	v10 =	vshra.s32 v9, $0x5  }
0x130: {  	[tilespmem:s11+$0x11400] =	vst v9;
	s11 =	sadd.s32 $0x11400, s11;
	v9 =	vadd.s32 $0x1390, v10  }
0x131: {  	s18 =	sadd.s32 $0xFFFFFFFF, s8;
	s17 =	simm.s32 $0x10C10;
	[tilespmem:s11+$0x40] =	vst v9  }
0x132: {  	p3 =	por $0x1, $0x1;
	s8 =	simm.s32 $0x0;
	s11 =	simm.s32 $0x0;
	v9 =	vld [tilespmem:s17+$0x0]  }
.LBB2_15:
0x133: {  	p4 =	sne.s32 s18, $0x1  }
0x134: {  	s8 =	sadd.s32 $0x20, s8;
	s11 =	sadd.s32 $0x10, s11  }
0x135: {  	s21 =	sand.u32 $0x30, s11;
	s23 =	sand.u32 $0xFFFFFF80, s8  }
.Ltmp11:
0x136: {  	s21 =	sor.u32 s21, s23;
	(pc) =	sbr.rel @p4 .LBB2_15-.Ltmp11, $4  }
0x137: {  	[tilespmem:s21+$0x11400] =	vst v9;
	v9 =	vshra.s32 v9, $0x5  }
0x138: {  	s21 =	sadd.s32 $0x11400, s21;
	v9 =	vadd.s32 $0x1390, v9  }
0x139: {  	s17 =	sadd.s32 $0x10, s17;
	[tilespmem:s21+$0x40] =	vst v9  }
0x13a: {  	s18 =	sadd.s32 $0xFFFFFFFF, s18;
	v9 =	vld [tilespmem:s17+$0x0]  }
.LBB2_16:
0x13b: {  	s8 =	sadd.s32 @p3 $0x20, s8  }
0x13c: {  	s11 =	sadd.s32 @p3 $0x10, s11;
	s17 =	simm.s32 $0x0;
	s18 =	simm.s32 $0x0  }
0x13d: {  	s17 =	smov.u32 @p3 s11;
	s18 =	smov.u32 @p3 s8  }
0x13e: {  	s23 =	sand.u32 $0x30, s17;
	s24 =	sand.u32 $0xFFFFFF80, s18  }
0x13f: {  	s8 =	sor.u32 s23, s24;
	v10 =	vshra.s32 v9, $0x5  }
0x140: {  	[tilespmem:s8+$0x11400] =	vst v9;
	s8 =	sadd.s32 $0x11400, s8;
	v9 =	vadd.s32 $0x1390, v10  }
0x141: {  	s17 =	simm.s32 $0x0;
	[tilespmem:s8+$0x40] =	vst v9  }
.LBB2_17:
0x142: {  	s8 =	sshll.u32 s17, $0x6  }
0x143: {  	s18 =	sadd.s32 $0x0, s16;
	s11 =	sadd.s32 $0x10800, s8  }
0x144: {  	[tilespmem:s20], [sflag:$0x1] =	stream.indirect.gather [hbm4b:s5+s29], $0x80, s11, s29, $0xb8;
	[tilespmem:$0x1A500] =	vst v63  }
0x145: {  	s8 =	sadd.s32 $0x11000, s8;
	v9 =	vor.u32 s18, v6  }
0x146: {  	[tilespmem:s30], [sflag:$0x3] =	stream.indirect.gather [spmem:s2], $0x80, s8, s29, $0xb8;
	[tilespmem:$0x1A500] =	vst v63  }
0x147: {  	_ =	swait.ge [sflag:s19], $0x2000  }
0x148: {  	[sflag:s19] =	ssyncset.done $0x0  }
0x149: {  	[sflag:s19] =	ssyncadd.s32 $0xFFFFE000  }
0x14a: {  	v10 =	vld.idx.msk [tilespmem:v9+s26+$0x0], $0xffff  }
0x14b: {  	v9 =	vld.idx.msk [tilespmem:v9+s25+$0x0], $0xffff;
	_ =	sdelay $0x2  }
0x14c: {  	s21 =	simm.s32 $0x0  }
0x14d: {  	v11 =	vmov s21;
	vm1 =	vlt.s32 v10, $0x1387  }
0x14e: {  	v11 =	vshll.u32 v11, $0x7;
	v9 =	vshll.u32 v9, $0x2;
	v10 =	vnsel vm1, $0x1387, v10  }
0x14f: {  	v11 =	vor.u32 v7, v11;
	v9 =	vand.u32 $0x7C, v9;
	v10 =	vshll.u32 v10, $0x2  }
0x150: {  	v9 =	vor.u32 v11, v9;
	v10 =	vor.u32 v8, v10  }
0x151: {  	v9 =	vor.u32 v8, v9;
	_ =	sdelay $0x3  }
0x152: {  	v10 =	vld.idx.msk [tilespmem:v10+s22+$0x0], $0xffff  }
0x153: {  	v9 =	vld.idx.msk [tilespmem:v9+s30+$0x0], $0xffff;
	_ =	sdelay $0x4  }
0x154: {  	v9 =	vadd.f32 v10, v9;
	_ =	sdelay $0x1  }
0x155: {  	v10 =	vmul.f32 $2.000000030e-01, v9  }
0x156: {  	vm1 =	vgt.f32 v9, $0.0e+00  }
0x157: {  	v9 =	vsel vm1, v9, v10  }
0x158: {  	v9 =	vmax.f32 v9, $-1.000000000e+01  }
0x159: {  	v10 =	vmul.f32 $1.442695020e+00, v9;
	_ =	sdelay $0x1  }
0x15a: {  	v10 =	vadd.f32 $1.650000000e+01, v10;
	_ =	sdelay $0x1  }
0x15b: {  	v10 =	vtrunc.f32 v10  }
0x15c: {  	v10 =	vcvt.f32.s32 v10;
	_ =	sdelay $0x1  }
0x15d: {  	v11 =	vadd.s32 $0xFFFFFFF0, v10  }
0x15e: {  	v11 =	vcvt.s32.f32 v11;
	_ =	sdelay $0x1  }
0x15f: {  	v11 =	vmul.f32 $-6.931471820e-01, v11;
	_ =	sdelay $0x1  }
0x160: {  	v9 =	vadd.f32 v11, v9;
	_ =	sdelay $0x1  }
0x161: {  	v11 =	vmul.f32 $8.333333770e-03, v9;
	_ =	sdelay $0x1  }
0x162: {  	v11 =	vadd.f32 $4.166666790e-02, v11;
	_ =	sdelay $0x1  }
0x163: {  	v11 =	vmul.f32 v11, v9;
	_ =	sdelay $0x1  }
0x164: {  	v11 =	vadd.f32 $1.666666720e-01, v11;
	_ =	sdelay $0x1  }
0x165: {  	v11 =	vmul.f32 v11, v9;
	_ =	sdelay $0x1  }
0x166: {  	v11 =	vadd.f32 $5.000000000e-01, v11;
	_ =	sdelay $0x1  }
0x167: {  	v11 =	vmul.f32 v11, v9;
	_ =	sdelay $0x1  }
0x168: {  	v11 =	vadd.f32 $1.000000000e+00, v11;
	_ =	sdelay $0x1  }
0x169: {  	v9 =	vmul.f32 v11, v9  }
0x16a: {  	s23 =	sadd.s32 $0x4, s16  }
0x16b: {  	v10 =	vshll.u32 v10, $0x17;
	v11 =	vor.u32 s23, v6;
	v9 =	vadd.f32 $1.000000000e+00, v9  }
0x16c: {  	v10 =	vadd.s32 $0x37800000, v10  }
0x16d: {  	v9 =	vmul.f32 v10, v9  }
0x16e: {  	s8 =	simm.s32 $0x11C00  }
0x16f: {  	[tilespmem:s8+$0x0] =	vst v9  }
0x170: {  	v9 =	vld.idx.msk [tilespmem:v11+s26+$0x0], $0xffff  }
0x171: {  	v10 =	vld.idx.msk [tilespmem:v11+s25+$0x0], $0xffff;
	_ =	sdelay $0x2  }
0x172: {  	s24 =	simm.s32 $0x4  }
0x173: {  	v11 =	vmov s24;
	vm1 =	vlt.s32 v9, $0x1387  }
0x174: {  	v11 =	vshll.u32 v11, $0x7;
	v10 =	vshll.u32 v10, $0x2;
	v9 =	vnsel vm1, $0x1387, v9  }
0x175: {  	v11 =	vor.u32 v7, v11;
	v10 =	vand.u32 $0x7C, v10;
	v9 =	vshll.u32 v9, $0x2  }
0x176: {  	v10 =	vor.u32 v11, v10;
	v9 =	vor.u32 v8, v9  }
0x177: {  	v10 =	vor.u32 v8, v10;
	_ =	sdelay $0x3  }
0x178: {  	v9 =	vld.idx.msk [tilespmem:v9+s22+$0x0], $0xffff  }
0x179: {  	v10 =	vld.idx.msk [tilespmem:v10+s30+$0x0], $0xffff;
	_ =	sdelay $0x4  }
0x17a: {  	v9 =	vadd.f32 v9, v10;
	_ =	sdelay $0x1  }
0x17b: {  	v10 =	vmul.f32 $2.000000030e-01, v9  }
0x17c: {  	vm1 =	vgt.f32 v9, $0.0e+00  }
0x17d: {  	v9 =	vsel vm1, v9, v10  }
0x17e: {  	v9 =	vmax.f32 v9, $-1.000000000e+01  }
0x17f: {  	v10 =	vmul.f32 $1.442695020e+00, v9;
	_ =	sdelay $0x1  }
0x180: {  	v10 =	vadd.f32 $1.650000000e+01, v10;
	_ =	sdelay $0x1  }
0x181: {  	v10 =	vtrunc.f32 v10  }
0x182: {  	v11 =	vcvt.f32.s32 v10;
	_ =	sdelay $0x1  }
0x183: {  	v10 =	vadd.s32 $0xFFFFFFF0, v11  }
0x184: {  	v10 =	vcvt.s32.f32 v10;
	_ =	sdelay $0x1  }
0x185: {  	v10 =	vmul.f32 $-6.931471820e-01, v10;
	_ =	sdelay $0x1  }
0x186: {  	v9 =	vadd.f32 v10, v9;
	_ =	sdelay $0x1  }
0x187: {  	v10 =	vmul.f32 $8.333333770e-03, v9;
	_ =	sdelay $0x1  }
0x188: {  	v10 =	vadd.f32 $4.166666790e-02, v10;
	_ =	sdelay $0x1  }
0x189: {  	v10 =	vmul.f32 v10, v9;
	_ =	sdelay $0x1  }
0x18a: {  	v10 =	vadd.f32 $1.666666720e-01, v10;
	_ =	sdelay $0x1  }
0x18b: {  	v10 =	vmul.f32 v10, v9;
	_ =	sdelay $0x1  }
0x18c: {  	v10 =	vadd.f32 $5.000000000e-01, v10;
	_ =	sdelay $0x1  }
0x18d: {  	v10 =	vmul.f32 v10, v9;
	_ =	sdelay $0x1  }
0x18e: {  	v10 =	vadd.f32 $1.000000000e+00, v10;
	_ =	sdelay $0x1  }
0x18f: {  	v10 =	vmul.f32 v10, v9  }
0x190: {  	s18 =	sadd.s32 $0x8, s16  }
0x191: {  	s11 =	simm.s32 $0x8;
	v11 =	vshll.u32 v11, $0x17;
	v9 =	vor.u32 s18, v6;
	s18 =	simm.s32 $0xC;
	v10 =	vadd.f32 $1.000000000e+00, v10  }
.LBB2_18:
0x192: {  	p3 =	sne.s32 s18, $0x3C;
	v11 =	vadd.s32 $0x37800000, v11  }
0x193: {  	v10 =	vmul.f32 v11, v10  }
0x194: {  	s8 =	sadd.s32 $0x10, s8  }
0x195: {  	[tilespmem:s8+$0x0] =	vst v10  }
0x196: {  	v10 =	vld.idx.msk [tilespmem:v9+s26+$0x0], $0xffff  }
0x197: {  	v9 =	vld.idx.msk [tilespmem:v9+s25+$0x0], $0xffff;
	_ =	sdelay $0x4  }
0x198: {  	v11 =	vmov s11;
	s11 =	smov.u32 s18;
	vm1 =	vlt.s32 v10, $0x1387  }
0x199: {  	v11 =	vshll.u32 v11, $0x7;
	v9 =	vshll.u32 v9, $0x2;
	v10 =	vnsel vm1, $0x1387, v10  }
0x19a: {  	v11 =	vor.u32 v7, v11;
	v9 =	vand.u32 $0x7C, v9;
	v10 =	vshll.u32 v10, $0x2  }
0x19b: {  	v9 =	vor.u32 v11, v9;
	v10 =	vor.u32 v8, v10  }
0x19c: {  	v9 =	vor.u32 v8, v9;
	_ =	sdelay $0x3  }
0x19d: {  	v10 =	vld.idx.msk [tilespmem:v10+s22+$0x0], $0xffff  }
0x19e: {  	v9 =	vld.idx.msk [tilespmem:v9+s30+$0x0], $0xffff;
	_ =	sdelay $0x5  }
0x19f: {  	v9 =	vadd.f32 v10, v9;
	_ =	sdelay $0x1  }
0x1a0: {  	v10 =	vmul.f32 $2.000000030e-01, v9  }
0x1a1: {  	vm1 =	vgt.f32 v9, $0.0e+00  }
0x1a2: {  	v9 =	vsel vm1, v9, v10  }
0x1a3: {  	v9 =	vmax.f32 v9, $-1.000000000e+01  }
0x1a4: {  	v10 =	vmul.f32 $1.442695020e+00, v9;
	_ =	sdelay $0x1  }
0x1a5: {  	v10 =	vadd.f32 $1.650000000e+01, v10;
	_ =	sdelay $0x1  }
0x1a6: {  	v10 =	vtrunc.f32 v10  }
0x1a7: {  	v11 =	vcvt.f32.s32 v10;
	_ =	sdelay $0x1  }
0x1a8: {  	v10 =	vadd.s32 $0xFFFFFFF0, v11  }
0x1a9: {  	v10 =	vcvt.s32.f32 v10;
	_ =	sdelay $0x1  }
0x1aa: {  	v10 =	vmul.f32 $-6.931471820e-01, v10;
	_ =	sdelay $0x1  }
0x1ab: {  	v9 =	vadd.f32 v10, v9;
	_ =	sdelay $0x1  }
0x1ac: {  	v10 =	vmul.f32 $8.333333770e-03, v9;
	_ =	sdelay $0x1  }
0x1ad: {  	v10 =	vadd.f32 $4.166666790e-02, v10;
	_ =	sdelay $0x1  }
0x1ae: {  	v10 =	vmul.f32 v10, v9;
	_ =	sdelay $0x1  }
0x1af: {  	v10 =	vadd.f32 $1.666666720e-01, v10;
	_ =	sdelay $0x1  }
0x1b0: {  	v10 =	vmul.f32 v10, v9;
	_ =	sdelay $0x1  }
0x1b1: {  	v10 =	vadd.f32 $5.000000000e-01, v10;
	_ =	sdelay $0x1  }
0x1b2: {  	v10 =	vmul.f32 v10, v9;
	_ =	sdelay $0x1  }
.Ltmp12:
0x1b3: {  	v10 =	vadd.f32 $1.000000000e+00, v10;
	(pc) =	sbr.rel @p3 .LBB2_18-.Ltmp12, $4  }
0x1b4: {  	_ = 	snop  }
0x1b5: {  	v10 =	vmul.f32 v10, v9  }
0x1b6: {  	s21 =	sadd.s32 s18, s16  }
0x1b7: {  	s18 =	sadd.s32 $0x4, s18;
	v11 =	vshll.u32 v11, $0x17;
	v9 =	vor.u32 s21, v6;
	v10 =	vadd.f32 $1.000000000e+00, v10  }
0x1b8: {  	v11 =	vadd.s32 $0x37800000, v11  }
0x1b9: {  	v10 =	vmul.f32 v11, v10  }
0x1ba: {  	s8 =	sadd.s32 $0x10, s8  }
0x1bb: {  	[tilespmem:s8+$0x0] =	vst v10  }
0x1bc: {  	v10 =	vld.idx.msk [tilespmem:v9+s26+$0x0], $0xffff  }
0x1bd: {  	v9 =	vld.idx.msk [tilespmem:v9+s25+$0x0], $0xffff;
	_ =	sdelay $0x3  }
0x1be: {  	v11 =	vmov s11;
	vm1 =	vlt.s32 v10, $0x1387  }
0x1bf: {  	v11 =	vshll.u32 v11, $0x7;
	v9 =	vshll.u32 v9, $0x2;
	v10 =	vnsel vm1, $0x1387, v10  }
0x1c0: {  	v11 =	vor.u32 v7, v11;
	v9 =	vand.u32 $0x7C, v9;
	v10 =	vshll.u32 v10, $0x2  }
0x1c1: {  	v9 =	vor.u32 v11, v9;
	v10 =	vor.u32 v8, v10  }
0x1c2: {  	v9 =	vor.u32 v8, v9;
	_ =	sdelay $0x3  }
0x1c3: {  	v10 =	vld.idx.msk [tilespmem:v10+s22+$0x0], $0xffff  }
0x1c4: {  	v9 =	vld.idx.msk [tilespmem:v9+s30+$0x0], $0xffff;
	_ =	sdelay $0x4  }
0x1c5: {  	v9 =	vadd.f32 v10, v9;
	_ =	sdelay $0x1  }
0x1c6: {  	v10 =	vmul.f32 $2.000000030e-01, v9  }
0x1c7: {  	vm1 =	vgt.f32 v9, $0.0e+00  }
0x1c8: {  	v9 =	vsel vm1, v9, v10  }
0x1c9: {  	v9 =	vmax.f32 v9, $-1.000000000e+01  }
0x1ca: {  	v10 =	vmul.f32 $1.442695020e+00, v9;
	_ =	sdelay $0x1  }
0x1cb: {  	v10 =	vadd.f32 $1.650000000e+01, v10;
	_ =	sdelay $0x1  }
0x1cc: {  	v10 =	vtrunc.f32 v10  }
0x1cd: {  	v10 =	vcvt.f32.s32 v10;
	_ =	sdelay $0x1  }
0x1ce: {  	v11 =	vadd.s32 $0xFFFFFFF0, v10  }
0x1cf: {  	v11 =	vcvt.s32.f32 v11;
	_ =	sdelay $0x1  }
0x1d0: {  	v11 =	vmul.f32 $-6.931471820e-01, v11;
	_ =	sdelay $0x1  }
0x1d1: {  	v9 =	vadd.f32 v11, v9;
	_ =	sdelay $0x1  }
0x1d2: {  	v11 =	vmul.f32 $8.333333770e-03, v9;
	_ =	sdelay $0x1  }
0x1d3: {  	v11 =	vadd.f32 $4.166666790e-02, v11;
	_ =	sdelay $0x1  }
0x1d4: {  	v11 =	vmul.f32 v11, v9;
	_ =	sdelay $0x1  }
0x1d5: {  	v11 =	vadd.f32 $1.666666720e-01, v11;
	_ =	sdelay $0x1  }
0x1d6: {  	v11 =	vmul.f32 v11, v9;
	_ =	sdelay $0x1  }
0x1d7: {  	v11 =	vadd.f32 $5.000000000e-01, v11;
	_ =	sdelay $0x1  }
0x1d8: {  	v11 =	vmul.f32 v11, v9;
	_ =	sdelay $0x1  }
0x1d9: {  	v11 =	vadd.f32 $1.000000000e+00, v11;
	_ =	sdelay $0x1  }
0x1da: {  	v9 =	vmul.f32 v11, v9  }
0x1db: {  	p3 =	seq.s32 s17, $0x0  }
.Ltmp13:
0x1dc: {  	v10 =	vshll.u32 v10, $0x17;
	v9 =	vadd.f32 $1.000000000e+00, v9;
	(pc) =	sbr.rel @p3 .LBB2_23-.Ltmp13, $4  }
0x1dd: {  	v10 =	vadd.s32 $0x37800000, v10  }
0x1de: {  	v9 =	vmul.f32 v10, v9  }
0x1df: {  	s8 =	sadd.s32 $0x10, s8  }
0x1e0: {  	[tilespmem:s8+$0x0] =	vst v9  }
0x1e1: {  	s8 =	sadd.s32 $0xFFFFFFC0, s16  }
0x1e2: {  	v9 =	vmov s8;
	_ =	sdelay $0x1  }
0x1e3: {  	_ =	swait.ge [sflag:s9], $0x4000  }
0x1e4: {  	[sflag:s9] =	ssyncset.done $0x0  }
0x1e5: {  	[sflag:s9] =	ssyncadd.s32 $0xFFFFC000  }
0x1e6: {  	v9 =	vld.idx.msk [tilespmem:v9+s26+$0x0], $0xffff;
	_ =	sdelay $0x1  }
0x1e7: {  	p3 =	por $0x0, $0x0  }
.Ltmp14:
0x1e8: {  	_ = 	snop;
	(pc) =	sbr.rel @p3 .LBB2_22-.Ltmp14, $4  }
0x1e9: {  	_ = 	snop  }
0x1ea: {  	v9 =	vshll.u32 v9, $0x2  }
0x1eb: {  	v9 =	vadd.s32 v3, v9  }
0x1ec: {  	s11 =	simm.s32 $0x2000;
	s8 =	simm.s32 $0xFFFFFFC1;
	v9 =	vand.u32 $0x7F, v9  }
.LBB2_21:
0x1ed: {  	s18 =	sadd.s32 s8, s16;
	v9 =	vor.u32 s11, v9;
	s11 =	smov.u32 s8;
	s8 =	sadd.s32 $0x1, s8  }
0x1ee: {  	v10 =	vmov s18;
	p3 =	seq.s32 s8, $0x0;
	_ =	sdelay $0x3  }
0x1ef: {  	[tilespmem:v9+s3+$0x0] =	vst.idx.msk $0xffff, v1  }
0x1f0: {  	v9 =	vld.idx.msk [tilespmem:v10+s26+$0x0], $0xffff;
	_ =	sdelay $0x3  }
.Ltmp15:
0x1f1: {  	(pc) =	sbr.rel @!p3 .LBB2_21-.Ltmp15, $4  }
0x1f2: {  	_ = 	snop  }
0x1f3: {  	v9 =	vshll.u32 v9, $0x2  }
0x1f4: {  	s11 =	sshll.u32 s11, $0x7;
	v9 =	vadd.s32 v3, v9  }
0x1f5: {  	s11 =	sadd.s32 $0x4000, s11;
	v9 =	vand.u32 $0x7F, v9  }
.LBB2_22:
0x1f6: {  	v9 =	vor.u32 s11, v9;
	_ =	sdelay $0x4  }
0x1f7: {  	[tilespmem:v9+s3+$0x0] =	vst.idx.msk $0xffff, v1  }
.LBB2_23:
0x1f8: {  	s11 =	simm.s32 $0x0  }
0x1f9: {  	v9 =	vmov s11  }
0x1fa: {  	_ =	swait.ge [sflag:s31], $0x2000  }
0x1fb: {  	s8 =	simm.s32 $0x2;
	[sflag:s31] =	ssyncset.done $0x0  }
0x1fc: {  	s18 =	simm.s32 $0x1;
	s21 =	simm.s32 $0x11D40;
	v10 =	vmov s8;
	[sflag:s31] =	ssyncadd.s32 $0xFFFFE000  }
0x1fd: {  	s23 =	simm.s32 $0x3;
	v11 =	vmov s18;
	v10 =	vand.u32 $0xFFFFFFFE, v10;
	v13 =	vld [tilespmem:s21+$0xFFFFFFC0]  }
0x1fe: {  	v12 =	vmov s23;
	v11 =	vand.u32 $0xFFFFFFFD, v11;
	v10 =	vbroadcast v10, $0x0;
	v9 =	vld.idx.msk [tilespmem:v9+s0+$0x0], $0xffff  }
0x1ff: {  	v11 =	vbroadcast v11, $0x0;
	_ =	sdelay $0x3  }
0x200: {  	v12 =	vld.idx.msk [tilespmem:v12+s0+$0x0], $0xffff;
	v13 =	vmul.f32 v13, v9  }
0x201: {  	s8 =	simm.s32 $0x15D40;
	v10 =	vld.idx.msk [tilespmem:v10+s0+$0x0], $0xffff  }
0x202: {  	v11 =	vld.idx.msk [tilespmem:v11+s0+$0x0], $0xffff;
	[tilespmem:s8+$0xFFFFFFC0] =	vst v13  }
0x203: {  	v13 =	vld [tilespmem:s21+$0xFFFFFFD0];
	_ =	sdelay $0x4  }
0x204: {  	v9 =	vmul.f32 v13, v9;
	_ =	sdelay $0x1  }
0x205: {  	[tilespmem:s8+$0xFFFFFFD0] =	vst v9  }
0x206: {  	v9 =	vld [tilespmem:s21+$0xFFFFFFE0];
	_ =	sdelay $0x4  }
0x207: {  	v9 =	vmul.f32 v9, v11;
	_ =	sdelay $0x1  }
0x208: {  	[tilespmem:s8+$0xFFFFFFE0] =	vst v9  }
0x209: {  	v9 =	vld [tilespmem:s21+$0xFFFFFFF0];
	_ =	sdelay $0x4  }
0x20a: {  	v9 =	vmul.f32 v9, v11;
	_ =	sdelay $0x1  }
0x20b: {  	[tilespmem:s8+$0xFFFFFFF0] =	vst v9  }
0x20c: {  	v9 =	vld [tilespmem:s21+$0x0];
	_ =	sdelay $0x4  }
0x20d: {  	v9 =	vmul.f32 v9, v10;
	_ =	sdelay $0x1  }
0x20e: {  	[tilespmem:s8+$0x0] =	vst v9  }
0x20f: {  	v9 =	vld [tilespmem:s21+$0x10];
	_ =	sdelay $0x4  }
0x210: {  	v9 =	vmul.f32 v9, v10;
	_ =	sdelay $0x1  }
0x211: {  	[tilespmem:s8+$0x10] =	vst v9  }
0x212: {  	v9 =	vld [tilespmem:s21+$0x20];
	_ =	sdelay $0x4  }
0x213: {  	v9 =	vmul.f32 v9, v12;
	_ =	sdelay $0x1  }
0x214: {  	[tilespmem:s8+$0x20] =	vst v9  }
0x215: {  	v9 =	vld [tilespmem:s21+$0x30]  }
0x216: {  	s24 =	sadd.s32 $0x40, s16  }
0x217: {  	s18 =	sadd.s32 $0xFFFFFFC0, s24  }
0x218: {  	v10 =	vmov s18;
	_ =	sdelay $0x1  }
0x219: {  	v9 =	vmul.f32 v9, v12;
	_ =	sdelay $0x1  }
0x21a: {  	[tilespmem:s8+$0x30] =	vst v9  }
0x21b: {  	v9 =	vld.idx.msk [tilespmem:v10+s26+$0x0], $0xffff;
	_ =	sdelay $0x1  }
0x21c: {  	v10 =	vor.u32 s11, v8;
	_ =	sdelay $0x2  }
0x21d: {  	v9 =	vshll.u32 v9, $0x2  }
0x21e: {  	v9 =	vadd.s32 v3, v9  }
0x21f: {  	s6 =	simm.s32 $0x2000;
	s23 =	simm.s32 $0x7;
	v11 =	vand.u32 $0x7F, v9;
	v9 =	vld.idx.msk [tilespmem:v10+s0+$0x0], $0xffff  }
0x220: {  	s24 =	simm.s32 $0xB;
	s18 =	simm.s32 $0x4;
	s11 =	simm.s32 $0x40;
	v10 =	vor.u32 s6, v11  }
.LBB2_24:
0x221: {  	p3 =	sne.s32 s24, $0xFF;
	v11 =	vmov s18;
	_ =	sdelay $0x2  }
0x222: {  	s6 =	sadd.s32 $0xFFFFFFFF, s23;
	v9 =	vnsel vm0, $0x0, v9  }
0x223: {  	s7 =	sadd.s32 $0xFFFFFFFE, s23;
	v12 =	vmov s6;
	[tilespmem:v10+s3+$0x0] =	vst.idx.msk $0xffff, v9  }
0x224: {  	s21 =	sadd.s32 $0x80, s21;
	v10 =	vmov s7;
	v9 =	vld.idx.msk [tilespmem:v11+s0+$0x0], $0xffff;
	v11 =	vand.u32 $0xFFFFFFFE, v12  }
0x225: {  	v10 =	vand.u32 $0xFFFFFFFD, v10;
	v12 =	vmov s23;
	s23 =	smov.u32 s24;
	v11 =	vbroadcast v11, $0x0;
	v13 =	vld [tilespmem:s21+$0xFFFFFFC0]  }
0x226: {  	v10 =	vbroadcast v10, $0x0;
	_ =	sdelay $0x3  }
0x227: {  	v12 =	vld.idx.msk [tilespmem:v12+s0+$0x0], $0xffff;
	v13 =	vmul.f32 v13, v9  }
0x228: {  	s8 =	sadd.s32 $0x80, s8;
	v11 =	vld.idx.msk [tilespmem:v11+s0+$0x0], $0xffff  }
0x229: {  	v10 =	vld.idx.msk [tilespmem:v10+s0+$0x0], $0xffff;
	[tilespmem:s8+$0xFFFFFFC0] =	vst v13  }
0x22a: {  	v13 =	vld [tilespmem:s21+$0xFFFFFFD0];
	_ =	sdelay $0x4  }
0x22b: {  	v9 =	vmul.f32 v13, v9;
	_ =	sdelay $0x1  }
0x22c: {  	[tilespmem:s8+$0xFFFFFFD0] =	vst v9  }
0x22d: {  	v9 =	vld [tilespmem:s21+$0xFFFFFFE0];
	_ =	sdelay $0x4  }
0x22e: {  	v9 =	vmul.f32 v9, v10;
	_ =	sdelay $0x1  }
0x22f: {  	[tilespmem:s8+$0xFFFFFFE0] =	vst v9  }
0x230: {  	v9 =	vld [tilespmem:s21+$0xFFFFFFF0];
	_ =	sdelay $0x4  }
0x231: {  	v9 =	vmul.f32 v9, v10;
	_ =	sdelay $0x1  }
0x232: {  	[tilespmem:s8+$0xFFFFFFF0] =	vst v9  }
0x233: {  	v9 =	vld [tilespmem:s21+$0x0];
	_ =	sdelay $0x4  }
0x234: {  	v9 =	vmul.f32 v9, v11;
	_ =	sdelay $0x1  }
0x235: {  	[tilespmem:s8+$0x0] =	vst v9  }
0x236: {  	v9 =	vld [tilespmem:s21+$0x10];
	_ =	sdelay $0x4  }
0x237: {  	v9 =	vmul.f32 v9, v11;
	_ =	sdelay $0x1  }
0x238: {  	[tilespmem:s8+$0x10] =	vst v9  }
0x239: {  	v9 =	vld [tilespmem:s21+$0x20];
	_ =	sdelay $0x4  }
0x23a: {  	v9 =	vmul.f32 v9, v12;
	_ =	sdelay $0x1  }
0x23b: {  	[tilespmem:s8+$0x20] =	vst v9  }
0x23c: {  	s11 =	sadd.s32 $0x1, s11;
	v9 =	vld [tilespmem:s21+$0x30]  }
0x23d: {  	s6 =	sadd.s32 s11, s16  }
0x23e: {  	s6 =	sadd.s32 $0xFFFFFFC0, s6  }
0x23f: {  	v10 =	vmov s6  }
0x240: {  	v11 =	vor.u32 s18, v8  }
0x241: {  	v9 =	vmul.f32 v9, v12;
	_ =	sdelay $0x1  }
0x242: {  	[tilespmem:s8+$0x30] =	vst v9  }
0x243: {  	v10 =	vld.idx.msk [tilespmem:v10+s26+$0x0], $0xffff  }
0x244: {  	v9 =	vld.idx.msk [tilespmem:v11+s0+$0x0], $0xffff;
	_ =	sdelay $0x3  }
.Ltmp16:
0x245: {  	(pc) =	sbr.rel @p3 .LBB2_24-.Ltmp16, $4  }
0x246: {  	v10 =	vshll.u32 v10, $0x2  }
0x247: {  	v10 =	vadd.s32 v3, v10  }
0x248: {  	s6 =	sshll.u32 s11, $0x7;
	v10 =	vand.u32 $0x7F, v10  }
0x249: {  	s24 =	sadd.s32 $0x4, s24;
	s18 =	sadd.s32 $0xFFFFFFFD, s23;
	v10 =	vor.u32 s6, v10  }
0x24a: {  	_ = 	snop  }
0x24b: {  	v11 =	vmov s18;
	_ =	sdelay $0x1  }
0x24c: {  	s6 =	sadd.s32 $0xFFFFFFFF, s23;
	v9 =	vnsel vm0, $0x0, v9  }
0x24d: {  	s7 =	sadd.s32 $0xFFFFFFFE, s23;
	s21 =	sadd.s32 $0x80, s21;
	v12 =	vmov s6;
	[tilespmem:v10+s3+$0x0] =	vst.idx.msk $0xffff, v9  }
0x24e: {  	v9 =	vmov s7;
	v10 =	vand.u32 $0xFFFFFFFE, v12;
	v13 =	vld [tilespmem:s21+$0xFFFFFFC0]  }
0x24f: {  	v63 =	vmov s23;
	v9 =	vand.u32 $0xFFFFFFFD, v9;
	v10 =	vbroadcast v10, $0x0;
	v11 =	vld.idx.msk [tilespmem:v11+s0+$0x0], $0xffff  }
0x250: {  	v9 =	vbroadcast v9, $0x0;
	_ =	sdelay $0x3  }
0x251: {  	v12 =	vld.idx.msk [tilespmem:v63+s0+$0x0], $0xffff;
	v13 =	vmul.f32 v13, v11  }
0x252: {  	s24 =	sadd.s32 $0x80, s8;
	v10 =	vld.idx.msk [tilespmem:v10+s0+$0x0], $0xffff  }
0x253: {  	v9 =	vld.idx.msk [tilespmem:v9+s0+$0x0], $0xffff;
	[tilespmem:s24+$0xFFFFFFC0] =	vst v13  }
0x254: {  	v13 =	vld [tilespmem:s21+$0xFFFFFFD0];
	_ =	sdelay $0x4  }
0x255: {  	v11 =	vmul.f32 v13, v11;
	_ =	sdelay $0x1  }
0x256: {  	[tilespmem:s24+$0xFFFFFFD0] =	vst v11  }
0x257: {  	v11 =	vld [tilespmem:s21+$0xFFFFFFE0];
	_ =	sdelay $0x4  }
0x258: {  	v11 =	vmul.f32 v11, v9;
	_ =	sdelay $0x1  }
0x259: {  	[tilespmem:s24+$0xFFFFFFE0] =	vst v11  }
0x25a: {  	v11 =	vld [tilespmem:s21+$0xFFFFFFF0];
	_ =	sdelay $0x4  }
0x25b: {  	v9 =	vmul.f32 v11, v9;
	_ =	sdelay $0x1  }
0x25c: {  	[tilespmem:s24+$0xFFFFFFF0] =	vst v9  }
0x25d: {  	v9 =	vld [tilespmem:s21+$0x0];
	_ =	sdelay $0x4  }
0x25e: {  	v9 =	vmul.f32 v9, v10;
	_ =	sdelay $0x1  }
0x25f: {  	[tilespmem:s24+$0x0] =	vst v9  }
0x260: {  	v9 =	vld [tilespmem:s21+$0x10];
	_ =	sdelay $0x4  }
0x261: {  	v9 =	vmul.f32 v9, v10;
	_ =	sdelay $0x1  }
0x262: {  	[tilespmem:s24+$0x10] =	vst v9  }
0x263: {  	v9 =	vld [tilespmem:s21+$0x20];
	_ =	sdelay $0x4  }
0x264: {  	v9 =	vmul.f32 v9, v12;
	_ =	sdelay $0x1  }
0x265: {  	[tilespmem:s24+$0x20] =	vst v9  }
0x266: {  	v9 =	vld [tilespmem:s21+$0x30];
	s21 =	sadd.s32 $0x1, s11  }
0x267: {  	s23 =	sadd.s32 s21, s16  }
0x268: {  	s8 =	sadd.s32 $0xFFFFFFC0, s23  }
0x269: {  	v10 =	vmov s8;
	_ =	sdelay $0x1  }
0x26a: {  	v9 =	vmul.f32 v9, v12;
	_ =	sdelay $0x1  }
0x26b: {  	[tilespmem:s24+$0x30] =	vst v9  }
0x26c: {  	v9 =	vld.idx.msk [tilespmem:v10+s26+$0x0], $0xffff;
	_ =	sdelay $0x1  }
0x26d: {  	v10 =	vor.u32 s18, v8;
	_ =	sdelay $0x2  }
0x26e: {  	v9 =	vshll.u32 v9, $0x2  }
0x26f: {  	v9 =	vadd.s32 v3, v9  }
0x270: {  	s6 =	sshll.u32 s21, $0x7;
	v10 =	vld.idx.msk [tilespmem:v10+s0+$0x0], $0xffff;
	v9 =	vand.u32 $0x7F, v9  }
0x271: {  	s24 =	sshll.u32 s17, $0x9;
	s17 =	sadd.s32 $0x1, s17;
	v9 =	vor.u32 s6, v9  }
0x272: {  	p3 =	sne.s32 s17, s15  }
.Ltmp17:
0x273: {  	_ = 	snop;
	(pc) =	sbr.rel @p3 .LBB2_17-.Ltmp17, $4  }
0x274: {  	_ = 	snop  }
0x275: {  	s6 =	sshra.s32 s24, $0x2;
	v10 =	vnsel vm0, $0x0, v10  }
0x276: {  	s16 =	sadd.s32 $0x40, s16;
	s6 =	sadd.s32 $0x11400, s6;
	[tilespmem:v9+s3+$0x0] =	vst.idx.msk $0xffff, v10  }
0x277: {  	[spmem:s1] =	stream.indirect.scatter.add.f32 [tilespmem:s3], [sflag:$0x2], $0x80, s6, s4, $0xb8;
	[tilespmem:$0x1A500] =	vst v63  }
0x278: {  	s8 =	sand.u32 $0xFFFFFFC0, s14  }
0x279: {  	s6 =	sadd.s32 $0xFFFFFFC0, s8  }
0x27a: {  	v9 =	vmov s6;
	_ =	sdelay $0x1  }
0x27b: {  	_ =	swait.ge [sflag:s9], $0x4000  }
0x27c: {  	[sflag:s9] =	ssyncset.done $0x0  }
0x27d: {  	[sflag:s9] =	ssyncadd.s32 $0xFFFFC000  }
0x27e: {  	v9 =	vld.idx.msk [tilespmem:v9+s26+$0x0], $0xffff;
	_ =	sdelay $0x1  }
0x27f: {  	p3 =	por $0x0, $0x0  }
.Ltmp18:
0x280: {  	_ = 	snop;
	(pc) =	sbr.rel @p3 .LBB2_28-.Ltmp18, $4  }
0x281: {  	_ = 	snop  }
0x282: {  	v9 =	vshll.u32 v9, $0x2  }
0x283: {  	v9 =	vadd.s32 v3, v9  }
0x284: {  	s11 =	simm.s32 $0xFFFFFFC1;
	s14 =	simm.s32 $0x2000;
	v9 =	vand.u32 $0x7F, v9  }
.LBB2_27:
0x285: {  	s6 =	sadd.s32 s11, s8;
	v9 =	vor.u32 s14, v9;
	s7 =	smov.u32 s11;
	s11 =	sadd.s32 $0x1, s11  }
0x286: {  	v10 =	vmov s6;
	p3 =	seq.s32 s11, $0x0;
	_ =	sdelay $0x3  }
0x287: {  	[tilespmem:v9+s3+$0x0] =	vst.idx.msk $0xffff, v1  }
0x288: {  	v9 =	vld.idx.msk [tilespmem:v10+s26+$0x0], $0xffff;
	_ =	sdelay $0x3  }
.Ltmp19:
0x289: {  	(pc) =	sbr.rel @!p3 .LBB2_27-.Ltmp19, $4  }
0x28a: {  	_ = 	snop  }
0x28b: {  	v9 =	vshll.u32 v9, $0x2  }
0x28c: {  	s6 =	sshll.u32 s7, $0x7;
	v9 =	vadd.s32 v3, v9  }
0x28d: {  	s14 =	sadd.s32 $0x4000, s6;
	v9 =	vand.u32 $0x7F, v9  }
.Ltmp20:
0x28e: {  	_ = 	snop;
	(pc) =	sbr.rel .LBB2_28-.Ltmp20, $1  }
0x28f: {  	_ =	sdelay $0x3  }
.LBB2_12:
.Ltmp21:
0x290: {  	(pc) =	sbr.rel .LBB2_16-.Ltmp21, $2  }
0x291: {  	_ =	sdelay $0x2  }
0x292: {  	s8 =	simm.s32 $0x0;
	s11 =	simm.s32 $0x0  }
.LBB2_14:
.Ltmp22:
0x293: {  	(pc) =	sbr.rel .LBB2_16-.Ltmp22, $2  }
0x294: {  	_ =	sdelay $0x2  }
0x295: {  	s8 =	simm.s32 $0x0;
	s11 =	simm.s32 $0x0  }
.LBB2_31:
0x296: {  	_ =	sfence.sel $0x180000  }
0x297: {  	[bflag:$0x0] =	sbarrier.arrive $0xFFFF  }
0x298: {  	_ =	strace $0x9000004D  }
0x299: {  	s0 =	stileid.u32;
	[bflag:$0x2] =	sbarrier.arrive $0xFFFF  }
0x29a: {  	p0 =	sne.s32 s0, $0x0;
	s0 =	rddreg [dreg:$0x3]  }
0x29b: {  	s0 =	sadd.s32 @!p0 $0x100000, s0  }
0x29c: {  	[sflag:s0] =	ssyncadd.tile.s32 @!p0 $0x1;
	_ =	shalt  }
.Lfunc_end2:
_tile_overlayer_lowered:
.L_overlay_start_2:
0x29d: {  	(tag) =	ssettag $0x2  }
0x29e: {  	s0 =	rddreg [dreg:$0x0];
	s2 =	stileid.u32  }
0x29f: {  	s1 =	rddreg [dreg:$0x1];
	p0 =	sne.s32 s2, $0x0  }
0x2a0: {  	s3 =	rddreg [dreg:$0x2];
	[bflag:$0x3] =	sbarrier.arrive $0xFFFF;
	s2 =	simm.s32 @!p0 $0x1C03  }
0x2a1: {  	[timem:s3], [sflag:s2] =	dma.local @!p0 [hbm:s0], s1  }
0x2a2: {  	s0 =	simm.s32 @!p0 $0x3  }
0x2a3: {  	_ =	swait.ge @!p0 [sflag:s0], s1  }
0x2a4: {  	s1 =	ssub.s32 @!p0 $0x0, s1;
	[sflag:s0] =	ssyncset.done @!p0 $0x0  }
0x2a5: {  	[sflag:s0] =	ssyncadd.s32 @!p0 s1  }
0x2a6: {  	[bflag:$0x3] =	sbarrier.arrive $0xFFFF  }
0x2a7: {  	_ =	shalt  }

// kernel: kernel.9.cloned.1.call-start
scs
__scs_entry_jumppad:
0x0: {  	(pc) =	sbr.rel $0x88, $3  }
0x1: {  	(tag) =	ssettag $0x0;
	lr =	simm.s32 $0x1  }
0x2: {  	[smem:$0x3F93] =	sst lr;
	_ =	strace $0xD0000000  }
0x3: {  	_ = 	snop  }
0x4: {  	_ = 	snop  }
0x5: {  	_ = 	snop  }
0x6: {  	_ = 	snop  }
0x7: {  	_ = 	snop  }
__scs_overlays_trampoline_lowered:
0x8: {  	[smem:$0x3FA2] =	sst s0  }
0x9: {  	[smem:$0x3FA3] =	sst s1  }
0xa: {  	[smem:$0x3FA4] =	sst s2  }
0xb: {  	[smem:$0x3FA5] =	sst s3  }
0xc: {  	[smem:$0x3FA6] =	sst s4  }
0xd: {  	[smem:$0x3FA7] =	sst s5  }
0xe: {  	[smem:$0x3FA8] =	sst s6  }
0xf: {  	[smem:$0x3FA9] =	sst s7  }
0x10: {  	[smem:$0x3FAA] =	sst s8  }
0x11: {  	[smem:$0x3FAB] =	sst s9;
	s0 =	simm.s32 @!p0 $0x0  }
0x12: {  	s1 =	sld [smem:$0x3F91];
	s0 =	simm.s32 @p0 $0x1  }
0x13: {  	[smem:$0x3FAC] =	sst s0;
	s0 =	simm.s32 @!p1 $0x0  }
0x14: {  	s2 =	sld [smem:$0x3F90];
	s0 =	simm.s32 @p1 $0x1  }
0x15: {  	[smem:$0x3FAD] =	sst s0;
	s0 =	simm.s32 @!p2 $0x0  }
0x16: {  	s3 =	sld [smem:$0x3FDB];
	s0 =	simm.s32 @p2 $0x1  }
0x17: {  	s4 =	simm.s32 $0x1BF5;
	[smem:$0x3FAF] =	sst s0  }
0x18: {  	s0 =	sld [smem:$0x3F92];
	_ =	swait.ge [sflag:s4], $0x0  }
0x19: {  	s7 =	sld [smem:$0x3F93]  }
0x1a: {  	s8 =	sadd.s32 $0xFFFFE003, lr  }
0x1b: {  	s9 =	sadd.s32 $0xFFFFFEF7, lr;
	s5 =	simm.s32 $0xFFFFFFFF;
	p2 =	slt.u32 s8, $0xFFFFF086  }
0x1c: {  	p1 =	slt.u32 s9, $0xF7A;
	s5 =	simm.s32 @!p2 $0x0  }
0x1d: {  	s5 =	simm.s32 @p1 $0x1;
	p0 =	seq.s32 s7, s2  }
0x1e: {  	s7 =	smul.u32 @!p0 $0xF7A, s2;
	p2 =	seq.s32 @!p0 s5, $0x0  }
0x1f: {  	s9 =	smul.u32 $0xF7A, s1;
	s8 =	simm.s32 @!p0 $0x1BF5;
	p2 =	por !p2, p0  }
0x20: {  	[sflag:s8] =	ssyncset.s32 @!p0 $0xFFFFF086;
	s6 =	sadd.s32 @!p0 s3, s7;
	s7 =	simm.s32 @!p0 $0x108  }
0x21: {  	s3 =	sadd.s32 s3, s9;
	s6 =	sadd.s32 @!p0 $0x88, s6;
	s7 =	simm.s32 @p2 $0x1082  }
0x22: {  	[simem:s7], [sflag:s8] =	dma.local @!p0 [hbm:s6], $0xF7A  }
0x23: {  	s9 =	sor.u32 $0xD0000000, s2;
	s6 =	simm.s32 $0x108;
	_ =	swait.ge @!p0 [sflag:s8], $0x0  }
0x24: {  	s3 =	sadd.s32 $0x88, s3;
	s6 =	simm.s32 @!p1 $0x1082;
	[sflag:s4] =	ssyncset.s32 $0xFFFFF086  }
0x25: {  	[simem:s6], [sflag:s4] =	dma.local [hbm:s3], $0xF7A  }
0x26: {  	[smem:$0x3F93] =	sst s1;
	(tag) =	ssettag s2;
	_ =	strace s9  }
0x27: {  	s1 =	sld [smem:$0x3FA3]  }
0x28: {  	s2 =	sld [smem:$0x3FA4]  }
0x29: {  	s4 =	sld [smem:$0x3FA6]  }
0x2a: {  	p0 =	seq.s32 s5, $0x0;
	s5 =	sld [smem:$0x3FA7]  }
0x2b: {  	s6 =	sld [smem:$0x3FA8]  }
0x2c: {  	s7 =	sld [smem:$0x3FA9]  }
0x2d: {  	s3 =	simm.s32 $0x108;
	s8 =	sld [smem:$0x3FAA]  }
0x2e: {  	s3 =	simm.s32 @!p0 $0x1082;
	s9 =	sld [smem:$0x3FAB]  }
0x2f: {  	lr =	sadd.s32 s0, s3;
	s0 =	sld [smem:$0x3FA2]  }
0x30: {  	s3 =	sld [smem:$0x3FA5]  }
0x31: {  	[smem:$0x3FAE] =	sst s10  }
0x32: {  	s10 =	sld [smem:$0x3FAC];
	_ =	sdelay $0x3  }
0x33: {  	p0 =	seq.s32 s10, $0x1;
	s10 =	sld [smem:$0x3FAE];
	_ =	sdelay $0x3  }
0x34: {  	[smem:$0x3FAE] =	sst s10  }
0x35: {  	s10 =	sld [smem:$0x3FAD];
	_ =	sdelay $0x3  }
0x36: {  	p1 =	seq.s32 s10, $0x1;
	s10 =	sld [smem:$0x3FAE];
	_ =	sdelay $0x3  }
0x37: {  	[smem:$0x3FAE] =	sst s10  }
0x38: {  	s10 =	sld [smem:$0x3FAF]  }
0x39: {  	_ = 	snop;
	(pc) =	sbr.ind lr, $3  }
0x3a: {  	_ = 	snop  }
0x3b: {  	_ = 	snop  }
0x3c: {  	p2 =	seq.s32 s10, $0x1;
	s10 =	sld [smem:$0x3FAE]  }
0x3d: {  	_ =	shalt  }
0x3e: {  	_ =	shalt  }
0x3f: {  	_ =	shalt  }
0x40: {  	_ =	shalt  }
0x41: {  	_ =	shalt  }
0x42: {  	_ =	shalt  }
0x43: {  	_ =	shalt  }
0x44: {  	_ =	shalt  }
0x45: {  	_ =	shalt  }
0x46: {  	_ =	shalt  }
0x47: {  	_ =	shalt  }
0x48: {  	_ =	shalt  }
0x49: {  	_ =	shalt  }
0x4a: {  	_ =	shalt  }
0x4b: {  	_ =	shalt  }
0x4c: {  	_ =	shalt  }
0x4d: {  	_ =	shalt  }
0x4e: {  	_ =	shalt  }
0x4f: {  	_ =	shalt  }
0x50: {  	_ =	shalt  }
0x51: {  	_ =	shalt  }
0x52: {  	_ =	shalt  }
0x53: {  	_ =	shalt  }
0x54: {  	_ =	shalt  }
0x55: {  	_ =	shalt  }
0x56: {  	_ =	shalt  }
0x57: {  	_ =	shalt  }
0x58: {  	_ =	shalt  }
0x59: {  	_ =	shalt  }
0x5a: {  	_ =	shalt  }
0x5b: {  	_ =	shalt  }
0x5c: {  	_ =	shalt  }
0x5d: {  	_ =	shalt  }
0x5e: {  	_ =	shalt  }
0x5f: {  	_ =	shalt  }
0x60: {  	_ =	shalt  }
0x61: {  	_ =	shalt  }
0x62: {  	_ =	shalt  }
0x63: {  	_ =	shalt  }
0x64: {  	_ =	shalt  }
0x65: {  	_ =	shalt  }
0x66: {  	_ =	shalt  }
0x67: {  	_ =	shalt  }
0x68: {  	_ =	shalt  }
0x69: {  	_ =	shalt  }
0x6a: {  	_ =	shalt  }
0x6b: {  	_ =	shalt  }
0x6c: {  	_ =	shalt  }
0x6d: {  	_ =	shalt  }
0x6e: {  	_ =	shalt  }
0x6f: {  	_ =	shalt  }
0x70: {  	_ =	shalt  }
0x71: {  	_ =	shalt  }
0x72: {  	_ =	shalt  }
0x73: {  	_ =	shalt  }
0x74: {  	_ =	shalt  }
0x75: {  	_ =	shalt  }
0x76: {  	_ =	shalt  }
0x77: {  	_ =	shalt  }
0x78: {  	_ =	shalt  }
0x79: {  	_ =	shalt  }
0x7a: {  	_ =	shalt  }
0x7b: {  	_ =	shalt  }
0x7c: {  	_ =	shalt  }
0x7d: {  	_ =	shalt  }
0x7e: {  	_ =	shalt  }
0x7f: {  	_ =	shalt  }
0x80: {  	_ =	shalt  }
0x81: {  	_ =	shalt  }
0x82: {  	_ =	shalt  }
0x83: {  	_ =	shalt  }
0x84: {  	_ =	shalt  }
0x85: {  	_ =	shalt  }
0x86: {  	_ =	shalt  }
0x87: {  	_ =	shalt  }
.Lfunc_end0:
.L_simem_size_0:
called_computation_lowered:
.L_overlay_start_0:
0x88: {  	s2 =	sld [smem:$0x3FD9]  }
0x89: {  	s3 =	sld [smem:$0x3FFE];
	_ =	sdelay $0x1  }
0x8a: {  	s1 =	srdreg.scid  }
0x8b: {  	s0 =	sand.u32 $0x1, s1  }
0x8c: {  	s16 =	sshll.u32 s0, $0xA;
	s2 =	sadd.s32 s3, s2  }
0x8d: {  	s2 =	sadd.s32 s2, s16  }
0x8e: {  	[smem:$0x3FBA] =	sst s2  }
0x8f: {  	_ = 	snop  }
0x90: {  	(tm) =	ssettm $0x1  }
0x91: {  	s17 =	sld [smem:$0x3FFB];
	_ =	sdelay $0x3  }
0x92: {  	_ =	strace s17  }
0x93: {  	s2 =	sld [smem:$0x3FFC];
	_ =	sdelay $0x3  }
0x94: {  	_ =	strace s2  }
0x95: {  	s2 =	sld [smem:$0x3FFD];
	_ =	sdelay $0x3  }
0x96: {  	_ =	strace s2  }
0x97: {  	_ =	strace $0x8FFFFFFF  }
0x98: {  	s18 =	sld [smem:$0x3FDB];
	_ =	sdelay $0x1  }
0x99: {  	s19 =	simm.s32 $_scs_section_size  }
0x9a: {  	s4 =	simm.s32 $_size__tile_overlayer_lowered;
	s5 =	simm.s32 $_tile_overlayer_lowered  }
0x9b: {  	s22 =	simm.s32 $0x1BFF;
	s21 =	sshll.u32 s5, $0x1;
	s2 =	sadd.s32 s19, s18  }
0x9c: {  	s6 =	simm.s32 $0x0;
	s20 =	sshll.u32 s4, $0x1;
	s4 =	sadd.s32 s21, s2  }
0x9d: {  	[timem:s6], [sflag:s22] =	dma.local [hbm:s4], s20  }
0x9e: {  	_ =	swait.ge [sflag:s22], s20  }
0x9f: {  	s3 =	ssub.s32 $0x0, s20;
	[sflag:s22] =	ssyncset.done $0x0  }
0xa0: {  	[sflag:s22] =	ssyncadd.s32 s3;
	_ =	sdelay $0x1  }
0xa1: {  	s23 =	simm.s32 $0x1B8B  }
0xa2: {  	_ =	swait.ge [sflag:s23], $0x1  }
0xa3: {  	[sflag:s23] =	ssyncset.done $0x0  }
0xa4: {  	s25 =	simm.s32 $0x1B8E;
	s24 =	sld [smem:$0x3FFE];
	[sflag:s23] =	ssyncadd.s32 $0xFFFFFFFF  }
0xa5: {  	s26 =	simm.s32 $execute0_lowered;
	[smem:$0x3FD2] =	sst s25  }
0xa6: {  	s4 =	sshll.u32 s26, $0x1;
	_ =	strace $0x80000046;
	[dreg:$0x1] =	wrdreg $0xFFFFFFFF  }
0xa7: {  	s28 =	simm.s32 $_size_execute0_lowered;
	s2 =	sadd.s32 s2, s4;
	[dreg:$0x0] =	wrdreg $0x0  }
0xa8: {  	s4 =	sshll.u32 s28, $0x1;
	[dreg:$0x2] =	wrdreg s2  }
0xa9: {  	[dreg:$0x3] =	wrdreg s4  }
0xaa: {  	[dreg:$0x4] =	wrdreg $0xC0  }
0xab: {  	_ =	task [dreg:s6], $0x5FFFF  }
0xac: {  	[dreg:$0x1] =	wrdreg $0xFFFFFFFF  }
0xad: {  	[dreg:$0x0] =	wrdreg $0x60  }
0xae: {  	[dreg:$0x2] =	wrdreg s24  }
0xaf: {  	[dreg:$0x3] =	wrdreg $0x0  }
0xb0: {  	[dreg:$0x4] =	wrdreg $0xA8000  }
0xb1: {  	[dreg:$0x5] =	wrdreg $0x9  }
0xb2: {  	_ =	task.clear_ibuf [dreg:s6], $0x6FFFF;
	_ =	strace $0x90000046  }
0xb3: {  	s29 =	simm.s32 $0x9;
	_ =	strace $0x80000048  }
0xb4: {  	_ =	swait.ge [sflag:s29], $0x1  }
0xb5: {  	[sflag:s29] =	ssyncadd.s32 $0xFFFFFFFF  }
0xb6: {  	_ =	strace $0x90000048  }
0xb7: {  	_ =	sfence  }
0xb8: {  	s30 =	sld [smem:$0x0];
	_ =	sdelay $0x2  }
0xb9: {  	s31 =	sshll.u32 s1, $0xD;
	s1 =	sshrl.u32 s1, $0x2  }
0xba: {  	s3 =	sand.u32 $0x4000, s31;
	s1 =	sadd.s32 s1, s30  }
0xbb: {  	s0 =	sor.u32 s3, s0;
	s1 =	sshll.u32 s1, $0x11  }
0xbc: {  	s0 =	sor.u32 s1, s0  }
0xbd: {  	s0 =	sadd.s32 $0x8F2B, s0  }
0xbe: {  	[sflag:s0] =	ssyncadd.remote.s32 $0x1  }
0xbf: {  	_ =	sfence.sel $0xFFFF  }
0xc0: {  	[dreg:$0x0] =	wrdreg $0xFFFFFFFF;
	(pc) =	sbr.abs _section_cstart, $3  }
0xc1: {  	[dreg:$0x1] =	wrdreg $0xFFFFFFFF  }
0xc2: {  	_ =	task.clear_ibuf [dreg:s6], $0x2FFFF;
	_ =	strace $0x9FFFFFFF  }
0xc3: {  	(tm) =	ssettm $0x7FFFFFFF  }
tec
execute0_lowered:
.L_overlay_start_1:
0x0: {  	(tag) =	ssettag $0x1  }
0x1: {  	s0 =	rddreg [dreg:$0x0]  }
0x2: {  	s1 =	rddreg [dreg:$0x1]  }
0x3: {  	s2 =	rddreg [dreg:$0x2]  }
0x4: {  	s4 =	simm.s32 $0x0;
	s3 =	srdreg.scid;
	s6 =	stileid.u32  }
0x5: {  	s28 =	simm.s32 $0x11000;
	s29 =	simm.s32 $0x40;
	s30 =	simm.s32 $0x13D00  }
0x6: {  	s31 =	simm.s32 $0x1;
	[smem:$0x7FF] =	sst s4;
	s3 =	sand.u32 $0x1, s3  }
0x7: {  	s5 =	sadd.s32 $0x3C00, s0;
	s9 =	sadd.s32 $0x2AE00, s0;
	s11 =	sshll.u32 s6, $0xB  }
0x8: {  	s7 =	sadd.s32 $0x41200, s0;
	s15 =	sadd.s32 $0x2D800, s0;
	s10 =	smul.u32 $0x2A000, s6  }
0x9: {  	s12 =	sadd.s32 $0x56000, s0;
	s16 =	smul.u32 $0x138, s6;
	s21 =	sor.u32 $0x10, s6  }
0xa: {  	s23 =	sshll.u32 s6, $0x8;
	p0 =	sne.s32 s6, $0xF;
	s14 =	smul.u32 $0x9C4, s3  }
0xb: {  	_ =	strace $0x80000047;
	s8 =	smul.u32 $0x5000, s3;
	[dreg:$0x4] =	wrdreg s7  }
0xc: {  	[dreg:$0x5] =	wrdreg s15;
	s13 =	ssub.s32 $0x2, s3;
	s15 =	smul.u32 $0x27000, s6  }
0xd: {  	s18 =	sadd.s32 s11, s1;
	s26 =	sadd.s32 s11, s2;
	s10 =	sshrl.u32 s10, $0x2  }
0xe: {  	[dreg:$0x11] =	wrdreg s26;
	s4 =	sadd.s32 s14, s0;
	s7 =	sadd.s32 s10, s1  }
0xf: {  	s24 =	sshll.u32 s21, $0x8;
	s4 =	sadd.s32 $0x2C400, s4;
	[dreg:$0x6] =	wrdreg s7  }
0x10: {  	p2 =	sgt.u32 @p0 s6, $0x9;
	s20 =	sadd.s32 $0x800, s7;
	[dreg:$0x7] =	wrdreg s4  }
0x11: {  	p1 =	sgt.u32 s21, $0x14;
	s22 =	sadd.s32 $0x1000, s7;
	[dreg:$0xc] =	wrdreg s20  }
0x12: {  	s8 =	sadd.s32 s8, s11;
	s25 =	sadd.s32 $0x1800, s7;
	[dreg:$0xd] =	wrdreg s22  }
0x13: {  	s14 =	sshrl.u32 s13, $0x1;
	s11 =	sadd.s32 $0x2800, s7;
	[dreg:$0x10] =	wrdreg s25  }
0x14: {  	s17 =	sshrl.u32 s15, $0x2;
	s15 =	sadd.s32 $0x4800, s7;
	[dreg:$0x17] =	wrdreg s11  }
0x15: {  	s13 =	ssub.s32 s13, s14;
	s26 =	sadd.s32 $0xA000, s7;
	[dreg:$0x1b] =	wrdreg s15  }
0x16: {  	p2 =	por p2, !p0;
	s19 =	smax.u32 s13, $0x1;
	[smem:$0x7FD] =	sst s26  }
0x17: {  	s8 =	sshrl.u32 s8, $0x3;
	s13 =	sadd.s32 $0x3800, s7;
	[dreg:$0xb] =	wrdreg s19  }
0x18: {  	s4 =	sadd.s32 s17, s1;
	s17 =	sadd.s32 $0x5800, s7;
	[dreg:$0x19] =	wrdreg s13  }
0x19: {  	s8 =	sadd.s32 s8, s0;
	s20 =	sadd.s32 $0x7000, s7;
	[dreg:$0x1d] =	wrdreg s17  }
0x1a: {  	s0 =	smul.u32 $0x1388, s3;
	s22 =	sadd.s32 $0x8000, s7;
	[smem:$0x7F7] =	sst s20  }
0x1b: {  	s3 =	smul.u32 $0x9C400, s3;
	s25 =	sadd.s32 $0x9800, s7;
	[smem:$0x7F9] =	sst s22  }
0x1c: {  	s8 =	sadd.s32 $0x54C00, s8;
	s19 =	sadd.s32 $0x6800, s7;
	[smem:$0x7FC] =	sst s25  }
0x1d: {  	s14 =	sadd.s32 s16, s0;
	s3 =	sshrl.u32 s3, $0x3;
	[dreg:$0x9] =	wrdreg s8  }
0x1e: {  	s16 =	sadd.s32 $0x5000, s7;
	[dreg:$0x1f] =	wrdreg s19;
	s14 =	sshll.u32 s14, $0x4  }
0x1f: {  	s3 =	sadd.s32 s12, s3;
	[dreg:$0x1c] =	wrdreg s16;
	s14 =	sadd.s32 s12, s14  }
0x20: {  	s10 =	smul.u32 $0x9C40, s6;
	s3 =	sadd.s32 $0x12480, s3;
	[dreg:$0x8] =	wrdreg s14  }
0x21: {  	s26 =	simm.s32 $0x10C00;
	s12 =	sadd.s32 s9, s23;
	[dreg:$0xa] =	wrdreg s3  }
0x22: {  	s20 =	simm.s32 $0x11D00;
	s9 =	sadd.s32 s9, s24;
	[dreg:$0xe] =	wrdreg s12  }
0x23: {  	s22 =	simm.s32 $0xB280;
	s23 =	sadd.s32 $0x8800, s7;
	[dreg:$0xf] =	wrdreg s9  }
0x24: {  	s25 =	simm.s32 $0x10800;
	s24 =	sadd.s32 $0x9000, s7;
	[smem:$0x7FA] =	sst s23  }
0x25: {  	s8 =	sadd.s32 $0x92400, s1;
	s9 =	sadd.s32 $0x2000, s7;
	[smem:$0x7FB] =	sst s24  }
0x26: {  	s19 =	simm.s32 $0x3;
	s12 =	sadd.s32 $0x3000, s7;
	[dreg:$0x16] =	wrdreg s9  }
0x27: {  	s14 =	sadd.s32 $0x9C800, s18;
	s18 =	sadd.s32 $0x6000, s7;
	[dreg:$0x18] =	wrdreg s12  }
0x28: {  	s3 =	sshll.u32 s21, $0xB;
	s21 =	sadd.s32 $0x7800, s7;
	[dreg:$0x1e] =	wrdreg s18  }
0x29: {  	v0 =	vmov s0;
	s0 =	simm.s32 $0x11C00;
	s3 =	sadd.s32 s3, s2;
	[smem:$0x7F8] =	sst s21  }
.Ltmp0:
0x2a: {  	[dreg:$0x12] =	wrdreg s3;
	s3 =	sshrl.u32 @p0 s4, $0x3;
	(pc) =	sbr.rel .LBB2_1-.Ltmp0, $4  }
0x2b: {  	s9 =	simm.s32 $0x2;
	[dreg:$0x13] =	wrdreg s3;
	s3 =	sshrl.u32 @!p2 s14, $0x3  }
0x2c: {  	v1 =	vimm.f32 $0.0e+00;
	v2 =	vimm.s32 $0x0;
	v3 =	vlaneseq.u32;
	s12 =	simm.s32 $0x0;
	s14 =	sadd.s32 $0x4000, s7;
	[dreg:$0x14] =	wrdreg s3  }
0x2d: {  	v4 =	vimm.s32 $0x1388;
	vm0 =	vmmov $0xf;
	v6 =	vshrl.u32 v3, $0x2;
	s4 =	simm.s32 $0x80;
	s3 =	sshrl.u32 @!p0 s8, $0x3;
	[dreg:$0x1a] =	wrdreg s14  }
0x2e: {  	v5 =	vor.u32 $0x3F0, v3;
	v8 =	vand.u32 $0x3, v3;
	v7 =	vmul.u32 $0x80, v6;
	s8 =	simm.s32 $0x0;
	[dreg:$0x15] =	wrdreg s3;
	s3 =	simm.s32 $0x15D00  }
.LBB2_30:
0x2f: {  	s6 =	stileid.u32;
	[bflag:$0x0] =	sbarrier.arrive $0xFFFF  }
0x30: {  	s6 =	sshll.u32 @p0 s6, $0x6;
	s7 =	rddreg [dreg:$0x8]  }
0x31: {  	s8 =	rddreg [dreg:$0x13];
	s6 =	sor.u32 @p0 $0x1C03, s6  }
0x32: {  	[hbm:s7], [sflag:s6] =	dma.local @p0 [spmem:s8], $0x1380  }
0x33: {  	s7 =	simm.s32 @p0 $0x3  }
0x34: {  	_ =	swait.ge @p0 [sflag:s7], $0x1380  }
0x35: {  	[sflag:s7] =	ssyncset.done @p0 $0x0;
	s8 =	rddreg [dreg:$0x14]  }
0x36: {  	[sflag:s7] =	ssyncadd.s32 @p0 $0xFFFFEC80;
	s7 =	rddreg [dreg:$0x9]  }
0x37: {  	[hbm:s7], [sflag:s6] =	dma.local @!p2 [spmem:s8], $0x100  }
0x38: {  	s6 =	simm.s32 @!p2 $0x3  }
0x39: {  	_ =	swait.ge @!p2 [sflag:s6], $0x100  }
0x3a: {  	[sflag:s6] =	ssyncset.done @!p2 $0x0;
	s7 =	rddreg [dreg:$0xa]  }
0x3b: {  	s8 =	rddreg [dreg:$0x15];
	[sflag:s6] =	ssyncadd.s32 @!p2 $0xFFFFFF00;
	s6 =	simm.s32 @!p0 $0x1FC3  }
0x3c: {  	[hbm:s7], [sflag:s6] =	dma.local @!p0 [spmem:s8], $0x1400  }
0x3d: {  	s6 =	simm.s32 @!p0 $0x3  }
0x3e: {  	_ =	swait.ge @!p0 [sflag:s6], $0x1400  }
0x3f: {  	s23 =	sld [smem:$0x7F6];
	_ =	sdelay $0x2  }
0x40: {  	s24 =	rddreg [dreg:$0xb];
	s8 =	sadd.s32 $0x1, s23  }
0x41: {  	p3 =	sne.s32 s8, s24  }
.Ltmp1:
0x42: {  	_ = 	snop;
	(pc) =	sbr.rel @!p3 .LBB2_31-.Ltmp1, $3  }
0x43: {  	_ =	sdelay $0x1  }
0x44: {  	[sflag:s6] =	ssyncset.done @!p0 $0x0  }
0x45: {  	[sflag:s6] =	ssyncadd.s32 @!p0 $0xFFFFEC00  }
.LBB2_1:
0x46: {  	[smem:$0x7F6] =	sst s8;
	s8 =	simm.s32 $0x0;
	s11 =	simm.s32 $0x200  }
.LBB2_2:
0x47: {  	p3 =	sne.s32 s11, $0x1E00;
	[tilespmem:s8+$0x19D70] =	vst v1  }
0x48: {  	[tilespmem:s8+$0x19D00] =	vst v1  }
0x49: {  	[tilespmem:s8+$0x19D10] =	vst v1  }
.Ltmp2:
0x4a: {  	[tilespmem:s8+$0x19D20] =	vst v1;
	(pc) =	sbr.rel @p3 .LBB2_2-.Ltmp2, $4  }
0x4b: {  	[tilespmem:s8+$0x19D30] =	vst v1  }
0x4c: {  	[tilespmem:s8+$0x19D40] =	vst v1  }
0x4d: {  	[tilespmem:s8+$0x19D50] =	vst v1  }
0x4e: {  	[tilespmem:s8+$0x19D60] =	vst v1;
	s8 =	sshra.s32 s11, $0x2;
	s11 =	sadd.s32 $0x200, s11  }
0x4f: {  	[tilespmem:s8+$0x19D70] =	vst v1  }
0x50: {  	[tilespmem:s8+$0x19D00] =	vst v1  }
0x51: {  	[tilespmem:s8+$0x19D10] =	vst v1  }
0x52: {  	[tilespmem:s8+$0x19D20] =	vst v1  }
0x53: {  	[tilespmem:s8+$0x19D30] =	vst v1  }
0x54: {  	[tilespmem:s8+$0x19D40] =	vst v1  }
0x55: {  	[tilespmem:s8+$0x19D50] =	vst v1  }
0x56: {  	[tilespmem:s8+$0x19D60] =	vst v1;
	s8 =	simm.s32 $0x0;
	s11 =	simm.s32 $0x200  }
.LBB2_4:
0x57: {  	p3 =	sne.s32 s11, $0x7E00;
	[tilespmem:s8+$0x17D70] =	vst v1  }
0x58: {  	[tilespmem:s8+$0x17D00] =	vst v1  }
0x59: {  	[tilespmem:s8+$0x17D10] =	vst v1  }
.Ltmp3:
0x5a: {  	[tilespmem:s8+$0x17D20] =	vst v1;
	(pc) =	sbr.rel @p3 .LBB2_4-.Ltmp3, $4  }
0x5b: {  	[tilespmem:s8+$0x17D30] =	vst v1  }
0x5c: {  	[tilespmem:s8+$0x17D40] =	vst v1  }
0x5d: {  	[tilespmem:s8+$0x17D50] =	vst v1  }
0x5e: {  	[tilespmem:s8+$0x17D60] =	vst v1;
	s8 =	sshra.s32 s11, $0x2;
	s11 =	sadd.s32 $0x200, s11  }
0x5f: {  	[tilespmem:s8+$0x17D70] =	vst v1  }
0x60: {  	[tilespmem:s8+$0x17D00] =	vst v1  }
0x61: {  	[tilespmem:s8+$0x17D10] =	vst v1  }
0x62: {  	[tilespmem:s8+$0x17D20] =	vst v1  }
0x63: {  	[tilespmem:s8+$0x17D30] =	vst v1  }
0x64: {  	[tilespmem:s8+$0x17D40] =	vst v1  }
0x65: {  	[tilespmem:s8+$0x17D50] =	vst v1  }
0x66: {  	[tilespmem:s8+$0x17D60] =	vst v1;
	s6 =	rddreg [dreg:$0x6];
	s7 =	simm.s32 $0x19D00  }
0x67: {  	[spmem:s6] =	stream.linear.scatter [tilespmem:s7], [sflag:$0x3], $0x800, $0x38;
	[tilespmem:$0x1A500] =	vst v63  }
0x68: {  	_ =	swait.ge [sflag:s19], $0x800  }
0x69: {  	[sflag:s19] =	ssyncset.done $0x0  }
0x6a: {  	s21 =	rddreg [dreg:$0xc];
	[sflag:s19] =	ssyncadd.s32 $0xFFFFF800  }
0x6b: {  	[spmem:s21] =	stream.linear.scatter [tilespmem:s7], [sflag:$0x3], $0x800, $0x38;
	[tilespmem:$0x1A500] =	vst v63  }
0x6c: {  	_ =	swait.ge [sflag:s19], $0x800  }
0x6d: {  	[sflag:s19] =	ssyncset.done $0x0  }
0x6e: {  	s23 =	rddreg [dreg:$0xd];
	[sflag:s19] =	ssyncadd.s32 $0xFFFFF800  }
0x6f: {  	[spmem:s23] =	stream.linear.scatter [tilespmem:s7], [sflag:$0x3], $0x800, $0x38;
	[tilespmem:$0x1A500] =	vst v63  }
0x70: {  	_ =	swait.ge [sflag:s19], $0x800  }
0x71: {  	[sflag:s19] =	ssyncset.done $0x0  }
0x72: {  	s24 =	rddreg [dreg:$0x10];
	[sflag:s19] =	ssyncadd.s32 $0xFFFFF800  }
0x73: {  	[spmem:s24] =	stream.linear.scatter [tilespmem:s7], [sflag:$0x3], $0x800, $0x38;
	[tilespmem:$0x1A500] =	vst v63  }
0x74: {  	_ =	swait.ge [sflag:s19], $0x800  }
0x75: {  	[sflag:s19] =	ssyncset.done $0x0  }
0x76: {  	s8 =	rddreg [dreg:$0x16];
	[sflag:s19] =	ssyncadd.s32 $0xFFFFF800  }
0x77: {  	[spmem:s8] =	stream.linear.scatter [tilespmem:s7], [sflag:$0x3], $0x800, $0x38;
	[tilespmem:$0x1A500] =	vst v63  }
0x78: {  	_ =	swait.ge [sflag:s19], $0x800  }
0x79: {  	[sflag:s19] =	ssyncset.done $0x0  }
0x7a: {  	s11 =	rddreg [dreg:$0x17];
	[sflag:s19] =	ssyncadd.s32 $0xFFFFF800  }
0x7b: {  	[spmem:s11] =	stream.linear.scatter [tilespmem:s7], [sflag:$0x3], $0x800, $0x38;
	[tilespmem:$0x1A500] =	vst v63  }
0x7c: {  	_ =	swait.ge [sflag:s19], $0x800  }
0x7d: {  	[sflag:s19] =	ssyncset.done $0x0  }
0x7e: {  	s13 =	rddreg [dreg:$0x18];
	[sflag:s19] =	ssyncadd.s32 $0xFFFFF800  }
0x7f: {  	[spmem:s13] =	stream.linear.scatter [tilespmem:s7], [sflag:$0x3], $0x800, $0x38;
	[tilespmem:$0x1A500] =	vst v63  }
0x80: {  	_ =	swait.ge [sflag:s19], $0x800  }
0x81: {  	[sflag:s19] =	ssyncset.done $0x0  }
0x82: {  	s14 =	rddreg [dreg:$0x19];
	[sflag:s19] =	ssyncadd.s32 $0xFFFFF800  }
0x83: {  	[spmem:s14] =	stream.linear.scatter [tilespmem:s7], [sflag:$0x3], $0x800, $0x38;
	[tilespmem:$0x1A500] =	vst v63  }
0x84: {  	_ =	swait.ge [sflag:s19], $0x800  }
0x85: {  	[sflag:s19] =	ssyncset.done $0x0  }
0x86: {  	s15 =	rddreg [dreg:$0x1a];
	[sflag:s19] =	ssyncadd.s32 $0xFFFFF800  }
0x87: {  	[spmem:s15] =	stream.linear.scatter [tilespmem:s7], [sflag:$0x3], $0x800, $0x38;
	[tilespmem:$0x1A500] =	vst v63  }
0x88: {  	_ =	swait.ge [sflag:s19], $0x800  }
0x89: {  	[sflag:s19] =	ssyncset.done $0x0  }
0x8a: {  	s16 =	rddreg [dreg:$0x1b];
	[sflag:s19] =	ssyncadd.s32 $0xFFFFF800  }
0x8b: {  	[spmem:s16] =	stream.linear.scatter [tilespmem:s7], [sflag:$0x3], $0x800, $0x38;
	[tilespmem:$0x1A500] =	vst v63  }
0x8c: {  	_ =	swait.ge [sflag:s19], $0x800  }
0x8d: {  	[sflag:s19] =	ssyncset.done $0x0  }
0x8e: {  	s17 =	rddreg [dreg:$0x1c];
	[sflag:s19] =	ssyncadd.s32 $0xFFFFF800  }
0x8f: {  	[spmem:s17] =	stream.linear.scatter [tilespmem:s7], [sflag:$0x3], $0x800, $0x38;
	[tilespmem:$0x1A500] =	vst v63  }
0x90: {  	_ =	swait.ge [sflag:s19], $0x800  }
0x91: {  	[sflag:s19] =	ssyncset.done $0x0  }
0x92: {  	s18 =	rddreg [dreg:$0x1d];
	[sflag:s19] =	ssyncadd.s32 $0xFFFFF800  }
0x93: {  	[spmem:s18] =	stream.linear.scatter [tilespmem:s7], [sflag:$0x3], $0x800, $0x38;
	[tilespmem:$0x1A500] =	vst v63  }
0x94: {  	_ =	swait.ge [sflag:s19], $0x800  }
0x95: {  	[sflag:s19] =	ssyncset.done $0x0  }
0x96: {  	s21 =	rddreg [dreg:$0x1e];
	[sflag:s19] =	ssyncadd.s32 $0xFFFFF800  }
0x97: {  	[spmem:s21] =	stream.linear.scatter [tilespmem:s7], [sflag:$0x3], $0x800, $0x38;
	[tilespmem:$0x1A500] =	vst v63  }
0x98: {  	_ =	swait.ge [sflag:s19], $0x800  }
0x99: {  	[sflag:s19] =	ssyncset.done $0x0  }
0x9a: {  	s23 =	rddreg [dreg:$0x1f];
	[sflag:s19] =	ssyncadd.s32 $0xFFFFF800  }
0x9b: {  	[spmem:s23] =	stream.linear.scatter [tilespmem:s7], [sflag:$0x3], $0x800, $0x38;
	[tilespmem:$0x1A500] =	vst v63  }
0x9c: {  	_ =	swait.ge [sflag:s19], $0x800  }
0x9d: {  	s24 =	sld [smem:$0x7F7]  }
0x9e: {  	[sflag:s19] =	ssyncset.done $0x0  }
0x9f: {  	[sflag:s19] =	ssyncadd.s32 $0xFFFFF800  }
0xa0: {  	[spmem:s24] =	stream.linear.scatter [tilespmem:s7], [sflag:$0x3], $0x800, $0x38;
	[tilespmem:$0x1A500] =	vst v63  }
0xa1: {  	_ =	swait.ge [sflag:s19], $0x800  }
0xa2: {  	s8 =	sld [smem:$0x7F8]  }
0xa3: {  	[sflag:s19] =	ssyncset.done $0x0  }
0xa4: {  	[sflag:s19] =	ssyncadd.s32 $0xFFFFF800  }
0xa5: {  	[spmem:s8] =	stream.linear.scatter [tilespmem:s7], [sflag:$0x3], $0x800, $0x38;
	[tilespmem:$0x1A500] =	vst v63  }
0xa6: {  	_ =	swait.ge [sflag:s19], $0x800  }
0xa7: {  	s11 =	sld [smem:$0x7F9]  }
0xa8: {  	[sflag:s19] =	ssyncset.done $0x0  }
0xa9: {  	[sflag:s19] =	ssyncadd.s32 $0xFFFFF800  }
0xaa: {  	[spmem:s11] =	stream.linear.scatter [tilespmem:s7], [sflag:$0x3], $0x800, $0x38;
	[tilespmem:$0x1A500] =	vst v63  }
0xab: {  	_ =	swait.ge [sflag:s19], $0x800  }
0xac: {  	s13 =	sld [smem:$0x7FA]  }
0xad: {  	[sflag:s19] =	ssyncset.done $0x0  }
0xae: {  	[sflag:s19] =	ssyncadd.s32 $0xFFFFF800  }
0xaf: {  	[spmem:s13] =	stream.linear.scatter [tilespmem:s7], [sflag:$0x3], $0x800, $0x38;
	[tilespmem:$0x1A500] =	vst v63  }
0xb0: {  	_ =	swait.ge [sflag:s19], $0x800  }
0xb1: {  	s14 =	sld [smem:$0x7FB]  }
0xb2: {  	[sflag:s19] =	ssyncset.done $0x0  }
0xb3: {  	[sflag:s19] =	ssyncadd.s32 $0xFFFFF800  }
0xb4: {  	[spmem:s14] =	stream.linear.scatter [tilespmem:s7], [sflag:$0x3], $0x800, $0x38;
	[tilespmem:$0x1A500] =	vst v63  }
0xb5: {  	_ =	swait.ge [sflag:s19], $0x800  }
0xb6: {  	s15 =	sld [smem:$0x7FC]  }
0xb7: {  	[sflag:s19] =	ssyncset.done $0x0  }
0xb8: {  	[sflag:s19] =	ssyncadd.s32 $0xFFFFF800  }
0xb9: {  	[spmem:s15] =	stream.linear.scatter [tilespmem:s7], [sflag:$0x3], $0x800, $0x38;
	[tilespmem:$0x1A500] =	vst v63  }
0xba: {  	_ =	swait.ge [sflag:s19], $0x800  }
0xbb: {  	s16 =	sld [smem:$0x7FD]  }
0xbc: {  	[sflag:s19] =	ssyncset.done $0x0  }
0xbd: {  	[sflag:s19] =	ssyncadd.s32 $0xFFFFF800  }
0xbe: {  	[spmem:s16] =	stream.linear.scatter [tilespmem:s7], [sflag:$0x3], $0x800, $0x38;
	[tilespmem:$0x1A500] =	vst v63  }
0xbf: {  	_ =	swait.ge [sflag:s19], $0x800  }
0xc0: {  	s17 =	simm.s32 $0x0;
	[sflag:s19] =	ssyncset.done $0x0  }
0xc1: {  	s21 =	simm.s32 $0x4;
	s18 =	rddreg [dreg:$0xe];
	[sflag:s19] =	ssyncadd.s32 $0xFFFFF800  }
0xc2: {  	[tilespmem:s20], [sflag:$0x4] =	stream.linear.gather [hbm4b:s18+s17], $0x800, $0x38;
	[tilespmem:$0x1A500] =	vst v63  }
0xc3: {  	_ =	swait.ge [sflag:s21], $0x800  }
0xc4: {  	[sflag:s21] =	ssyncset.done $0x0  }
0xc5: {  	s23 =	rddreg [dreg:$0x11];
	[sflag:s21] =	ssyncadd.s32 $0xFFFFF800  }
0xc6: {  	[spmem:s23] =	stream.linear.scatter [tilespmem:s20], [sflag:$0x3], $0x800, $0x38;
	[tilespmem:$0x1A500] =	vst v63  }
0xc7: {  	_ =	swait.ge [sflag:s19], $0x800  }
0xc8: {  	s8 =	simm.s32 @!p1 $0x0;
	[sflag:s19] =	ssyncset.done $0x0  }
0xc9: {  	s11 =	simm.s32 @!p1 $0x11D00;
	s6 =	rddreg [dreg:$0xf];
	[sflag:s19] =	ssyncadd.s32 $0xFFFFF800  }
0xca: {  	[tilespmem:s11], [sflag:$0x4] =	stream.linear.gather @!p1 [hbm4b:s6+s8], $0x800, $0x38;
	[tilespmem:$0x1A500] =	vst v63  }
0xcb: {  	s8 =	simm.s32 @!p1 $0x4  }
0xcc: {  	_ =	swait.ge @!p1 [sflag:s8], $0x800  }
0xcd: {  	[sflag:s8] =	ssyncset.done @!p1 $0x0  }
0xce: {  	s6 =	rddreg [dreg:$0x12];
	[sflag:s8] =	ssyncadd.s32 @!p1 $0xFFFFF800;
	s8 =	simm.s32 @!p1 $0x3  }
0xcf: {  	[spmem:s6] =	stream.linear.scatter @!p1 [tilespmem:s11], [sflag:$0x3], $0x800, $0x38;
	[tilespmem:$0x1A500] =	vst v63  }
0xd0: {  	_ =	swait.ge @!p1 [sflag:s8], $0x800  }
0xd1: {  	[sflag:s8] =	ssyncset.done @!p1 $0x0  }
0xd2: {  	s24 =	rddreg [dreg:$0x7];
	[sflag:s8] =	ssyncadd.s32 @!p1 $0xFFFFF800  }
0xd3: {  	[tilespmem:s22], [sflag:$0x3] =	stream.linear.gather [hbm4b:s24+s12], $0x4E20, $0x38;
	[tilespmem:$0x1A500] =	vst v63  }
.Ltmp4:
0xd4: {  	_ =	swait.ge [sflag:s19], $0x4E20;
	(pc) =	sbr.rel .LBB2_6-.Ltmp4, $4  }
0xd5: {  	[sflag:s19] =	ssyncset.done $0x0  }
0xd6: {  	[sflag:s19] =	ssyncadd.s32 $0xFFFFB1E0  }
0xd7: {  	[bflag:$0x0] =	sbarrier.arrive $0xFFFF  }
0xd8: {  	s13 =	simm.s32 $0x0  }
.LBB2_28:
0xd9: {  	v9 =	vor.u32 s14, v9;
	_ =	sdelay $0x4  }
0xda: {  	[tilespmem:v9+s3+$0x0] =	vst.idx.msk $0xffff, v1  }
.LBB2_29:
0xdb: {  	s13 =	sadd.s32 $0x1, s13  }
0xdc: {  	p3 =	sne.s32 s13, $0x32  }
.Ltmp5:
0xdd: {  	_ = 	snop;
	(pc) =	sbr.rel @!p3 .LBB2_30-.Ltmp5, $1  }
0xde: {  	_ =	sdelay $0x3  }
.LBB2_6:
0xdf: {  	s8 =	smul.u32 $0x320, s13;
	_ =	sdelay $0x1  }
0xe0: {  	s8 =	sadd.s32 s10, s8  }
0xe1: {  	s6 =	rddreg [dreg:$0x4];
	s8 =	sshrl.u32 s8, $0x3  }
0xe2: {  	s21 =	simm.s32 $0x10100;
	s11 =	sadd.s32 s6, s8  }
0xe3: {  	[tilespmem:s21], [sflag:$0x3] =	stream.linear.gather [hbm4b:s11+s12], $0x320, $0x38;
	[tilespmem:$0x1A500] =	vst v63  }
0xe4: {  	_ =	swait.ge [sflag:s19], $0x320  }
0xe5: {  	[sflag:s19] =	ssyncset.done $0x0;
	s23 =	rddreg [dreg:$0x5]  }
0xe6: {  	s24 =	simm.s32 $0x10480;
	[sflag:s19] =	ssyncadd.s32 $0xFFFFFCE0;
	s8 =	sadd.s32 s23, s8  }
0xe7: {  	[tilespmem:s24], [sflag:$0x3] =	stream.linear.gather [hbm4b:s8+s12], $0x320, $0x38;
	[tilespmem:$0x1A500] =	vst v63  }
0xe8: {  	_ =	swait.ge [sflag:s19], $0x320  }
0xe9: {  	[sflag:s19] =	ssyncset.done $0x0  }
0xea: {  	s8 =	simm.s32 $0x0;
	[sflag:s19] =	ssyncadd.s32 $0xFFFFFCE0  }
.LBB2_7:
0xeb: {  	p3 =	sne.s32 s8, $0xFC0  }
.Ltmp6:
0xec: {  	_ = 	snop;
	(pc) =	sbr.rel @p3 .LBB2_7-.Ltmp6, $4  }
0xed: {  	s11 =	sshra.s32 s8, $0x2  }
0xee: {  	[tilespmem:s11+$0x10800] =	vst v2  }
0xef: {  	[tilespmem:s11+$0x10C00] =	vst v4  }
0xf0: {  	s8 =	sadd.s32 $0x40, s8;
	[tilespmem:s11+$0x11000] =	vst v2  }
0xf1: {  	s11 =	simm.s32 $0x0  }
0xf2: {  	v9 =	vld [tilespmem:s11+$0x10480];
	_ =	sdelay $0x4  }
0xf3: {  	v9 =	vsub.s32 v9, v0  }
0xf4: {  	vm1 =	vlt.u32 v9, $0x1388  }
0xf5: {  	v10 =	vsel vm1, $0x1, v2  }
0xf6: {  	(xrf0) =	vadd.scan.msk.s32 $0xffff, v10;
	_ =	sdelay $0x1  }
0xf7: {  	s8 =	simm.s32 $0x0  }
0xf8: {  	v10 =	vmov s8  }
0xf9: {  	v10 =	vadd.s32 $0xFFFFFFFF, v10  }
0xfa: {  	v10 =	vbroadcast v10, $0x0  }
0xfb: {  	v11, _, _ =	vpop (xrf0)  }
0xfc: {  	v10 =	vadd.s32 v11, v10;
	(v2sf) =	vpush v11, $0xF  }
0xfd: {  	v11 =	vld [tilespmem:s11+$0x10100];
	v10 =	vsel vm1, v10, v5;
	_ =	sdelay $0x4  }
0xfe: {  	[tilespmem:v10+s25+$0x0] =	vst.idx.msk $0xffff, v11  }
0xff: {  	[tilespmem:v10+s26+$0x0] =	vst.idx.msk $0xffff, v9;
	v9 =	vshra.s32 v11, $0x5  }
0x100: {  	s11 =	simm.s32 $0x10;
	[tilespmem:v10+s28+$0x0] =	vst.idx.msk $0xffff, v9  }
0x101: {  	v9 =	vld [tilespmem:s11+$0x10480];
	_ =	sdelay $0x4  }
0x102: {  	v9 =	vsub.s32 v9, v0  }
0x103: {  	s14 =	simm.s32 $0x80;
	vm1 =	vlt.u32 v9, $0x1388;
	s15 =	spop (v2sf)  }
.LBB2_9:
0x104: {  	p3 =	sne.s32 s14, $0xC40  }
0x105: {  	v10 =	vsel vm1, $0x1, v2;
	s8 =	sadd.s32 s8, s15;
	s15 =	smov.u32 s14;
	s14 =	sadd.s32 $0x40, s14  }
0x106: {  	v11 =	vmov s8;
	(xrf0) =	vadd.scan.msk.s32 $0xffff, v10  }
0x107: {  	v10 =	vadd.s32 $0xFFFFFFFF, v11;
	_ =	sdelay $0x3  }
0x108: {  	v10 =	vbroadcast v10, $0x0  }
0x109: {  	v11, _, _ =	vpop (xrf0)  }
0x10a: {  	v10 =	vadd.s32 v11, v10;
	(v2sf) =	vpush v11, $0xF  }
0x10b: {  	v11 =	vld [tilespmem:s11+$0x10100];
	v10 =	vsel vm1, v10, v5;
	_ =	sdelay $0x4  }
0x10c: {  	[tilespmem:v10+s25+$0x0] =	vst.idx.msk $0xffff, v11  }
0x10d: {  	[tilespmem:v10+s26+$0x0] =	vst.idx.msk $0xffff, v9;
	v9 =	vshra.s32 v11, $0x5  }
0x10e: {  	s11 =	sshra.s32 s15, $0x2;
	[tilespmem:v10+s28+$0x0] =	vst.idx.msk $0xffff, v9  }
0x10f: {  	v9 =	vld [tilespmem:s11+$0x10480];
	_ =	sdelay $0x1  }
.Ltmp7:
0x110: {  	(pc) =	sbr.rel @p3 .LBB2_9-.Ltmp7, $3  }
0x111: {  	_ =	sdelay $0x1  }
0x112: {  	v9 =	vsub.s32 v9, v0  }
0x113: {  	vm1 =	vlt.u32 v9, $0x1388;
	s15 =	spop (v2sf)  }
0x114: {  	v10 =	vsel vm1, $0x1, v2  }
0x115: {  	(xrf0) =	vadd.scan.msk.s32 $0xffff, v10;
	_ =	sdelay $0x5  }
0x116: {  	v10, _, _ =	vpop (xrf0)  }
0x117: {  	(v2sf) =	vpush v10, $0xF;
	_ =	sdelay $0xa  }
0x118: {  	s8 =	sadd.s32 s8, s15  }
0x119: {  	v11 =	vmov s8  }
0x11a: {  	v11 =	vadd.s32 $0xFFFFFFFF, v11  }
0x11b: {  	v11 =	vbroadcast v11, $0x0  }
0x11c: {  	s24 =	spop (v2sf)  }
0x11d: {  	v10 =	vadd.s32 v10, v11;
	s8 =	sadd.s32 s8, s24  }
0x11e: {  	v11 =	vld [tilespmem:s11+$0x10100];
	v10 =	vsel vm1, v10, v5;
	s14 =	sadd.s32 $0x3F, s8  }
0x11f: {  	s15 =	sshra.s32 s14, $0x6  }
0x120: {  	p3 =	slt.s32 s15, $0x1  }
.Ltmp8:
0x121: {  	_ = 	snop;
	(pc) =	sbr.rel @p3 .LBB2_29-.Ltmp8, $4  }
0x122: {  	_ = 	snop  }
0x123: {  	[tilespmem:v10+s25+$0x0] =	vst.idx.msk $0xffff, v11  }
0x124: {  	[tilespmem:v10+s26+$0x0] =	vst.idx.msk $0xffff, v9;
	v9 =	vshra.s32 v11, $0x5  }
0x125: {  	[tilespmem:v10+s28+$0x0] =	vst.idx.msk $0xffff, v9  }
0x126: {  	s8 =	sshll.u32 s15, $0x2  }
0x127: {  	p4 =	sne.s32 s8, $0x1  }
.Ltmp9:
0x128: {  	_ = 	snop;
	(pc) =	sbr.rel @!p4 .LBB2_12-.Ltmp9, $3  }
0x129: {  	_ =	sdelay $0x1  }
0x12a: {  	s11 =	simm.s32 $0x10C00  }
0x12b: {  	s16 =	simm.s32 $0x0;
	p3 =	por $0x0, $0x0;
	v9 =	vld [tilespmem:s11+$0x0];
	s8 =	sadd.s32 $0xFFFFFFFF, s8  }
0x12c: {  	_ =	sdelay $0x1  }
0x12d: {  	p4 =	sne.s32 s8, $0x1  }
.Ltmp10:
0x12e: {  	s11 =	sand.u32 $0x30, s16;
	s17 =	sand.u32 $0xFFFFFF80, s16;
	(pc) =	sbr.rel @!p4 .LBB2_14-.Ltmp10, $4  }
0x12f: {  	s11 =	sor.u32 s11, s17;
	v10 =	vshra.s32 v9, $0x5  }
0x130: {  	[tilespmem:s11+$0x11400] =	vst v9;
	s11 =	sadd.s32 $0x11400, s11;
	v9 =	vadd.s32 $0x1390, v10  }
0x131: {  	s18 =	sadd.s32 $0xFFFFFFFF, s8;
	s17 =	simm.s32 $0x10C10;
	[tilespmem:s11+$0x40] =	vst v9  }
0x132: {  	p3 =	por $0x1, $0x1;
	s8 =	simm.s32 $0x0;
	s11 =	simm.s32 $0x0;
	v9 =	vld [tilespmem:s17+$0x0]  }
.LBB2_15:
0x133: {  	p4 =	sne.s32 s18, $0x1  }
0x134: {  	s8 =	sadd.s32 $0x20, s8;
	s11 =	sadd.s32 $0x10, s11  }
0x135: {  	s21 =	sand.u32 $0x30, s11;
	s23 =	sand.u32 $0xFFFFFF80, s8  }
.Ltmp11:
0x136: {  	s21 =	sor.u32 s21, s23;
	(pc) =	sbr.rel @p4 .LBB2_15-.Ltmp11, $4  }
0x137: {  	[tilespmem:s21+$0x11400] =	vst v9;
	v9 =	vshra.s32 v9, $0x5  }
0x138: {  	s21 =	sadd.s32 $0x11400, s21;
	v9 =	vadd.s32 $0x1390, v9  }
0x139: {  	s17 =	sadd.s32 $0x10, s17;
	[tilespmem:s21+$0x40] =	vst v9  }
0x13a: {  	s18 =	sadd.s32 $0xFFFFFFFF, s18;
	v9 =	vld [tilespmem:s17+$0x0]  }
.LBB2_16:
0x13b: {  	s8 =	sadd.s32 @p3 $0x20, s8  }
0x13c: {  	s11 =	sadd.s32 @p3 $0x10, s11;
	s17 =	simm.s32 $0x0;
	s18 =	simm.s32 $0x0  }
0x13d: {  	s17 =	smov.u32 @p3 s11;
	s18 =	smov.u32 @p3 s8  }
0x13e: {  	s23 =	sand.u32 $0x30, s17;
	s24 =	sand.u32 $0xFFFFFF80, s18  }
0x13f: {  	s8 =	sor.u32 s23, s24;
	v10 =	vshra.s32 v9, $0x5  }
0x140: {  	[tilespmem:s8+$0x11400] =	vst v9;
	s8 =	sadd.s32 $0x11400, s8;
	v9 =	vadd.s32 $0x1390, v10  }
0x141: {  	s17 =	simm.s32 $0x0;
	[tilespmem:s8+$0x40] =	vst v9  }
.LBB2_17:
0x142: {  	s8 =	sshll.u32 s17, $0x6  }
0x143: {  	s18 =	sadd.s32 $0x0, s16;
	s11 =	sadd.s32 $0x10800, s8  }
0x144: {  	[tilespmem:s20], [sflag:$0x1] =	stream.indirect.gather [hbm4b:s5+s29], $0x80, s11, s29, $0xb8;
	[tilespmem:$0x1A500] =	vst v63  }
0x145: {  	s8 =	sadd.s32 $0x11000, s8;
	v9 =	vor.u32 s18, v6  }
0x146: {  	[tilespmem:s30], [sflag:$0x3] =	stream.indirect.gather [spmem:s2], $0x80, s8, s29, $0xb8;
	[tilespmem:$0x1A500] =	vst v63  }
0x147: {  	_ =	swait.ge [sflag:s19], $0x2000  }
0x148: {  	[sflag:s19] =	ssyncset.done $0x0  }
0x149: {  	[sflag:s19] =	ssyncadd.s32 $0xFFFFE000  }
0x14a: {  	v10 =	vld.idx.msk [tilespmem:v9+s26+$0x0], $0xffff  }
0x14b: {  	v9 =	vld.idx.msk [tilespmem:v9+s25+$0x0], $0xffff;
	_ =	sdelay $0x2  }
0x14c: {  	s21 =	simm.s32 $0x0  }
0x14d: {  	v11 =	vmov s21;
	vm1 =	vlt.s32 v10, $0x1387  }
0x14e: {  	v11 =	vshll.u32 v11, $0x7;
	v9 =	vshll.u32 v9, $0x2;
	v10 =	vnsel vm1, $0x1387, v10  }
0x14f: {  	v11 =	vor.u32 v7, v11;
	v9 =	vand.u32 $0x7C, v9;
	v10 =	vshll.u32 v10, $0x2  }
0x150: {  	v9 =	vor.u32 v11, v9;
	v10 =	vor.u32 v8, v10  }
0x151: {  	v9 =	vor.u32 v8, v9;
	_ =	sdelay $0x3  }
0x152: {  	v10 =	vld.idx.msk [tilespmem:v10+s22+$0x0], $0xffff  }
0x153: {  	v9 =	vld.idx.msk [tilespmem:v9+s30+$0x0], $0xffff;
	_ =	sdelay $0x4  }
0x154: {  	v9 =	vadd.f32 v10, v9;
	_ =	sdelay $0x1  }
0x155: {  	v10 =	vmul.f32 $2.000000030e-01, v9  }
0x156: {  	vm1 =	vgt.f32 v9, $0.0e+00  }
0x157: {  	v9 =	vsel vm1, v9, v10  }
0x158: {  	v9 =	vmax.f32 v9, $-1.000000000e+01  }
0x159: {  	v10 =	vmul.f32 $1.442695020e+00, v9;
	_ =	sdelay $0x1  }
0x15a: {  	v10 =	vadd.f32 $1.650000000e+01, v10;
	_ =	sdelay $0x1  }
0x15b: {  	v10 =	vtrunc.f32 v10  }
0x15c: {  	v10 =	vcvt.f32.s32 v10;
	_ =	sdelay $0x1  }
0x15d: {  	v11 =	vadd.s32 $0xFFFFFFF0, v10  }
0x15e: {  	v11 =	vcvt.s32.f32 v11;
	_ =	sdelay $0x1  }
0x15f: {  	v11 =	vmul.f32 $-6.931471820e-01, v11;
	_ =	sdelay $0x1  }
0x160: {  	v9 =	vadd.f32 v11, v9;
	_ =	sdelay $0x1  }
0x161: {  	v11 =	vmul.f32 $8.333333770e-03, v9;
	_ =	sdelay $0x1  }
0x162: {  	v11 =	vadd.f32 $4.166666790e-02, v11;
	_ =	sdelay $0x1  }
0x163: {  	v11 =	vmul.f32 v11, v9;
	_ =	sdelay $0x1  }
0x164: {  	v11 =	vadd.f32 $1.666666720e-01, v11;
	_ =	sdelay $0x1  }
0x165: {  	v11 =	vmul.f32 v11, v9;
	_ =	sdelay $0x1  }
0x166: {  	v11 =	vadd.f32 $5.000000000e-01, v11;
	_ =	sdelay $0x1  }
0x167: {  	v11 =	vmul.f32 v11, v9;
	_ =	sdelay $0x1  }
0x168: {  	v11 =	vadd.f32 $1.000000000e+00, v11;
	_ =	sdelay $0x1  }
0x169: {  	v9 =	vmul.f32 v11, v9  }
0x16a: {  	s23 =	sadd.s32 $0x4, s16  }
0x16b: {  	v10 =	vshll.u32 v10, $0x17;
	v11 =	vor.u32 s23, v6;
	v9 =	vadd.f32 $1.000000000e+00, v9  }
0x16c: {  	v10 =	vadd.s32 $0x37800000, v10  }
0x16d: {  	v9 =	vmul.f32 v10, v9  }
0x16e: {  	s8 =	simm.s32 $0x11C00  }
0x16f: {  	[tilespmem:s8+$0x0] =	vst v9  }
0x170: {  	v9 =	vld.idx.msk [tilespmem:v11+s26+$0x0], $0xffff  }
0x171: {  	v10 =	vld.idx.msk [tilespmem:v11+s25+$0x0], $0xffff;
	_ =	sdelay $0x2  }
0x172: {  	s24 =	simm.s32 $0x4  }
0x173: {  	v11 =	vmov s24;
	vm1 =	vlt.s32 v9, $0x1387  }
0x174: {  	v11 =	vshll.u32 v11, $0x7;
	v10 =	vshll.u32 v10, $0x2;
	v9 =	vnsel vm1, $0x1387, v9  }
0x175: {  	v11 =	vor.u32 v7, v11;
	v10 =	vand.u32 $0x7C, v10;
	v9 =	vshll.u32 v9, $0x2  }
0x176: {  	v10 =	vor.u32 v11, v10;
	v9 =	vor.u32 v8, v9  }
0x177: {  	v10 =	vor.u32 v8, v10;
	_ =	sdelay $0x3  }
0x178: {  	v9 =	vld.idx.msk [tilespmem:v9+s22+$0x0], $0xffff  }
0x179: {  	v10 =	vld.idx.msk [tilespmem:v10+s30+$0x0], $0xffff;
	_ =	sdelay $0x4  }
0x17a: {  	v9 =	vadd.f32 v9, v10;
	_ =	sdelay $0x1  }
0x17b: {  	v10 =	vmul.f32 $2.000000030e-01, v9  }
0x17c: {  	vm1 =	vgt.f32 v9, $0.0e+00  }
0x17d: {  	v9 =	vsel vm1, v9, v10  }
0x17e: {  	v9 =	vmax.f32 v9, $-1.000000000e+01  }
0x17f: {  	v10 =	vmul.f32 $1.442695020e+00, v9;
	_ =	sdelay $0x1  }
0x180: {  	v10 =	vadd.f32 $1.650000000e+01, v10;
	_ =	sdelay $0x1  }
0x181: {  	v10 =	vtrunc.f32 v10  }
0x182: {  	v11 =	vcvt.f32.s32 v10;
	_ =	sdelay $0x1  }
0x183: {  	v10 =	vadd.s32 $0xFFFFFFF0, v11  }
0x184: {  	v10 =	vcvt.s32.f32 v10;
	_ =	sdelay $0x1  }
0x185: {  	v10 =	vmul.f32 $-6.931471820e-01, v10;
	_ =	sdelay $0x1  }
0x186: {  	v9 =	vadd.f32 v10, v9;
	_ =	sdelay $0x1  }
0x187: {  	v10 =	vmul.f32 $8.333333770e-03, v9;
	_ =	sdelay $0x1  }
0x188: {  	v10 =	vadd.f32 $4.166666790e-02, v10;
	_ =	sdelay $0x1  }
0x189: {  	v10 =	vmul.f32 v10, v9;
	_ =	sdelay $0x1  }
0x18a: {  	v10 =	vadd.f32 $1.666666720e-01, v10;
	_ =	sdelay $0x1  }
0x18b: {  	v10 =	vmul.f32 v10, v9;
	_ =	sdelay $0x1  }
0x18c: {  	v10 =	vadd.f32 $5.000000000e-01, v10;
	_ =	sdelay $0x1  }
0x18d: {  	v10 =	vmul.f32 v10, v9;
	_ =	sdelay $0x1  }
0x18e: {  	v10 =	vadd.f32 $1.000000000e+00, v10;
	_ =	sdelay $0x1  }
0x18f: {  	v10 =	vmul.f32 v10, v9  }
0x190: {  	s18 =	sadd.s32 $0x8, s16  }
0x191: {  	s11 =	simm.s32 $0x8;
	v11 =	vshll.u32 v11, $0x17;
	v9 =	vor.u32 s18, v6;
	s18 =	simm.s32 $0xC;
	v10 =	vadd.f32 $1.000000000e+00, v10  }
.LBB2_18:
0x192: {  	p3 =	sne.s32 s18, $0x3C;
	v11 =	vadd.s32 $0x37800000, v11  }
0x193: {  	v10 =	vmul.f32 v11, v10  }
0x194: {  	s8 =	sadd.s32 $0x10, s8  }
0x195: {  	[tilespmem:s8+$0x0] =	vst v10  }
0x196: {  	v10 =	vld.idx.msk [tilespmem:v9+s26+$0x0], $0xffff  }
0x197: {  	v9 =	vld.idx.msk [tilespmem:v9+s25+$0x0], $0xffff;
	_ =	sdelay $0x4  }
0x198: {  	v11 =	vmov s11;
	s11 =	smov.u32 s18;
	vm1 =	vlt.s32 v10, $0x1387  }
0x199: {  	v11 =	vshll.u32 v11, $0x7;
	v9 =	vshll.u32 v9, $0x2;
	v10 =	vnsel vm1, $0x1387, v10  }
0x19a: {  	v11 =	vor.u32 v7, v11;
	v9 =	vand.u32 $0x7C, v9;
	v10 =	vshll.u32 v10, $0x2  }
0x19b: {  	v9 =	vor.u32 v11, v9;
	v10 =	vor.u32 v8, v10  }
0x19c: {  	v9 =	vor.u32 v8, v9;
	_ =	sdelay $0x3  }
0x19d: {  	v10 =	vld.idx.msk [tilespmem:v10+s22+$0x0], $0xffff  }
0x19e: {  	v9 =	vld.idx.msk [tilespmem:v9+s30+$0x0], $0xffff;
	_ =	sdelay $0x5  }
0x19f: {  	v9 =	vadd.f32 v10, v9;
	_ =	sdelay $0x1  }
0x1a0: {  	v10 =	vmul.f32 $2.000000030e-01, v9  }
0x1a1: {  	vm1 =	vgt.f32 v9, $0.0e+00  }
0x1a2: {  	v9 =	vsel vm1, v9, v10  }
0x1a3: {  	v9 =	vmax.f32 v9, $-1.000000000e+01  }
0x1a4: {  	v10 =	vmul.f32 $1.442695020e+00, v9;
	_ =	sdelay $0x1  }
0x1a5: {  	v10 =	vadd.f32 $1.650000000e+01, v10;
	_ =	sdelay $0x1  }
0x1a6: {  	v10 =	vtrunc.f32 v10  }
0x1a7: {  	v11 =	vcvt.f32.s32 v10;
	_ =	sdelay $0x1  }
0x1a8: {  	v10 =	vadd.s32 $0xFFFFFFF0, v11  }
0x1a9: {  	v10 =	vcvt.s32.f32 v10;
	_ =	sdelay $0x1  }
0x1aa: {  	v10 =	vmul.f32 $-6.931471820e-01, v10;
	_ =	sdelay $0x1  }
0x1ab: {  	v9 =	vadd.f32 v10, v9;
	_ =	sdelay $0x1  }
0x1ac: {  	v10 =	vmul.f32 $8.333333770e-03, v9;
	_ =	sdelay $0x1  }
0x1ad: {  	v10 =	vadd.f32 $4.166666790e-02, v10;
	_ =	sdelay $0x1  }
0x1ae: {  	v10 =	vmul.f32 v10, v9;
	_ =	sdelay $0x1  }
0x1af: {  	v10 =	vadd.f32 $1.666666720e-01, v10;
	_ =	sdelay $0x1  }
0x1b0: {  	v10 =	vmul.f32 v10, v9;
	_ =	sdelay $0x1  }
0x1b1: {  	v10 =	vadd.f32 $5.000000000e-01, v10;
	_ =	sdelay $0x1  }
0x1b2: {  	v10 =	vmul.f32 v10, v9;
	_ =	sdelay $0x1  }
.Ltmp12:
0x1b3: {  	v10 =	vadd.f32 $1.000000000e+00, v10;
	(pc) =	sbr.rel @p3 .LBB2_18-.Ltmp12, $4  }
0x1b4: {  	_ = 	snop  }
0x1b5: {  	v10 =	vmul.f32 v10, v9  }
0x1b6: {  	s21 =	sadd.s32 s18, s16  }
0x1b7: {  	s18 =	sadd.s32 $0x4, s18;
	v11 =	vshll.u32 v11, $0x17;
	v9 =	vor.u32 s21, v6;
	v10 =	vadd.f32 $1.000000000e+00, v10  }
0x1b8: {  	v11 =	vadd.s32 $0x37800000, v11  }
0x1b9: {  	v10 =	vmul.f32 v11, v10  }
0x1ba: {  	s8 =	sadd.s32 $0x10, s8  }
0x1bb: {  	[tilespmem:s8+$0x0] =	vst v10  }
0x1bc: {  	v10 =	vld.idx.msk [tilespmem:v9+s26+$0x0], $0xffff  }
0x1bd: {  	v9 =	vld.idx.msk [tilespmem:v9+s25+$0x0], $0xffff;
	_ =	sdelay $0x3  }
0x1be: {  	v11 =	vmov s11;
	vm1 =	vlt.s32 v10, $0x1387  }
0x1bf: {  	v11 =	vshll.u32 v11, $0x7;
	v9 =	vshll.u32 v9, $0x2;
	v10 =	vnsel vm1, $0x1387, v10  }
0x1c0: {  	v11 =	vor.u32 v7, v11;
	v9 =	vand.u32 $0x7C, v9;
	v10 =	vshll.u32 v10, $0x2  }
0x1c1: {  	v9 =	vor.u32 v11, v9;
	v10 =	vor.u32 v8, v10  }
0x1c2: {  	v9 =	vor.u32 v8, v9;
	_ =	sdelay $0x3  }
0x1c3: {  	v10 =	vld.idx.msk [tilespmem:v10+s22+$0x0], $0xffff  }
0x1c4: {  	v9 =	vld.idx.msk [tilespmem:v9+s30+$0x0], $0xffff;
	_ =	sdelay $0x4  }
0x1c5: {  	v9 =	vadd.f32 v10, v9;
	_ =	sdelay $0x1  }
0x1c6: {  	v10 =	vmul.f32 $2.000000030e-01, v9  }
0x1c7: {  	vm1 =	vgt.f32 v9, $0.0e+00  }
0x1c8: {  	v9 =	vsel vm1, v9, v10  }
0x1c9: {  	v9 =	vmax.f32 v9, $-1.000000000e+01  }
0x1ca: {  	v10 =	vmul.f32 $1.442695020e+00, v9;
	_ =	sdelay $0x1  }
0x1cb: {  	v10 =	vadd.f32 $1.650000000e+01, v10;
	_ =	sdelay $0x1  }
0x1cc: {  	v10 =	vtrunc.f32 v10  }
0x1cd: {  	v10 =	vcvt.f32.s32 v10;
	_ =	sdelay $0x1  }
0x1ce: {  	v11 =	vadd.s32 $0xFFFFFFF0, v10  }
0x1cf: {  	v11 =	vcvt.s32.f32 v11;
	_ =	sdelay $0x1  }
0x1d0: {  	v11 =	vmul.f32 $-6.931471820e-01, v11;
	_ =	sdelay $0x1  }
0x1d1: {  	v9 =	vadd.f32 v11, v9;
	_ =	sdelay $0x1  }
0x1d2: {  	v11 =	vmul.f32 $8.333333770e-03, v9;
	_ =	sdelay $0x1  }
0x1d3: {  	v11 =	vadd.f32 $4.166666790e-02, v11;
	_ =	sdelay $0x1  }
0x1d4: {  	v11 =	vmul.f32 v11, v9;
	_ =	sdelay $0x1  }
0x1d5: {  	v11 =	vadd.f32 $1.666666720e-01, v11;
	_ =	sdelay $0x1  }
0x1d6: {  	v11 =	vmul.f32 v11, v9;
	_ =	sdelay $0x1  }
0x1d7: {  	v11 =	vadd.f32 $5.000000000e-01, v11;
	_ =	sdelay $0x1  }
0x1d8: {  	v11 =	vmul.f32 v11, v9;
	_ =	sdelay $0x1  }
0x1d9: {  	v11 =	vadd.f32 $1.000000000e+00, v11;
	_ =	sdelay $0x1  }
0x1da: {  	v9 =	vmul.f32 v11, v9  }
0x1db: {  	p3 =	seq.s32 s17, $0x0  }
.Ltmp13:
0x1dc: {  	v10 =	vshll.u32 v10, $0x17;
	v9 =	vadd.f32 $1.000000000e+00, v9;
	(pc) =	sbr.rel @p3 .LBB2_23-.Ltmp13, $4  }
0x1dd: {  	v10 =	vadd.s32 $0x37800000, v10  }
0x1de: {  	v9 =	vmul.f32 v10, v9  }
0x1df: {  	s8 =	sadd.s32 $0x10, s8  }
0x1e0: {  	[tilespmem:s8+$0x0] =	vst v9  }
0x1e1: {  	s8 =	sadd.s32 $0xFFFFFFC0, s16  }
0x1e2: {  	v9 =	vmov s8;
	_ =	sdelay $0x1  }
0x1e3: {  	_ =	swait.ge [sflag:s9], $0x4000  }
0x1e4: {  	[sflag:s9] =	ssyncset.done $0x0  }
0x1e5: {  	[sflag:s9] =	ssyncadd.s32 $0xFFFFC000  }
0x1e6: {  	v9 =	vld.idx.msk [tilespmem:v9+s26+$0x0], $0xffff;
	_ =	sdelay $0x1  }
0x1e7: {  	p3 =	por $0x0, $0x0  }
.Ltmp14:
0x1e8: {  	_ = 	snop;
	(pc) =	sbr.rel @p3 .LBB2_22-.Ltmp14, $4  }
0x1e9: {  	_ = 	snop  }
0x1ea: {  	v9 =	vshll.u32 v9, $0x2  }
0x1eb: {  	v9 =	vadd.s32 v3, v9  }
0x1ec: {  	s11 =	simm.s32 $0x2000;
	s8 =	simm.s32 $0xFFFFFFC1;
	v9 =	vand.u32 $0x7F, v9  }
.LBB2_21:
0x1ed: {  	s18 =	sadd.s32 s8, s16;
	v9 =	vor.u32 s11, v9;
	s11 =	smov.u32 s8;
	s8 =	sadd.s32 $0x1, s8  }
0x1ee: {  	v10 =	vmov s18;
	p3 =	seq.s32 s8, $0x0;
	_ =	sdelay $0x3  }
0x1ef: {  	[tilespmem:v9+s3+$0x0] =	vst.idx.msk $0xffff, v1  }
0x1f0: {  	v9 =	vld.idx.msk [tilespmem:v10+s26+$0x0], $0xffff;
	_ =	sdelay $0x3  }
.Ltmp15:
0x1f1: {  	(pc) =	sbr.rel @!p3 .LBB2_21-.Ltmp15, $4  }
0x1f2: {  	_ = 	snop  }
0x1f3: {  	v9 =	vshll.u32 v9, $0x2  }
0x1f4: {  	s11 =	sshll.u32 s11, $0x7;
	v9 =	vadd.s32 v3, v9  }
0x1f5: {  	s11 =	sadd.s32 $0x4000, s11;
	v9 =	vand.u32 $0x7F, v9  }
.LBB2_22:
0x1f6: {  	v9 =	vor.u32 s11, v9;
	_ =	sdelay $0x4  }
0x1f7: {  	[tilespmem:v9+s3+$0x0] =	vst.idx.msk $0xffff, v1  }
.LBB2_23:
0x1f8: {  	s11 =	simm.s32 $0x0  }
0x1f9: {  	v9 =	vmov s11  }
0x1fa: {  	_ =	swait.ge [sflag:s31], $0x2000  }
0x1fb: {  	s8 =	simm.s32 $0x2;
	[sflag:s31] =	ssyncset.done $0x0  }
0x1fc: {  	s18 =	simm.s32 $0x1;
	s21 =	simm.s32 $0x11D40;
	v10 =	vmov s8;
	[sflag:s31] =	ssyncadd.s32 $0xFFFFE000  }
0x1fd: {  	s23 =	simm.s32 $0x3;
	v11 =	vmov s18;
	v10 =	vand.u32 $0xFFFFFFFE, v10;
	v13 =	vld [tilespmem:s21+$0xFFFFFFC0]  }
0x1fe: {  	v12 =	vmov s23;
	v11 =	vand.u32 $0xFFFFFFFD, v11;
	v10 =	vbroadcast v10, $0x0;
	v9 =	vld.idx.msk [tilespmem:v9+s0+$0x0], $0xffff  }
0x1ff: {  	v11 =	vbroadcast v11, $0x0;
	_ =	sdelay $0x3  }
0x200: {  	v12 =	vld.idx.msk [tilespmem:v12+s0+$0x0], $0xffff;
	v13 =	vmul.f32 v13, v9  }
0x201: {  	s8 =	simm.s32 $0x15D40;
	v10 =	vld.idx.msk [tilespmem:v10+s0+$0x0], $0xffff  }
0x202: {  	v11 =	vld.idx.msk [tilespmem:v11+s0+$0x0], $0xffff;
	[tilespmem:s8+$0xFFFFFFC0] =	vst v13  }
0x203: {  	v13 =	vld [tilespmem:s21+$0xFFFFFFD0];
	_ =	sdelay $0x4  }
0x204: {  	v9 =	vmul.f32 v13, v9;
	_ =	sdelay $0x1  }
0x205: {  	[tilespmem:s8+$0xFFFFFFD0] =	vst v9  }
0x206: {  	v9 =	vld [tilespmem:s21+$0xFFFFFFE0];
	_ =	sdelay $0x4  }
0x207: {  	v9 =	vmul.f32 v9, v11;
	_ =	sdelay $0x1  }
0x208: {  	[tilespmem:s8+$0xFFFFFFE0] =	vst v9  }
0x209: {  	v9 =	vld [tilespmem:s21+$0xFFFFFFF0];
	_ =	sdelay $0x4  }
0x20a: {  	v9 =	vmul.f32 v9, v11;
	_ =	sdelay $0x1  }
0x20b: {  	[tilespmem:s8+$0xFFFFFFF0] =	vst v9  }
0x20c: {  	v9 =	vld [tilespmem:s21+$0x0];
	_ =	sdelay $0x4  }
0x20d: {  	v9 =	vmul.f32 v9, v10;
	_ =	sdelay $0x1  }
0x20e: {  	[tilespmem:s8+$0x0] =	vst v9  }
0x20f: {  	v9 =	vld [tilespmem:s21+$0x10];
	_ =	sdelay $0x4  }
0x210: {  	v9 =	vmul.f32 v9, v10;
	_ =	sdelay $0x1  }
0x211: {  	[tilespmem:s8+$0x10] =	vst v9  }
0x212: {  	v9 =	vld [tilespmem:s21+$0x20];
	_ =	sdelay $0x4  }
0x213: {  	v9 =	vmul.f32 v9, v12;
	_ =	sdelay $0x1  }
0x214: {  	[tilespmem:s8+$0x20] =	vst v9  }
0x215: {  	v9 =	vld [tilespmem:s21+$0x30]  }
0x216: {  	s24 =	sadd.s32 $0x40, s16  }
0x217: {  	s18 =	sadd.s32 $0xFFFFFFC0, s24  }
0x218: {  	v10 =	vmov s18;
	_ =	sdelay $0x1  }
0x219: {  	v9 =	vmul.f32 v9, v12;
	_ =	sdelay $0x1  }
0x21a: {  	[tilespmem:s8+$0x30] =	vst v9  }
0x21b: {  	v9 =	vld.idx.msk [tilespmem:v10+s26+$0x0], $0xffff;
	_ =	sdelay $0x1  }
0x21c: {  	v10 =	vor.u32 s11, v8;
	_ =	sdelay $0x2  }
0x21d: {  	v9 =	vshll.u32 v9, $0x2  }
0x21e: {  	v9 =	vadd.s32 v3, v9  }
0x21f: {  	s6 =	simm.s32 $0x2000;
	s23 =	simm.s32 $0x7;
	v11 =	vand.u32 $0x7F, v9;
	v9 =	vld.idx.msk [tilespmem:v10+s0+$0x0], $0xffff  }
0x220: {  	s24 =	simm.s32 $0xB;
	s18 =	simm.s32 $0x4;
	s11 =	simm.s32 $0x40;
	v10 =	vor.u32 s6, v11  }
.LBB2_24:
0x221: {  	p3 =	sne.s32 s24, $0xFF;
	v11 =	vmov s18;
	_ =	sdelay $0x2  }
0x222: {  	s6 =	sadd.s32 $0xFFFFFFFF, s23;
	v9 =	vnsel vm0, $0x0, v9  }
0x223: {  	s7 =	sadd.s32 $0xFFFFFFFE, s23;
	v12 =	vmov s6;
	[tilespmem:v10+s3+$0x0] =	vst.idx.msk $0xffff, v9  }
0x224: {  	s21 =	sadd.s32 $0x80, s21;
	v10 =	vmov s7;
	v9 =	vld.idx.msk [tilespmem:v11+s0+$0x0], $0xffff;
	v11 =	vand.u32 $0xFFFFFFFE, v12  }
0x225: {  	v10 =	vand.u32 $0xFFFFFFFD, v10;
	v12 =	vmov s23;
	s23 =	smov.u32 s24;
	v11 =	vbroadcast v11, $0x0;
	v13 =	vld [tilespmem:s21+$0xFFFFFFC0]  }
0x226: {  	v10 =	vbroadcast v10, $0x0;
	_ =	sdelay $0x3  }
0x227: {  	v12 =	vld.idx.msk [tilespmem:v12+s0+$0x0], $0xffff;
	v13 =	vmul.f32 v13, v9  }
0x228: {  	s8 =	sadd.s32 $0x80, s8;
	v11 =	vld.idx.msk [tilespmem:v11+s0+$0x0], $0xffff  }
0x229: {  	v10 =	vld.idx.msk [tilespmem:v10+s0+$0x0], $0xffff;
	[tilespmem:s8+$0xFFFFFFC0] =	vst v13  }
0x22a: {  	v13 =	vld [tilespmem:s21+$0xFFFFFFD0];
	_ =	sdelay $0x4  }
0x22b: {  	v9 =	vmul.f32 v13, v9;
	_ =	sdelay $0x1  }
0x22c: {  	[tilespmem:s8+$0xFFFFFFD0] =	vst v9  }
0x22d: {  	v9 =	vld [tilespmem:s21+$0xFFFFFFE0];
	_ =	sdelay $0x4  }
0x22e: {  	v9 =	vmul.f32 v9, v10;
	_ =	sdelay $0x1  }
0x22f: {  	[tilespmem:s8+$0xFFFFFFE0] =	vst v9  }
0x230: {  	v9 =	vld [tilespmem:s21+$0xFFFFFFF0];
	_ =	sdelay $0x4  }
0x231: {  	v9 =	vmul.f32 v9, v10;
	_ =	sdelay $0x1  }
0x232: {  	[tilespmem:s8+$0xFFFFFFF0] =	vst v9  }
0x233: {  	v9 =	vld [tilespmem:s21+$0x0];
	_ =	sdelay $0x4  }
0x234: {  	v9 =	vmul.f32 v9, v11;
	_ =	sdelay $0x1  }
0x235: {  	[tilespmem:s8+$0x0] =	vst v9  }
0x236: {  	v9 =	vld [tilespmem:s21+$0x10];
	_ =	sdelay $0x4  }
0x237: {  	v9 =	vmul.f32 v9, v11;
	_ =	sdelay $0x1  }
0x238: {  	[tilespmem:s8+$0x10] =	vst v9  }
0x239: {  	v9 =	vld [tilespmem:s21+$0x20];
	_ =	sdelay $0x4  }
0x23a: {  	v9 =	vmul.f32 v9, v12;
	_ =	sdelay $0x1  }
0x23b: {  	[tilespmem:s8+$0x20] =	vst v9  }
0x23c: {  	s11 =	sadd.s32 $0x1, s11;
	v9 =	vld [tilespmem:s21+$0x30]  }
0x23d: {  	s6 =	sadd.s32 s11, s16  }
0x23e: {  	s6 =	sadd.s32 $0xFFFFFFC0, s6  }
0x23f: {  	v10 =	vmov s6  }
0x240: {  	v11 =	vor.u32 s18, v8  }
0x241: {  	v9 =	vmul.f32 v9, v12;
	_ =	sdelay $0x1  }
0x242: {  	[tilespmem:s8+$0x30] =	vst v9  }
0x243: {  	v10 =	vld.idx.msk [tilespmem:v10+s26+$0x0], $0xffff  }
0x244: {  	v9 =	vld.idx.msk [tilespmem:v11+s0+$0x0], $0xffff;
	_ =	sdelay $0x3  }
.Ltmp16:
0x245: {  	(pc) =	sbr.rel @p3 .LBB2_24-.Ltmp16, $4  }
0x246: {  	v10 =	vshll.u32 v10, $0x2  }
0x247: {  	v10 =	vadd.s32 v3, v10  }
0x248: {  	s6 =	sshll.u32 s11, $0x7;
	v10 =	vand.u32 $0x7F, v10  }
0x249: {  	s24 =	sadd.s32 $0x4, s24;
	s18 =	sadd.s32 $0xFFFFFFFD, s23;
	v10 =	vor.u32 s6, v10  }
0x24a: {  	_ = 	snop  }
0x24b: {  	v11 =	vmov s18;
	_ =	sdelay $0x1  }
0x24c: {  	s6 =	sadd.s32 $0xFFFFFFFF, s23;
	v9 =	vnsel vm0, $0x0, v9  }
0x24d: {  	s7 =	sadd.s32 $0xFFFFFFFE, s23;
	s21 =	sadd.s32 $0x80, s21;
	v12 =	vmov s6;
	[tilespmem:v10+s3+$0x0] =	vst.idx.msk $0xffff, v9  }
0x24e: {  	v9 =	vmov s7;
	v10 =	vand.u32 $0xFFFFFFFE, v12;
	v13 =	vld [tilespmem:s21+$0xFFFFFFC0]  }
0x24f: {  	v63 =	vmov s23;
	v9 =	vand.u32 $0xFFFFFFFD, v9;
	v10 =	vbroadcast v10, $0x0;
	v11 =	vld.idx.msk [tilespmem:v11+s0+$0x0], $0xffff  }
0x250: {  	v9 =	vbroadcast v9, $0x0;
	_ =	sdelay $0x3  }
0x251: {  	v12 =	vld.idx.msk [tilespmem:v63+s0+$0x0], $0xffff;
	v13 =	vmul.f32 v13, v11  }
0x252: {  	s24 =	sadd.s32 $0x80, s8;
	v10 =	vld.idx.msk [tilespmem:v10+s0+$0x0], $0xffff  }
0x253: {  	v9 =	vld.idx.msk [tilespmem:v9+s0+$0x0], $0xffff;
	[tilespmem:s24+$0xFFFFFFC0] =	vst v13  }
0x254: {  	v13 =	vld [tilespmem:s21+$0xFFFFFFD0];
	_ =	sdelay $0x4  }
0x255: {  	v11 =	vmul.f32 v13, v11;
	_ =	sdelay $0x1  }
0x256: {  	[tilespmem:s24+$0xFFFFFFD0] =	vst v11  }
0x257: {  	v11 =	vld [tilespmem:s21+$0xFFFFFFE0];
	_ =	sdelay $0x4  }
0x258: {  	v11 =	vmul.f32 v11, v9;
	_ =	sdelay $0x1  }
0x259: {  	[tilespmem:s24+$0xFFFFFFE0] =	vst v11  }
0x25a: {  	v11 =	vld [tilespmem:s21+$0xFFFFFFF0];
	_ =	sdelay $0x4  }
0x25b: {  	v9 =	vmul.f32 v11, v9;
	_ =	sdelay $0x1  }
0x25c: {  	[tilespmem:s24+$0xFFFFFFF0] =	vst v9  }
0x25d: {  	v9 =	vld [tilespmem:s21+$0x0];
	_ =	sdelay $0x4  }
0x25e: {  	v9 =	vmul.f32 v9, v10;
	_ =	sdelay $0x1  }
0x25f: {  	[tilespmem:s24+$0x0] =	vst v9  }
0x260: {  	v9 =	vld [tilespmem:s21+$0x10];
	_ =	sdelay $0x4  }
0x261: {  	v9 =	vmul.f32 v9, v10;
	_ =	sdelay $0x1  }
0x262: {  	[tilespmem:s24+$0x10] =	vst v9  }
0x263: {  	v9 =	vld [tilespmem:s21+$0x20];
	_ =	sdelay $0x4  }
0x264: {  	v9 =	vmul.f32 v9, v12;
	_ =	sdelay $0x1  }
0x265: {  	[tilespmem:s24+$0x20] =	vst v9  }
0x266: {  	v9 =	vld [tilespmem:s21+$0x30];
	s21 =	sadd.s32 $0x1, s11  }
0x267: {  	s23 =	sadd.s32 s21, s16  }
0x268: {  	s8 =	sadd.s32 $0xFFFFFFC0, s23  }
0x269: {  	v10 =	vmov s8;
	_ =	sdelay $0x1  }
0x26a: {  	v9 =	vmul.f32 v9, v12;
	_ =	sdelay $0x1  }
0x26b: {  	[tilespmem:s24+$0x30] =	vst v9  }
0x26c: {  	v9 =	vld.idx.msk [tilespmem:v10+s26+$0x0], $0xffff;
	_ =	sdelay $0x1  }
0x26d: {  	v10 =	vor.u32 s18, v8;
	_ =	sdelay $0x2  }
0x26e: {  	v9 =	vshll.u32 v9, $0x2  }
0x26f: {  	v9 =	vadd.s32 v3, v9  }
0x270: {  	s6 =	sshll.u32 s21, $0x7;
	v10 =	vld.idx.msk [tilespmem:v10+s0+$0x0], $0xffff;
	v9 =	vand.u32 $0x7F, v9  }
0x271: {  	s24 =	sshll.u32 s17, $0x9;
	s17 =	sadd.s32 $0x1, s17;
	v9 =	vor.u32 s6, v9  }
0x272: {  	p3 =	sne.s32 s17, s15  }
.Ltmp17:
0x273: {  	_ = 	snop;
	(pc) =	sbr.rel @p3 .LBB2_17-.Ltmp17, $4  }
0x274: {  	_ = 	snop  }
0x275: {  	s6 =	sshra.s32 s24, $0x2;
	v10 =	vnsel vm0, $0x0, v10  }
0x276: {  	s16 =	sadd.s32 $0x40, s16;
	s6 =	sadd.s32 $0x11400, s6;
	[tilespmem:v9+s3+$0x0] =	vst.idx.msk $0xffff, v10  }
0x277: {  	[spmem:s1] =	stream.indirect.scatter.add.f32 [tilespmem:s3], [sflag:$0x2], $0x80, s6, s4, $0xb8;
	[tilespmem:$0x1A500] =	vst v63  }
0x278: {  	s8 =	sand.u32 $0xFFFFFFC0, s14  }
0x279: {  	s6 =	sadd.s32 $0xFFFFFFC0, s8  }
0x27a: {  	v9 =	vmov s6;
	_ =	sdelay $0x1  }
0x27b: {  	_ =	swait.ge [sflag:s9], $0x4000  }
0x27c: {  	[sflag:s9] =	ssyncset.done $0x0  }
0x27d: {  	[sflag:s9] =	ssyncadd.s32 $0xFFFFC000  }
0x27e: {  	v9 =	vld.idx.msk [tilespmem:v9+s26+$0x0], $0xffff;
	_ =	sdelay $0x1  }
0x27f: {  	p3 =	por $0x0, $0x0  }
.Ltmp18:
0x280: {  	_ = 	snop;
	(pc) =	sbr.rel @p3 .LBB2_28-.Ltmp18, $4  }
0x281: {  	_ = 	snop  }
0x282: {  	v9 =	vshll.u32 v9, $0x2  }
0x283: {  	v9 =	vadd.s32 v3, v9  }
0x284: {  	s11 =	simm.s32 $0xFFFFFFC1;
	s14 =	simm.s32 $0x2000;
	v9 =	vand.u32 $0x7F, v9  }
.LBB2_27:
0x285: {  	s6 =	sadd.s32 s11, s8;
	v9 =	vor.u32 s14, v9;
	s7 =	smov.u32 s11;
	s11 =	sadd.s32 $0x1, s11  }
0x286: {  	v10 =	vmov s6;
	p3 =	seq.s32 s11, $0x0;
	_ =	sdelay $0x3  }
0x287: {  	[tilespmem:v9+s3+$0x0] =	vst.idx.msk $0xffff, v1  }
0x288: {  	v9 =	vld.idx.msk [tilespmem:v10+s26+$0x0], $0xffff;
	_ =	sdelay $0x3  }
.Ltmp19:
0x289: {  	(pc) =	sbr.rel @!p3 .LBB2_27-.Ltmp19, $4  }
0x28a: {  	_ = 	snop  }
0x28b: {  	v9 =	vshll.u32 v9, $0x2  }
0x28c: {  	s6 =	sshll.u32 s7, $0x7;
	v9 =	vadd.s32 v3, v9  }
0x28d: {  	s14 =	sadd.s32 $0x4000, s6;
	v9 =	vand.u32 $0x7F, v9  }
.Ltmp20:
0x28e: {  	_ = 	snop;
	(pc) =	sbr.rel .LBB2_28-.Ltmp20, $1  }
0x28f: {  	_ =	sdelay $0x3  }
.LBB2_12:
.Ltmp21:
0x290: {  	(pc) =	sbr.rel .LBB2_16-.Ltmp21, $2  }
0x291: {  	_ =	sdelay $0x2  }
0x292: {  	s8 =	simm.s32 $0x0;
	s11 =	simm.s32 $0x0  }
.LBB2_14:
.Ltmp22:
0x293: {  	(pc) =	sbr.rel .LBB2_16-.Ltmp22, $2  }
0x294: {  	_ =	sdelay $0x2  }
0x295: {  	s8 =	simm.s32 $0x0;
	s11 =	simm.s32 $0x0  }
.LBB2_31:
0x296: {  	_ =	sfence.sel $0x180000  }
0x297: {  	[bflag:$0x0] =	sbarrier.arrive $0xFFFF  }
0x298: {  	_ =	strace $0x90000047  }
0x299: {  	s0 =	stileid.u32;
	[bflag:$0x2] =	sbarrier.arrive $0xFFFF  }
0x29a: {  	p0 =	sne.s32 s0, $0x0;
	s0 =	rddreg [dreg:$0x3]  }
0x29b: {  	s0 =	sadd.s32 @!p0 $0x100000, s0  }
0x29c: {  	[sflag:s0] =	ssyncadd.tile.s32 @!p0 $0x1;
	_ =	shalt  }
.Lfunc_end2:
_tile_overlayer_lowered:
.L_overlay_start_2:
0x29d: {  	(tag) =	ssettag $0x2  }
0x29e: {  	s0 =	rddreg [dreg:$0x0];
	s2 =	stileid.u32  }
0x29f: {  	s1 =	rddreg [dreg:$0x1];
	p0 =	sne.s32 s2, $0x0  }
0x2a0: {  	s3 =	rddreg [dreg:$0x2];
	[bflag:$0x3] =	sbarrier.arrive $0xFFFF;
	s2 =	simm.s32 @!p0 $0x1C03  }
0x2a1: {  	[timem:s3], [sflag:s2] =	dma.local @!p0 [hbm:s0], s1  }
0x2a2: {  	s0 =	simm.s32 @!p0 $0x3  }
0x2a3: {  	_ =	swait.ge @!p0 [sflag:s0], s1  }
0x2a4: {  	s1 =	ssub.s32 @!p0 $0x0, s1;
	[sflag:s0] =	ssyncset.done @!p0 $0x0  }
0x2a5: {  	[sflag:s0] =	ssyncadd.s32 @!p0 s1  }
0x2a6: {  	[bflag:$0x3] =	sbarrier.arrive $0xFFFF  }
0x2a7: {  	_ =	shalt  }

</sc_bundles>
